<compile_context>
chip_gen: v7x
topology: tpu7x:2x2x1
jax: 0.10.2.dev20260603
libtpu: 0.0.44.dev20260713+nightly
codegen_flags: <defaults>
</compile_context>

<pallas_src>
import functools

import jax
import jax.numpy as jnp
from jax import lax
from jax.experimental import pallas as pl
from jax.experimental.pallas import tpu as pltpu
from jax.experimental.pallas import tpu_sc as plsc

_N = 10000
_E = 320000
_D = 128
_G = 16

_NP = 10240
_NC = 2
_NS = 16
_NW = _NC * _NS
_C = 128
_CH = 80
_EP = _NW * _CH * _C
_RPS = _NP // _NS
_R = 4
_S0A, _S1A = 52, 108
_S0B, _S1B = 36, 124

_BLK = 1024
_NB = _NP // _BLK


def _mesh():
    return plsc.VectorSubcoreMesh(core_axis_name="c", subcore_axis_name="s",
                                  num_cores=_NC, num_subcores=_NS)


@functools.cache
def _deg_kernel(c0, c1):
    chm = max(c0, c1)

    @functools.partial(
        pl.kernel,
        out_type=jax.ShapeDtypeStruct((_NC, _NP, 16), jnp.float32),
        mesh=_mesh(),
        scratch_types=[
            pltpu.VMEM((chm, _C), jnp.int32),
            pltpu.VMEM((_C, 16), jnp.float32),
            pltpu.VMEM_SHARED((_NP, 16), jnp.float32),
            pltpu.SemaphoreType.DMA,
        ],
        compiler_params=pltpu.CompilerParams(use_tc_tiling_on_sc=False),
    )
    def deg_k(dst_hbm, ones_hbm, zeros_hbm, out_hbm, dst_v, ones_v, acc_sh, sem):
        cid = lax.axis_index("c")
        sid = lax.axis_index("s")
        wid = cid * _NS + sid
        r0 = sid * _RPS
        nch = jnp.where(cid == 0, c0, c1)
        pltpu.sync_copy(zeros_hbm.at[pl.ds(r0, _RPS)], acc_sh.at[pl.ds(r0, _RPS)])
        pltpu.sync_copy(dst_hbm.at[wid], dst_v)
        pltpu.sync_copy(ones_hbm, ones_v)
        plsc.subcore_barrier()

        def body(ch, carry):
            pltpu.sync_copy(ones_v, acc_sh.at[dst_v.at[ch]], add=True)
            return carry

        lax.fori_loop(0, nch, body, 0)
        plsc.subcore_barrier()
        pltpu.sync_copy(acc_sh.at[pl.ds(r0, _RPS)], out_hbm.at[cid, pl.ds(r0, _RPS)])

    return deg_k


@functools.cache
def _agg_kernel(d, c0, c1):
    chm = max(c0, c1)

    @functools.partial(
        pl.kernel,
        out_type=jax.ShapeDtypeStruct((_NC, _NP, d), jnp.float32),
        mesh=_mesh(),
        scratch_types=[
            pltpu.VMEM((chm, _C), jnp.int32),
            pltpu.VMEM((chm, _C), jnp.int32),
            pltpu.VMEM((_R, _C, d), jnp.float32),
            pltpu.VMEM_SHARED((_NP, d), jnp.float32),
            [pltpu.SemaphoreType.DMA] * _R,
            [pltpu.SemaphoreType.DMA] * _R,
        ],
        compiler_params=pltpu.CompilerParams(use_tc_tiling_on_sc=False),
    )
    def agg_k(hs_hbm, src_hbm, dst_hbm, zeros_hbm, out_hbm,
              src_v, dst_v, rows_v, acc_sh, gsem, ssem):
        cid = lax.axis_index("c")
        sid = lax.axis_index("s")
        wid = cid * _NS + sid
        r0 = sid * _RPS
        nch = jnp.where(cid == 0, c0, c1)
        pltpu.sync_copy(zeros_hbm.at[pl.ds(r0, _RPS)], acc_sh.at[pl.ds(r0, _RPS)])
        plsc.subcore_barrier()

        def gather(ch, b):
            return pltpu.async_copy(hs_hbm.at[src_v.at[ch]], rows_v.at[b], gsem[b])

        def scatter(ch, b):
            return pltpu.async_copy(rows_v.at[b], acc_sh.at[dst_v.at[ch]],
                                    ssem[b], add=True)

        pltpu.sync_copy(src_hbm.at[wid], src_v)
        pltpu.sync_copy(dst_hbm.at[wid], dst_v)
        for b in range(_R):
            gather(b, b)

        def body(i, carry):
            for b in range(_R):
                ch = i * _R + b
                pltpu.make_async_copy(hs_hbm.at[src_v.at[ch]],
                                      rows_v.at[b], gsem[b]).wait()
                scatter(ch, b)
                pb = b - 1 if b else _R - 1
                pch = ch - 1

                @pl.when(pch >= 0)
                def _():
                    pltpu.make_async_copy(
                        rows_v.at[pb],
                        acc_sh.at[dst_v.at[lax.max(pch, 0)]],
                        ssem[pb]).wait()

                    @pl.when(pch + _R < nch)
                    def _():
                        gather(pch + _R, pb)
            return carry

        lax.fori_loop(0, nch // _R, body, 0)
        pltpu.make_async_copy(rows_v.at[_R - 1],
                              acc_sh.at[dst_v.at[nch - 1]],
                              ssem[_R - 1]).wait()
        plsc.subcore_barrier()
        pltpu.sync_copy(acc_sh.at[pl.ds(r0, _RPS)], out_hbm.at[cid, pl.ds(r0, _RPS)])

    return agg_k


@functools.cache
def _tc1():

    def body(p0, p1, x, w, dinv_ref, hs_ref):
        deg = p0[:, 0:1] + p1[:, 0:1] + 1.0
        dinv = 1.0 / jnp.sqrt(deg)
        dinv_ref[...] = dinv
        hs_ref[...] = dinv * jnp.dot(x[...], w[...],
                                     preferred_element_type=jnp.float32)

    return pl.pallas_call(
        body,
        grid=(_NB,),
        in_specs=[
            pl.BlockSpec((_BLK, 16), lambda i: (i, 0)),
            pl.BlockSpec((_BLK, 16), lambda i: (i, 0)),
            pl.BlockSpec((_BLK, _D), lambda i: (i, 0)),
            pl.BlockSpec((_D, 16), lambda i: (0, 0)),
        ],
        out_specs=[
            pl.BlockSpec((_BLK, 1), lambda i: (i, 0)),
            pl.BlockSpec((_BLK, 16), lambda i: (i, 0)),
        ],
        out_shape=[
            jax.ShapeDtypeStruct((_NP, 1), jnp.float32),
            jax.ShapeDtypeStruct((_NP, 16), jnp.float32),
        ],
    )


@functools.cache
def _tc2(di, do):

    def body(p0, p1, hs, dinv, b, w, out_ref):
        i = pl.program_id(0)
        rid = lax.broadcasted_iota(jnp.int32, (_BLK, 1), 0) + i * _BLK
        dv = dinv[...]
        h = dv * (p0[...] + p1[...] + hs[...]) + b[...]
        h = jnp.where(rid < _N, jnp.maximum(h, 0.0), 0.0)
        out_ref[...] = dv * jnp.dot(h, w[...], preferred_element_type=jnp.float32)

    return pl.pallas_call(
        body,
        grid=(_NB,),
        in_specs=[
            pl.BlockSpec((_BLK, di), lambda i: (i, 0)),
            pl.BlockSpec((_BLK, di), lambda i: (i, 0)),
            pl.BlockSpec((_BLK, di), lambda i: (i, 0)),
            pl.BlockSpec((_BLK, 1), lambda i: (i, 0)),
            pl.BlockSpec((1, di), lambda i: (0, 0)),
            pl.BlockSpec((di, do), lambda i: (0, 0)),
        ],
        out_specs=pl.BlockSpec((_BLK, do), lambda i: (i, 0)),
        out_shape=jax.ShapeDtypeStruct((_NP, do), jnp.float32),
    )


@functools.cache
def _tc3():

    def body(p0, p1, hs, dinv, b, bat, wl1, bl1, wl2, bl2, out_ref, g_ref):
        i = pl.program_id(0)

        @pl.when(i == 0)
        def _init():
            g_ref[...] = jnp.full((_G, 64), -jnp.inf, jnp.float32)

        rid = lax.broadcasted_iota(jnp.int32, (_BLK, 1), 0) + i * _BLK
        h = dinv[...] * (p0[...] + p1[...] + hs[...]) + b[...]
        h = jnp.where(rid < _N, jnp.maximum(h, 0.0), -jnp.inf)
        bv = bat[...]
        parts = [jnp.max(jnp.where(bv == g, h, -jnp.inf), axis=0, keepdims=True)
                 for g in range(_G)]
        g_ref[...] = jnp.maximum(g_ref[...], jnp.concatenate(parts, axis=0))

        @pl.when(i == _NB - 1)
        def _finish():
            gg = g_ref[...]
            z = jnp.maximum(
                jnp.dot(gg, wl1[...], preferred_element_type=jnp.float32)
                + bl1[...], 0.0)
            o = jnp.dot(z, wl2[...], preferred_element_type=jnp.float32) + bl2[...]
            out_ref[...] = 1.0 / (1.0 + jnp.exp(-o))

    return pl.pallas_call(
        body,
        grid=(_NB,),
        in_specs=[
            pl.BlockSpec((_BLK, 64), lambda i: (i, 0)),
            pl.BlockSpec((_BLK, 64), lambda i: (i, 0)),
            pl.BlockSpec((_BLK, 64), lambda i: (i, 0)),
            pl.BlockSpec((_BLK, 1), lambda i: (i, 0)),
            pl.BlockSpec((1, 64), lambda i: (0, 0)),
            pl.BlockSpec((_BLK, 1), lambda i: (i, 0)),
            pl.BlockSpec((64, 256), lambda i: (0, 0)),
            pl.BlockSpec((1, 256), lambda i: (0, 0)),
            pl.BlockSpec((256, 10), lambda i: (0, 0)),
            pl.BlockSpec((1, 10), lambda i: (0, 0)),
        ],
        out_specs=pl.BlockSpec((_G, 10), lambda i: (0, 0)),
        out_shape=jax.ShapeDtypeStruct((_G, 10), jnp.float32),
        scratch_shapes=[pltpu.VMEM((_G, 64), jnp.float32)],
    )


def kernel(x, edge_index, batch, W1, b1, W2, b2, W3, b3, Wl1, bl1, Wl2, bl2):
    f32 = jnp.float32
    x_p = jnp.pad(x, ((0, _NP - _N), (0, 0)))
    ei = edge_index.astype(jnp.int32)
    pad_e = jnp.full((_EP - _E,), _N, jnp.int32)
    srcp = jnp.concatenate([ei[0], pad_e])
    dstp = jnp.concatenate([ei[1], pad_e])

    def layout(v, c0, c1):
        chm = max(c0, c1)
        m = _NS * c0 * _C
        a0 = v[:m].reshape(_NS, c0, _C)
        a1 = v[m:m + _NS * c1 * _C].reshape(_NS, c1, _C)
        a0 = jnp.pad(a0, ((0, 0), (0, chm - c0), (0, 0)), constant_values=_N)
        a1 = jnp.pad(a1, ((0, 0), (0, chm - c1), (0, 0)), constant_values=_N)
        return jnp.concatenate([a0, a1], axis=0)

    src_a = layout(srcp, _S0A, _S1A)
    dst_a = layout(dstp, _S0A, _S1A)
    src_b = layout(srcp, _S0B, _S1B)
    dst_b = layout(dstp, _S0B, _S1B)
    bat_p = jnp.concatenate(
        [batch.astype(jnp.int32), jnp.full((_NP - _N,), _G, jnp.int32)]
    ).reshape(_NP, 1)
    ones16 = jnp.ones((_C, 16), f32)
    z16 = jnp.zeros((_NP, 16), f32)
    z32 = jnp.zeros((_NP, 32), f32)
    z64 = jnp.zeros((_NP, 64), f32)

    degp = _deg_kernel(_S0A, _S1A)(dst_a, ones16, z16)
    dinv, hs1 = _tc1()(degp[0], degp[1], x_p, W1)
    p1 = _agg_kernel(16, _S0A, _S1A)(hs1, src_a, dst_a, z16)
    hs2 = _tc2(16, 32)(p1[0], p1[1], hs1, dinv, b1.reshape(1, -1), W2)
    p2 = _agg_kernel(32, _S0A, _S1A)(hs2, src_a, dst_a, z32)
    hs3 = _tc2(32, 64)(p2[0], p2[1], hs2, dinv, b2.reshape(1, -1), W3)
    p3 = _agg_kernel(64, _S0B, _S1B)(hs3, src_b, dst_b, z64)
    out = _tc3()(p3[0], p3[1], hs3, dinv, b3.reshape(1, -1), bat_p,
                 Wl1, bl1.reshape(1, -1), Wl2, bl2.reshape(1, -1))
    return out

# --- scband reference (transcript-rebuilt; emitter-appended) ---
"""Pipeline reference for scband-net-gcn-36335423324385 (READ-ONLY COPY).

The authoritative reference and input builder live on the scoring server;
editing this copy changes nothing except your own understanding.
"""

import jax, jax.numpy as jnp
import numpy as np

N = 10000
E = 320000
D = 128
G = 16
OUT = 10


def gcn_conv(x, edge_index, W, b, num_nodes):
    # PyG GCNConv: D^{-1/2} (A + I) D^{-1/2} X W + b
    src = edge_index[0]
    dst = edge_index[1]
    loop = jnp.arange(num_nodes)
    src = jnp.concatenate([src, loop])
    dst = jnp.concatenate([dst, loop])
    deg = jnp.zeros((num_nodes,), jnp.float32).at[dst].add(1.0)
    dinv = jnp.where(deg > 0, 1.0 / jnp.sqrt(deg), 0.0)
    norm = dinv[src] * dinv[dst]
    h = x @ W
    msg = h[src] * norm[:, None]
    out = jnp.zeros((num_nodes, W.shape[1]), x.dtype).at[dst].add(msg)
    return out + b


def setup_inputs(seed: int = 0):
    key = jax.random.key(seed)
    ks = jax.random.split(key, 16)
    x = jax.random.normal(ks[0], (N, D), dtype=jnp.float32)
    edge_index = jax.random.randint(ks[1], (2, E), 0, N, dtype=jnp.int64) if jax.config.jax_enable_x64 else jax.random.randint(ks[1], (2, E), 0, N, dtype=jnp.int32)
    batch = jnp.sort(jax.random.randint(ks[2], (N,), 0, G, dtype=jnp.int32))
    W1 = jax.random.normal(ks[3], (D, 16), jnp.float32) * 0.05
    b1 = jnp.zeros((16,), jnp.float32)
    W2 = jax.random.normal(ks[4], (16, 32), jnp.float32) * 0.05
    b2 = jnp.zeros((32,), jnp.float32)
    W3 = jax.random.normal(ks[5], (32, 64), jnp.float32) * 0.05
    b3 = jnp.zeros((64,), jnp.float32)
    Wl1 = jax.random.normal(ks[6], (64, 256), jnp.float32) * 0.05
    bl1 = jnp.zeros((256,), jnp.float32)
    Wl2 = jax.random.normal(ks[7], (256, OUT), jnp.float32) * 0.05
    bl2 = jnp.zeros((OUT,), jnp.float32)
    return {"x": x, "edge_index": edge_index, "batch": batch,
            "W1": W1, "b1": b1, "W2": W2, "b2": b2, "W3": W3, "b3": b3,
            "Wl1": Wl1, "bl1": bl1, "Wl2": Wl2, "bl2": bl2}


def reference(x, edge_index, batch, W1, b1, W2, b2, W3, b3, Wl1, bl1, Wl2, bl2):
    h = jax.nn.relu(gcn_conv(x, edge_index, W1, b1, N))
    h = jax.nn.relu(gcn_conv(h, edge_index, W2, b2, N))
    h = jax.nn.relu(gcn_conv(h, edge_index, W3, b3, N))
    g = jax.ops.segment_max(h, batch, num_segments=G)
    g = jax.nn.relu(g @ Wl1 + bl1)
    out = jax.nn.sigmoid(g @ Wl2 + bl2)
    return out

if __name__ == "__main__":
    import jax
    _d = setup_inputs()
    print(jax.jit(kernel)(*tuple(_d.values())))

</pallas_src>

<mosaic_0001>
#map = affine_map<(d0, d1) -> (0, 0, 0)>
#map1 = affine_map<(d0, d1) -> (0, 0)>
module attributes {stable_mosaic.version = 14 : i64} {
  func.func @deg_k(%arg0: i32, %arg1: i32, %arg2: memref<32x108x128xi32, #tpu.memory_space<hbm>>, %arg3: memref<128x16xf32, #tpu.memory_space<hbm>>, %arg4: memref<10240x16xf32, #tpu.memory_space<hbm>>, %arg5: memref<2x10240x16xf32, #tpu.memory_space<hbm>>, %arg6: memref<108x128xi32, #tpu.memory_space<vmem>>, %arg7: memref<128x16xf32, #tpu.memory_space<vmem>>, %arg8: memref<10240x16xf32, #tpu.memory_space<vmem_shared>>, %arg9: memref<!tpu.dma_semaphore, #tpu.memory_space<semaphore_mem>>) attributes {dimension_semantics = [#tpu.dimension_semantics<core_parallel>, #tpu.dimension_semantics<subcore_parallel>], iteration_bounds = array<i64: 2, 16>, scalar_prefetch = 0 : i64, scratch_operands = 4 : i64, tpu.core_type = #tpu.core_type<sc_vector_subcore>, window_params = [{transform_indices = #map}, {transform_indices = #map1}, {transform_indices = #map1}, {transform_indices = #map}]} {
    %mul3A = arith.constant 16 : i32
    %mul3A_0 = arith.muli %arg0, %mul3A : i32
    %add3A = arith.addi %mul3A_0, %arg1 : i32
    %mul3A_1 = arith.constant 640 : i32
    %mul3A_2 = arith.muli %arg1, %mul3A_1 : i32
    %eq3A = arith.constant 0 : i32
    %eq3A_3 = arith.cmpi eq, %arg0, %eq3A : i32
    %jit3A = arith.constant 52 : i32
    %jit3A_4 = arith.constant 108 : i32
    %select_n3A = arith.select %eq3A_3, %jit3A, %jit3A_4 : i32
    "tpu.region"() ({
      %run_scoped3A = tpu.sem_alloc : memref<!tpu.dma_semaphore, #tpu.memory_space<semaphore_mem>>
      %dma_start3A = arith.constant 0 : i32
      %dma_start3A_15 = tpu.memref_slice %arg8[%mul3A_2, %dma_start3A] : memref<10240x16xf32, #tpu.memory_space<vmem_shared>> -> memref<640x16xf32, #tpu.memory_space<vmem_shared>>
      %dma_start3A_16 = arith.constant 0 : i32
      %dma_start3A_17 = tpu.memref_slice %arg4[%mul3A_2, %dma_start3A_16] : memref<10240x16xf32, #tpu.memory_space<hbm>> -> memref<640x16xf32, #tpu.memory_space<hbm>>
      tpu.enqueue_dma source(%dma_start3A_17 : memref<640x16xf32, #tpu.memory_space<hbm>>) target(%dma_start3A_15 : memref<640x16xf32, #tpu.memory_space<vmem_shared>>) target_semaphore(%run_scoped3A : memref<!tpu.dma_semaphore, #tpu.memory_space<semaphore_mem>>)
      %dma_wait3A = arith.constant 0 : i32
      %dma_wait3A_18 = tpu.memref_slice %arg8[%mul3A_2, %dma_wait3A] : memref<10240x16xf32, #tpu.memory_space<vmem_shared>> -> memref<640x16xf32, #tpu.memory_space<vmem_shared>>
      %dma_wait3A_19 = arith.constant 0 : i32
      %dma_wait3A_20 = tpu.memref_slice %arg4[%mul3A_2, %dma_wait3A_19] : memref<10240x16xf32, #tpu.memory_space<hbm>> -> memref<640x16xf32, #tpu.memory_space<hbm>>
      tpu.wait_dma2 semaphore(%run_scoped3A : memref<!tpu.dma_semaphore, #tpu.memory_space<semaphore_mem>>) src(%dma_wait3A_20 : memref<640x16xf32, #tpu.memory_space<hbm>>) dst(%dma_wait3A_18 : memref<640x16xf32, #tpu.memory_space<vmem_shared>>)
      tpu.yield
    }) : () -> ()
    "tpu.region"() ({
      %run_scoped3A = tpu.sem_alloc : memref<!tpu.dma_semaphore, #tpu.memory_space<semaphore_mem>>
      %dma_start3A = arith.constant 0 : i32
      %dma_start3A_15 = arith.constant 0 : i32
      %dma_start3A_16 = tpu.memref_slice %arg2[%add3A, %dma_start3A, %dma_start3A_15] : memref<32x108x128xi32, #tpu.memory_space<hbm>> -> memref<1x108x128xi32, #tpu.memory_space<hbm>>
      %dma_start3A_17 = tpu.memref_squeeze %dma_start3A_16 : memref<1x108x128xi32, #tpu.memory_space<hbm>> -> memref<108x128xi32, #tpu.memory_space<hbm>>
      %dma_start3A_18 = arith.constant 0 : i32
      %dma_start3A_19 = arith.constant 0 : i32
      %dma_start3A_20 = tpu.memref_slice %arg2[%add3A, %dma_start3A_18, %dma_start3A_19] : memref<32x108x128xi32, #tpu.memory_space<hbm>> -> memref<1x108x128xi32, #tpu.memory_space<hbm>>
      %dma_start3A_21 = tpu.memref_squeeze %dma_start3A_20 : memref<1x108x128xi32, #tpu.memory_space<hbm>> -> memref<108x128xi32, #tpu.memory_space<hbm>>
      tpu.enqueue_dma source(%dma_start3A_21 : memref<108x128xi32, #tpu.memory_space<hbm>>) target(%arg6 : memref<108x128xi32, #tpu.memory_space<vmem>>) target_semaphore(%run_scoped3A : memref<!tpu.dma_semaphore, #tpu.memory_space<semaphore_mem>>)
      %dma_wait3A = arith.constant 0 : i32
      %dma_wait3A_22 = arith.constant 0 : i32
      %dma_wait3A_23 = tpu.memref_slice %arg2[%add3A, %dma_wait3A, %dma_wait3A_22] : memref<32x108x128xi32, #tpu.memory_space<hbm>> -> memref<1x108x128xi32, #tpu.memory_space<hbm>>
      %dma_wait3A_24 = tpu.memref_squeeze %dma_wait3A_23 : memref<1x108x128xi32, #tpu.memory_space<hbm>> -> memref<108x128xi32, #tpu.memory_space<hbm>>
      %dma_wait3A_25 = arith.constant 0 : i32
      %dma_wait3A_26 = arith.constant 0 : i32
      %dma_wait3A_27 = tpu.memref_slice %arg2[%add3A, %dma_wait3A_25, %dma_wait3A_26] : memref<32x108x128xi32, #tpu.memory_space<hbm>> -> memref<1x108x128xi32, #tpu.memory_space<hbm>>
      %dma_wait3A_28 = tpu.memref_squeeze %dma_wait3A_27 : memref<1x108x128xi32, #tpu.memory_space<hbm>> -> memref<108x128xi32, #tpu.memory_space<hbm>>
      tpu.wait_dma2 semaphore(%run_scoped3A : memref<!tpu.dma_semaphore, #tpu.memory_space<semaphore_mem>>) src(%dma_wait3A_28 : memref<108x128xi32, #tpu.memory_space<hbm>>) dst(%arg6 : memref<108x128xi32, #tpu.memory_space<vmem>>)
      tpu.yield
    }) : () -> ()
    "tpu.region"() ({
      %run_scoped3A = tpu.sem_alloc : memref<!tpu.dma_semaphore, #tpu.memory_space<semaphore_mem>>
      tpu.enqueue_dma source(%arg3 : memref<128x16xf32, #tpu.memory_space<hbm>>) target(%arg7 : memref<128x16xf32, #tpu.memory_space<vmem>>) target_semaphore(%run_scoped3A : memref<!tpu.dma_semaphore, #tpu.memory_space<semaphore_mem>>)
      tpu.wait_dma2 semaphore(%run_scoped3A : memref<!tpu.dma_semaphore, #tpu.memory_space<semaphore_mem>>) src(%arg3 : memref<128x16xf32, #tpu.memory_space<hbm>>) dst(%arg7 : memref<128x16xf32, #tpu.memory_space<vmem>>)
      tpu.yield
    }) : () -> ()
    %barrier3A = arith.constant 0 : index
    tpu.barrier barrier_id(%barrier3A)
    %while3A = arith.constant 0 : i32
    %while3A_5 = arith.constant 0 : i32
    %while3A_6 = arith.subi %select_n3A, %while3A_5 : i32
    %while3A_7 = arith.addi %while3A_5, %while3A_6 : i32
    %while3A_8 = arith.constant 1 : i32
    %while3A_9 = arith.divsi %while3A_6, %while3A_8 : i32
    %while3A_10 = arith.muli %while3A_9, %while3A_8 : i32
    %while3A_11 = arith.addi %while3A_5, %while3A_10 : i32
    %while3A_12 = arith.constant 1 : i32
    scf.for %while3A_15 = %while3A_5 to %while3A_11 step %while3A_12  : i32 {
      "tpu.region"() ({
        %run_scoped3A = tpu.sem_alloc : memref<!tpu.dma_semaphore, #tpu.memory_space<semaphore_mem>>
        %dma_start3A = arith.constant 0 : i32
        %dma_start3A_16 = tpu.memref_slice %arg6[%while3A_15, %dma_start3A] : memref<108x128xi32, #tpu.memory_space<vmem>> -> memref<1x128xi32, #tpu.memory_space<vmem>>
        %dma_start3A_17 = tpu.memref_squeeze %dma_start3A_16 : memref<1x128xi32, #tpu.memory_space<vmem>> -> memref<128xi32, #tpu.memory_space<vmem>>
        %dma_start3A_18 = arith.constant 0 : i32
        %dma_start3A_19 = arith.constant 0 : i32
        %dma_start3A_20 = tpu.memref_slice %arg8[%dma_start3A_18, %dma_start3A_19] : memref<10240x16xf32, #tpu.memory_space<vmem_shared>> -> memref<10240x16xf32, #tpu.memory_space<vmem_shared>>
        tpu.enqueue_indirect_dma source(%arg7 : memref<128x16xf32, #tpu.memory_space<vmem>>) target(%dma_start3A_20 : memref<10240x16xf32, #tpu.memory_space<vmem_shared>>) offsets(%dma_start3A_17 : memref<128xi32, #tpu.memory_space<vmem>>) semaphore(%run_scoped3A : memref<!tpu.dma_semaphore, #tpu.memory_space<semaphore_mem>>) {add = true}
        %dma_wait3A = arith.constant 0 : i32
        %dma_wait3A_21 = tpu.memref_slice %arg6[%while3A_15, %dma_wait3A] : memref<108x128xi32, #tpu.memory_space<vmem>> -> memref<1x128xi32, #tpu.memory_space<vmem>>
        %dma_wait3A_22 = tpu.memref_squeeze %dma_wait3A_21 : memref<1x128xi32, #tpu.memory_space<vmem>> -> memref<128xi32, #tpu.memory_space<vmem>>
        %dma_wait3A_23 = arith.constant 0 : i32
        %dma_wait3A_24 = arith.constant 0 : i32
        %dma_wait3A_25 = tpu.memref_slice %arg8[%dma_wait3A_23, %dma_wait3A_24] : memref<10240x16xf32, #tpu.memory_space<vmem_shared>> -> memref<10240x16xf32, #tpu.memory_space<vmem_shared>>
        tpu.wait_indirect_dma semaphore(%run_scoped3A : memref<!tpu.dma_semaphore, #tpu.memory_space<semaphore_mem>>) src(%arg7 : memref<128x16xf32, #tpu.memory_space<vmem>>) dst(%dma_wait3A_25 : memref<10240x16xf32, #tpu.memory_space<vmem_shared>>)
        tpu.yield
      }) : () -> ()
    }
    %while3A_13 = arith.constant 1 : i32
    scf.for %while3A_15 = %while3A_11 to %while3A_7 step %while3A_13  : i32 {
      "tpu.region"() ({
        %run_scoped3A = tpu.sem_alloc : memref<!tpu.dma_semaphore, #tpu.memory_space<semaphore_mem>>
        %dma_start3A = arith.constant 0 : i32
        %dma_start3A_16 = tpu.memref_slice %arg6[%while3A_15, %dma_start3A] : memref<108x128xi32, #tpu.memory_space<vmem>> -> memref<1x128xi32, #tpu.memory_space<vmem>>
        %dma_start3A_17 = tpu.memref_squeeze %dma_start3A_16 : memref<1x128xi32, #tpu.memory_space<vmem>> -> memref<128xi32, #tpu.memory_space<vmem>>
        %dma_start3A_18 = arith.constant 0 : i32
        %dma_start3A_19 = arith.constant 0 : i32
        %dma_start3A_20 = tpu.memref_slice %arg8[%dma_start3A_18, %dma_start3A_19] : memref<10240x16xf32, #tpu.memory_space<vmem_shared>> -> memref<10240x16xf32, #tpu.memory_space<vmem_shared>>
        tpu.enqueue_indirect_dma source(%arg7 : memref<128x16xf32, #tpu.memory_space<vmem>>) target(%dma_start3A_20 : memref<10240x16xf32, #tpu.memory_space<vmem_shared>>) offsets(%dma_start3A_17 : memref<128xi32, #tpu.memory_space<vmem>>) semaphore(%run_scoped3A : memref<!tpu.dma_semaphore, #tpu.memory_space<semaphore_mem>>) {add = true}
        %dma_wait3A = arith.constant 0 : i32
        %dma_wait3A_21 = tpu.memref_slice %arg6[%while3A_15, %dma_wait3A] : memref<108x128xi32, #tpu.memory_space<vmem>> -> memref<1x128xi32, #tpu.memory_space<vmem>>
        %dma_wait3A_22 = tpu.memref_squeeze %dma_wait3A_21 : memref<1x128xi32, #tpu.memory_space<vmem>> -> memref<128xi32, #tpu.memory_space<vmem>>
        %dma_wait3A_23 = arith.constant 0 : i32
        %dma_wait3A_24 = arith.constant 0 : i32
        %dma_wait3A_25 = tpu.memref_slice %arg8[%dma_wait3A_23, %dma_wait3A_24] : memref<10240x16xf32, #tpu.memory_space<vmem_shared>> -> memref<10240x16xf32, #tpu.memory_space<vmem_shared>>
        tpu.wait_indirect_dma semaphore(%run_scoped3A : memref<!tpu.dma_semaphore, #tpu.memory_space<semaphore_mem>>) src(%arg7 : memref<128x16xf32, #tpu.memory_space<vmem>>) dst(%dma_wait3A_25 : memref<10240x16xf32, #tpu.memory_space<vmem_shared>>)
        tpu.yield
      }) : () -> ()
    }
    %barrier3A_14 = arith.constant 0 : index
    tpu.barrier barrier_id(%barrier3A_14)
    "tpu.region"() ({
      %run_scoped3A = tpu.sem_alloc : memref<!tpu.dma_semaphore, #tpu.memory_space<semaphore_mem>>
      %dma_start3A = arith.constant 0 : i32
      %dma_start3A_15 = tpu.memref_slice %arg5[%arg0, %mul3A_2, %dma_start3A] : memref<2x10240x16xf32, #tpu.memory_space<hbm>> -> memref<1x640x16xf32, #tpu.memory_space<hbm>>
      %dma_start3A_16 = tpu.memref_squeeze %dma_start3A_15 : memref<1x640x16xf32, #tpu.memory_space<hbm>> -> memref<640x16xf32, #tpu.memory_space<hbm>>
      %dma_start3A_17 = arith.constant 0 : i32
      %dma_start3A_18 = tpu.memref_slice %arg8[%mul3A_2, %dma_start3A_17] : memref<10240x16xf32, #tpu.memory_space<vmem_shared>> -> memref<640x16xf32, #tpu.memory_space<vmem_shared>>
      tpu.enqueue_dma source(%dma_start3A_18 : memref<640x16xf32, #tpu.memory_space<vmem_shared>>) target(%dma_start3A_16 : memref<640x16xf32, #tpu.memory_space<hbm>>) target_semaphore(%run_scoped3A : memref<!tpu.dma_semaphore, #tpu.memory_space<semaphore_mem>>)
      %dma_wait3A = arith.constant 0 : i32
      %dma_wait3A_19 = tpu.memref_slice %arg5[%arg0, %mul3A_2, %dma_wait3A] : memref<2x10240x16xf32, #tpu.memory_space<hbm>> -> memref<1x640x16xf32, #tpu.memory_space<hbm>>
      %dma_wait3A_20 = tpu.memref_squeeze %dma_wait3A_19 : memref<1x640x16xf32, #tpu.memory_space<hbm>> -> memref<640x16xf32, #tpu.memory_space<hbm>>
      %dma_wait3A_21 = arith.constant 0 : i32
      %dma_wait3A_22 = tpu.memref_slice %arg8[%mul3A_2, %dma_wait3A_21] : memref<10240x16xf32, #tpu.memory_space<vmem_shared>> -> memref<640x16xf32, #tpu.memory_space<vmem_shared>>
      tpu.wait_dma2 semaphore(%run_scoped3A : memref<!tpu.dma_semaphore, #tpu.memory_space<semaphore_mem>>) src(%dma_wait3A_22 : memref<640x16xf32, #tpu.memory_space<vmem_shared>>) dst(%dma_wait3A_20 : memref<640x16xf32, #tpu.memory_space<hbm>>)
      tpu.yield
    }) : () -> ()
    return
  }
}

#map = affine_map<(d0, d1) -> (0, 0)>
#map1 = affine_map<(d0, d1) -> (0, 0, 0)>
module attributes {stable_mosaic.version = 14 : i64} {
  func.func @agg_k(%arg0: i32, %arg1: i32, %arg2: memref<10240x64xf32, #tpu.memory_space<hbm>>, %arg3: memref<32x124x128xi32, #tpu.memory_space<hbm>>, %arg4: memref<32x124x128xi32, #tpu.memory_space<hbm>>, %arg5: memref<10240x64xf32, #tpu.memory_space<hbm>>, %arg6: memref<2x10240x64xf32, #tpu.memory_space<hbm>>, %arg7: memref<124x128xi32, #tpu.memory_space<vmem>>, %arg8: memref<124x128xi32, #tpu.memory_space<vmem>>, %arg9: memref<4x128x64xf32, #tpu.memory_space<vmem>>, %arg10: memref<10240x64xf32, #tpu.memory_space<vmem_shared>>, %arg11: memref<!tpu.dma_semaphore, #tpu.memory_space<semaphore_mem>>, %arg12: memref<!tpu.dma_semaphore, #tpu.memory_space<semaphore_mem>>, %arg13: memref<!tpu.dma_semaphore, #tpu.memory_space<semaphore_mem>>, %arg14: memref<!tpu.dma_semaphore, #tpu.memory_space<semaphore_mem>>, %arg15: memref<!tpu.dma_semaphore, #tpu.memory_space<semaphore_mem>>, %arg16: memref<!tpu.dma_semaphore, #tpu.memory_space<semaphore_mem>>, %arg17: memref<!tpu.dma_semaphore, #tpu.memory_space<semaphore_mem>>, %arg18: memref<!tpu.dma_semaphore, #tpu.memory_space<semaphore_mem>>) attributes {dimension_semantics = [#tpu.dimension_semantics<core_parallel>, #tpu.dimension_semantics<subcore_parallel>], iteration_bounds = array<i64: 2, 16>, scalar_prefetch = 0 : i64, scratch_operands = 12 : i64, tpu.core_type = #tpu.core_type<sc_vector_subcore>, window_params = [{transform_indices = #map}, {transform_indices = #map1}, {transform_indices = #map1}, {transform_indices = #map}, {transform_indices = #map1}]} {
    %mul3A = arith.constant 16 : i32
    %mul3A_0 = arith.muli %arg0, %mul3A : i32
    %add3A = arith.addi %mul3A_0, %arg1 : i32
    %mul3A_1 = arith.constant 640 : i32
    %mul3A_2 = arith.muli %arg1, %mul3A_1 : i32
    %eq3A = arith.constant 0 : i32
    %eq3A_3 = arith.cmpi eq, %arg0, %eq3A : i32
    %jit3A = arith.constant 36 : i32
    %jit3A_4 = arith.constant 124 : i32
    %select_n3A = arith.select %eq3A_3, %jit3A, %jit3A_4 : i32
    "tpu.region"() ({
      %run_scoped3A = tpu.sem_alloc : memref<!tpu.dma_semaphore, #tpu.memory_space<semaphore_mem>>
      %dma_start3A_92 = arith.constant 0 : i32
      %dma_start3A_93 = tpu.memref_slice %arg10[%mul3A_2, %dma_start3A_92] : memref<10240x64xf32, #tpu.memory_space<vmem_shared>> -> memref<640x64xf32, #tpu.memory_space<vmem_shared>>
      %dma_start3A_94 = arith.constant 0 : i32
      %dma_start3A_95 = tpu.memref_slice %arg5[%mul3A_2, %dma_start3A_94] : memref<10240x64xf32, #tpu.memory_space<hbm>> -> memref<640x64xf32, #tpu.memory_space<hbm>>
      tpu.enqueue_dma source(%dma_start3A_95 : memref<640x64xf32, #tpu.memory_space<hbm>>) target(%dma_start3A_93 : memref<640x64xf32, #tpu.memory_space<vmem_shared>>) target_semaphore(%run_scoped3A : memref<!tpu.dma_semaphore, #tpu.memory_space<semaphore_mem>>)
      %dma_wait3A_96 = arith.constant 0 : i32
      %dma_wait3A_97 = tpu.memref_slice %arg10[%mul3A_2, %dma_wait3A_96] : memref<10240x64xf32, #tpu.memory_space<vmem_shared>> -> memref<640x64xf32, #tpu.memory_space<vmem_shared>>
      %dma_wait3A_98 = arith.constant 0 : i32
      %dma_wait3A_99 = tpu.memref_slice %arg5[%mul3A_2, %dma_wait3A_98] : memref<10240x64xf32, #tpu.memory_space<hbm>> -> memref<640x64xf32, #tpu.memory_space<hbm>>
      tpu.wait_dma2 semaphore(%run_scoped3A : memref<!tpu.dma_semaphore, #tpu.memory_space<semaphore_mem>>) src(%dma_wait3A_99 : memref<640x64xf32, #tpu.memory_space<hbm>>) dst(%dma_wait3A_97 : memref<640x64xf32, #tpu.memory_space<vmem_shared>>)
      tpu.yield
    }) : () -> ()
    %barrier3A = arith.constant 0 : index
    tpu.barrier barrier_id(%barrier3A)
    "tpu.region"() ({
      %run_scoped3A = tpu.sem_alloc : memref<!tpu.dma_semaphore, #tpu.memory_space<semaphore_mem>>
      %dma_start3A_92 = arith.constant 0 : i32
      %dma_start3A_93 = arith.constant 0 : i32
      %dma_start3A_94 = tpu.memref_slice %arg3[%add3A, %dma_start3A_92, %dma_start3A_93] : memref<32x124x128xi32, #tpu.memory_space<hbm>> -> memref<1x124x128xi32, #tpu.memory_space<hbm>>
      %dma_start3A_95 = tpu.memref_squeeze %dma_start3A_94 : memref<1x124x128xi32, #tpu.memory_space<hbm>> -> memref<124x128xi32, #tpu.memory_space<hbm>>
      %dma_start3A_96 = arith.constant 0 : i32
      %dma_start3A_97 = arith.constant 0 : i32
      %dma_start3A_98 = tpu.memref_slice %arg3[%add3A, %dma_start3A_96, %dma_start3A_97] : memref<32x124x128xi32, #tpu.memory_space<hbm>> -> memref<1x124x128xi32, #tpu.memory_space<hbm>>
      %dma_start3A_99 = tpu.memref_squeeze %dma_start3A_98 : memref<1x124x128xi32, #tpu.memory_space<hbm>> -> memref<124x128xi32, #tpu.memory_space<hbm>>
      tpu.enqueue_dma source(%dma_start3A_99 : memref<124x128xi32, #tpu.memory_space<hbm>>) target(%arg7 : memref<124x128xi32, #tpu.memory_space<vmem>>) target_semaphore(%run_scoped3A : memref<!tpu.dma_semaphore, #tpu.memory_space<semaphore_mem>>)
      %dma_wait3A_100 = arith.constant 0 : i32
      %dma_wait3A_101 = arith.constant 0 : i32
      %dma_wait3A_102 = tpu.memref_slice %arg3[%add3A, %dma_wait3A_100, %dma_wait3A_101] : memref<32x124x128xi32, #tpu.memory_space<hbm>> -> memref<1x124x128xi32, #tpu.memory_space<hbm>>
      %dma_wait3A_103 = tpu.memref_squeeze %dma_wait3A_102 : memref<1x124x128xi32, #tpu.memory_space<hbm>> -> memref<124x128xi32, #tpu.memory_space<hbm>>
      %dma_wait3A_104 = arith.constant 0 : i32
      %dma_wait3A_105 = arith.constant 0 : i32
      %dma_wait3A_106 = tpu.memref_slice %arg3[%add3A, %dma_wait3A_104, %dma_wait3A_105] : memref<32x124x128xi32, #tpu.memory_space<hbm>> -> memref<1x124x128xi32, #tpu.memory_space<hbm>>
      %dma_wait3A_107 = tpu.memref_squeeze %dma_wait3A_106 : memref<1x124x128xi32, #tpu.memory_space<hbm>> -> memref<124x128xi32, #tpu.memory_space<hbm>>
      tpu.wait_dma2 semaphore(%run_scoped3A : memref<!tpu.dma_semaphore, #tpu.memory_space<semaphore_mem>>) src(%dma_wait3A_107 : memref<124x128xi32, #tpu.memory_space<hbm>>) dst(%arg7 : memref<124x128xi32, #tpu.memory_space<vmem>>)
      tpu.yield
    }) : () -> ()
    "tpu.region"() ({
      %run_scoped3A = tpu.sem_alloc : memref<!tpu.dma_semaphore, #tpu.memory_space<semaphore_mem>>
      %dma_start3A_92 = arith.constant 0 : i32
      %dma_start3A_93 = arith.constant 0 : i32
      %dma_start3A_94 = tpu.memref_slice %arg4[%add3A, %dma_start3A_92, %dma_start3A_93] : memref<32x124x128xi32, #tpu.memory_space<hbm>> -> memref<1x124x128xi32, #tpu.memory_space<hbm>>
      %dma_start3A_95 = tpu.memref_squeeze %dma_start3A_94 : memref<1x124x128xi32, #tpu.memory_space<hbm>> -> memref<124x128xi32, #tpu.memory_space<hbm>>
      %dma_start3A_96 = arith.constant 0 : i32
      %dma_start3A_97 = arith.constant 0 : i32
      %dma_start3A_98 = tpu.memref_slice %arg4[%add3A, %dma_start3A_96, %dma_start3A_97] : memref<32x124x128xi32, #tpu.memory_space<hbm>> -> memref<1x124x128xi32, #tpu.memory_space<hbm>>
      %dma_start3A_99 = tpu.memref_squeeze %dma_start3A_98 : memref<1x124x128xi32, #tpu.memory_space<hbm>> -> memref<124x128xi32, #tpu.memory_space<hbm>>
      tpu.enqueue_dma source(%dma_start3A_99 : memref<124x128xi32, #tpu.memory_space<hbm>>) target(%arg8 : memref<124x128xi32, #tpu.memory_space<vmem>>) target_semaphore(%run_scoped3A : memref<!tpu.dma_semaphore, #tpu.memory_space<semaphore_mem>>)
      %dma_wait3A_100 = arith.constant 0 : i32
      %dma_wait3A_101 = arith.constant 0 : i32
      %dma_wait3A_102 = tpu.memref_slice %arg4[%add3A, %dma_wait3A_100, %dma_wait3A_101] : memref<32x124x128xi32, #tpu.memory_space<hbm>> -> memref<1x124x128xi32, #tpu.memory_space<hbm>>
      %dma_wait3A_103 = tpu.memref_squeeze %dma_wait3A_102 : memref<1x124x128xi32, #tpu.memory_space<hbm>> -> memref<124x128xi32, #tpu.memory_space<hbm>>
      %dma_wait3A_104 = arith.constant 0 : i32
      %dma_wait3A_105 = arith.constant 0 : i32
      %dma_wait3A_106 = tpu.memref_slice %arg4[%add3A, %dma_wait3A_104, %dma_wait3A_105] : memref<32x124x128xi32, #tpu.memory_space<hbm>> -> memref<1x124x128xi32, #tpu.memory_space<hbm>>
      %dma_wait3A_107 = tpu.memref_squeeze %dma_wait3A_106 : memref<1x124x128xi32, #tpu.memory_space<hbm>> -> memref<124x128xi32, #tpu.memory_space<hbm>>
      tpu.wait_dma2 semaphore(%run_scoped3A : memref<!tpu.dma_semaphore, #tpu.memory_space<semaphore_mem>>) src(%dma_wait3A_107 : memref<124x128xi32, #tpu.memory_space<hbm>>) dst(%arg8 : memref<124x128xi32, #tpu.memory_space<vmem>>)
      tpu.yield
    }) : () -> ()
    %dma_start3A = arith.constant 0 : i32
    %dma_start3A_5 = arith.constant 0 : i32
    %dma_start3A_6 = arith.constant 0 : i32
    %dma_start3A_7 = arith.constant 0 : i32
    %dma_start3A_8 = tpu.memref_slice %arg9[%dma_start3A_5, %dma_start3A_6, %dma_start3A_7] : memref<4x128x64xf32, #tpu.memory_space<vmem>> -> memref<1x128x64xf32, #tpu.memory_space<vmem>>
    %dma_start3A_9 = tpu.memref_squeeze %dma_start3A_8 : memref<1x128x64xf32, #tpu.memory_space<vmem>> -> memref<128x64xf32, #tpu.memory_space<vmem>>
    %dma_start3A_10 = arith.constant 0 : i32
    %dma_start3A_11 = tpu.memref_slice %arg7[%dma_start3A, %dma_start3A_10] : memref<124x128xi32, #tpu.memory_space<vmem>> -> memref<1x128xi32, #tpu.memory_space<vmem>>
    %dma_start3A_12 = tpu.memref_squeeze %dma_start3A_11 : memref<1x128xi32, #tpu.memory_space<vmem>> -> memref<128xi32, #tpu.memory_space<vmem>>
    %dma_start3A_13 = arith.constant 0 : i32
    %dma_start3A_14 = arith.constant 0 : i32
    %dma_start3A_15 = tpu.memref_slice %arg2[%dma_start3A_13, %dma_start3A_14] : memref<10240x64xf32, #tpu.memory_space<hbm>> -> memref<10240x64xf32, #tpu.memory_space<hbm>>
    tpu.enqueue_indirect_dma source(%dma_start3A_15 : memref<10240x64xf32, #tpu.memory_space<hbm>>) target(%dma_start3A_9 : memref<128x64xf32, #tpu.memory_space<vmem>>) offsets(%dma_start3A_12 : memref<128xi32, #tpu.memory_space<vmem>>) semaphore(%arg11 : memref<!tpu.dma_semaphore, #tpu.memory_space<semaphore_mem>>)
    %dma_start3A_16 = arith.constant 1 : i32
    %dma_start3A_17 = arith.constant 1 : i32
    %dma_start3A_18 = arith.constant 0 : i32
    %dma_start3A_19 = arith.constant 0 : i32
    %dma_start3A_20 = tpu.memref_slice %arg9[%dma_start3A_17, %dma_start3A_18, %dma_start3A_19] : memref<4x128x64xf32, #tpu.memory_space<vmem>> -> memref<1x128x64xf32, #tpu.memory_space<vmem>>
    %dma_start3A_21 = tpu.memref_squeeze %dma_start3A_20 : memref<1x128x64xf32, #tpu.memory_space<vmem>> -> memref<128x64xf32, #tpu.memory_space<vmem>>
    %dma_start3A_22 = arith.constant 0 : i32
    %dma_start3A_23 = tpu.memref_slice %arg7[%dma_start3A_16, %dma_start3A_22] : memref<124x128xi32, #tpu.memory_space<vmem>> -> memref<1x128xi32, #tpu.memory_space<vmem>>
    %dma_start3A_24 = tpu.memref_squeeze %dma_start3A_23 : memref<1x128xi32, #tpu.memory_space<vmem>> -> memref<128xi32, #tpu.memory_space<vmem>>
    %dma_start3A_25 = arith.constant 0 : i32
    %dma_start3A_26 = arith.constant 0 : i32
    %dma_start3A_27 = tpu.memref_slice %arg2[%dma_start3A_25, %dma_start3A_26] : memref<10240x64xf32, #tpu.memory_space<hbm>> -> memref<10240x64xf32, #tpu.memory_space<hbm>>
    tpu.enqueue_indirect_dma source(%dma_start3A_27 : memref<10240x64xf32, #tpu.memory_space<hbm>>) target(%dma_start3A_21 : memref<128x64xf32, #tpu.memory_space<vmem>>) offsets(%dma_start3A_24 : memref<128xi32, #tpu.memory_space<vmem>>) semaphore(%arg12 : memref<!tpu.dma_semaphore, #tpu.memory_space<semaphore_mem>>)
    %dma_start3A_28 = arith.constant 2 : i32
    %dma_start3A_29 = arith.constant 2 : i32
    %dma_start3A_30 = arith.constant 0 : i32
    %dma_start3A_31 = arith.constant 0 : i32
    %dma_start3A_32 = tpu.memref_slice %arg9[%dma_start3A_29, %dma_start3A_30, %dma_start3A_31] : memref<4x128x64xf32, #tpu.memory_space<vmem>> -> memref<1x128x64xf32, #tpu.memory_space<vmem>>
    %dma_start3A_33 = tpu.memref_squeeze %dma_start3A_32 : memref<1x128x64xf32, #tpu.memory_space<vmem>> -> memref<128x64xf32, #tpu.memory_space<vmem>>
    %dma_start3A_34 = arith.constant 0 : i32
    %dma_start3A_35 = tpu.memref_slice %arg7[%dma_start3A_28, %dma_start3A_34] : memref<124x128xi32, #tpu.memory_space<vmem>> -> memref<1x128xi32, #tpu.memory_space<vmem>>
    %dma_start3A_36 = tpu.memref_squeeze %dma_start3A_35 : memref<1x128xi32, #tpu.memory_space<vmem>> -> memref<128xi32, #tpu.memory_space<vmem>>
    %dma_start3A_37 = arith.constant 0 : i32
    %dma_start3A_38 = arith.constant 0 : i32
    %dma_start3A_39 = tpu.memref_slice %arg2[%dma_start3A_37, %dma_start3A_38] : memref<10240x64xf32, #tpu.memory_space<hbm>> -> memref<10240x64xf32, #tpu.memory_space<hbm>>
    tpu.enqueue_indirect_dma source(%dma_start3A_39 : memref<10240x64xf32, #tpu.memory_space<hbm>>) target(%dma_start3A_33 : memref<128x64xf32, #tpu.memory_space<vmem>>) offsets(%dma_start3A_36 : memref<128xi32, #tpu.memory_space<vmem>>) semaphore(%arg13 : memref<!tpu.dma_semaphore, #tpu.memory_space<semaphore_mem>>)
    %dma_start3A_40 = arith.constant 3 : i32
    %dma_start3A_41 = arith.constant 3 : i32
    %dma_start3A_42 = arith.constant 0 : i32
    %dma_start3A_43 = arith.constant 0 : i32
    %dma_start3A_44 = tpu.memref_slice %arg9[%dma_start3A_41, %dma_start3A_42, %dma_start3A_43] : memref<4x128x64xf32, #tpu.memory_space<vmem>> -> memref<1x128x64xf32, #tpu.memory_space<vmem>>
    %dma_start3A_45 = tpu.memref_squeeze %dma_start3A_44 : memref<1x128x64xf32, #tpu.memory_space<vmem>> -> memref<128x64xf32, #tpu.memory_space<vmem>>
    %dma_start3A_46 = arith.constant 0 : i32
    %dma_start3A_47 = tpu.memref_slice %arg7[%dma_start3A_40, %dma_start3A_46] : memref<124x128xi32, #tpu.memory_space<vmem>> -> memref<1x128xi32, #tpu.memory_space<vmem>>
    %dma_start3A_48 = tpu.memref_squeeze %dma_start3A_47 : memref<1x128xi32, #tpu.memory_space<vmem>> -> memref<128xi32, #tpu.memory_space<vmem>>
    %dma_start3A_49 = arith.constant 0 : i32
    %dma_start3A_50 = arith.constant 0 : i32
    %dma_start3A_51 = tpu.memref_slice %arg2[%dma_start3A_49, %dma_start3A_50] : memref<10240x64xf32, #tpu.memory_space<hbm>> -> memref<10240x64xf32, #tpu.memory_space<hbm>>
    tpu.enqueue_indirect_dma source(%dma_start3A_51 : memref<10240x64xf32, #tpu.memory_space<hbm>>) target(%dma_start3A_45 : memref<128x64xf32, #tpu.memory_space<vmem>>) offsets(%dma_start3A_48 : memref<128xi32, #tpu.memory_space<vmem>>) semaphore(%arg14 : memref<!tpu.dma_semaphore, #tpu.memory_space<semaphore_mem>>)
    %jit3A_52 = arith.constant 4 : i32
    %div3A = arith.divsi %select_n3A, %jit3A_52 : i32
    %sign3A = arith.constant 0 : i32
    %sign3A_53 = arith.cmpi sgt, %select_n3A, %sign3A : i32
    %sign3A_54 = arith.extui %sign3A_53 : i1 to i32
    %sign3A_55 = arith.constant 0 : i32
    %sign3A_56 = arith.cmpi slt, %select_n3A, %sign3A_55 : i32
    %sign3A_57 = arith.extui %sign3A_56 : i1 to i32
    %sign3A_58 = arith.subi %sign3A_54, %sign3A_57 : i32
    %sign3A_59 = arith.constant 0 : i32
    %sign3A_60 = arith.cmpi sgt, %jit3A_52, %sign3A_59 : i32
    %sign3A_61 = arith.extui %sign3A_60 : i1 to i32
    %sign3A_62 = arith.constant 0 : i32
    %sign3A_63 = arith.cmpi slt, %jit3A_52, %sign3A_62 : i32
    %sign3A_64 = arith.extui %sign3A_63 : i1 to i32
    %sign3A_65 = arith.subi %sign3A_61, %sign3A_64 : i32
    %ne3A = arith.cmpi ne, %sign3A_58, %sign3A_65 : i32
    %rem3A = arith.remsi %select_n3A, %jit3A_52 : i32
    %ne3A_66 = arith.constant 0 : i32
    %ne3A_67 = arith.cmpi ne, %rem3A, %ne3A_66 : i32
    %and3A = arith.andi %ne3A, %ne3A_67 : i1
    %sub3A = arith.constant 1 : i32
    %sub3A_68 = arith.subi %div3A, %sub3A : i32
    %select_n3A_69 = arith.select %and3A, %sub3A_68, %div3A : i32
    %while3A = arith.constant 0 : i32
    %while3A_70 = arith.constant 0 : i32
    %while3A_71 = arith.subi %select_n3A_69, %while3A_70 : i32
    %while3A_72 = arith.addi %while3A_70, %while3A_71 : i32
    %while3A_73 = arith.constant 1 : i32
    %while3A_74 = arith.divsi %while3A_71, %while3A_73 : i32
    %while3A_75 = arith.muli %while3A_74, %while3A_73 : i32
    %while3A_76 = arith.addi %while3A_70, %while3A_75 : i32
    %while3A_77 = arith.constant 1 : i32
    scf.for %while3A_92 = %while3A_70 to %while3A_76 step %while3A_77  : i32 {
      %mul3A_93 = arith.constant 4 : i32
      %mul3A_94 = arith.muli %while3A_92, %mul3A_93 : i32
      %add3A_95 = arith.constant 0 : i32
      %add3A_96 = arith.addi %mul3A_94, %add3A_95 : i32
      %dma_wait3A_97 = arith.constant 0 : i32
      %dma_wait3A_98 = arith.constant 0 : i32
      %dma_wait3A_99 = arith.constant 0 : i32
      %dma_wait3A_100 = tpu.memref_slice %arg9[%dma_wait3A_97, %dma_wait3A_98, %dma_wait3A_99] : memref<4x128x64xf32, #tpu.memory_space<vmem>> -> memref<1x128x64xf32, #tpu.memory_space<vmem>>
      %dma_wait3A_101 = tpu.memref_squeeze %dma_wait3A_100 : memref<1x128x64xf32, #tpu.memory_space<vmem>> -> memref<128x64xf32, #tpu.memory_space<vmem>>
      %dma_wait3A_102 = arith.constant 0 : i32
      %dma_wait3A_103 = tpu.memref_slice %arg7[%add3A_96, %dma_wait3A_102] : memref<124x128xi32, #tpu.memory_space<vmem>> -> memref<1x128xi32, #tpu.memory_space<vmem>>
      %dma_wait3A_104 = tpu.memref_squeeze %dma_wait3A_103 : memref<1x128xi32, #tpu.memory_space<vmem>> -> memref<128xi32, #tpu.memory_space<vmem>>
      %dma_wait3A_105 = arith.constant 0 : i32
      %dma_wait3A_106 = arith.constant 0 : i32
      %dma_wait3A_107 = tpu.memref_slice %arg2[%dma_wait3A_105, %dma_wait3A_106] : memref<10240x64xf32, #tpu.memory_space<hbm>> -> memref<10240x64xf32, #tpu.memory_space<hbm>>
      tpu.wait_indirect_dma semaphore(%arg11 : memref<!tpu.dma_semaphore, #tpu.memory_space<semaphore_mem>>) src(%dma_wait3A_107 : memref<10240x64xf32, #tpu.memory_space<hbm>>) dst(%dma_wait3A_101 : memref<128x64xf32, #tpu.memory_space<vmem>>)
      %dma_start3A_108 = arith.constant 0 : i32
      %dma_start3A_109 = arith.constant 0 : i32
      %dma_start3A_110 = arith.constant 0 : i32
      %dma_start3A_111 = tpu.memref_slice %arg9[%dma_start3A_108, %dma_start3A_109, %dma_start3A_110] : memref<4x128x64xf32, #tpu.memory_space<vmem>> -> memref<1x128x64xf32, #tpu.memory_space<vmem>>
      %dma_start3A_112 = tpu.memref_squeeze %dma_start3A_111 : memref<1x128x64xf32, #tpu.memory_space<vmem>> -> memref<128x64xf32, #tpu.memory_space<vmem>>
      %dma_start3A_113 = arith.constant 0 : i32
      %dma_start3A_114 = tpu.memref_slice %arg8[%add3A_96, %dma_start3A_113] : memref<124x128xi32, #tpu.memory_space<vmem>> -> memref<1x128xi32, #tpu.memory_space<vmem>>
      %dma_start3A_115 = tpu.memref_squeeze %dma_start3A_114 : memref<1x128xi32, #tpu.memory_space<vmem>> -> memref<128xi32, #tpu.memory_space<vmem>>
      %dma_start3A_116 = arith.constant 0 : i32
      %dma_start3A_117 = arith.constant 0 : i32
      %dma_start3A_118 = tpu.memref_slice %arg10[%dma_start3A_116, %dma_start3A_117] : memref<10240x64xf32, #tpu.memory_space<vmem_shared>> -> memref<10240x64xf32, #tpu.memory_space<vmem_shared>>
      tpu.enqueue_indirect_dma source(%dma_start3A_112 : memref<128x64xf32, #tpu.memory_space<vmem>>) target(%dma_start3A_118 : memref<10240x64xf32, #tpu.memory_space<vmem_shared>>) offsets(%dma_start3A_115 : memref<128xi32, #tpu.memory_space<vmem>>) semaphore(%arg15 : memref<!tpu.dma_semaphore, #tpu.memory_space<semaphore_mem>>) {add = true}
      %sub3A_119 = arith.constant 1 : i32
      %sub3A_120 = arith.subi %add3A_96, %sub3A_119 : i32
      %ge3A = arith.constant 0 : i32
      %ge3A_121 = arith.cmpi sge, %sub3A_120, %ge3A : i32
      %convert_element_type3A = arith.extui %ge3A_121 : i1 to i32
      %cond3A = arith.constant 0 : i32
      %cond3A_122 = arith.cmpi ne, %convert_element_type3A, %cond3A : i32
      scf.if %cond3A_122 {
        %max3A = arith.constant 0 : i32
        %max3A_222 = arith.maxsi %sub3A_120, %max3A : i32
        %dma_wait3A_223 = arith.constant 3 : i32
        %dma_wait3A_224 = arith.constant 0 : i32
        %dma_wait3A_225 = arith.constant 0 : i32
        %dma_wait3A_226 = tpu.memref_slice %arg9[%dma_wait3A_223, %dma_wait3A_224, %dma_wait3A_225] : memref<4x128x64xf32, #tpu.memory_space<vmem>> -> memref<1x128x64xf32, #tpu.memory_space<vmem>>
        %dma_wait3A_227 = tpu.memref_squeeze %dma_wait3A_226 : memref<1x128x64xf32, #tpu.memory_space<vmem>> -> memref<128x64xf32, #tpu.memory_space<vmem>>
        %dma_wait3A_228 = arith.constant 0 : i32
        %dma_wait3A_229 = tpu.memref_slice %arg8[%max3A_222, %dma_wait3A_228] : memref<124x128xi32, #tpu.memory_space<vmem>> -> memref<1x128xi32, #tpu.memory_space<vmem>>
        %dma_wait3A_230 = tpu.memref_squeeze %dma_wait3A_229 : memref<1x128xi32, #tpu.memory_space<vmem>> -> memref<128xi32, #tpu.memory_space<vmem>>
        %dma_wait3A_231 = arith.constant 0 : i32
        %dma_wait3A_232 = arith.constant 0 : i32
        %dma_wait3A_233 = tpu.memref_slice %arg10[%dma_wait3A_231, %dma_wait3A_232] : memref<10240x64xf32, #tpu.memory_space<vmem_shared>> -> memref<10240x64xf32, #tpu.memory_space<vmem_shared>>
        tpu.wait_indirect_dma semaphore(%arg18 : memref<!tpu.dma_semaphore, #tpu.memory_space<semaphore_mem>>) src(%dma_wait3A_227 : memref<128x64xf32, #tpu.memory_space<vmem>>) dst(%dma_wait3A_233 : memref<10240x64xf32, #tpu.memory_space<vmem_shared>>)
        %add3A_234 = arith.constant 4 : i32
        %add3A_235 = arith.addi %sub3A_120, %add3A_234 : i32
        %lt3A = arith.cmpi slt, %add3A_235, %select_n3A : i32
        %convert_element_type3A_236 = arith.extui %lt3A : i1 to i32
        %cond3A_237 = arith.constant 0 : i32
        %cond3A_238 = arith.cmpi ne, %convert_element_type3A_236, %cond3A_237 : i32
        scf.if %cond3A_238 {
          %add3A_239 = arith.constant 4 : i32
          %add3A_240 = arith.addi %sub3A_120, %add3A_239 : i32
          %dma_start3A_241 = arith.constant 3 : i32
          %dma_start3A_242 = arith.constant 0 : i32
          %dma_start3A_243 = arith.constant 0 : i32
          %dma_start3A_244 = tpu.memref_slice %arg9[%dma_start3A_241, %dma_start3A_242, %dma_start3A_243] : memref<4x128x64xf32, #tpu.memory_space<vmem>> -> memref<1x128x64xf32, #tpu.memory_space<vmem>>
          %dma_start3A_245 = tpu.memref_squeeze %dma_start3A_244 : memref<1x128x64xf32, #tpu.memory_space<vmem>> -> memref<128x64xf32, #tpu.memory_space<vmem>>
          %dma_start3A_246 = arith.constant 0 : i32
          %dma_start3A_247 = tpu.memref_slice %arg7[%add3A_240, %dma_start3A_246] : memref<124x128xi32, #tpu.memory_space<vmem>> -> memref<1x128xi32, #tpu.memory_space<vmem>>
          %dma_start3A_248 = tpu.memref_squeeze %dma_start3A_247 : memref<1x128xi32, #tpu.memory_space<vmem>> -> memref<128xi32, #tpu.memory_space<vmem>>
          %dma_start3A_249 = arith.constant 0 : i32
          %dma_start3A_250 = arith.constant 0 : i32
          %dma_start3A_251 = tpu.memref_slice %arg2[%dma_start3A_249, %dma_start3A_250] : memref<10240x64xf32, #tpu.memory_space<hbm>> -> memref<10240x64xf32, #tpu.memory_space<hbm>>
          tpu.enqueue_indirect_dma source(%dma_start3A_251 : memref<10240x64xf32, #tpu.memory_space<hbm>>) target(%dma_start3A_245 : memref<128x64xf32, #tpu.memory_space<vmem>>) offsets(%dma_start3A_248 : memref<128xi32, #tpu.memory_space<vmem>>) semaphore(%arg14 : memref<!tpu.dma_semaphore, #tpu.memory_space<semaphore_mem>>)
        } else {
        }
      } else {
      }
      %mul3A_123 = arith.constant 4 : i32
      %mul3A_124 = arith.muli %while3A_92, %mul3A_123 : i32
      %add3A_125 = arith.constant 1 : i32
      %add3A_126 = arith.addi %mul3A_124, %add3A_125 : i32
      %dma_wait3A_127 = arith.constant 1 : i32
      %dma_wait3A_128 = arith.constant 0 : i32
      %dma_wait3A_129 = arith.constant 0 : i32
      %dma_wait3A_130 = tpu.memref_slice %arg9[%dma_wait3A_127, %dma_wait3A_128, %dma_wait3A_129] : memref<4x128x64xf32, #tpu.memory_space<vmem>> -> memref<1x128x64xf32, #tpu.memory_space<vmem>>
      %dma_wait3A_131 = tpu.memref_squeeze %dma_wait3A_130 : memref<1x128x64xf32, #tpu.memory_space<vmem>> -> memref<128x64xf32, #tpu.memory_space<vmem>>
      %dma_wait3A_132 = arith.constant 0 : i32
      %dma_wait3A_133 = tpu.memref_slice %arg7[%add3A_126, %dma_wait3A_132] : memref<124x128xi32, #tpu.memory_space<vmem>> -> memref<1x128xi32, #tpu.memory_space<vmem>>
      %dma_wait3A_134 = tpu.memref_squeeze %dma_wait3A_133 : memref<1x128xi32, #tpu.memory_space<vmem>> -> memref<128xi32, #tpu.memory_space<vmem>>
      %dma_wait3A_135 = arith.constant 0 : i32
      %dma_wait3A_136 = arith.constant 0 : i32
      %dma_wait3A_137 = tpu.memref_slice %arg2[%dma_wait3A_135, %dma_wait3A_136] : memref<10240x64xf32, #tpu.memory_space<hbm>> -> memref<10240x64xf32, #tpu.memory_space<hbm>>
      tpu.wait_indirect_dma semaphore(%arg12 : memref<!tpu.dma_semaphore, #tpu.memory_space<semaphore_mem>>) src(%dma_wait3A_137 : memref<10240x64xf32, #tpu.memory_space<hbm>>) dst(%dma_wait3A_131 : memref<128x64xf32, #tpu.memory_space<vmem>>)
      %dma_start3A_138 = arith.constant 1 : i32
      %dma_start3A_139 = arith.constant 0 : i32
      %dma_start3A_140 = arith.constant 0 : i32
      %dma_start3A_141 = tpu.memref_slice %arg9[%dma_start3A_138, %dma_start3A_139, %dma_start3A_140] : memref<4x128x64xf32, #tpu.memory_space<vmem>> -> memref<1x128x64xf32, #tpu.memory_space<vmem>>
      %dma_start3A_142 = tpu.memref_squeeze %dma_start3A_141 : memref<1x128x64xf32, #tpu.memory_space<vmem>> -> memref<128x64xf32, #tpu.memory_space<vmem>>
      %dma_start3A_143 = arith.constant 0 : i32
      %dma_start3A_144 = tpu.memref_slice %arg8[%add3A_126, %dma_start3A_143] : memref<124x128xi32, #tpu.memory_space<vmem>> -> memref<1x128xi32, #tpu.memory_space<vmem>>
      %dma_start3A_145 = tpu.memref_squeeze %dma_start3A_144 : memref<1x128xi32, #tpu.memory_space<vmem>> -> memref<128xi32, #tpu.memory_space<vmem>>
      %dma_start3A_146 = arith.constant 0 : i32
      %dma_start3A_147 = arith.constant 0 : i32
      %dma_start3A_148 = tpu.memref_slice %arg10[%dma_start3A_146, %dma_start3A_147] : memref<10240x64xf32, #tpu.memory_space<vmem_shared>> -> memref<10240x64xf32, #tpu.memory_space<vmem_shared>>
      tpu.enqueue_indirect_dma source(%dma_start3A_142 : memref<128x64xf32, #tpu.memory_space<vmem>>) target(%dma_start3A_148 : memref<10240x64xf32, #tpu.memory_space<vmem_shared>>) offsets(%dma_start3A_145 : memref<128xi32, #tpu.memory_space<vmem>>) semaphore(%arg16 : memref<!tpu.dma_semaphore, #tpu.memory_space<semaphore_mem>>) {add = true}
      %sub3A_149 = arith.constant 1 : i32
      %sub3A_150 = arith.subi %add3A_126, %sub3A_149 : i32
      %ge3A_151 = arith.constant 0 : i32
      %ge3A_152 = arith.cmpi sge, %sub3A_150, %ge3A_151 : i32
      %convert_element_type3A_153 = arith.extui %ge3A_152 : i1 to i32
      %cond3A_154 = arith.constant 0 : i32
      %cond3A_155 = arith.cmpi ne, %convert_element_type3A_153, %cond3A_154 : i32
      scf.if %cond3A_155 {
        %max3A = arith.constant 0 : i32
        %max3A_222 = arith.maxsi %sub3A_150, %max3A : i32
        %dma_wait3A_223 = arith.constant 0 : i32
        %dma_wait3A_224 = arith.constant 0 : i32
        %dma_wait3A_225 = arith.constant 0 : i32
        %dma_wait3A_226 = tpu.memref_slice %arg9[%dma_wait3A_223, %dma_wait3A_224, %dma_wait3A_225] : memref<4x128x64xf32, #tpu.memory_space<vmem>> -> memref<1x128x64xf32, #tpu.memory_space<vmem>>
        %dma_wait3A_227 = tpu.memref_squeeze %dma_wait3A_226 : memref<1x128x64xf32, #tpu.memory_space<vmem>> -> memref<128x64xf32, #tpu.memory_space<vmem>>
        %dma_wait3A_228 = arith.constant 0 : i32
        %dma_wait3A_229 = tpu.memref_slice %arg8[%max3A_222, %dma_wait3A_228] : memref<124x128xi32, #tpu.memory_space<vmem>> -> memref<1x128xi32, #tpu.memory_space<vmem>>
        %dma_wait3A_230 = tpu.memref_squeeze %dma_wait3A_229 : memref<1x128xi32, #tpu.memory_space<vmem>> -> memref<128xi32, #tpu.memory_space<vmem>>
        %dma_wait3A_231 = arith.constant 0 : i32
        %dma_wait3A_232 = arith.constant 0 : i32
        %dma_wait3A_233 = tpu.memref_slice %arg10[%dma_wait3A_231, %dma_wait3A_232] : memref<10240x64xf32, #tpu.memory_space<vmem_shared>> -> memref<10240x64xf32, #tpu.memory_space<vmem_shared>>
        tpu.wait_indirect_dma semaphore(%arg15 : memref<!tpu.dma_semaphore, #tpu.memory_space<semaphore_mem>>) src(%dma_wait3A_227 : memref<128x64xf32, #tpu.memory_space<vmem>>) dst(%dma_wait3A_233 : memref<10240x64xf32, #tpu.memory_space<vmem_shared>>)
        %add3A_234 = arith.constant 4 : i32
        %add3A_235 = arith.addi %sub3A_150, %add3A_234 : i32
        %lt3A = arith.cmpi slt, %add3A_235, %select_n3A : i32
        %convert_element_type3A_236 = arith.extui %lt3A : i1 to i32
        %cond3A_237 = arith.constant 0 : i32
        %cond3A_238 = arith.cmpi ne, %convert_element_type3A_236, %cond3A_237 : i32
        scf.if %cond3A_238 {
          %add3A_239 = arith.constant 4 : i32
          %add3A_240 = arith.addi %sub3A_150, %add3A_239 : i32
          %dma_start3A_241 = arith.constant 0 : i32
          %dma_start3A_242 = arith.constant 0 : i32
          %dma_start3A_243 = arith.constant 0 : i32
          %dma_start3A_244 = tpu.memref_slice %arg9[%dma_start3A_241, %dma_start3A_242, %dma_start3A_243] : memref<4x128x64xf32, #tpu.memory_space<vmem>> -> memref<1x128x64xf32, #tpu.memory_space<vmem>>
          %dma_start3A_245 = tpu.memref_squeeze %dma_start3A_244 : memref<1x128x64xf32, #tpu.memory_space<vmem>> -> memref<128x64xf32, #tpu.memory_space<vmem>>
          %dma_start3A_246 = arith.constant 0 : i32
          %dma_start3A_247 = tpu.memref_slice %arg7[%add3A_240, %dma_start3A_246] : memref<124x128xi32, #tpu.memory_space<vmem>> -> memref<1x128xi32, #tpu.memory_space<vmem>>
          %dma_start3A_248 = tpu.memref_squeeze %dma_start3A_247 : memref<1x128xi32, #tpu.memory_space<vmem>> -> memref<128xi32, #tpu.memory_space<vmem>>
          %dma_start3A_249 = arith.constant 0 : i32
          %dma_start3A_250 = arith.constant 0 : i32
          %dma_start3A_251 = tpu.memref_slice %arg2[%dma_start3A_249, %dma_start3A_250] : memref<10240x64xf32, #tpu.memory_space<hbm>> -> memref<10240x64xf32, #tpu.memory_space<hbm>>
          tpu.enqueue_indirect_dma source(%dma_start3A_251 : memref<10240x64xf32, #tpu.memory_space<hbm>>) target(%dma_start3A_245 : memref<128x64xf32, #tpu.memory_space<vmem>>) offsets(%dma_start3A_248 : memref<128xi32, #tpu.memory_space<vmem>>) semaphore(%arg11 : memref<!tpu.dma_semaphore, #tpu.memory_space<semaphore_mem>>)
        } else {
        }
      } else {
      }
      %mul3A_156 = arith.constant 4 : i32
      %mul3A_157 = arith.muli %while3A_92, %mul3A_156 : i32
      %add3A_158 = arith.constant 2 : i32
      %add3A_159 = arith.addi %mul3A_157, %add3A_158 : i32
      %dma_wait3A_160 = arith.constant 2 : i32
      %dma_wait3A_161 = arith.constant 0 : i32
      %dma_wait3A_162 = arith.constant 0 : i32
      %dma_wait3A_163 = tpu.memref_slice %arg9[%dma_wait3A_160, %dma_wait3A_161, %dma_wait3A_162] : memref<4x128x64xf32, #tpu.memory_space<vmem>> -> memref<1x128x64xf32, #tpu.memory_space<vmem>>
      %dma_wait3A_164 = tpu.memref_squeeze %dma_wait3A_163 : memref<1x128x64xf32, #tpu.memory_space<vmem>> -> memref<128x64xf32, #tpu.memory_space<vmem>>
      %dma_wait3A_165 = arith.constant 0 : i32
      %dma_wait3A_166 = tpu.memref_slice %arg7[%add3A_159, %dma_wait3A_165] : memref<124x128xi32, #tpu.memory_space<vmem>> -> memref<1x128xi32, #tpu.memory_space<vmem>>
      %dma_wait3A_167 = tpu.memref_squeeze %dma_wait3A_166 : memref<1x128xi32, #tpu.memory_space<vmem>> -> memref<128xi32, #tpu.memory_space<vmem>>
      %dma_wait3A_168 = arith.constant 0 : i32
      %dma_wait3A_169 = arith.constant 0 : i32
      %dma_wait3A_170 = tpu.memref_slice %arg2[%dma_wait3A_168, %dma_wait3A_169] : memref<10240x64xf32, #tpu.memory_space<hbm>> -> memref<10240x64xf32, #tpu.memory_space<hbm>>
      tpu.wait_indirect_dma semaphore(%arg13 : memref<!tpu.dma_semaphore, #tpu.memory_space<semaphore_mem>>) src(%dma_wait3A_170 : memref<10240x64xf32, #tpu.memory_space<hbm>>) dst(%dma_wait3A_164 : memref<128x64xf32, #tpu.memory_space<vmem>>)
      %dma_start3A_171 = arith.constant 2 : i32
      %dma_start3A_172 = arith.constant 0 : i32
      %dma_start3A_173 = arith.constant 0 : i32
      %dma_start3A_174 = tpu.memref_slice %arg9[%dma_start3A_171, %dma_start3A_172, %dma_start3A_173] : memref<4x128x64xf32, #tpu.memory_space<vmem>> -> memref<1x128x64xf32, #tpu.memory_space<vmem>>
      %dma_start3A_175 = tpu.memref_squeeze %dma_start3A_174 : memref<1x128x64xf32, #tpu.memory_space<vmem>> -> memref<128x64xf32, #tpu.memory_space<vmem>>
      %dma_start3A_176 = arith.constant 0 : i32
      %dma_start3A_177 = tpu.memref_slice %arg8[%add3A_159, %dma_start3A_176] : memref<124x128xi32, #tpu.memory_space<vmem>> -> memref<1x128xi32, #tpu.memory_space<vmem>>
      %dma_start3A_178 = tpu.memref_squeeze %dma_start3A_177 : memref<1x128xi32, #tpu.memory_space<vmem>> -> memref<128xi32, #tpu.memory_space<vmem>>
      %dma_start3A_179 = arith.constant 0 : i32
      %dma_start3A_180 = arith.constant 0 : i32
      %dma_start3A_181 = tpu.memref_slice %arg10[%dma_start3A_179, %dma_start3A_180] : memref<10240x64xf32, #tpu.memory_space<vmem_shared>> -> memref<10240x64xf32, #tpu.memory_space<vmem_shared>>
      tpu.enqueue_indirect_dma source(%dma_start3A_175 : memref<128x64xf32, #tpu.memory_space<vmem>>) target(%dma_start3A_181 : memref<10240x64xf32, #tpu.memory_space<vmem_shared>>) offsets(%dma_start3A_178 : memref<128xi32, #tpu.memory_space<vmem>>) semaphore(%arg17 : memref<!tpu.dma_semaphore, #tpu.memory_space<semaphore_mem>>) {add = true}
      %sub3A_182 = arith.constant 1 : i32
      %sub3A_183 = arith.subi %add3A_159, %sub3A_182 : i32
      %ge3A_184 = arith.constant 0 : i32
      %ge3A_185 = arith.cmpi sge, %sub3A_183, %ge3A_184 : i32
      %convert_element_type3A_186 = arith.extui %ge3A_185 : i1 to i32
      %cond3A_187 = arith.constant 0 : i32
      %cond3A_188 = arith.cmpi ne, %convert_element_type3A_186, %cond3A_187 : i32
      scf.if %cond3A_188 {
        %max3A = arith.constant 0 : i32
        %max3A_222 = arith.maxsi %sub3A_183, %max3A : i32
        %dma_wait3A_223 = arith.constant 1 : i32
        %dma_wait3A_224 = arith.constant 0 : i32
        %dma_wait3A_225 = arith.constant 0 : i32
        %dma_wait3A_226 = tpu.memref_slice %arg9[%dma_wait3A_223, %dma_wait3A_224, %dma_wait3A_225] : memref<4x128x64xf32, #tpu.memory_space<vmem>> -> memref<1x128x64xf32, #tpu.memory_space<vmem>>
        %dma_wait3A_227 = tpu.memref_squeeze %dma_wait3A_226 : memref<1x128x64xf32, #tpu.memory_space<vmem>> -> memref<128x64xf32, #tpu.memory_space<vmem>>
        %dma_wait3A_228 = arith.constant 0 : i32
        %dma_wait3A_229 = tpu.memref_slice %arg8[%max3A_222, %dma_wait3A_228] : memref<124x128xi32, #tpu.memory_space<vmem>> -> memref<1x128xi32, #tpu.memory_space<vmem>>
        %dma_wait3A_230 = tpu.memref_squeeze %dma_wait3A_229 : memref<1x128xi32, #tpu.memory_space<vmem>> -> memref<128xi32, #tpu.memory_space<vmem>>
        %dma_wait3A_231 = arith.constant 0 : i32
        %dma_wait3A_232 = arith.constant 0 : i32
        %dma_wait3A_233 = tpu.memref_slice %arg10[%dma_wait3A_231, %dma_wait3A_232] : memref<10240x64xf32, #tpu.memory_space<vmem_shared>> -> memref<10240x64xf32, #tpu.memory_space<vmem_shared>>
        tpu.wait_indirect_dma semaphore(%arg16 : memref<!tpu.dma_semaphore, #tpu.memory_space<semaphore_mem>>) src(%dma_wait3A_227 : memref<128x64xf32, #tpu.memory_space<vmem>>) dst(%dma_wait3A_233 : memref<10240x64xf32, #tpu.memory_space<vmem_shared>>)
        %add3A_234 = arith.constant 4 : i32
        %add3A_235 = arith.addi %sub3A_183, %add3A_234 : i32
        %lt3A = arith.cmpi slt, %add3A_235, %select_n3A : i32
        %convert_element_type3A_236 = arith.extui %lt3A : i1 to i32
        %cond3A_237 = arith.constant 0 : i32
        %cond3A_238 = arith.cmpi ne, %convert_element_type3A_236, %cond3A_237 : i32
        scf.if %cond3A_238 {
          %add3A_239 = arith.constant 4 : i32
          %add3A_240 = arith.addi %sub3A_183, %add3A_239 : i32
          %dma_start3A_241 = arith.constant 1 : i32
          %dma_start3A_242 = arith.constant 0 : i32
          %dma_start3A_243 = arith.constant 0 : i32
          %dma_start3A_244 = tpu.memref_slice %arg9[%dma_start3A_241, %dma_start3A_242, %dma_start3A_243] : memref<4x128x64xf32, #tpu.memory_space<vmem>> -> memref<1x128x64xf32, #tpu.memory_space<vmem>>
          %dma_start3A_245 = tpu.memref_squeeze %dma_start3A_244 : memref<1x128x64xf32, #tpu.memory_space<vmem>> -> memref<128x64xf32, #tpu.memory_space<vmem>>
          %dma_start3A_246 = arith.constant 0 : i32
          %dma_start3A_247 = tpu.memref_slice %arg7[%add3A_240, %dma_start3A_246] : memref<124x128xi32, #tpu.memory_space<vmem>> -> memref<1x128xi32, #tpu.memory_space<vmem>>
          %dma_start3A_248 = tpu.memref_squeeze %dma_start3A_247 : memref<1x128xi32, #tpu.memory_space<vmem>> -> memref<128xi32, #tpu.memory_space<vmem>>
          %dma_start3A_249 = arith.constant 0 : i32
          %dma_start3A_250 = arith.constant 0 : i32
          %dma_start3A_251 = tpu.memref_slice %arg2[%dma_start3A_249, %dma_start3A_250] : memref<10240x64xf32, #tpu.memory_space<hbm>> -> memref<10240x64xf32, #tpu.memory_space<hbm>>
          tpu.enqueue_indirect_dma source(%dma_start3A_251 : memref<10240x64xf32, #tpu.memory_space<hbm>>) target(%dma_start3A_245 : memref<128x64xf32, #tpu.memory_space<vmem>>) offsets(%dma_start3A_248 : memref<128xi32, #tpu.memory_space<vmem>>) semaphore(%arg12 : memref<!tpu.dma_semaphore, #tpu.memory_space<semaphore_mem>>)
        } else {
        }
      } else {
      }
      %mul3A_189 = arith.constant 4 : i32
      %mul3A_190 = arith.muli %while3A_92, %mul3A_189 : i32
      %add3A_191 = arith.constant 3 : i32
      %add3A_192 = arith.addi %mul3A_190, %add3A_191 : i32
      %dma_wait3A_193 = arith.constant 3 : i32
      %dma_wait3A_194 = arith.constant 0 : i32
      %dma_wait3A_195 = arith.constant 0 : i32
      %dma_wait3A_196 = tpu.memref_slice %arg9[%dma_wait3A_193, %dma_wait3A_194, %dma_wait3A_195] : memref<4x128x64xf32, #tpu.memory_space<vmem>> -> memref<1x128x64xf32, #tpu.memory_space<vmem>>
      %dma_wait3A_197 = tpu.memref_squeeze %dma_wait3A_196 : memref<1x128x64xf32, #tpu.memory_space<vmem>> -> memref<128x64xf32, #tpu.memory_space<vmem>>
      %dma_wait3A_198 = arith.constant 0 : i32
      %dma_wait3A_199 = tpu.memref_slice %arg7[%add3A_192, %dma_wait3A_198] : memref<124x128xi32, #tpu.memory_space<vmem>> -> memref<1x128xi32, #tpu.memory_space<vmem>>
      %dma_wait3A_200 = tpu.memref_squeeze %dma_wait3A_199 : memref<1x128xi32, #tpu.memory_space<vmem>> -> memref<128xi32, #tpu.memory_space<vmem>>
      %dma_wait3A_201 = arith.constant 0 : i32
      %dma_wait3A_202 = arith.constant 0 : i32
      %dma_wait3A_203 = tpu.memref_slice %arg2[%dma_wait3A_201, %dma_wait3A_202] : memref<10240x64xf32, #tpu.memory_space<hbm>> -> memref<10240x64xf32, #tpu.memory_space<hbm>>
      tpu.wait_indirect_dma semaphore(%arg14 : memref<!tpu.dma_semaphore, #tpu.memory_space<semaphore_mem>>) src(%dma_wait3A_203 : memref<10240x64xf32, #tpu.memory_space<hbm>>) dst(%dma_wait3A_197 : memref<128x64xf32, #tpu.memory_space<vmem>>)
      %dma_start3A_204 = arith.constant 3 : i32
      %dma_start3A_205 = arith.constant 0 : i32
      %dma_start3A_206 = arith.constant 0 : i32
      %dma_start3A_207 = tpu.memref_slice %arg9[%dma_start3A_204, %dma_start3A_205, %dma_start3A_206] : memref<4x128x64xf32, #tpu.memory_space<vmem>> -> memref<1x128x64xf32, #tpu.memory_space<vmem>>
      %dma_start3A_208 = tpu.memref_squeeze %dma_start3A_207 : memref<1x128x64xf32, #tpu.memory_space<vmem>> -> memref<128x64xf32, #tpu.memory_space<vmem>>
      %dma_start3A_209 = arith.constant 0 : i32
      %dma_start3A_210 = tpu.memref_slice %arg8[%add3A_192, %dma_start3A_209] : memref<124x128xi32, #tpu.memory_space<vmem>> -> memref<1x128xi32, #tpu.memory_space<vmem>>
      %dma_start3A_211 = tpu.memref_squeeze %dma_start3A_210 : memref<1x128xi32, #tpu.memory_space<vmem>> -> memref<128xi32, #tpu.memory_space<vmem>>
      %dma_start3A_212 = arith.constant 0 : i32
      %dma_start3A_213 = arith.constant 0 : i32
      %dma_start3A_214 = tpu.memref_slice %arg10[%dma_start3A_212, %dma_start3A_213] : memref<10240x64xf32, #tpu.memory_space<vmem_shared>> -> memref<10240x64xf32, #tpu.memory_space<vmem_shared>>
      tpu.enqueue_indirect_dma source(%dma_start3A_208 : memref<128x64xf32, #tpu.memory_space<vmem>>) target(%dma_start3A_214 : memref<10240x64xf32, #tpu.memory_space<vmem_shared>>) offsets(%dma_start3A_211 : memref<128xi32, #tpu.memory_space<vmem>>) semaphore(%arg18 : memref<!tpu.dma_semaphore, #tpu.memory_space<semaphore_mem>>) {add = true}
      %sub3A_215 = arith.constant 1 : i32
      %sub3A_216 = arith.subi %add3A_192, %sub3A_215 : i32
      %ge3A_217 = arith.constant 0 : i32
      %ge3A_218 = arith.cmpi sge, %sub3A_216, %ge3A_217 : i32
      %convert_element_type3A_219 = arith.extui %ge3A_218 : i1 to i32
      %cond3A_220 = arith.constant 0 : i32
      %cond3A_221 = arith.cmpi ne, %convert_element_type3A_219, %cond3A_220 : i32
      scf.if %cond3A_221 {
        %max3A = arith.constant 0 : i32
        %max3A_222 = arith.maxsi %sub3A_216, %max3A : i32
        %dma_wait3A_223 = arith.constant 2 : i32
        %dma_wait3A_224 = arith.constant 0 : i32
        %dma_wait3A_225 = arith.constant 0 : i32
        %dma_wait3A_226 = tpu.memref_slice %arg9[%dma_wait3A_223, %dma_wait3A_224, %dma_wait3A_225] : memref<4x128x64xf32, #tpu.memory_space<vmem>> -> memref<1x128x64xf32, #tpu.memory_space<vmem>>
        %dma_wait3A_227 = tpu.memref_squeeze %dma_wait3A_226 : memref<1x128x64xf32, #tpu.memory_space<vmem>> -> memref<128x64xf32, #tpu.memory_space<vmem>>
        %dma_wait3A_228 = arith.constant 0 : i32
        %dma_wait3A_229 = tpu.memref_slice %arg8[%max3A_222, %dma_wait3A_228] : memref<124x128xi32, #tpu.memory_space<vmem>> -> memref<1x128xi32, #tpu.memory_space<vmem>>
        %dma_wait3A_230 = tpu.memref_squeeze %dma_wait3A_229 : memref<1x128xi32, #tpu.memory_space<vmem>> -> memref<128xi32, #tpu.memory_space<vmem>>
        %dma_wait3A_231 = arith.constant 0 : i32
        %dma_wait3A_232 = arith.constant 0 : i32
        %dma_wait3A_233 = tpu.memref_slice %arg10[%dma_wait3A_231, %dma_wait3A_232] : memref<10240x64xf32, #tpu.memory_space<vmem_shared>> -> memref<10240x64xf32, #tpu.memory_space<vmem_shared>>
        tpu.wait_indirect_dma semaphore(%arg17 : memref<!tpu.dma_semaphore, #tpu.memory_space<semaphore_mem>>) src(%dma_wait3A_227 : memref<128x64xf32, #tpu.memory_space<vmem>>) dst(%dma_wait3A_233 : memref<10240x64xf32, #tpu.memory_space<vmem_shared>>)
        %add3A_234 = arith.constant 4 : i32
        %add3A_235 = arith.addi %sub3A_216, %add3A_234 : i32
        %lt3A = arith.cmpi slt, %add3A_235, %select_n3A : i32
        %convert_element_type3A_236 = arith.extui %lt3A : i1 to i32
        %cond3A_237 = arith.constant 0 : i32
        %cond3A_238 = arith.cmpi ne, %convert_element_type3A_236, %cond3A_237 : i32
        scf.if %cond3A_238 {
          %add3A_239 = arith.constant 4 : i32
          %add3A_240 = arith.addi %sub3A_216, %add3A_239 : i32
          %dma_start3A_241 = arith.constant 2 : i32
          %dma_start3A_242 = arith.constant 0 : i32
          %dma_start3A_243 = arith.constant 0 : i32
          %dma_start3A_244 = tpu.memref_slice %arg9[%dma_start3A_241, %dma_start3A_242, %dma_start3A_243] : memref<4x128x64xf32, #tpu.memory_space<vmem>> -> memref<1x128x64xf32, #tpu.memory_space<vmem>>
          %dma_start3A_245 = tpu.memref_squeeze %dma_start3A_244 : memref<1x128x64xf32, #tpu.memory_space<vmem>> -> memref<128x64xf32, #tpu.memory_space<vmem>>
          %dma_start3A_246 = arith.constant 0 : i32
          %dma_start3A_247 = tpu.memref_slice %arg7[%add3A_240, %dma_start3A_246] : memref<124x128xi32, #tpu.memory_space<vmem>> -> memref<1x128xi32, #tpu.memory_space<vmem>>
          %dma_start3A_248 = tpu.memref_squeeze %dma_start3A_247 : memref<1x128xi32, #tpu.memory_space<vmem>> -> memref<128xi32, #tpu.memory_space<vmem>>
          %dma_start3A_249 = arith.constant 0 : i32
          %dma_start3A_250 = arith.constant 0 : i32
          %dma_start3A_251 = tpu.memref_slice %arg2[%dma_start3A_249, %dma_start3A_250] : memref<10240x64xf32, #tpu.memory_space<hbm>> -> memref<10240x64xf32, #tpu.memory_space<hbm>>
          tpu.enqueue_indirect_dma source(%dma_start3A_251 : memref<10240x64xf32, #tpu.memory_space<hbm>>) target(%dma_start3A_245 : memref<128x64xf32, #tpu.memory_space<vmem>>) offsets(%dma_start3A_248 : memref<128xi32, #tpu.memory_space<vmem>>) semaphore(%arg13 : memref<!tpu.dma_semaphore, #tpu.memory_space<semaphore_mem>>)
        } else {
        }
      } else {
      }
    }
    %while3A_78 = arith.constant 1 : i32
    scf.for %while3A_92 = %while3A_76 to %while3A_72 step %while3A_78  : i32 {
      %mul3A_93 = arith.constant 4 : i32
      %mul3A_94 = arith.muli %while3A_92, %mul3A_93 : i32
      %add3A_95 = arith.constant 0 : i32
      %add3A_96 = arith.addi %mul3A_94, %add3A_95 : i32
      %dma_wait3A_97 = arith.constant 0 : i32
      %dma_wait3A_98 = arith.constant 0 : i32
      %dma_wait3A_99 = arith.constant 0 : i32
      %dma_wait3A_100 = tpu.memref_slice %arg9[%dma_wait3A_97, %dma_wait3A_98, %dma_wait3A_99] : memref<4x128x64xf32, #tpu.memory_space<vmem>> -> memref<1x128x64xf32, #tpu.memory_space<vmem>>
      %dma_wait3A_101 = tpu.memref_squeeze %dma_wait3A_100 : memref<1x128x64xf32, #tpu.memory_space<vmem>> -> memref<128x64xf32, #tpu.memory_space<vmem>>
      %dma_wait3A_102 = arith.constant 0 : i32
      %dma_wait3A_103 = tpu.memref_slice %arg7[%add3A_96, %dma_wait3A_102] : memref<124x128xi32, #tpu.memory_space<vmem>> -> memref<1x128xi32, #tpu.memory_space<vmem>>
      %dma_wait3A_104 = tpu.memref_squeeze %dma_wait3A_103 : memref<1x128xi32, #tpu.memory_space<vmem>> -> memref<128xi32, #tpu.memory_space<vmem>>
      %dma_wait3A_105 = arith.constant 0 : i32
      %dma_wait3A_106 = arith.constant 0 : i32
      %dma_wait3A_107 = tpu.memref_slice %arg2[%dma_wait3A_105, %dma_wait3A_106] : memref<10240x64xf32, #tpu.memory_space<hbm>> -> memref<10240x64xf32, #tpu.memory_space<hbm>>
      tpu.wait_indirect_dma semaphore(%arg11 : memref<!tpu.dma_semaphore, #tpu.memory_space<semaphore_mem>>) src(%dma_wait3A_107 : memref<10240x64xf32, #tpu.memory_space<hbm>>) dst(%dma_wait3A_101 : memref<128x64xf32, #tpu.memory_space<vmem>>)
      %dma_start3A_108 = arith.constant 0 : i32
      %dma_start3A_109 = arith.constant 0 : i32
      %dma_start3A_110 = arith.constant 0 : i32
      %dma_start3A_111 = tpu.memref_slice %arg9[%dma_start3A_108, %dma_start3A_109, %dma_start3A_110] : memref<4x128x64xf32, #tpu.memory_space<vmem>> -> memref<1x128x64xf32, #tpu.memory_space<vmem>>
      %dma_start3A_112 = tpu.memref_squeeze %dma_start3A_111 : memref<1x128x64xf32, #tpu.memory_space<vmem>> -> memref<128x64xf32, #tpu.memory_space<vmem>>
      %dma_start3A_113 = arith.constant 0 : i32
      %dma_start3A_114 = tpu.memref_slice %arg8[%add3A_96, %dma_start3A_113] : memref<124x128xi32, #tpu.memory_space<vmem>> -> memref<1x128xi32, #tpu.memory_space<vmem>>
      %dma_start3A_115 = tpu.memref_squeeze %dma_start3A_114 : memref<1x128xi32, #tpu.memory_space<vmem>> -> memref<128xi32, #tpu.memory_space<vmem>>
      %dma_start3A_116 = arith.constant 0 : i32
      %dma_start3A_117 = arith.constant 0 : i32
      %dma_start3A_118 = tpu.memref_slice %arg10[%dma_start3A_116, %dma_start3A_117] : memref<10240x64xf32, #tpu.memory_space<vmem_shared>> -> memref<10240x64xf32, #tpu.memory_space<vmem_shared>>
      tpu.enqueue_indirect_dma source(%dma_start3A_112 : memref<128x64xf32, #tpu.memory_space<vmem>>) target(%dma_start3A_118 : memref<10240x64xf32, #tpu.memory_space<vmem_shared>>) offsets(%dma_start3A_115 : memref<128xi32, #tpu.memory_space<vmem>>) semaphore(%arg15 : memref<!tpu.dma_semaphore, #tpu.memory_space<semaphore_mem>>) {add = true}
      %sub3A_119 = arith.constant 1 : i32
      %sub3A_120 = arith.subi %add3A_96, %sub3A_119 : i32
      %ge3A = arith.constant 0 : i32
      %ge3A_121 = arith.cmpi sge, %sub3A_120, %ge3A : i32
      %convert_element_type3A = arith.extui %ge3A_121 : i1 to i32
      %cond3A = arith.constant 0 : i32
      %cond3A_122 = arith.cmpi ne, %convert_element_type3A, %cond3A : i32
      scf.if %cond3A_122 {
        %max3A = arith.constant 0 : i32
        %max3A_222 = arith.maxsi %sub3A_120, %max3A : i32
        %dma_wait3A_223 = arith.constant 3 : i32
        %dma_wait3A_224 = arith.constant 0 : i32
        %dma_wait3A_225 = arith.constant 0 : i32
        %dma_wait3A_226 = tpu.memref_slice %arg9[%dma_wait3A_223, %dma_wait3A_224, %dma_wait3A_225] : memref<4x128x64xf32, #tpu.memory_space<vmem>> -> memref<1x128x64xf32, #tpu.memory_space<vmem>>
        %dma_wait3A_227 = tpu.memref_squeeze %dma_wait3A_226 : memref<1x128x64xf32, #tpu.memory_space<vmem>> -> memref<128x64xf32, #tpu.memory_space<vmem>>
        %dma_wait3A_228 = arith.constant 0 : i32
        %dma_wait3A_229 = tpu.memref_slice %arg8[%max3A_222, %dma_wait3A_228] : memref<124x128xi32, #tpu.memory_space<vmem>> -> memref<1x128xi32, #tpu.memory_space<vmem>>
        %dma_wait3A_230 = tpu.memref_squeeze %dma_wait3A_229 : memref<1x128xi32, #tpu.memory_space<vmem>> -> memref<128xi32, #tpu.memory_space<vmem>>
        %dma_wait3A_231 = arith.constant 0 : i32
        %dma_wait3A_232 = arith.constant 0 : i32
        %dma_wait3A_233 = tpu.memref_slice %arg10[%dma_wait3A_231, %dma_wait3A_232] : memref<10240x64xf32, #tpu.memory_space<vmem_shared>> -> memref<10240x64xf32, #tpu.memory_space<vmem_shared>>
        tpu.wait_indirect_dma semaphore(%arg18 : memref<!tpu.dma_semaphore, #tpu.memory_space<semaphore_mem>>) src(%dma_wait3A_227 : memref<128x64xf32, #tpu.memory_space<vmem>>) dst(%dma_wait3A_233 : memref<10240x64xf32, #tpu.memory_space<vmem_shared>>)
        %add3A_234 = arith.constant 4 : i32
        %add3A_235 = arith.addi %sub3A_120, %add3A_234 : i32
        %lt3A = arith.cmpi slt, %add3A_235, %select_n3A : i32
        %convert_element_type3A_236 = arith.extui %lt3A : i1 to i32
        %cond3A_237 = arith.constant 0 : i32
        %cond3A_238 = arith.cmpi ne, %convert_element_type3A_236, %cond3A_237 : i32
        scf.if %cond3A_238 {
          %add3A_239 = arith.constant 4 : i32
          %add3A_240 = arith.addi %sub3A_120, %add3A_239 : i32
          %dma_start3A_241 = arith.constant 3 : i32
          %dma_start3A_242 = arith.constant 0 : i32
          %dma_start3A_243 = arith.constant 0 : i32
          %dma_start3A_244 = tpu.memref_slice %arg9[%dma_start3A_241, %dma_start3A_242, %dma_start3A_243] : memref<4x128x64xf32, #tpu.memory_space<vmem>> -> memref<1x128x64xf32, #tpu.memory_space<vmem>>
          %dma_start3A_245 = tpu.memref_squeeze %dma_start3A_244 : memref<1x128x64xf32, #tpu.memory_space<vmem>> -> memref<128x64xf32, #tpu.memory_space<vmem>>
          %dma_start3A_246 = arith.constant 0 : i32
          %dma_start3A_247 = tpu.memref_slice %arg7[%add3A_240, %dma_start3A_246] : memref<124x128xi32, #tpu.memory_space<vmem>> -> memref<1x128xi32, #tpu.memory_space<vmem>>
          %dma_start3A_248 = tpu.memref_squeeze %dma_start3A_247 : memref<1x128xi32, #tpu.memory_space<vmem>> -> memref<128xi32, #tpu.memory_space<vmem>>
          %dma_start3A_249 = arith.constant 0 : i32
          %dma_start3A_250 = arith.constant 0 : i32
          %dma_start3A_251 = tpu.memref_slice %arg2[%dma_start3A_249, %dma_start3A_250] : memref<10240x64xf32, #tpu.memory_space<hbm>> -> memref<10240x64xf32, #tpu.memory_space<hbm>>
          tpu.enqueue_indirect_dma source(%dma_start3A_251 : memref<10240x64xf32, #tpu.memory_space<hbm>>) target(%dma_start3A_245 : memref<128x64xf32, #tpu.memory_space<vmem>>) offsets(%dma_start3A_248 : memref<128xi32, #tpu.memory_space<vmem>>) semaphore(%arg14 : memref<!tpu.dma_semaphore, #tpu.memory_space<semaphore_mem>>)
        } else {
        }
      } else {
      }
      %mul3A_123 = arith.constant 4 : i32
      %mul3A_124 = arith.muli %while3A_92, %mul3A_123 : i32
      %add3A_125 = arith.constant 1 : i32
      %add3A_126 = arith.addi %mul3A_124, %add3A_125 : i32
      %dma_wait3A_127 = arith.constant 1 : i32
      %dma_wait3A_128 = arith.constant 0 : i32
      %dma_wait3A_129 = arith.constant 0 : i32
      %dma_wait3A_130 = tpu.memref_slice %arg9[%dma_wait3A_127, %dma_wait3A_128, %dma_wait3A_129] : memref<4x128x64xf32, #tpu.memory_space<vmem>> -> memref<1x128x64xf32, #tpu.memory_space<vmem>>
      %dma_wait3A_131 = tpu.memref_squeeze %dma_wait3A_130 : memref<1x128x64xf32, #tpu.memory_space<vmem>> -> memref<128x64xf32, #tpu.memory_space<vmem>>
      %dma_wait3A_132 = arith.constant 0 : i32
      %dma_wait3A_133 = tpu.memref_slice %arg7[%add3A_126, %dma_wait3A_132] : memref<124x128xi32, #tpu.memory_space<vmem>> -> memref<1x128xi32, #tpu.memory_space<vmem>>
      %dma_wait3A_134 = tpu.memref_squeeze %dma_wait3A_133 : memref<1x128xi32, #tpu.memory_space<vmem>> -> memref<128xi32, #tpu.memory_space<vmem>>
      %dma_wait3A_135 = arith.constant 0 : i32
      %dma_wait3A_136 = arith.constant 0 : i32
      %dma_wait3A_137 = tpu.memref_slice %arg2[%dma_wait3A_135, %dma_wait3A_136] : memref<10240x64xf32, #tpu.memory_space<hbm>> -> memref<10240x64xf32, #tpu.memory_space<hbm>>
      tpu.wait_indirect_dma semaphore(%arg12 : memref<!tpu.dma_semaphore, #tpu.memory_space<semaphore_mem>>) src(%dma_wait3A_137 : memref<10240x64xf32, #tpu.memory_space<hbm>>) dst(%dma_wait3A_131 : memref<128x64xf32, #tpu.memory_space<vmem>>)
      %dma_start3A_138 = arith.constant 1 : i32
      %dma_start3A_139 = arith.constant 0 : i32
      %dma_start3A_140 = arith.constant 0 : i32
      %dma_start3A_141 = tpu.memref_slice %arg9[%dma_start3A_138, %dma_start3A_139, %dma_start3A_140] : memref<4x128x64xf32, #tpu.memory_space<vmem>> -> memref<1x128x64xf32, #tpu.memory_space<vmem>>
      %dma_start3A_142 = tpu.memref_squeeze %dma_start3A_141 : memref<1x128x64xf32, #tpu.memory_space<vmem>> -> memref<128x64xf32, #tpu.memory_space<vmem>>
      %dma_start3A_143 = arith.constant 0 : i32
      %dma_start3A_144 = tpu.memref_slice %arg8[%add3A_126, %dma_start3A_143] : memref<124x128xi32, #tpu.memory_space<vmem>> -> memref<1x128xi32, #tpu.memory_space<vmem>>
      %dma_start3A_145 = tpu.memref_squeeze %dma_start3A_144 : memref<1x128xi32, #tpu.memory_space<vmem>> -> memref<128xi32, #tpu.memory_space<vmem>>
      %dma_start3A_146 = arith.constant 0 : i32
      %dma_start3A_147 = arith.constant 0 : i32
      %dma_start3A_148 = tpu.memref_slice %arg10[%dma_start3A_146, %dma_start3A_147] : memref<10240x64xf32, #tpu.memory_space<vmem_shared>> -> memref<10240x64xf32, #tpu.memory_space<vmem_shared>>
      tpu.enqueue_indirect_dma source(%dma_start3A_142 : memref<128x64xf32, #tpu.memory_space<vmem>>) target(%dma_start3A_148 : memref<10240x64xf32, #tpu.memory_space<vmem_shared>>) offsets(%dma_start3A_145 : memref<128xi32, #tpu.memory_space<vmem>>) semaphore(%arg16 : memref<!tpu.dma_semaphore, #tpu.memory_space<semaphore_mem>>) {add = true}
      %sub3A_149 = arith.constant 1 : i32
      %sub3A_150 = arith.subi %add3A_126, %sub3A_149 : i32
      %ge3A_151 = arith.constant 0 : i32
      %ge3A_152 = arith.cmpi sge, %sub3A_150, %ge3A_151 : i32
      %convert_element_type3A_153 = arith.extui %ge3A_152 : i1 to i32
      %cond3A_154 = arith.constant 0 : i32
      %cond3A_155 = arith.cmpi ne, %convert_element_type3A_153, %cond3A_154 : i32
      scf.if %cond3A_155 {
        %max3A = arith.constant 0 : i32
        %max3A_222 = arith.maxsi %sub3A_150, %max3A : i32
        %dma_wait3A_223 = arith.constant 0 : i32
        %dma_wait3A_224 = arith.constant 0 : i32
        %dma_wait3A_225 = arith.constant 0 : i32
        %dma_wait3A_226 = tpu.memref_slice %arg9[%dma_wait3A_223, %dma_wait3A_224, %dma_wait3A_225] : memref<4x128x64xf32, #tpu.memory_space<vmem>> -> memref<1x128x64xf32, #tpu.memory_space<vmem>>
        %dma_wait3A_227 = tpu.memref_squeeze %dma_wait3A_226 : memref<1x128x64xf32, #tpu.memory_space<vmem>> -> memref<128x64xf32, #tpu.memory_space<vmem>>
        %dma_wait3A_228 = arith.constant 0 : i32
        %dma_wait3A_229 = tpu.memref_slice %arg8[%max3A_222, %dma_wait3A_228] : memref<124x128xi32, #tpu.memory_space<vmem>> -> memref<1x128xi32, #tpu.memory_space<vmem>>
        %dma_wait3A_230 = tpu.memref_squeeze %dma_wait3A_229 : memref<1x128xi32, #tpu.memory_space<vmem>> -> memref<128xi32, #tpu.memory_space<vmem>>
        %dma_wait3A_231 = arith.constant 0 : i32
        %dma_wait3A_232 = arith.constant 0 : i32
        %dma_wait3A_233 = tpu.memref_slice %arg10[%dma_wait3A_231, %dma_wait3A_232] : memref<10240x64xf32, #tpu.memory_space<vmem_shared>> -> memref<10240x64xf32, #tpu.memory_space<vmem_shared>>
        tpu.wait_indirect_dma semaphore(%arg15 : memref<!tpu.dma_semaphore, #tpu.memory_space<semaphore_mem>>) src(%dma_wait3A_227 : memref<128x64xf32, #tpu.memory_space<vmem>>) dst(%dma_wait3A_233 : memref<10240x64xf32, #tpu.memory_space<vmem_shared>>)
        %add3A_234 = arith.constant 4 : i32
        %add3A_235 = arith.addi %sub3A_150, %add3A_234 : i32
        %lt3A = arith.cmpi slt, %add3A_235, %select_n3A : i32
        %convert_element_type3A_236 = arith.extui %lt3A : i1 to i32
        %cond3A_237 = arith.constant 0 : i32
        %cond3A_238 = arith.cmpi ne, %convert_element_type3A_236, %cond3A_237 : i32
        scf.if %cond3A_238 {
          %add3A_239 = arith.constant 4 : i32
          %add3A_240 = arith.addi %sub3A_150, %add3A_239 : i32
          %dma_start3A_241 = arith.constant 0 : i32
          %dma_start3A_242 = arith.constant 0 : i32
          %dma_start3A_243 = arith.constant 0 : i32
          %dma_start3A_244 = tpu.memref_slice %arg9[%dma_start3A_241, %dma_start3A_242, %dma_start3A_243] : memref<4x128x64xf32, #tpu.memory_space<vmem>> -> memref<1x128x64xf32, #tpu.memory_space<vmem>>
          %dma_start3A_245 = tpu.memref_squeeze %dma_start3A_244 : memref<1x128x64xf32, #tpu.memory_space<vmem>> -> memref<128x64xf32, #tpu.memory_space<vmem>>
          %dma_start3A_246 = arith.constant 0 : i32
          %dma_start3A_247 = tpu.memref_slice %arg7[%add3A_240, %dma_start3A_246] : memref<124x128xi32, #tpu.memory_space<vmem>> -> memref<1x128xi32, #tpu.memory_space<vmem>>
          %dma_start3A_248 = tpu.memref_squeeze %dma_start3A_247 : memref<1x128xi32, #tpu.memory_space<vmem>> -> memref<128xi32, #tpu.memory_space<vmem>>
          %dma_start3A_249 = arith.constant 0 : i32
          %dma_start3A_250 = arith.constant 0 : i32
          %dma_start3A_251 = tpu.memref_slice %arg2[%dma_start3A_249, %dma_start3A_250] : memref<10240x64xf32, #tpu.memory_space<hbm>> -> memref<10240x64xf32, #tpu.memory_space<hbm>>
          tpu.enqueue_indirect_dma source(%dma_start3A_251 : memref<10240x64xf32, #tpu.memory_space<hbm>>) target(%dma_start3A_245 : memref<128x64xf32, #tpu.memory_space<vmem>>) offsets(%dma_start3A_248 : memref<128xi32, #tpu.memory_space<vmem>>) semaphore(%arg11 : memref<!tpu.dma_semaphore, #tpu.memory_space<semaphore_mem>>)
        } else {
        }
      } else {
      }
      %mul3A_156 = arith.constant 4 : i32
      %mul3A_157 = arith.muli %while3A_92, %mul3A_156 : i32
      %add3A_158 = arith.constant 2 : i32
      %add3A_159 = arith.addi %mul3A_157, %add3A_158 : i32
      %dma_wait3A_160 = arith.constant 2 : i32
      %dma_wait3A_161 = arith.constant 0 : i32
      %dma_wait3A_162 = arith.constant 0 : i32
      %dma_wait3A_163 = tpu.memref_slice %arg9[%dma_wait3A_160, %dma_wait3A_161, %dma_wait3A_162] : memref<4x128x64xf32, #tpu.memory_space<vmem>> -> memref<1x128x64xf32, #tpu.memory_space<vmem>>
      %dma_wait3A_164 = tpu.memref_squeeze %dma_wait3A_163 : memref<1x128x64xf32, #tpu.memory_space<vmem>> -> memref<128x64xf32, #tpu.memory_space<vmem>>
      %dma_wait3A_165 = arith.constant 0 : i32
      %dma_wait3A_166 = tpu.memref_slice %arg7[%add3A_159, %dma_wait3A_165] : memref<124x128xi32, #tpu.memory_space<vmem>> -> memref<1x128xi32, #tpu.memory_space<vmem>>
      %dma_wait3A_167 = tpu.memref_squeeze %dma_wait3A_166 : memref<1x128xi32, #tpu.memory_space<vmem>> -> memref<128xi32, #tpu.memory_space<vmem>>
      %dma_wait3A_168 = arith.constant 0 : i32
      %dma_wait3A_169 = arith.constant 0 : i32
      %dma_wait3A_170 = tpu.memref_slice %arg2[%dma_wait3A_168, %dma_wait3A_169] : memref<10240x64xf32, #tpu.memory_space<hbm>> -> memref<10240x64xf32, #tpu.memory_space<hbm>>
      tpu.wait_indirect_dma semaphore(%arg13 : memref<!tpu.dma_semaphore, #tpu.memory_space<semaphore_mem>>) src(%dma_wait3A_170 : memref<10240x64xf32, #tpu.memory_space<hbm>>) dst(%dma_wait3A_164 : memref<128x64xf32, #tpu.memory_space<vmem>>)
      %dma_start3A_171 = arith.constant 2 : i32
      %dma_start3A_172 = arith.constant 0 : i32
      %dma_start3A_173 = arith.constant 0 : i32
      %dma_start3A_174 = tpu.memref_slice %arg9[%dma_start3A_171, %dma_start3A_172, %dma_start3A_173] : memref<4x128x64xf32, #tpu.memory_space<vmem>> -> memref<1x128x64xf32, #tpu.memory_space<vmem>>
      %dma_start3A_175 = tpu.memref_squeeze %dma_start3A_174 : memref<1x128x64xf32, #tpu.memory_space<vmem>> -> memref<128x64xf32, #tpu.memory_space<vmem>>
      %dma_start3A_176 = arith.constant 0 : i32
      %dma_start3A_177 = tpu.memref_slice %arg8[%add3A_159, %dma_start3A_176] : memref<124x128xi32, #tpu.memory_space<vmem>> -> memref<1x128xi32, #tpu.memory_space<vmem>>
      %dma_start3A_178 = tpu.memref_squeeze %dma_start3A_177 : memref<1x128xi32, #tpu.memory_space<vmem>> -> memref<128xi32, #tpu.memory_space<vmem>>
      %dma_start3A_179 = arith.constant 0 : i32
      %dma_start3A_180 = arith.constant 0 : i32
      %dma_start3A_181 = tpu.memref_slice %arg10[%dma_start3A_179, %dma_start3A_180] : memref<10240x64xf32, #tpu.memory_space<vmem_shared>> -> memref<10240x64xf32, #tpu.memory_space<vmem_shared>>
      tpu.enqueue_indirect_dma source(%dma_start3A_175 : memref<128x64xf32, #tpu.memory_space<vmem>>) target(%dma_start3A_181 : memref<10240x64xf32, #tpu.memory_space<vmem_shared>>) offsets(%dma_start3A_178 : memref<128xi32, #tpu.memory_space<vmem>>) semaphore(%arg17 : memref<!tpu.dma_semaphore, #tpu.memory_space<semaphore_mem>>) {add = true}
      %sub3A_182 = arith.constant 1 : i32
      %sub3A_183 = arith.subi %add3A_159, %sub3A_182 : i32
      %ge3A_184 = arith.constant 0 : i32
      %ge3A_185 = arith.cmpi sge, %sub3A_183, %ge3A_184 : i32
      %convert_element_type3A_186 = arith.extui %ge3A_185 : i1 to i32
      %cond3A_187 = arith.constant 0 : i32
      %cond3A_188 = arith.cmpi ne, %convert_element_type3A_186, %cond3A_187 : i32
      scf.if %cond3A_188 {
        %max3A = arith.constant 0 : i32
        %max3A_222 = arith.maxsi %sub3A_183, %max3A : i32
        %dma_wait3A_223 = arith.constant 1 : i32
        %dma_wait3A_224 = arith.constant 0 : i32
        %dma_wait3A_225 = arith.constant 0 : i32
        %dma_wait3A_226 = tpu.memref_slice %arg9[%dma_wait3A_223, %dma_wait3A_224, %dma_wait3A_225] : memref<4x128x64xf32, #tpu.memory_space<vmem>> -> memref<1x128x64xf32, #tpu.memory_space<vmem>>
        %dma_wait3A_227 = tpu.memref_squeeze %dma_wait3A_226 : memref<1x128x64xf32, #tpu.memory_space<vmem>> -> memref<128x64xf32, #tpu.memory_space<vmem>>
        %dma_wait3A_228 = arith.constant 0 : i32
        %dma_wait3A_229 = tpu.memref_slice %arg8[%max3A_222, %dma_wait3A_228] : memref<124x128xi32, #tpu.memory_space<vmem>> -> memref<1x128xi32, #tpu.memory_space<vmem>>
        %dma_wait3A_230 = tpu.memref_squeeze %dma_wait3A_229 : memref<1x128xi32, #tpu.memory_space<vmem>> -> memref<128xi32, #tpu.memory_space<vmem>>
        %dma_wait3A_231 = arith.constant 0 : i32
        %dma_wait3A_232 = arith.constant 0 : i32
        %dma_wait3A_233 = tpu.memref_slice %arg10[%dma_wait3A_231, %dma_wait3A_232] : memref<10240x64xf32, #tpu.memory_space<vmem_shared>> -> memref<10240x64xf32, #tpu.memory_space<vmem_shared>>
        tpu.wait_indirect_dma semaphore(%arg16 : memref<!tpu.dma_semaphore, #tpu.memory_space<semaphore_mem>>) src(%dma_wait3A_227 : memref<128x64xf32, #tpu.memory_space<vmem>>) dst(%dma_wait3A_233 : memref<10240x64xf32, #tpu.memory_space<vmem_shared>>)
        %add3A_234 = arith.constant 4 : i32
        %add3A_235 = arith.addi %sub3A_183, %add3A_234 : i32
        %lt3A = arith.cmpi slt, %add3A_235, %select_n3A : i32
        %convert_element_type3A_236 = arith.extui %lt3A : i1 to i32
        %cond3A_237 = arith.constant 0 : i32
        %cond3A_238 = arith.cmpi ne, %convert_element_type3A_236, %cond3A_237 : i32
        scf.if %cond3A_238 {
          %add3A_239 = arith.constant 4 : i32
          %add3A_240 = arith.addi %sub3A_183, %add3A_239 : i32
          %dma_start3A_241 = arith.constant 1 : i32
          %dma_start3A_242 = arith.constant 0 : i32
          %dma_start3A_243 = arith.constant 0 : i32
          %dma_start3A_244 = tpu.memref_slice %arg9[%dma_start3A_241, %dma_start3A_242, %dma_start3A_243] : memref<4x128x64xf32, #tpu.memory_space<vmem>> -> memref<1x128x64xf32, #tpu.memory_space<vmem>>
          %dma_start3A_245 = tpu.memref_squeeze %dma_start3A_244 : memref<1x128x64xf32, #tpu.memory_space<vmem>> -> memref<128x64xf32, #tpu.memory_space<vmem>>
          %dma_start3A_246 = arith.constant 0 : i32
          %dma_start3A_247 = tpu.memref_slice %arg7[%add3A_240, %dma_start3A_246] : memref<124x128xi32, #tpu.memory_space<vmem>> -> memref<1x128xi32, #tpu.memory_space<vmem>>
          %dma_start3A_248 = tpu.memref_squeeze %dma_start3A_247 : memref<1x128xi32, #tpu.memory_space<vmem>> -> memref<128xi32, #tpu.memory_space<vmem>>
          %dma_start3A_249 = arith.constant 0 : i32
          %dma_start3A_250 = arith.constant 0 : i32
          %dma_start3A_251 = tpu.memref_slice %arg2[%dma_start3A_249, %dma_start3A_250] : memref<10240x64xf32, #tpu.memory_space<hbm>> -> memref<10240x64xf32, #tpu.memory_space<hbm>>
          tpu.enqueue_indirect_dma source(%dma_start3A_251 : memref<10240x64xf32, #tpu.memory_space<hbm>>) target(%dma_start3A_245 : memref<128x64xf32, #tpu.memory_space<vmem>>) offsets(%dma_start3A_248 : memref<128xi32, #tpu.memory_space<vmem>>) semaphore(%arg12 : memref<!tpu.dma_semaphore, #tpu.memory_space<semaphore_mem>>)
        } else {
        }
      } else {
      }
      %mul3A_189 = arith.constant 4 : i32
      %mul3A_190 = arith.muli %while3A_92, %mul3A_189 : i32
      %add3A_191 = arith.constant 3 : i32
      %add3A_192 = arith.addi %mul3A_190, %add3A_191 : i32
      %dma_wait3A_193 = arith.constant 3 : i32
      %dma_wait3A_194 = arith.constant 0 : i32
      %dma_wait3A_195 = arith.constant 0 : i32
      %dma_wait3A_196 = tpu.memref_slice %arg9[%dma_wait3A_193, %dma_wait3A_194, %dma_wait3A_195] : memref<4x128x64xf32, #tpu.memory_space<vmem>> -> memref<1x128x64xf32, #tpu.memory_space<vmem>>
      %dma_wait3A_197 = tpu.memref_squeeze %dma_wait3A_196 : memref<1x128x64xf32, #tpu.memory_space<vmem>> -> memref<128x64xf32, #tpu.memory_space<vmem>>
      %dma_wait3A_198 = arith.constant 0 : i32
      %dma_wait3A_199 = tpu.memref_slice %arg7[%add3A_192, %dma_wait3A_198] : memref<124x128xi32, #tpu.memory_space<vmem>> -> memref<1x128xi32, #tpu.memory_space<vmem>>
      %dma_wait3A_200 = tpu.memref_squeeze %dma_wait3A_199 : memref<1x128xi32, #tpu.memory_space<vmem>> -> memref<128xi32, #tpu.memory_space<vmem>>
      %dma_wait3A_201 = arith.constant 0 : i32
      %dma_wait3A_202 = arith.constant 0 : i32
      %dma_wait3A_203 = tpu.memref_slice %arg2[%dma_wait3A_201, %dma_wait3A_202] : memref<10240x64xf32, #tpu.memory_space<hbm>> -> memref<10240x64xf32, #tpu.memory_space<hbm>>
      tpu.wait_indirect_dma semaphore(%arg14 : memref<!tpu.dma_semaphore, #tpu.memory_space<semaphore_mem>>) src(%dma_wait3A_203 : memref<10240x64xf32, #tpu.memory_space<hbm>>) dst(%dma_wait3A_197 : memref<128x64xf32, #tpu.memory_space<vmem>>)
      %dma_start3A_204 = arith.constant 3 : i32
      %dma_start3A_205 = arith.constant 0 : i32
      %dma_start3A_206 = arith.constant 0 : i32
      %dma_start3A_207 = tpu.memref_slice %arg9[%dma_start3A_204, %dma_start3A_205, %dma_start3A_206] : memref<4x128x64xf32, #tpu.memory_space<vmem>> -> memref<1x128x64xf32, #tpu.memory_space<vmem>>
      %dma_start3A_208 = tpu.memref_squeeze %dma_start3A_207 : memref<1x128x64xf32, #tpu.memory_space<vmem>> -> memref<128x64xf32, #tpu.memory_space<vmem>>
      %dma_start3A_209 = arith.constant 0 : i32
      %dma_start3A_210 = tpu.memref_slice %arg8[%add3A_192, %dma_start3A_209] : memref<124x128xi32, #tpu.memory_space<vmem>> -> memref<1x128xi32, #tpu.memory_space<vmem>>
      %dma_start3A_211 = tpu.memref_squeeze %dma_start3A_210 : memref<1x128xi32, #tpu.memory_space<vmem>> -> memref<128xi32, #tpu.memory_space<vmem>>
      %dma_start3A_212 = arith.constant 0 : i32
      %dma_start3A_213 = arith.constant 0 : i32
      %dma_start3A_214 = tpu.memref_slice %arg10[%dma_start3A_212, %dma_start3A_213] : memref<10240x64xf32, #tpu.memory_space<vmem_shared>> -> memref<10240x64xf32, #tpu.memory_space<vmem_shared>>
      tpu.enqueue_indirect_dma source(%dma_start3A_208 : memref<128x64xf32, #tpu.memory_space<vmem>>) target(%dma_start3A_214 : memref<10240x64xf32, #tpu.memory_space<vmem_shared>>) offsets(%dma_start3A_211 : memref<128xi32, #tpu.memory_space<vmem>>) semaphore(%arg18 : memref<!tpu.dma_semaphore, #tpu.memory_space<semaphore_mem>>) {add = true}
      %sub3A_215 = arith.constant 1 : i32
      %sub3A_216 = arith.subi %add3A_192, %sub3A_215 : i32
      %ge3A_217 = arith.constant 0 : i32
      %ge3A_218 = arith.cmpi sge, %sub3A_216, %ge3A_217 : i32
      %convert_element_type3A_219 = arith.extui %ge3A_218 : i1 to i32
      %cond3A_220 = arith.constant 0 : i32
      %cond3A_221 = arith.cmpi ne, %convert_element_type3A_219, %cond3A_220 : i32
      scf.if %cond3A_221 {
        %max3A = arith.constant 0 : i32
        %max3A_222 = arith.maxsi %sub3A_216, %max3A : i32
        %dma_wait3A_223 = arith.constant 2 : i32
        %dma_wait3A_224 = arith.constant 0 : i32
        %dma_wait3A_225 = arith.constant 0 : i32
        %dma_wait3A_226 = tpu.memref_slice %arg9[%dma_wait3A_223, %dma_wait3A_224, %dma_wait3A_225] : memref<4x128x64xf32, #tpu.memory_space<vmem>> -> memref<1x128x64xf32, #tpu.memory_space<vmem>>
        %dma_wait3A_227 = tpu.memref_squeeze %dma_wait3A_226 : memref<1x128x64xf32, #tpu.memory_space<vmem>> -> memref<128x64xf32, #tpu.memory_space<vmem>>
        %dma_wait3A_228 = arith.constant 0 : i32
        %dma_wait3A_229 = tpu.memref_slice %arg8[%max3A_222, %dma_wait3A_228] : memref<124x128xi32, #tpu.memory_space<vmem>> -> memref<1x128xi32, #tpu.memory_space<vmem>>
        %dma_wait3A_230 = tpu.memref_squeeze %dma_wait3A_229 : memref<1x128xi32, #tpu.memory_space<vmem>> -> memref<128xi32, #tpu.memory_space<vmem>>
        %dma_wait3A_231 = arith.constant 0 : i32
        %dma_wait3A_232 = arith.constant 0 : i32
        %dma_wait3A_233 = tpu.memref_slice %arg10[%dma_wait3A_231, %dma_wait3A_232] : memref<10240x64xf32, #tpu.memory_space<vmem_shared>> -> memref<10240x64xf32, #tpu.memory_space<vmem_shared>>
        tpu.wait_indirect_dma semaphore(%arg17 : memref<!tpu.dma_semaphore, #tpu.memory_space<semaphore_mem>>) src(%dma_wait3A_227 : memref<128x64xf32, #tpu.memory_space<vmem>>) dst(%dma_wait3A_233 : memref<10240x64xf32, #tpu.memory_space<vmem_shared>>)
        %add3A_234 = arith.constant 4 : i32
        %add3A_235 = arith.addi %sub3A_216, %add3A_234 : i32
        %lt3A = arith.cmpi slt, %add3A_235, %select_n3A : i32
        %convert_element_type3A_236 = arith.extui %lt3A : i1 to i32
        %cond3A_237 = arith.constant 0 : i32
        %cond3A_238 = arith.cmpi ne, %convert_element_type3A_236, %cond3A_237 : i32
        scf.if %cond3A_238 {
          %add3A_239 = arith.constant 4 : i32
          %add3A_240 = arith.addi %sub3A_216, %add3A_239 : i32
          %dma_start3A_241 = arith.constant 2 : i32
          %dma_start3A_242 = arith.constant 0 : i32
          %dma_start3A_243 = arith.constant 0 : i32
          %dma_start3A_244 = tpu.memref_slice %arg9[%dma_start3A_241, %dma_start3A_242, %dma_start3A_243] : memref<4x128x64xf32, #tpu.memory_space<vmem>> -> memref<1x128x64xf32, #tpu.memory_space<vmem>>
          %dma_start3A_245 = tpu.memref_squeeze %dma_start3A_244 : memref<1x128x64xf32, #tpu.memory_space<vmem>> -> memref<128x64xf32, #tpu.memory_space<vmem>>
          %dma_start3A_246 = arith.constant 0 : i32
          %dma_start3A_247 = tpu.memref_slice %arg7[%add3A_240, %dma_start3A_246] : memref<124x128xi32, #tpu.memory_space<vmem>> -> memref<1x128xi32, #tpu.memory_space<vmem>>
          %dma_start3A_248 = tpu.memref_squeeze %dma_start3A_247 : memref<1x128xi32, #tpu.memory_space<vmem>> -> memref<128xi32, #tpu.memory_space<vmem>>
          %dma_start3A_249 = arith.constant 0 : i32
          %dma_start3A_250 = arith.constant 0 : i32
          %dma_start3A_251 = tpu.memref_slice %arg2[%dma_start3A_249, %dma_start3A_250] : memref<10240x64xf32, #tpu.memory_space<hbm>> -> memref<10240x64xf32, #tpu.memory_space<hbm>>
          tpu.enqueue_indirect_dma source(%dma_start3A_251 : memref<10240x64xf32, #tpu.memory_space<hbm>>) target(%dma_start3A_245 : memref<128x64xf32, #tpu.memory_space<vmem>>) offsets(%dma_start3A_248 : memref<128xi32, #tpu.memory_space<vmem>>) semaphore(%arg13 : memref<!tpu.dma_semaphore, #tpu.memory_space<semaphore_mem>>)
        } else {
        }
      } else {
      }
    }
    %sub3A_79 = arith.constant 1 : i32
    %sub3A_80 = arith.subi %select_n3A, %sub3A_79 : i32
    %dma_wait3A = arith.constant 3 : i32
    %dma_wait3A_81 = arith.constant 0 : i32
    %dma_wait3A_82 = arith.constant 0 : i32
    %dma_wait3A_83 = tpu.memref_slice %arg9[%dma_wait3A, %dma_wait3A_81, %dma_wait3A_82] : memref<4x128x64xf32, #tpu.memory_space<vmem>> -> memref<1x128x64xf32, #tpu.memory_space<vmem>>
    %dma_wait3A_84 = tpu.memref_squeeze %dma_wait3A_83 : memref<1x128x64xf32, #tpu.memory_space<vmem>> -> memref<128x64xf32, #tpu.memory_space<vmem>>
    %dma_wait3A_85 = arith.constant 0 : i32
    %dma_wait3A_86 = tpu.memref_slice %arg8[%sub3A_80, %dma_wait3A_85] : memref<124x128xi32, #tpu.memory_space<vmem>> -> memref<1x128xi32, #tpu.memory_space<vmem>>
    %dma_wait3A_87 = tpu.memref_squeeze %dma_wait3A_86 : memref<1x128xi32, #tpu.memory_space<vmem>> -> memref<128xi32, #tpu.memory_space<vmem>>
    %dma_wait3A_88 = arith.constant 0 : i32
    %dma_wait3A_89 = arith.constant 0 : i32
    %dma_wait3A_90 = tpu.memref_slice %arg10[%dma_wait3A_88, %dma_wait3A_89] : memref<10240x64xf32, #tpu.memory_space<vmem_shared>> -> memref<10240x64xf32, #tpu.memory_space<vmem_shared>>
    tpu.wait_indirect_dma semaphore(%arg18 : memref<!tpu.dma_semaphore, #tpu.memory_space<semaphore_mem>>) src(%dma_wait3A_84 : memref<128x64xf32, #tpu.memory_space<vmem>>) dst(%dma_wait3A_90 : memref<10240x64xf32, #tpu.memory_space<vmem_shared>>)
    %barrier3A_91 = arith.constant 0 : index
    tpu.barrier barrier_id(%barrier3A_91)
    "tpu.region"() ({
      %run_scoped3A = tpu.sem_alloc : memref<!tpu.dma_semaphore, #tpu.memory_space<semaphore_mem>>
      %dma_start3A_92 = arith.constant 0 : i32
      %dma_start3A_93 = tpu.memref_slice %arg6[%arg0, %mul3A_2, %dma_start3A_92] : memref<2x10240x64xf32, #tpu.memory_space<hbm>> -> memref<1x640x64xf32, #tpu.memory_space<hbm>>
      %dma_start3A_94 = tpu.memref_squeeze %dma_start3A_93 : memref<1x640x64xf32, #tpu.memory_space<hbm>> -> memref<640x64xf32, #tpu.memory_space<hbm>>
      %dma_start3A_95 = arith.constant 0 : i32
      %dma_start3A_96 = tpu.memref_slice %arg10[%mul3A_2, %dma_start3A_95] : memref<10240x64xf32, #tpu.memory_space<vmem_shared>> -> memref<640x64xf32, #tpu.memory_space<vmem_shared>>
      tpu.enqueue_dma source(%dma_start3A_96 : memref<640x64xf32, #tpu.memory_space<vmem_shared>>) target(%dma_start3A_94 : memref<640x64xf32, #tpu.memory_space<hbm>>) target_semaphore(%run_scoped3A : memref<!tpu.dma_semaphore, #tpu.memory_space<semaphore_mem>>)
      %dma_wait3A_97 = arith.constant 0 : i32
      %dma_wait3A_98 = tpu.memref_slice %arg6[%arg0, %mul3A_2, %dma_wait3A_97] : memref<2x10240x64xf32, #tpu.memory_space<hbm>> -> memref<1x640x64xf32, #tpu.memory_space<hbm>>
      %dma_wait3A_99 = tpu.memref_squeeze %dma_wait3A_98 : memref<1x640x64xf32, #tpu.memory_space<hbm>> -> memref<640x64xf32, #tpu.memory_space<hbm>>
      %dma_wait3A_100 = arith.constant 0 : i32
      %dma_wait3A_101 = tpu.memref_slice %arg10[%mul3A_2, %dma_wait3A_100] : memref<10240x64xf32, #tpu.memory_space<vmem_shared>> -> memref<640x64xf32, #tpu.memory_space<vmem_shared>>
      tpu.wait_dma2 semaphore(%run_scoped3A : memref<!tpu.dma_semaphore, #tpu.memory_space<semaphore_mem>>) src(%dma_wait3A_101 : memref<640x64xf32, #tpu.memory_space<vmem_shared>>) dst(%dma_wait3A_99 : memref<640x64xf32, #tpu.memory_space<hbm>>)
      tpu.yield
    }) : () -> ()
    return
  }
}

#map = affine_map<(d0, d1) -> (0, 0)>
#map1 = affine_map<(d0, d1) -> (0, 0, 0)>
module attributes {stable_mosaic.version = 14 : i64} {
  func.func @agg_k(%arg0: i32, %arg1: i32, %arg2: memref<10240x32xf32, #tpu.memory_space<hbm>>, %arg3: memref<32x108x128xi32, #tpu.memory_space<hbm>>, %arg4: memref<32x108x128xi32, #tpu.memory_space<hbm>>, %arg5: memref<10240x32xf32, #tpu.memory_space<hbm>>, %arg6: memref<2x10240x32xf32, #tpu.memory_space<hbm>>, %arg7: memref<108x128xi32, #tpu.memory_space<vmem>>, %arg8: memref<108x128xi32, #tpu.memory_space<vmem>>, %arg9: memref<4x128x32xf32, #tpu.memory_space<vmem>>, %arg10: memref<10240x32xf32, #tpu.memory_space<vmem_shared>>, %arg11: memref<!tpu.dma_semaphore, #tpu.memory_space<semaphore_mem>>, %arg12: memref<!tpu.dma_semaphore, #tpu.memory_space<semaphore_mem>>, %arg13: memref<!tpu.dma_semaphore, #tpu.memory_space<semaphore_mem>>, %arg14: memref<!tpu.dma_semaphore, #tpu.memory_space<semaphore_mem>>, %arg15: memref<!tpu.dma_semaphore, #tpu.memory_space<semaphore_mem>>, %arg16: memref<!tpu.dma_semaphore, #tpu.memory_space<semaphore_mem>>, %arg17: memref<!tpu.dma_semaphore, #tpu.memory_space<semaphore_mem>>, %arg18: memref<!tpu.dma_semaphore, #tpu.memory_space<semaphore_mem>>) attributes {dimension_semantics = [#tpu.dimension_semantics<core_parallel>, #tpu.dimension_semantics<subcore_parallel>], iteration_bounds = array<i64: 2, 16>, scalar_prefetch = 0 : i64, scratch_operands = 12 : i64, tpu.core_type = #tpu.core_type<sc_vector_subcore>, window_params = [{transform_indices = #map}, {transform_indices = #map1}, {transform_indices = #map1}, {transform_indices = #map}, {transform_indices = #map1}]} {
    %mul3A = arith.constant 16 : i32
    %mul3A_0 = arith.muli %arg0, %mul3A : i32
    %add3A = arith.addi %mul3A_0, %arg1 : i32
    %mul3A_1 = arith.constant 640 : i32
    %mul3A_2 = arith.muli %arg1, %mul3A_1 : i32
    %eq3A = arith.constant 0 : i32
    %eq3A_3 = arith.cmpi eq, %arg0, %eq3A : i32
    %jit3A = arith.constant 52 : i32
    %jit3A_4 = arith.constant 108 : i32
    %select_n3A = arith.select %eq3A_3, %jit3A, %jit3A_4 : i32
    "tpu.region"() ({
      %run_scoped3A = tpu.sem_alloc : memref<!tpu.dma_semaphore, #tpu.memory_space<semaphore_mem>>
      %dma_start3A_92 = arith.constant 0 : i32
      %dma_start3A_93 = tpu.memref_slice %arg10[%mul3A_2, %dma_start3A_92] : memref<10240x32xf32, #tpu.memory_space<vmem_shared>> -> memref<640x32xf32, #tpu.memory_space<vmem_shared>>
      %dma_start3A_94 = arith.constant 0 : i32
      %dma_start3A_95 = tpu.memref_slice %arg5[%mul3A_2, %dma_start3A_94] : memref<10240x32xf32, #tpu.memory_space<hbm>> -> memref<640x32xf32, #tpu.memory_space<hbm>>
      tpu.enqueue_dma source(%dma_start3A_95 : memref<640x32xf32, #tpu.memory_space<hbm>>) target(%dma_start3A_93 : memref<640x32xf32, #tpu.memory_space<vmem_shared>>) target_semaphore(%run_scoped3A : memref<!tpu.dma_semaphore, #tpu.memory_space<semaphore_mem>>)
      %dma_wait3A_96 = arith.constant 0 : i32
      %dma_wait3A_97 = tpu.memref_slice %arg10[%mul3A_2, %dma_wait3A_96] : memref<10240x32xf32, #tpu.memory_space<vmem_shared>> -> memref<640x32xf32, #tpu.memory_space<vmem_shared>>
      %dma_wait3A_98 = arith.constant 0 : i32
      %dma_wait3A_99 = tpu.memref_slice %arg5[%mul3A_2, %dma_wait3A_98] : memref<10240x32xf32, #tpu.memory_space<hbm>> -> memref<640x32xf32, #tpu.memory_space<hbm>>
      tpu.wait_dma2 semaphore(%run_scoped3A : memref<!tpu.dma_semaphore, #tpu.memory_space<semaphore_mem>>) src(%dma_wait3A_99 : memref<640x32xf32, #tpu.memory_space<hbm>>) dst(%dma_wait3A_97 : memref<640x32xf32, #tpu.memory_space<vmem_shared>>)
      tpu.yield
    }) : () -> ()
    %barrier3A = arith.constant 0 : index
    tpu.barrier barrier_id(%barrier3A)
    "tpu.region"() ({
      %run_scoped3A = tpu.sem_alloc : memref<!tpu.dma_semaphore, #tpu.memory_space<semaphore_mem>>
      %dma_start3A_92 = arith.constant 0 : i32
      %dma_start3A_93 = arith.constant 0 : i32
      %dma_start3A_94 = tpu.memref_slice %arg3[%add3A, %dma_start3A_92, %dma_start3A_93] : memref<32x108x128xi32, #tpu.memory_space<hbm>> -> memref<1x108x128xi32, #tpu.memory_space<hbm>>
      %dma_start3A_95 = tpu.memref_squeeze %dma_start3A_94 : memref<1x108x128xi32, #tpu.memory_space<hbm>> -> memref<108x128xi32, #tpu.memory_space<hbm>>
      %dma_start3A_96 = arith.constant 0 : i32
      %dma_start3A_97 = arith.constant 0 : i32
      %dma_start3A_98 = tpu.memref_slice %arg3[%add3A, %dma_start3A_96, %dma_start3A_97] : memref<32x108x128xi32, #tpu.memory_space<hbm>> -> memref<1x108x128xi32, #tpu.memory_space<hbm>>
      %dma_start3A_99 = tpu.memref_squeeze %dma_start3A_98 : memref<1x108x128xi32, #tpu.memory_space<hbm>> -> memref<108x128xi32, #tpu.memory_space<hbm>>
      tpu.enqueue_dma source(%dma_start3A_99 : memref<108x128xi32, #tpu.memory_space<hbm>>) target(%arg7 : memref<108x128xi32, #tpu.memory_space<vmem>>) target_semaphore(%run_scoped3A : memref<!tpu.dma_semaphore, #tpu.memory_space<semaphore_mem>>)
      %dma_wait3A_100 = arith.constant 0 : i32
      %dma_wait3A_101 = arith.constant 0 : i32
      %dma_wait3A_102 = tpu.memref_slice %arg3[%add3A, %dma_wait3A_100, %dma_wait3A_101] : memref<32x108x128xi32, #tpu.memory_space<hbm>> -> memref<1x108x128xi32, #tpu.memory_space<hbm>>
      %dma_wait3A_103 = tpu.memref_squeeze %dma_wait3A_102 : memref<1x108x128xi32, #tpu.memory_space<hbm>> -> memref<108x128xi32, #tpu.memory_space<hbm>>
      %dma_wait3A_104 = arith.constant 0 : i32
      %dma_wait3A_105 = arith.constant 0 : i32
      %dma_wait3A_106 = tpu.memref_slice %arg3[%add3A, %dma_wait3A_104, %dma_wait3A_105] : memref<32x108x128xi32, #tpu.memory_space<hbm>> -> memref<1x108x128xi32, #tpu.memory_space<hbm>>
      %dma_wait3A_107 = tpu.memref_squeeze %dma_wait3A_106 : memref<1x108x128xi32, #tpu.memory_space<hbm>> -> memref<108x128xi32, #tpu.memory_space<hbm>>
      tpu.wait_dma2 semaphore(%run_scoped3A : memref<!tpu.dma_semaphore, #tpu.memory_space<semaphore_mem>>) src(%dma_wait3A_107 : memref<108x128xi32, #tpu.memory_space<hbm>>) dst(%arg7 : memref<108x128xi32, #tpu.memory_space<vmem>>)
      tpu.yield
    }) : () -> ()
    "tpu.region"() ({
      %run_scoped3A = tpu.sem_alloc : memref<!tpu.dma_semaphore, #tpu.memory_space<semaphore_mem>>
      %dma_start3A_92 = arith.constant 0 : i32
      %dma_start3A_93 = arith.constant 0 : i32
      %dma_start3A_94 = tpu.memref_slice %arg4[%add3A, %dma_start3A_92, %dma_start3A_93] : memref<32x108x128xi32, #tpu.memory_space<hbm>> -> memref<1x108x128xi32, #tpu.memory_space<hbm>>
      %dma_start3A_95 = tpu.memref_squeeze %dma_start3A_94 : memref<1x108x128xi32, #tpu.memory_space<hbm>> -> memref<108x128xi32, #tpu.memory_space<hbm>>
      %dma_start3A_96 = arith.constant 0 : i32
      %dma_start3A_97 = arith.constant 0 : i32
      %dma_start3A_98 = tpu.memref_slice %arg4[%add3A, %dma_start3A_96, %dma_start3A_97] : memref<32x108x128xi32, #tpu.memory_space<hbm>> -> memref<1x108x128xi32, #tpu.memory_space<hbm>>
      %dma_start3A_99 = tpu.memref_squeeze %dma_start3A_98 : memref<1x108x128xi32, #tpu.memory_space<hbm>> -> memref<108x128xi32, #tpu.memory_space<hbm>>
      tpu.enqueue_dma source(%dma_start3A_99 : memref<108x128xi32, #tpu.memory_space<hbm>>) target(%arg8 : memref<108x128xi32, #tpu.memory_space<vmem>>) target_semaphore(%run_scoped3A : memref<!tpu.dma_semaphore, #tpu.memory_space<semaphore_mem>>)
      %dma_wait3A_100 = arith.constant 0 : i32
      %dma_wait3A_101 = arith.constant 0 : i32
      %dma_wait3A_102 = tpu.memref_slice %arg4[%add3A, %dma_wait3A_100, %dma_wait3A_101] : memref<32x108x128xi32, #tpu.memory_space<hbm>> -> memref<1x108x128xi32, #tpu.memory_space<hbm>>
      %dma_wait3A_103 = tpu.memref_squeeze %dma_wait3A_102 : memref<1x108x128xi32, #tpu.memory_space<hbm>> -> memref<108x128xi32, #tpu.memory_space<hbm>>
      %dma_wait3A_104 = arith.constant 0 : i32
      %dma_wait3A_105 = arith.constant 0 : i32
      %dma_wait3A_106 = tpu.memref_slice %arg4[%add3A, %dma_wait3A_104, %dma_wait3A_105] : memref<32x108x128xi32, #tpu.memory_space<hbm>> -> memref<1x108x128xi32, #tpu.memory_space<hbm>>
      %dma_wait3A_107 = tpu.memref_squeeze %dma_wait3A_106 : memref<1x108x128xi32, #tpu.memory_space<hbm>> -> memref<108x128xi32, #tpu.memory_space<hbm>>
      tpu.wait_dma2 semaphore(%run_scoped3A : memref<!tpu.dma_semaphore, #tpu.memory_space<semaphore_mem>>) src(%dma_wait3A_107 : memref<108x128xi32, #tpu.memory_space<hbm>>) dst(%arg8 : memref<108x128xi32, #tpu.memory_space<vmem>>)
      tpu.yield
    }) : () -> ()
    %dma_start3A = arith.constant 0 : i32
    %dma_start3A_5 = arith.constant 0 : i32
    %dma_start3A_6 = arith.constant 0 : i32
    %dma_start3A_7 = arith.constant 0 : i32
    %dma_start3A_8 = tpu.memref_slice %arg9[%dma_start3A_5, %dma_start3A_6, %dma_start3A_7] : memref<4x128x32xf32, #tpu.memory_space<vmem>> -> memref<1x128x32xf32, #tpu.memory_space<vmem>>
    %dma_start3A_9 = tpu.memref_squeeze %dma_start3A_8 : memref<1x128x32xf32, #tpu.memory_space<vmem>> -> memref<128x32xf32, #tpu.memory_space<vmem>>
    %dma_start3A_10 = arith.constant 0 : i32
    %dma_start3A_11 = tpu.memref_slice %arg7[%dma_start3A, %dma_start3A_10] : memref<108x128xi32, #tpu.memory_space<vmem>> -> memref<1x128xi32, #tpu.memory_space<vmem>>
    %dma_start3A_12 = tpu.memref_squeeze %dma_start3A_11 : memref<1x128xi32, #tpu.memory_space<vmem>> -> memref<128xi32, #tpu.memory_space<vmem>>
    %dma_start3A_13 = arith.constant 0 : i32
    %dma_start3A_14 = arith.constant 0 : i32
    %dma_start3A_15 = tpu.memref_slice %arg2[%dma_start3A_13, %dma_start3A_14] : memref<10240x32xf32, #tpu.memory_space<hbm>> -> memref<10240x32xf32, #tpu.memory_space<hbm>>
    tpu.enqueue_indirect_dma source(%dma_start3A_15 : memref<10240x32xf32, #tpu.memory_space<hbm>>) target(%dma_start3A_9 : memref<128x32xf32, #tpu.memory_space<vmem>>) offsets(%dma_start3A_12 : memref<128xi32, #tpu.memory_space<vmem>>) semaphore(%arg11 : memref<!tpu.dma_semaphore, #tpu.memory_space<semaphore_mem>>)
    %dma_start3A_16 = arith.constant 1 : i32
    %dma_start3A_17 = arith.constant 1 : i32
    %dma_start3A_18 = arith.constant 0 : i32
    %dma_start3A_19 = arith.constant 0 : i32
    %dma_start3A_20 = tpu.memref_slice %arg9[%dma_start3A_17, %dma_start3A_18, %dma_start3A_19] : memref<4x128x32xf32, #tpu.memory_space<vmem>> -> memref<1x128x32xf32, #tpu.memory_space<vmem>>
    %dma_start3A_21 = tpu.memref_squeeze %dma_start3A_20 : memref<1x128x32xf32, #tpu.memory_space<vmem>> -> memref<128x32xf32, #tpu.memory_space<vmem>>
    %dma_start3A_22 = arith.constant 0 : i32
    %dma_start3A_23 = tpu.memref_slice %arg7[%dma_start3A_16, %dma_start3A_22] : memref<108x128xi32, #tpu.memory_space<vmem>> -> memref<1x128xi32, #tpu.memory_space<vmem>>
    %dma_start3A_24 = tpu.memref_squeeze %dma_start3A_23 : memref<1x128xi32, #tpu.memory_space<vmem>> -> memref<128xi32, #tpu.memory_space<vmem>>
    %dma_start3A_25 = arith.constant 0 : i32
    %dma_start3A_26 = arith.constant 0 : i32
    %dma_start3A_27 = tpu.memref_slice %arg2[%dma_start3A_25, %dma_start3A_26] : memref<10240x32xf32, #tpu.memory_space<hbm>> -> memref<10240x32xf32, #tpu.memory_space<hbm>>
    tpu.enqueue_indirect_dma source(%dma_start3A_27 : memref<10240x32xf32, #tpu.memory_space<hbm>>) target(%dma_start3A_21 : memref<128x32xf32, #tpu.memory_space<vmem>>) offsets(%dma_start3A_24 : memref<128xi32, #tpu.memory_space<vmem>>) semaphore(%arg12 : memref<!tpu.dma_semaphore, #tpu.memory_space<semaphore_mem>>)
    %dma_start3A_28 = arith.constant 2 : i32
    %dma_start3A_29 = arith.constant 2 : i32
    %dma_start3A_30 = arith.constant 0 : i32
    %dma_start3A_31 = arith.constant 0 : i32
    %dma_start3A_32 = tpu.memref_slice %arg9[%dma_start3A_29, %dma_start3A_30, %dma_start3A_31] : memref<4x128x32xf32, #tpu.memory_space<vmem>> -> memref<1x128x32xf32, #tpu.memory_space<vmem>>
    %dma_start3A_33 = tpu.memref_squeeze %dma_start3A_32 : memref<1x128x32xf32, #tpu.memory_space<vmem>> -> memref<128x32xf32, #tpu.memory_space<vmem>>
    %dma_start3A_34 = arith.constant 0 : i32
    %dma_start3A_35 = tpu.memref_slice %arg7[%dma_start3A_28, %dma_start3A_34] : memref<108x128xi32, #tpu.memory_space<vmem>> -> memref<1x128xi32, #tpu.memory_space<vmem>>
    %dma_start3A_36 = tpu.memref_squeeze %dma_start3A_35 : memref<1x128xi32, #tpu.memory_space<vmem>> -> memref<128xi32, #tpu.memory_space<vmem>>
    %dma_start3A_37 = arith.constant 0 : i32
    %dma_start3A_38 = arith.constant 0 : i32
    %dma_start3A_39 = tpu.memref_slice %arg2[%dma_start3A_37, %dma_start3A_38] : memref<10240x32xf32, #tpu.memory_space<hbm>> -> memref<10240x32xf32, #tpu.memory_space<hbm>>
    tpu.enqueue_indirect_dma source(%dma_start3A_39 : memref<10240x32xf32, #tpu.memory_space<hbm>>) target(%dma_start3A_33 : memref<128x32xf32, #tpu.memory_space<vmem>>) offsets(%dma_start3A_36 : memref<128xi32, #tpu.memory_space<vmem>>) semaphore(%arg13 : memref<!tpu.dma_semaphore, #tpu.memory_space<semaphore_mem>>)
    %dma_start3A_40 = arith.constant 3 : i32
    %dma_start3A_41 = arith.constant 3 : i32
    %dma_start3A_42 = arith.constant 0 : i32
    %dma_start3A_43 = arith.constant 0 : i32
    %dma_start3A_44 = tpu.memref_slice %arg9[%dma_start3A_41, %dma_start3A_42, %dma_start3A_43] : memref<4x128x32xf32, #tpu.memory_space<vmem>> -> memref<1x128x32xf32, #tpu.memory_space<vmem>>
    %dma_start3A_45 = tpu.memref_squeeze %dma_start3A_44 : memref<1x128x32xf32, #tpu.memory_space<vmem>> -> memref<128x32xf32, #tpu.memory_space<vmem>>
    %dma_start3A_46 = arith.constant 0 : i32
    %dma_start3A_47 = tpu.memref_slice %arg7[%dma_start3A_40, %dma_start3A_46] : memref<108x128xi32, #tpu.memory_space<vmem>> -> memref<1x128xi32, #tpu.memory_space<vmem>>
    %dma_start3A_48 = tpu.memref_squeeze %dma_start3A_47 : memref<1x128xi32, #tpu.memory_space<vmem>> -> memref<128xi32, #tpu.memory_space<vmem>>
    %dma_start3A_49 = arith.constant 0 : i32
    %dma_start3A_50 = arith.constant 0 : i32
    %dma_start3A_51 = tpu.memref_slice %arg2[%dma_start3A_49, %dma_start3A_50] : memref<10240x32xf32, #tpu.memory_space<hbm>> -> memref<10240x32xf32, #tpu.memory_space<hbm>>
    tpu.enqueue_indirect_dma source(%dma_start3A_51 : memref<10240x32xf32, #tpu.memory_space<hbm>>) target(%dma_start3A_45 : memref<128x32xf32, #tpu.memory_space<vmem>>) offsets(%dma_start3A_48 : memref<128xi32, #tpu.memory_space<vmem>>) semaphore(%arg14 : memref<!tpu.dma_semaphore, #tpu.memory_space<semaphore_mem>>)
    %jit3A_52 = arith.constant 4 : i32
    %div3A = arith.divsi %select_n3A, %jit3A_52 : i32
    %sign3A = arith.constant 0 : i32
    %sign3A_53 = arith.cmpi sgt, %select_n3A, %sign3A : i32
    %sign3A_54 = arith.extui %sign3A_53 : i1 to i32
    %sign3A_55 = arith.constant 0 : i32
    %sign3A_56 = arith.cmpi slt, %select_n3A, %sign3A_55 : i32
    %sign3A_57 = arith.extui %sign3A_56 : i1 to i32
    %sign3A_58 = arith.subi %sign3A_54, %sign3A_57 : i32
    %sign3A_59 = arith.constant 0 : i32
    %sign3A_60 = arith.cmpi sgt, %jit3A_52, %sign3A_59 : i32
    %sign3A_61 = arith.extui %sign3A_60 : i1 to i32
    %sign3A_62 = arith.constant 0 : i32
    %sign3A_63 = arith.cmpi slt, %jit3A_52, %sign3A_62 : i32
    %sign3A_64 = arith.extui %sign3A_63 : i1 to i32
    %sign3A_65 = arith.subi %sign3A_61, %sign3A_64 : i32
    %ne3A = arith.cmpi ne, %sign3A_58, %sign3A_65 : i32
    %rem3A = arith.remsi %select_n3A, %jit3A_52 : i32
    %ne3A_66 = arith.constant 0 : i32
    %ne3A_67 = arith.cmpi ne, %rem3A, %ne3A_66 : i32
    %and3A = arith.andi %ne3A, %ne3A_67 : i1
    %sub3A = arith.constant 1 : i32
    %sub3A_68 = arith.subi %div3A, %sub3A : i32
    %select_n3A_69 = arith.select %and3A, %sub3A_68, %div3A : i32
    %while3A = arith.constant 0 : i32
    %while3A_70 = arith.constant 0 : i32
    %while3A_71 = arith.subi %select_n3A_69, %while3A_70 : i32
    %while3A_72 = arith.addi %while3A_70, %while3A_71 : i32
    %while3A_73 = arith.constant 1 : i32
    %while3A_74 = arith.divsi %while3A_71, %while3A_73 : i32
    %while3A_75 = arith.muli %while3A_74, %while3A_73 : i32
    %while3A_76 = arith.addi %while3A_70, %while3A_75 : i32
    %while3A_77 = arith.constant 1 : i32
    scf.for %while3A_92 = %while3A_70 to %while3A_76 step %while3A_77  : i32 {
      %mul3A_93 = arith.constant 4 : i32
      %mul3A_94 = arith.muli %while3A_92, %mul3A_93 : i32
      %add3A_95 = arith.constant 0 : i32
      %add3A_96 = arith.addi %mul3A_94, %add3A_95 : i32
      %dma_wait3A_97 = arith.constant 0 : i32
      %dma_wait3A_98 = arith.constant 0 : i32
      %dma_wait3A_99 = arith.constant 0 : i32
      %dma_wait3A_100 = tpu.memref_slice %arg9[%dma_wait3A_97, %dma_wait3A_98, %dma_wait3A_99] : memref<4x128x32xf32, #tpu.memory_space<vmem>> -> memref<1x128x32xf32, #tpu.memory_space<vmem>>
      %dma_wait3A_101 = tpu.memref_squeeze %dma_wait3A_100 : memref<1x128x32xf32, #tpu.memory_space<vmem>> -> memref<128x32xf32, #tpu.memory_space<vmem>>
      %dma_wait3A_102 = arith.constant 0 : i32
      %dma_wait3A_103 = tpu.memref_slice %arg7[%add3A_96, %dma_wait3A_102] : memref<108x128xi32, #tpu.memory_space<vmem>> -> memref<1x128xi32, #tpu.memory_space<vmem>>
      %dma_wait3A_104 = tpu.memref_squeeze %dma_wait3A_103 : memref<1x128xi32, #tpu.memory_space<vmem>> -> memref<128xi32, #tpu.memory_space<vmem>>
      %dma_wait3A_105 = arith.constant 0 : i32
      %dma_wait3A_106 = arith.constant 0 : i32
      %dma_wait3A_107 = tpu.memref_slice %arg2[%dma_wait3A_105, %dma_wait3A_106] : memref<10240x32xf32, #tpu.memory_space<hbm>> -> memref<10240x32xf32, #tpu.memory_space<hbm>>
      tpu.wait_indirect_dma semaphore(%arg11 : memref<!tpu.dma_semaphore, #tpu.memory_space<semaphore_mem>>) src(%dma_wait3A_107 : memref<10240x32xf32, #tpu.memory_space<hbm>>) dst(%dma_wait3A_101 : memref<128x32xf32, #tpu.memory_space<vmem>>)
      %dma_start3A_108 = arith.constant 0 : i32
      %dma_start3A_109 = arith.constant 0 : i32
      %dma_start3A_110 = arith.constant 0 : i32
      %dma_start3A_111 = tpu.memref_slice %arg9[%dma_start3A_108, %dma_start3A_109, %dma_start3A_110] : memref<4x128x32xf32, #tpu.memory_space<vmem>> -> memref<1x128x32xf32, #tpu.memory_space<vmem>>
      %dma_start3A_112 = tpu.memref_squeeze %dma_start3A_111 : memref<1x128x32xf32, #tpu.memory_space<vmem>> -> memref<128x32xf32, #tpu.memory_space<vmem>>
      %dma_start3A_113 = arith.constant 0 : i32
      %dma_start3A_114 = tpu.memref_slice %arg8[%add3A_96, %dma_start3A_113] : memref<108x128xi32, #tpu.memory_space<vmem>> -> memref<1x128xi32, #tpu.memory_space<vmem>>
      %dma_start3A_115 = tpu.memref_squeeze %dma_start3A_114 : memref<1x128xi32, #tpu.memory_space<vmem>> -> memref<128xi32, #tpu.memory_space<vmem>>
      %dma_start3A_116 = arith.constant 0 : i32
      %dma_start3A_117 = arith.constant 0 : i32
      %dma_start3A_118 = tpu.memref_slice %arg10[%dma_start3A_116, %dma_start3A_117] : memref<10240x32xf32, #tpu.memory_space<vmem_shared>> -> memref<10240x32xf32, #tpu.memory_space<vmem_shared>>
      tpu.enqueue_indirect_dma source(%dma_start3A_112 : memref<128x32xf32, #tpu.memory_space<vmem>>) target(%dma_start3A_118 : memref<10240x32xf32, #tpu.memory_space<vmem_shared>>) offsets(%dma_start3A_115 : memref<128xi32, #tpu.memory_space<vmem>>) semaphore(%arg15 : memref<!tpu.dma_semaphore, #tpu.memory_space<semaphore_mem>>) {add = true}
      %sub3A_119 = arith.constant 1 : i32
      %sub3A_120 = arith.subi %add3A_96, %sub3A_119 : i32
      %ge3A = arith.constant 0 : i32
      %ge3A_121 = arith.cmpi sge, %sub3A_120, %ge3A : i32
      %convert_element_type3A = arith.extui %ge3A_121 : i1 to i32
      %cond3A = arith.constant 0 : i32
      %cond3A_122 = arith.cmpi ne, %convert_element_type3A, %cond3A : i32
      scf.if %cond3A_122 {
        %max3A = arith.constant 0 : i32
        %max3A_222 = arith.maxsi %sub3A_120, %max3A : i32
        %dma_wait3A_223 = arith.constant 3 : i32
        %dma_wait3A_224 = arith.constant 0 : i32
        %dma_wait3A_225 = arith.constant 0 : i32
        %dma_wait3A_226 = tpu.memref_slice %arg9[%dma_wait3A_223, %dma_wait3A_224, %dma_wait3A_225] : memref<4x128x32xf32, #tpu.memory_space<vmem>> -> memref<1x128x32xf32, #tpu.memory_space<vmem>>
        %dma_wait3A_227 = tpu.memref_squeeze %dma_wait3A_226 : memref<1x128x32xf32, #tpu.memory_space<vmem>> -> memref<128x32xf32, #tpu.memory_space<vmem>>
        %dma_wait3A_228 = arith.constant 0 : i32
        %dma_wait3A_229 = tpu.memref_slice %arg8[%max3A_222, %dma_wait3A_228] : memref<108x128xi32, #tpu.memory_space<vmem>> -> memref<1x128xi32, #tpu.memory_space<vmem>>
        %dma_wait3A_230 = tpu.memref_squeeze %dma_wait3A_229 : memref<1x128xi32, #tpu.memory_space<vmem>> -> memref<128xi32, #tpu.memory_space<vmem>>
        %dma_wait3A_231 = arith.constant 0 : i32
        %dma_wait3A_232 = arith.constant 0 : i32
        %dma_wait3A_233 = tpu.memref_slice %arg10[%dma_wait3A_231, %dma_wait3A_232] : memref<10240x32xf32, #tpu.memory_space<vmem_shared>> -> memref<10240x32xf32, #tpu.memory_space<vmem_shared>>
        tpu.wait_indirect_dma semaphore(%arg18 : memref<!tpu.dma_semaphore, #tpu.memory_space<semaphore_mem>>) src(%dma_wait3A_227 : memref<128x32xf32, #tpu.memory_space<vmem>>) dst(%dma_wait3A_233 : memref<10240x32xf32, #tpu.memory_space<vmem_shared>>)
        %add3A_234 = arith.constant 4 : i32
        %add3A_235 = arith.addi %sub3A_120, %add3A_234 : i32
        %lt3A = arith.cmpi slt, %add3A_235, %select_n3A : i32
        %convert_element_type3A_236 = arith.extui %lt3A : i1 to i32
        %cond3A_237 = arith.constant 0 : i32
        %cond3A_238 = arith.cmpi ne, %convert_element_type3A_236, %cond3A_237 : i32
        scf.if %cond3A_238 {
          %add3A_239 = arith.constant 4 : i32
          %add3A_240 = arith.addi %sub3A_120, %add3A_239 : i32
          %dma_start3A_241 = arith.constant 3 : i32
          %dma_start3A_242 = arith.constant 0 : i32
          %dma_start3A_243 = arith.constant 0 : i32
          %dma_start3A_244 = tpu.memref_slice %arg9[%dma_start3A_241, %dma_start3A_242, %dma_start3A_243] : memref<4x128x32xf32, #tpu.memory_space<vmem>> -> memref<1x128x32xf32, #tpu.memory_space<vmem>>
          %dma_start3A_245 = tpu.memref_squeeze %dma_start3A_244 : memref<1x128x32xf32, #tpu.memory_space<vmem>> -> memref<128x32xf32, #tpu.memory_space<vmem>>
          %dma_start3A_246 = arith.constant 0 : i32
          %dma_start3A_247 = tpu.memref_slice %arg7[%add3A_240, %dma_start3A_246] : memref<108x128xi32, #tpu.memory_space<vmem>> -> memref<1x128xi32, #tpu.memory_space<vmem>>
          %dma_start3A_248 = tpu.memref_squeeze %dma_start3A_247 : memref<1x128xi32, #tpu.memory_space<vmem>> -> memref<128xi32, #tpu.memory_space<vmem>>
          %dma_start3A_249 = arith.constant 0 : i32
          %dma_start3A_250 = arith.constant 0 : i32
          %dma_start3A_251 = tpu.memref_slice %arg2[%dma_start3A_249, %dma_start3A_250] : memref<10240x32xf32, #tpu.memory_space<hbm>> -> memref<10240x32xf32, #tpu.memory_space<hbm>>
          tpu.enqueue_indirect_dma source(%dma_start3A_251 : memref<10240x32xf32, #tpu.memory_space<hbm>>) target(%dma_start3A_245 : memref<128x32xf32, #tpu.memory_space<vmem>>) offsets(%dma_start3A_248 : memref<128xi32, #tpu.memory_space<vmem>>) semaphore(%arg14 : memref<!tpu.dma_semaphore, #tpu.memory_space<semaphore_mem>>)
        } else {
        }
      } else {
      }
      %mul3A_123 = arith.constant 4 : i32
      %mul3A_124 = arith.muli %while3A_92, %mul3A_123 : i32
      %add3A_125 = arith.constant 1 : i32
      %add3A_126 = arith.addi %mul3A_124, %add3A_125 : i32
      %dma_wait3A_127 = arith.constant 1 : i32
      %dma_wait3A_128 = arith.constant 0 : i32
      %dma_wait3A_129 = arith.constant 0 : i32
      %dma_wait3A_130 = tpu.memref_slice %arg9[%dma_wait3A_127, %dma_wait3A_128, %dma_wait3A_129] : memref<4x128x32xf32, #tpu.memory_space<vmem>> -> memref<1x128x32xf32, #tpu.memory_space<vmem>>
      %dma_wait3A_131 = tpu.memref_squeeze %dma_wait3A_130 : memref<1x128x32xf32, #tpu.memory_space<vmem>> -> memref<128x32xf32, #tpu.memory_space<vmem>>
      %dma_wait3A_132 = arith.constant 0 : i32
      %dma_wait3A_133 = tpu.memref_slice %arg7[%add3A_126, %dma_wait3A_132] : memref<108x128xi32, #tpu.memory_space<vmem>> -> memref<1x128xi32, #tpu.memory_space<vmem>>
      %dma_wait3A_134 = tpu.memref_squeeze %dma_wait3A_133 : memref<1x128xi32, #tpu.memory_space<vmem>> -> memref<128xi32, #tpu.memory_space<vmem>>
      %dma_wait3A_135 = arith.constant 0 : i32
      %dma_wait3A_136 = arith.constant 0 : i32
      %dma_wait3A_137 = tpu.memref_slice %arg2[%dma_wait3A_135, %dma_wait3A_136] : memref<10240x32xf32, #tpu.memory_space<hbm>> -> memref<10240x32xf32, #tpu.memory_space<hbm>>
      tpu.wait_indirect_dma semaphore(%arg12 : memref<!tpu.dma_semaphore, #tpu.memory_space<semaphore_mem>>) src(%dma_wait3A_137 : memref<10240x32xf32, #tpu.memory_space<hbm>>) dst(%dma_wait3A_131 : memref<128x32xf32, #tpu.memory_space<vmem>>)
      %dma_start3A_138 = arith.constant 1 : i32
      %dma_start3A_139 = arith.constant 0 : i32
      %dma_start3A_140 = arith.constant 0 : i32
      %dma_start3A_141 = tpu.memref_slice %arg9[%dma_start3A_138, %dma_start3A_139, %dma_start3A_140] : memref<4x128x32xf32, #tpu.memory_space<vmem>> -> memref<1x128x32xf32, #tpu.memory_space<vmem>>
      %dma_start3A_142 = tpu.memref_squeeze %dma_start3A_141 : memref<1x128x32xf32, #tpu.memory_space<vmem>> -> memref<128x32xf32, #tpu.memory_space<vmem>>
      %dma_start3A_143 = arith.constant 0 : i32
      %dma_start3A_144 = tpu.memref_slice %arg8[%add3A_126, %dma_start3A_143] : memref<108x128xi32, #tpu.memory_space<vmem>> -> memref<1x128xi32, #tpu.memory_space<vmem>>
      %dma_start3A_145 = tpu.memref_squeeze %dma_start3A_144 : memref<1x128xi32, #tpu.memory_space<vmem>> -> memref<128xi32, #tpu.memory_space<vmem>>
      %dma_start3A_146 = arith.constant 0 : i32
      %dma_start3A_147 = arith.constant 0 : i32
      %dma_start3A_148 = tpu.memref_slice %arg10[%dma_start3A_146, %dma_start3A_147] : memref<10240x32xf32, #tpu.memory_space<vmem_shared>> -> memref<10240x32xf32, #tpu.memory_space<vmem_shared>>
      tpu.enqueue_indirect_dma source(%dma_start3A_142 : memref<128x32xf32, #tpu.memory_space<vmem>>) target(%dma_start3A_148 : memref<10240x32xf32, #tpu.memory_space<vmem_shared>>) offsets(%dma_start3A_145 : memref<128xi32, #tpu.memory_space<vmem>>) semaphore(%arg16 : memref<!tpu.dma_semaphore, #tpu.memory_space<semaphore_mem>>) {add = true}
      %sub3A_149 = arith.constant 1 : i32
      %sub3A_150 = arith.subi %add3A_126, %sub3A_149 : i32
      %ge3A_151 = arith.constant 0 : i32
      %ge3A_152 = arith.cmpi sge, %sub3A_150, %ge3A_151 : i32
      %convert_element_type3A_153 = arith.extui %ge3A_152 : i1 to i32
      %cond3A_154 = arith.constant 0 : i32
      %cond3A_155 = arith.cmpi ne, %convert_element_type3A_153, %cond3A_154 : i32
      scf.if %cond3A_155 {
        %max3A = arith.constant 0 : i32
        %max3A_222 = arith.maxsi %sub3A_150, %max3A : i32
        %dma_wait3A_223 = arith.constant 0 : i32
        %dma_wait3A_224 = arith.constant 0 : i32
        %dma_wait3A_225 = arith.constant 0 : i32
        %dma_wait3A_226 = tpu.memref_slice %arg9[%dma_wait3A_223, %dma_wait3A_224, %dma_wait3A_225] : memref<4x128x32xf32, #tpu.memory_space<vmem>> -> memref<1x128x32xf32, #tpu.memory_space<vmem>>
        %dma_wait3A_227 = tpu.memref_squeeze %dma_wait3A_226 : memref<1x128x32xf32, #tpu.memory_space<vmem>> -> memref<128x32xf32, #tpu.memory_space<vmem>>
        %dma_wait3A_228 = arith.constant 0 : i32
        %dma_wait3A_229 = tpu.memref_slice %arg8[%max3A_222, %dma_wait3A_228] : memref<108x128xi32, #tpu.memory_space<vmem>> -> memref<1x128xi32, #tpu.memory_space<vmem>>
        %dma_wait3A_230 = tpu.memref_squeeze %dma_wait3A_229 : memref<1x128xi32, #tpu.memory_space<vmem>> -> memref<128xi32, #tpu.memory_space<vmem>>
        %dma_wait3A_231 = arith.constant 0 : i32
        %dma_wait3A_232 = arith.constant 0 : i32
        %dma_wait3A_233 = tpu.memref_slice %arg10[%dma_wait3A_231, %dma_wait3A_232] : memref<10240x32xf32, #tpu.memory_space<vmem_shared>> -> memref<10240x32xf32, #tpu.memory_space<vmem_shared>>
        tpu.wait_indirect_dma semaphore(%arg15 : memref<!tpu.dma_semaphore, #tpu.memory_space<semaphore_mem>>) src(%dma_wait3A_227 : memref<128x32xf32, #tpu.memory_space<vmem>>) dst(%dma_wait3A_233 : memref<10240x32xf32, #tpu.memory_space<vmem_shared>>)
        %add3A_234 = arith.constant 4 : i32
        %add3A_235 = arith.addi %sub3A_150, %add3A_234 : i32
        %lt3A = arith.cmpi slt, %add3A_235, %select_n3A : i32
        %convert_element_type3A_236 = arith.extui %lt3A : i1 to i32
        %cond3A_237 = arith.constant 0 : i32
        %cond3A_238 = arith.cmpi ne, %convert_element_type3A_236, %cond3A_237 : i32
        scf.if %cond3A_238 {
          %add3A_239 = arith.constant 4 : i32
          %add3A_240 = arith.addi %sub3A_150, %add3A_239 : i32
          %dma_start3A_241 = arith.constant 0 : i32
          %dma_start3A_242 = arith.constant 0 : i32
          %dma_start3A_243 = arith.constant 0 : i32
          %dma_start3A_244 = tpu.memref_slice %arg9[%dma_start3A_241, %dma_start3A_242, %dma_start3A_243] : memref<4x128x32xf32, #tpu.memory_space<vmem>> -> memref<1x128x32xf32, #tpu.memory_space<vmem>>
          %dma_start3A_245 = tpu.memref_squeeze %dma_start3A_244 : memref<1x128x32xf32, #tpu.memory_space<vmem>> -> memref<128x32xf32, #tpu.memory_space<vmem>>
          %dma_start3A_246 = arith.constant 0 : i32
          %dma_start3A_247 = tpu.memref_slice %arg7[%add3A_240, %dma_start3A_246] : memref<108x128xi32, #tpu.memory_space<vmem>> -> memref<1x128xi32, #tpu.memory_space<vmem>>
          %dma_start3A_248 = tpu.memref_squeeze %dma_start3A_247 : memref<1x128xi32, #tpu.memory_space<vmem>> -> memref<128xi32, #tpu.memory_space<vmem>>
          %dma_start3A_249 = arith.constant 0 : i32
          %dma_start3A_250 = arith.constant 0 : i32
          %dma_start3A_251 = tpu.memref_slice %arg2[%dma_start3A_249, %dma_start3A_250] : memref<10240x32xf32, #tpu.memory_space<hbm>> -> memref<10240x32xf32, #tpu.memory_space<hbm>>
          tpu.enqueue_indirect_dma source(%dma_start3A_251 : memref<10240x32xf32, #tpu.memory_space<hbm>>) target(%dma_start3A_245 : memref<128x32xf32, #tpu.memory_space<vmem>>) offsets(%dma_start3A_248 : memref<128xi32, #tpu.memory_space<vmem>>) semaphore(%arg11 : memref<!tpu.dma_semaphore, #tpu.memory_space<semaphore_mem>>)
        } else {
        }
      } else {
      }
      %mul3A_156 = arith.constant 4 : i32
      %mul3A_157 = arith.muli %while3A_92, %mul3A_156 : i32
      %add3A_158 = arith.constant 2 : i32
      %add3A_159 = arith.addi %mul3A_157, %add3A_158 : i32
      %dma_wait3A_160 = arith.constant 2 : i32
      %dma_wait3A_161 = arith.constant 0 : i32
      %dma_wait3A_162 = arith.constant 0 : i32
      %dma_wait3A_163 = tpu.memref_slice %arg9[%dma_wait3A_160, %dma_wait3A_161, %dma_wait3A_162] : memref<4x128x32xf32, #tpu.memory_space<vmem>> -> memref<1x128x32xf32, #tpu.memory_space<vmem>>
      %dma_wait3A_164 = tpu.memref_squeeze %dma_wait3A_163 : memref<1x128x32xf32, #tpu.memory_space<vmem>> -> memref<128x32xf32, #tpu.memory_space<vmem>>
      %dma_wait3A_165 = arith.constant 0 : i32
      %dma_wait3A_166 = tpu.memref_slice %arg7[%add3A_159, %dma_wait3A_165] : memref<108x128xi32, #tpu.memory_space<vmem>> -> memref<1x128xi32, #tpu.memory_space<vmem>>
      %dma_wait3A_167 = tpu.memref_squeeze %dma_wait3A_166 : memref<1x128xi32, #tpu.memory_space<vmem>> -> memref<128xi32, #tpu.memory_space<vmem>>
      %dma_wait3A_168 = arith.constant 0 : i32
      %dma_wait3A_169 = arith.constant 0 : i32
      %dma_wait3A_170 = tpu.memref_slice %arg2[%dma_wait3A_168, %dma_wait3A_169] : memref<10240x32xf32, #tpu.memory_space<hbm>> -> memref<10240x32xf32, #tpu.memory_space<hbm>>
      tpu.wait_indirect_dma semaphore(%arg13 : memref<!tpu.dma_semaphore, #tpu.memory_space<semaphore_mem>>) src(%dma_wait3A_170 : memref<10240x32xf32, #tpu.memory_space<hbm>>) dst(%dma_wait3A_164 : memref<128x32xf32, #tpu.memory_space<vmem>>)
      %dma_start3A_171 = arith.constant 2 : i32
      %dma_start3A_172 = arith.constant 0 : i32
      %dma_start3A_173 = arith.constant 0 : i32
      %dma_start3A_174 = tpu.memref_slice %arg9[%dma_start3A_171, %dma_start3A_172, %dma_start3A_173] : memref<4x128x32xf32, #tpu.memory_space<vmem>> -> memref<1x128x32xf32, #tpu.memory_space<vmem>>
      %dma_start3A_175 = tpu.memref_squeeze %dma_start3A_174 : memref<1x128x32xf32, #tpu.memory_space<vmem>> -> memref<128x32xf32, #tpu.memory_space<vmem>>
      %dma_start3A_176 = arith.constant 0 : i32
      %dma_start3A_177 = tpu.memref_slice %arg8[%add3A_159, %dma_start3A_176] : memref<108x128xi32, #tpu.memory_space<vmem>> -> memref<1x128xi32, #tpu.memory_space<vmem>>
      %dma_start3A_178 = tpu.memref_squeeze %dma_start3A_177 : memref<1x128xi32, #tpu.memory_space<vmem>> -> memref<128xi32, #tpu.memory_space<vmem>>
      %dma_start3A_179 = arith.constant 0 : i32
      %dma_start3A_180 = arith.constant 0 : i32
      %dma_start3A_181 = tpu.memref_slice %arg10[%dma_start3A_179, %dma_start3A_180] : memref<10240x32xf32, #tpu.memory_space<vmem_shared>> -> memref<10240x32xf32, #tpu.memory_space<vmem_shared>>
      tpu.enqueue_indirect_dma source(%dma_start3A_175 : memref<128x32xf32, #tpu.memory_space<vmem>>) target(%dma_start3A_181 : memref<10240x32xf32, #tpu.memory_space<vmem_shared>>) offsets(%dma_start3A_178 : memref<128xi32, #tpu.memory_space<vmem>>) semaphore(%arg17 : memref<!tpu.dma_semaphore, #tpu.memory_space<semaphore_mem>>) {add = true}
      %sub3A_182 = arith.constant 1 : i32
      %sub3A_183 = arith.subi %add3A_159, %sub3A_182 : i32
      %ge3A_184 = arith.constant 0 : i32
      %ge3A_185 = arith.cmpi sge, %sub3A_183, %ge3A_184 : i32
      %convert_element_type3A_186 = arith.extui %ge3A_185 : i1 to i32
      %cond3A_187 = arith.constant 0 : i32
      %cond3A_188 = arith.cmpi ne, %convert_element_type3A_186, %cond3A_187 : i32
      scf.if %cond3A_188 {
        %max3A = arith.constant 0 : i32
        %max3A_222 = arith.maxsi %sub3A_183, %max3A : i32
        %dma_wait3A_223 = arith.constant 1 : i32
        %dma_wait3A_224 = arith.constant 0 : i32
        %dma_wait3A_225 = arith.constant 0 : i32
        %dma_wait3A_226 = tpu.memref_slice %arg9[%dma_wait3A_223, %dma_wait3A_224, %dma_wait3A_225] : memref<4x128x32xf32, #tpu.memory_space<vmem>> -> memref<1x128x32xf32, #tpu.memory_space<vmem>>
        %dma_wait3A_227 = tpu.memref_squeeze %dma_wait3A_226 : memref<1x128x32xf32, #tpu.memory_space<vmem>> -> memref<128x32xf32, #tpu.memory_space<vmem>>
        %dma_wait3A_228 = arith.constant 0 : i32
        %dma_wait3A_229 = tpu.memref_slice %arg8[%max3A_222, %dma_wait3A_228] : memref<108x128xi32, #tpu.memory_space<vmem>> -> memref<1x128xi32, #tpu.memory_space<vmem>>
        %dma_wait3A_230 = tpu.memref_squeeze %dma_wait3A_229 : memref<1x128xi32, #tpu.memory_space<vmem>> -> memref<128xi32, #tpu.memory_space<vmem>>
        %dma_wait3A_231 = arith.constant 0 : i32
        %dma_wait3A_232 = arith.constant 0 : i32
        %dma_wait3A_233 = tpu.memref_slice %arg10[%dma_wait3A_231, %dma_wait3A_232] : memref<10240x32xf32, #tpu.memory_space<vmem_shared>> -> memref<10240x32xf32, #tpu.memory_space<vmem_shared>>
        tpu.wait_indirect_dma semaphore(%arg16 : memref<!tpu.dma_semaphore, #tpu.memory_space<semaphore_mem>>) src(%dma_wait3A_227 : memref<128x32xf32, #tpu.memory_space<vmem>>) dst(%dma_wait3A_233 : memref<10240x32xf32, #tpu.memory_space<vmem_shared>>)
        %add3A_234 = arith.constant 4 : i32
        %add3A_235 = arith.addi %sub3A_183, %add3A_234 : i32
        %lt3A = arith.cmpi slt, %add3A_235, %select_n3A : i32
        %convert_element_type3A_236 = arith.extui %lt3A : i1 to i32
        %cond3A_237 = arith.constant 0 : i32
        %cond3A_238 = arith.cmpi ne, %convert_element_type3A_236, %cond3A_237 : i32
        scf.if %cond3A_238 {
          %add3A_239 = arith.constant 4 : i32
          %add3A_240 = arith.addi %sub3A_183, %add3A_239 : i32
          %dma_start3A_241 = arith.constant 1 : i32
          %dma_start3A_242 = arith.constant 0 : i32
          %dma_start3A_243 = arith.constant 0 : i32
          %dma_start3A_244 = tpu.memref_slice %arg9[%dma_start3A_241, %dma_start3A_242, %dma_start3A_243] : memref<4x128x32xf32, #tpu.memory_space<vmem>> -> memref<1x128x32xf32, #tpu.memory_space<vmem>>
          %dma_start3A_245 = tpu.memref_squeeze %dma_start3A_244 : memref<1x128x32xf32, #tpu.memory_space<vmem>> -> memref<128x32xf32, #tpu.memory_space<vmem>>
          %dma_start3A_246 = arith.constant 0 : i32
          %dma_start3A_247 = tpu.memref_slice %arg7[%add3A_240, %dma_start3A_246] : memref<108x128xi32, #tpu.memory_space<vmem>> -> memref<1x128xi32, #tpu.memory_space<vmem>>
          %dma_start3A_248 = tpu.memref_squeeze %dma_start3A_247 : memref<1x128xi32, #tpu.memory_space<vmem>> -> memref<128xi32, #tpu.memory_space<vmem>>
          %dma_start3A_249 = arith.constant 0 : i32
          %dma_start3A_250 = arith.constant 0 : i32
          %dma_start3A_251 = tpu.memref_slice %arg2[%dma_start3A_249, %dma_start3A_250] : memref<10240x32xf32, #tpu.memory_space<hbm>> -> memref<10240x32xf32, #tpu.memory_space<hbm>>
          tpu.enqueue_indirect_dma source(%dma_start3A_251 : memref<10240x32xf32, #tpu.memory_space<hbm>>) target(%dma_start3A_245 : memref<128x32xf32, #tpu.memory_space<vmem>>) offsets(%dma_start3A_248 : memref<128xi32, #tpu.memory_space<vmem>>) semaphore(%arg12 : memref<!tpu.dma_semaphore, #tpu.memory_space<semaphore_mem>>)
        } else {
        }
      } else {
      }
      %mul3A_189 = arith.constant 4 : i32
      %mul3A_190 = arith.muli %while3A_92, %mul3A_189 : i32
      %add3A_191 = arith.constant 3 : i32
      %add3A_192 = arith.addi %mul3A_190, %add3A_191 : i32
      %dma_wait3A_193 = arith.constant 3 : i32
      %dma_wait3A_194 = arith.constant 0 : i32
      %dma_wait3A_195 = arith.constant 0 : i32
      %dma_wait3A_196 = tpu.memref_slice %arg9[%dma_wait3A_193, %dma_wait3A_194, %dma_wait3A_195] : memref<4x128x32xf32, #tpu.memory_space<vmem>> -> memref<1x128x32xf32, #tpu.memory_space<vmem>>
      %dma_wait3A_197 = tpu.memref_squeeze %dma_wait3A_196 : memref<1x128x32xf32, #tpu.memory_space<vmem>> -> memref<128x32xf32, #tpu.memory_space<vmem>>
      %dma_wait3A_198 = arith.constant 0 : i32
      %dma_wait3A_199 = tpu.memref_slice %arg7[%add3A_192, %dma_wait3A_198] : memref<108x128xi32, #tpu.memory_space<vmem>> -> memref<1x128xi32, #tpu.memory_space<vmem>>
      %dma_wait3A_200 = tpu.memref_squeeze %dma_wait3A_199 : memref<1x128xi32, #tpu.memory_space<vmem>> -> memref<128xi32, #tpu.memory_space<vmem>>
      %dma_wait3A_201 = arith.constant 0 : i32
      %dma_wait3A_202 = arith.constant 0 : i32
      %dma_wait3A_203 = tpu.memref_slice %arg2[%dma_wait3A_201, %dma_wait3A_202] : memref<10240x32xf32, #tpu.memory_space<hbm>> -> memref<10240x32xf32, #tpu.memory_space<hbm>>
      tpu.wait_indirect_dma semaphore(%arg14 : memref<!tpu.dma_semaphore, #tpu.memory_space<semaphore_mem>>) src(%dma_wait3A_203 : memref<10240x32xf32, #tpu.memory_space<hbm>>) dst(%dma_wait3A_197 : memref<128x32xf32, #tpu.memory_space<vmem>>)
      %dma_start3A_204 = arith.constant 3 : i32
      %dma_start3A_205 = arith.constant 0 : i32
      %dma_start3A_206 = arith.constant 0 : i32
      %dma_start3A_207 = tpu.memref_slice %arg9[%dma_start3A_204, %dma_start3A_205, %dma_start3A_206] : memref<4x128x32xf32, #tpu.memory_space<vmem>> -> memref<1x128x32xf32, #tpu.memory_space<vmem>>
      %dma_start3A_208 = tpu.memref_squeeze %dma_start3A_207 : memref<1x128x32xf32, #tpu.memory_space<vmem>> -> memref<128x32xf32, #tpu.memory_space<vmem>>
      %dma_start3A_209 = arith.constant 0 : i32
      %dma_start3A_210 = tpu.memref_slice %arg8[%add3A_192, %dma_start3A_209] : memref<108x128xi32, #tpu.memory_space<vmem>> -> memref<1x128xi32, #tpu.memory_space<vmem>>
      %dma_start3A_211 = tpu.memref_squeeze %dma_start3A_210 : memref<1x128xi32, #tpu.memory_space<vmem>> -> memref<128xi32, #tpu.memory_space<vmem>>
      %dma_start3A_212 = arith.constant 0 : i32
      %dma_start3A_213 = arith.constant 0 : i32
      %dma_start3A_214 = tpu.memref_slice %arg10[%dma_start3A_212, %dma_start3A_213] : memref<10240x32xf32, #tpu.memory_space<vmem_shared>> -> memref<10240x32xf32, #tpu.memory_space<vmem_shared>>
      tpu.enqueue_indirect_dma source(%dma_start3A_208 : memref<128x32xf32, #tpu.memory_space<vmem>>) target(%dma_start3A_214 : memref<10240x32xf32, #tpu.memory_space<vmem_shared>>) offsets(%dma_start3A_211 : memref<128xi32, #tpu.memory_space<vmem>>) semaphore(%arg18 : memref<!tpu.dma_semaphore, #tpu.memory_space<semaphore_mem>>) {add = true}
      %sub3A_215 = arith.constant 1 : i32
      %sub3A_216 = arith.subi %add3A_192, %sub3A_215 : i32
      %ge3A_217 = arith.constant 0 : i32
      %ge3A_218 = arith.cmpi sge, %sub3A_216, %ge3A_217 : i32
      %convert_element_type3A_219 = arith.extui %ge3A_218 : i1 to i32
      %cond3A_220 = arith.constant 0 : i32
      %cond3A_221 = arith.cmpi ne, %convert_element_type3A_219, %cond3A_220 : i32
      scf.if %cond3A_221 {
        %max3A = arith.constant 0 : i32
        %max3A_222 = arith.maxsi %sub3A_216, %max3A : i32
        %dma_wait3A_223 = arith.constant 2 : i32
        %dma_wait3A_224 = arith.constant 0 : i32
        %dma_wait3A_225 = arith.constant 0 : i32
        %dma_wait3A_226 = tpu.memref_slice %arg9[%dma_wait3A_223, %dma_wait3A_224, %dma_wait3A_225] : memref<4x128x32xf32, #tpu.memory_space<vmem>> -> memref<1x128x32xf32, #tpu.memory_space<vmem>>
        %dma_wait3A_227 = tpu.memref_squeeze %dma_wait3A_226 : memref<1x128x32xf32, #tpu.memory_space<vmem>> -> memref<128x32xf32, #tpu.memory_space<vmem>>
        %dma_wait3A_228 = arith.constant 0 : i32
        %dma_wait3A_229 = tpu.memref_slice %arg8[%max3A_222, %dma_wait3A_228] : memref<108x128xi32, #tpu.memory_space<vmem>> -> memref<1x128xi32, #tpu.memory_space<vmem>>
        %dma_wait3A_230 = tpu.memref_squeeze %dma_wait3A_229 : memref<1x128xi32, #tpu.memory_space<vmem>> -> memref<128xi32, #tpu.memory_space<vmem>>
        %dma_wait3A_231 = arith.constant 0 : i32
        %dma_wait3A_232 = arith.constant 0 : i32
        %dma_wait3A_233 = tpu.memref_slice %arg10[%dma_wait3A_231, %dma_wait3A_232] : memref<10240x32xf32, #tpu.memory_space<vmem_shared>> -> memref<10240x32xf32, #tpu.memory_space<vmem_shared>>
        tpu.wait_indirect_dma semaphore(%arg17 : memref<!tpu.dma_semaphore, #tpu.memory_space<semaphore_mem>>) src(%dma_wait3A_227 : memref<128x32xf32, #tpu.memory_space<vmem>>) dst(%dma_wait3A_233 : memref<10240x32xf32, #tpu.memory_space<vmem_shared>>)
        %add3A_234 = arith.constant 4 : i32
        %add3A_235 = arith.addi %sub3A_216, %add3A_234 : i32
        %lt3A = arith.cmpi slt, %add3A_235, %select_n3A : i32
        %convert_element_type3A_236 = arith.extui %lt3A : i1 to i32
        %cond3A_237 = arith.constant 0 : i32
        %cond3A_238 = arith.cmpi ne, %convert_element_type3A_236, %cond3A_237 : i32
        scf.if %cond3A_238 {
          %add3A_239 = arith.constant 4 : i32
          %add3A_240 = arith.addi %sub3A_216, %add3A_239 : i32
          %dma_start3A_241 = arith.constant 2 : i32
          %dma_start3A_242 = arith.constant 0 : i32
          %dma_start3A_243 = arith.constant 0 : i32
          %dma_start3A_244 = tpu.memref_slice %arg9[%dma_start3A_241, %dma_start3A_242, %dma_start3A_243] : memref<4x128x32xf32, #tpu.memory_space<vmem>> -> memref<1x128x32xf32, #tpu.memory_space<vmem>>
          %dma_start3A_245 = tpu.memref_squeeze %dma_start3A_244 : memref<1x128x32xf32, #tpu.memory_space<vmem>> -> memref<128x32xf32, #tpu.memory_space<vmem>>
          %dma_start3A_246 = arith.constant 0 : i32
          %dma_start3A_247 = tpu.memref_slice %arg7[%add3A_240, %dma_start3A_246] : memref<108x128xi32, #tpu.memory_space<vmem>> -> memref<1x128xi32, #tpu.memory_space<vmem>>
          %dma_start3A_248 = tpu.memref_squeeze %dma_start3A_247 : memref<1x128xi32, #tpu.memory_space<vmem>> -> memref<128xi32, #tpu.memory_space<vmem>>
          %dma_start3A_249 = arith.constant 0 : i32
          %dma_start3A_250 = arith.constant 0 : i32
          %dma_start3A_251 = tpu.memref_slice %arg2[%dma_start3A_249, %dma_start3A_250] : memref<10240x32xf32, #tpu.memory_space<hbm>> -> memref<10240x32xf32, #tpu.memory_space<hbm>>
          tpu.enqueue_indirect_dma source(%dma_start3A_251 : memref<10240x32xf32, #tpu.memory_space<hbm>>) target(%dma_start3A_245 : memref<128x32xf32, #tpu.memory_space<vmem>>) offsets(%dma_start3A_248 : memref<128xi32, #tpu.memory_space<vmem>>) semaphore(%arg13 : memref<!tpu.dma_semaphore, #tpu.memory_space<semaphore_mem>>)
        } else {
        }
      } else {
      }
    }
    %while3A_78 = arith.constant 1 : i32
    scf.for %while3A_92 = %while3A_76 to %while3A_72 step %while3A_78  : i32 {
      %mul3A_93 = arith.constant 4 : i32
      %mul3A_94 = arith.muli %while3A_92, %mul3A_93 : i32
      %add3A_95 = arith.constant 0 : i32
      %add3A_96 = arith.addi %mul3A_94, %add3A_95 : i32
      %dma_wait3A_97 = arith.constant 0 : i32
      %dma_wait3A_98 = arith.constant 0 : i32
      %dma_wait3A_99 = arith.constant 0 : i32
      %dma_wait3A_100 = tpu.memref_slice %arg9[%dma_wait3A_97, %dma_wait3A_98, %dma_wait3A_99] : memref<4x128x32xf32, #tpu.memory_space<vmem>> -> memref<1x128x32xf32, #tpu.memory_space<vmem>>
      %dma_wait3A_101 = tpu.memref_squeeze %dma_wait3A_100 : memref<1x128x32xf32, #tpu.memory_space<vmem>> -> memref<128x32xf32, #tpu.memory_space<vmem>>
      %dma_wait3A_102 = arith.constant 0 : i32
      %dma_wait3A_103 = tpu.memref_slice %arg7[%add3A_96, %dma_wait3A_102] : memref<108x128xi32, #tpu.memory_space<vmem>> -> memref<1x128xi32, #tpu.memory_space<vmem>>
      %dma_wait3A_104 = tpu.memref_squeeze %dma_wait3A_103 : memref<1x128xi32, #tpu.memory_space<vmem>> -> memref<128xi32, #tpu.memory_space<vmem>>
      %dma_wait3A_105 = arith.constant 0 : i32
      %dma_wait3A_106 = arith.constant 0 : i32
      %dma_wait3A_107 = tpu.memref_slice %arg2[%dma_wait3A_105, %dma_wait3A_106] : memref<10240x32xf32, #tpu.memory_space<hbm>> -> memref<10240x32xf32, #tpu.memory_space<hbm>>
      tpu.wait_indirect_dma semaphore(%arg11 : memref<!tpu.dma_semaphore, #tpu.memory_space<semaphore_mem>>) src(%dma_wait3A_107 : memref<10240x32xf32, #tpu.memory_space<hbm>>) dst(%dma_wait3A_101 : memref<128x32xf32, #tpu.memory_space<vmem>>)
      %dma_start3A_108 = arith.constant 0 : i32
      %dma_start3A_109 = arith.constant 0 : i32
      %dma_start3A_110 = arith.constant 0 : i32
      %dma_start3A_111 = tpu.memref_slice %arg9[%dma_start3A_108, %dma_start3A_109, %dma_start3A_110] : memref<4x128x32xf32, #tpu.memory_space<vmem>> -> memref<1x128x32xf32, #tpu.memory_space<vmem>>
      %dma_start3A_112 = tpu.memref_squeeze %dma_start3A_111 : memref<1x128x32xf32, #tpu.memory_space<vmem>> -> memref<128x32xf32, #tpu.memory_space<vmem>>
      %dma_start3A_113 = arith.constant 0 : i32
      %dma_start3A_114 = tpu.memref_slice %arg8[%add3A_96, %dma_start3A_113] : memref<108x128xi32, #tpu.memory_space<vmem>> -> memref<1x128xi32, #tpu.memory_space<vmem>>
      %dma_start3A_115 = tpu.memref_squeeze %dma_start3A_114 : memref<1x128xi32, #tpu.memory_space<vmem>> -> memref<128xi32, #tpu.memory_space<vmem>>
      %dma_start3A_116 = arith.constant 0 : i32
      %dma_start3A_117 = arith.constant 0 : i32
      %dma_start3A_118 = tpu.memref_slice %arg10[%dma_start3A_116, %dma_start3A_117] : memref<10240x32xf32, #tpu.memory_space<vmem_shared>> -> memref<10240x32xf32, #tpu.memory_space<vmem_shared>>
      tpu.enqueue_indirect_dma source(%dma_start3A_112 : memref<128x32xf32, #tpu.memory_space<vmem>>) target(%dma_start3A_118 : memref<10240x32xf32, #tpu.memory_space<vmem_shared>>) offsets(%dma_start3A_115 : memref<128xi32, #tpu.memory_space<vmem>>) semaphore(%arg15 : memref<!tpu.dma_semaphore, #tpu.memory_space<semaphore_mem>>) {add = true}
      %sub3A_119 = arith.constant 1 : i32
      %sub3A_120 = arith.subi %add3A_96, %sub3A_119 : i32
      %ge3A = arith.constant 0 : i32
      %ge3A_121 = arith.cmpi sge, %sub3A_120, %ge3A : i32
      %convert_element_type3A = arith.extui %ge3A_121 : i1 to i32
      %cond3A = arith.constant 0 : i32
      %cond3A_122 = arith.cmpi ne, %convert_element_type3A, %cond3A : i32
      scf.if %cond3A_122 {
        %max3A = arith.constant 0 : i32
        %max3A_222 = arith.maxsi %sub3A_120, %max3A : i32
        %dma_wait3A_223 = arith.constant 3 : i32
        %dma_wait3A_224 = arith.constant 0 : i32
        %dma_wait3A_225 = arith.constant 0 : i32
        %dma_wait3A_226 = tpu.memref_slice %arg9[%dma_wait3A_223, %dma_wait3A_224, %dma_wait3A_225] : memref<4x128x32xf32, #tpu.memory_space<vmem>> -> memref<1x128x32xf32, #tpu.memory_space<vmem>>
        %dma_wait3A_227 = tpu.memref_squeeze %dma_wait3A_226 : memref<1x128x32xf32, #tpu.memory_space<vmem>> -> memref<128x32xf32, #tpu.memory_space<vmem>>
        %dma_wait3A_228 = arith.constant 0 : i32
        %dma_wait3A_229 = tpu.memref_slice %arg8[%max3A_222, %dma_wait3A_228] : memref<108x128xi32, #tpu.memory_space<vmem>> -> memref<1x128xi32, #tpu.memory_space<vmem>>
        %dma_wait3A_230 = tpu.memref_squeeze %dma_wait3A_229 : memref<1x128xi32, #tpu.memory_space<vmem>> -> memref<128xi32, #tpu.memory_space<vmem>>
        %dma_wait3A_231 = arith.constant 0 : i32
        %dma_wait3A_232 = arith.constant 0 : i32
        %dma_wait3A_233 = tpu.memref_slice %arg10[%dma_wait3A_231, %dma_wait3A_232] : memref<10240x32xf32, #tpu.memory_space<vmem_shared>> -> memref<10240x32xf32, #tpu.memory_space<vmem_shared>>
        tpu.wait_indirect_dma semaphore(%arg18 : memref<!tpu.dma_semaphore, #tpu.memory_space<semaphore_mem>>) src(%dma_wait3A_227 : memref<128x32xf32, #tpu.memory_space<vmem>>) dst(%dma_wait3A_233 : memref<10240x32xf32, #tpu.memory_space<vmem_shared>>)
        %add3A_234 = arith.constant 4 : i32
        %add3A_235 = arith.addi %sub3A_120, %add3A_234 : i32
        %lt3A = arith.cmpi slt, %add3A_235, %select_n3A : i32
        %convert_element_type3A_236 = arith.extui %lt3A : i1 to i32
        %cond3A_237 = arith.constant 0 : i32
        %cond3A_238 = arith.cmpi ne, %convert_element_type3A_236, %cond3A_237 : i32
        scf.if %cond3A_238 {
          %add3A_239 = arith.constant 4 : i32
          %add3A_240 = arith.addi %sub3A_120, %add3A_239 : i32
          %dma_start3A_241 = arith.constant 3 : i32
          %dma_start3A_242 = arith.constant 0 : i32
          %dma_start3A_243 = arith.constant 0 : i32
          %dma_start3A_244 = tpu.memref_slice %arg9[%dma_start3A_241, %dma_start3A_242, %dma_start3A_243] : memref<4x128x32xf32, #tpu.memory_space<vmem>> -> memref<1x128x32xf32, #tpu.memory_space<vmem>>
          %dma_start3A_245 = tpu.memref_squeeze %dma_start3A_244 : memref<1x128x32xf32, #tpu.memory_space<vmem>> -> memref<128x32xf32, #tpu.memory_space<vmem>>
          %dma_start3A_246 = arith.constant 0 : i32
          %dma_start3A_247 = tpu.memref_slice %arg7[%add3A_240, %dma_start3A_246] : memref<108x128xi32, #tpu.memory_space<vmem>> -> memref<1x128xi32, #tpu.memory_space<vmem>>
          %dma_start3A_248 = tpu.memref_squeeze %dma_start3A_247 : memref<1x128xi32, #tpu.memory_space<vmem>> -> memref<128xi32, #tpu.memory_space<vmem>>
          %dma_start3A_249 = arith.constant 0 : i32
          %dma_start3A_250 = arith.constant 0 : i32
          %dma_start3A_251 = tpu.memref_slice %arg2[%dma_start3A_249, %dma_start3A_250] : memref<10240x32xf32, #tpu.memory_space<hbm>> -> memref<10240x32xf32, #tpu.memory_space<hbm>>
          tpu.enqueue_indirect_dma source(%dma_start3A_251 : memref<10240x32xf32, #tpu.memory_space<hbm>>) target(%dma_start3A_245 : memref<128x32xf32, #tpu.memory_space<vmem>>) offsets(%dma_start3A_248 : memref<128xi32, #tpu.memory_space<vmem>>) semaphore(%arg14 : memref<!tpu.dma_semaphore, #tpu.memory_space<semaphore_mem>>)
        } else {
        }
      } else {
      }
      %mul3A_123 = arith.constant 4 : i32
      %mul3A_124 = arith.muli %while3A_92, %mul3A_123 : i32
      %add3A_125 = arith.constant 1 : i32
      %add3A_126 = arith.addi %mul3A_124, %add3A_125 : i32
      %dma_wait3A_127 = arith.constant 1 : i32
      %dma_wait3A_128 = arith.constant 0 : i32
      %dma_wait3A_129 = arith.constant 0 : i32
      %dma_wait3A_130 = tpu.memref_slice %arg9[%dma_wait3A_127, %dma_wait3A_128, %dma_wait3A_129] : memref<4x128x32xf32, #tpu.memory_space<vmem>> -> memref<1x128x32xf32, #tpu.memory_space<vmem>>
      %dma_wait3A_131 = tpu.memref_squeeze %dma_wait3A_130 : memref<1x128x32xf32, #tpu.memory_space<vmem>> -> memref<128x32xf32, #tpu.memory_space<vmem>>
      %dma_wait3A_132 = arith.constant 0 : i32
      %dma_wait3A_133 = tpu.memref_slice %arg7[%add3A_126, %dma_wait3A_132] : memref<108x128xi32, #tpu.memory_space<vmem>> -> memref<1x128xi32, #tpu.memory_space<vmem>>
      %dma_wait3A_134 = tpu.memref_squeeze %dma_wait3A_133 : memref<1x128xi32, #tpu.memory_space<vmem>> -> memref<128xi32, #tpu.memory_space<vmem>>
      %dma_wait3A_135 = arith.constant 0 : i32
      %dma_wait3A_136 = arith.constant 0 : i32
      %dma_wait3A_137 = tpu.memref_slice %arg2[%dma_wait3A_135, %dma_wait3A_136] : memref<10240x32xf32, #tpu.memory_space<hbm>> -> memref<10240x32xf32, #tpu.memory_space<hbm>>
      tpu.wait_indirect_dma semaphore(%arg12 : memref<!tpu.dma_semaphore, #tpu.memory_space<semaphore_mem>>) src(%dma_wait3A_137 : memref<10240x32xf32, #tpu.memory_space<hbm>>) dst(%dma_wait3A_131 : memref<128x32xf32, #tpu.memory_space<vmem>>)
      %dma_start3A_138 = arith.constant 1 : i32
      %dma_start3A_139 = arith.constant 0 : i32
      %dma_start3A_140 = arith.constant 0 : i32
      %dma_start3A_141 = tpu.memref_slice %arg9[%dma_start3A_138, %dma_start3A_139, %dma_start3A_140] : memref<4x128x32xf32, #tpu.memory_space<vmem>> -> memref<1x128x32xf32, #tpu.memory_space<vmem>>
      %dma_start3A_142 = tpu.memref_squeeze %dma_start3A_141 : memref<1x128x32xf32, #tpu.memory_space<vmem>> -> memref<128x32xf32, #tpu.memory_space<vmem>>
      %dma_start3A_143 = arith.constant 0 : i32
      %dma_start3A_144 = tpu.memref_slice %arg8[%add3A_126, %dma_start3A_143] : memref<108x128xi32, #tpu.memory_space<vmem>> -> memref<1x128xi32, #tpu.memory_space<vmem>>
      %dma_start3A_145 = tpu.memref_squeeze %dma_start3A_144 : memref<1x128xi32, #tpu.memory_space<vmem>> -> memref<128xi32, #tpu.memory_space<vmem>>
      %dma_start3A_146 = arith.constant 0 : i32
      %dma_start3A_147 = arith.constant 0 : i32
      %dma_start3A_148 = tpu.memref_slice %arg10[%dma_start3A_146, %dma_start3A_147] : memref<10240x32xf32, #tpu.memory_space<vmem_shared>> -> memref<10240x32xf32, #tpu.memory_space<vmem_shared>>
      tpu.enqueue_indirect_dma source(%dma_start3A_142 : memref<128x32xf32, #tpu.memory_space<vmem>>) target(%dma_start3A_148 : memref<10240x32xf32, #tpu.memory_space<vmem_shared>>) offsets(%dma_start3A_145 : memref<128xi32, #tpu.memory_space<vmem>>) semaphore(%arg16 : memref<!tpu.dma_semaphore, #tpu.memory_space<semaphore_mem>>) {add = true}
      %sub3A_149 = arith.constant 1 : i32
      %sub3A_150 = arith.subi %add3A_126, %sub3A_149 : i32
      %ge3A_151 = arith.constant 0 : i32
      %ge3A_152 = arith.cmpi sge, %sub3A_150, %ge3A_151 : i32
      %convert_element_type3A_153 = arith.extui %ge3A_152 : i1 to i32
      %cond3A_154 = arith.constant 0 : i32
      %cond3A_155 = arith.cmpi ne, %convert_element_type3A_153, %cond3A_154 : i32
      scf.if %cond3A_155 {
        %max3A = arith.constant 0 : i32
        %max3A_222 = arith.maxsi %sub3A_150, %max3A : i32
        %dma_wait3A_223 = arith.constant 0 : i32
        %dma_wait3A_224 = arith.constant 0 : i32
        %dma_wait3A_225 = arith.constant 0 : i32
        %dma_wait3A_226 = tpu.memref_slice %arg9[%dma_wait3A_223, %dma_wait3A_224, %dma_wait3A_225] : memref<4x128x32xf32, #tpu.memory_space<vmem>> -> memref<1x128x32xf32, #tpu.memory_space<vmem>>
        %dma_wait3A_227 = tpu.memref_squeeze %dma_wait3A_226 : memref<1x128x32xf32, #tpu.memory_space<vmem>> -> memref<128x32xf32, #tpu.memory_space<vmem>>
        %dma_wait3A_228 = arith.constant 0 : i32
        %dma_wait3A_229 = tpu.memref_slice %arg8[%max3A_222, %dma_wait3A_228] : memref<108x128xi32, #tpu.memory_space<vmem>> -> memref<1x128xi32, #tpu.memory_space<vmem>>
        %dma_wait3A_230 = tpu.memref_squeeze %dma_wait3A_229 : memref<1x128xi32, #tpu.memory_space<vmem>> -> memref<128xi32, #tpu.memory_space<vmem>>
        %dma_wait3A_231 = arith.constant 0 : i32
        %dma_wait3A_232 = arith.constant 0 : i32
        %dma_wait3A_233 = tpu.memref_slice %arg10[%dma_wait3A_231, %dma_wait3A_232] : memref<10240x32xf32, #tpu.memory_space<vmem_shared>> -> memref<10240x32xf32, #tpu.memory_space<vmem_shared>>
        tpu.wait_indirect_dma semaphore(%arg15 : memref<!tpu.dma_semaphore, #tpu.memory_space<semaphore_mem>>) src(%dma_wait3A_227 : memref<128x32xf32, #tpu.memory_space<vmem>>) dst(%dma_wait3A_233 : memref<10240x32xf32, #tpu.memory_space<vmem_shared>>)
        %add3A_234 = arith.constant 4 : i32
        %add3A_235 = arith.addi %sub3A_150, %add3A_234 : i32
        %lt3A = arith.cmpi slt, %add3A_235, %select_n3A : i32
        %convert_element_type3A_236 = arith.extui %lt3A : i1 to i32
        %cond3A_237 = arith.constant 0 : i32
        %cond3A_238 = arith.cmpi ne, %convert_element_type3A_236, %cond3A_237 : i32
        scf.if %cond3A_238 {
          %add3A_239 = arith.constant 4 : i32
          %add3A_240 = arith.addi %sub3A_150, %add3A_239 : i32
          %dma_start3A_241 = arith.constant 0 : i32
          %dma_start3A_242 = arith.constant 0 : i32
          %dma_start3A_243 = arith.constant 0 : i32
          %dma_start3A_244 = tpu.memref_slice %arg9[%dma_start3A_241, %dma_start3A_242, %dma_start3A_243] : memref<4x128x32xf32, #tpu.memory_space<vmem>> -> memref<1x128x32xf32, #tpu.memory_space<vmem>>
          %dma_start3A_245 = tpu.memref_squeeze %dma_start3A_244 : memref<1x128x32xf32, #tpu.memory_space<vmem>> -> memref<128x32xf32, #tpu.memory_space<vmem>>
          %dma_start3A_246 = arith.constant 0 : i32
          %dma_start3A_247 = tpu.memref_slice %arg7[%add3A_240, %dma_start3A_246] : memref<108x128xi32, #tpu.memory_space<vmem>> -> memref<1x128xi32, #tpu.memory_space<vmem>>
          %dma_start3A_248 = tpu.memref_squeeze %dma_start3A_247 : memref<1x128xi32, #tpu.memory_space<vmem>> -> memref<128xi32, #tpu.memory_space<vmem>>
          %dma_start3A_249 = arith.constant 0 : i32
          %dma_start3A_250 = arith.constant 0 : i32
          %dma_start3A_251 = tpu.memref_slice %arg2[%dma_start3A_249, %dma_start3A_250] : memref<10240x32xf32, #tpu.memory_space<hbm>> -> memref<10240x32xf32, #tpu.memory_space<hbm>>
          tpu.enqueue_indirect_dma source(%dma_start3A_251 : memref<10240x32xf32, #tpu.memory_space<hbm>>) target(%dma_start3A_245 : memref<128x32xf32, #tpu.memory_space<vmem>>) offsets(%dma_start3A_248 : memref<128xi32, #tpu.memory_space<vmem>>) semaphore(%arg11 : memref<!tpu.dma_semaphore, #tpu.memory_space<semaphore_mem>>)
        } else {
        }
      } else {
      }
      %mul3A_156 = arith.constant 4 : i32
      %mul3A_157 = arith.muli %while3A_92, %mul3A_156 : i32
      %add3A_158 = arith.constant 2 : i32
      %add3A_159 = arith.addi %mul3A_157, %add3A_158 : i32
      %dma_wait3A_160 = arith.constant 2 : i32
      %dma_wait3A_161 = arith.constant 0 : i32
      %dma_wait3A_162 = arith.constant 0 : i32
      %dma_wait3A_163 = tpu.memref_slice %arg9[%dma_wait3A_160, %dma_wait3A_161, %dma_wait3A_162] : memref<4x128x32xf32, #tpu.memory_space<vmem>> -> memref<1x128x32xf32, #tpu.memory_space<vmem>>
      %dma_wait3A_164 = tpu.memref_squeeze %dma_wait3A_163 : memref<1x128x32xf32, #tpu.memory_space<vmem>> -> memref<128x32xf32, #tpu.memory_space<vmem>>
      %dma_wait3A_165 = arith.constant 0 : i32
      %dma_wait3A_166 = tpu.memref_slice %arg7[%add3A_159, %dma_wait3A_165] : memref<108x128xi32, #tpu.memory_space<vmem>> -> memref<1x128xi32, #tpu.memory_space<vmem>>
      %dma_wait3A_167 = tpu.memref_squeeze %dma_wait3A_166 : memref<1x128xi32, #tpu.memory_space<vmem>> -> memref<128xi32, #tpu.memory_space<vmem>>
      %dma_wait3A_168 = arith.constant 0 : i32
      %dma_wait3A_169 = arith.constant 0 : i32
      %dma_wait3A_170 = tpu.memref_slice %arg2[%dma_wait3A_168, %dma_wait3A_169] : memref<10240x32xf32, #tpu.memory_space<hbm>> -> memref<10240x32xf32, #tpu.memory_space<hbm>>
      tpu.wait_indirect_dma semaphore(%arg13 : memref<!tpu.dma_semaphore, #tpu.memory_space<semaphore_mem>>) src(%dma_wait3A_170 : memref<10240x32xf32, #tpu.memory_space<hbm>>) dst(%dma_wait3A_164 : memref<128x32xf32, #tpu.memory_space<vmem>>)
      %dma_start3A_171 = arith.constant 2 : i32
      %dma_start3A_172 = arith.constant 0 : i32
      %dma_start3A_173 = arith.constant 0 : i32
      %dma_start3A_174 = tpu.memref_slice %arg9[%dma_start3A_171, %dma_start3A_172, %dma_start3A_173] : memref<4x128x32xf32, #tpu.memory_space<vmem>> -> memref<1x128x32xf32, #tpu.memory_space<vmem>>
      %dma_start3A_175 = tpu.memref_squeeze %dma_start3A_174 : memref<1x128x32xf32, #tpu.memory_space<vmem>> -> memref<128x32xf32, #tpu.memory_space<vmem>>
      %dma_start3A_176 = arith.constant 0 : i32
      %dma_start3A_177 = tpu.memref_slice %arg8[%add3A_159, %dma_start3A_176] : memref<108x128xi32, #tpu.memory_space<vmem>> -> memref<1x128xi32, #tpu.memory_space<vmem>>
      %dma_start3A_178 = tpu.memref_squeeze %dma_start3A_177 : memref<1x128xi32, #tpu.memory_space<vmem>> -> memref<128xi32, #tpu.memory_space<vmem>>
      %dma_start3A_179 = arith.constant 0 : i32
      %dma_start3A_180 = arith.constant 0 : i32
      %dma_start3A_181 = tpu.memref_slice %arg10[%dma_start3A_179, %dma_start3A_180] : memref<10240x32xf32, #tpu.memory_space<vmem_shared>> -> memref<10240x32xf32, #tpu.memory_space<vmem_shared>>
      tpu.enqueue_indirect_dma source(%dma_start3A_175 : memref<128x32xf32, #tpu.memory_space<vmem>>) target(%dma_start3A_181 : memref<10240x32xf32, #tpu.memory_space<vmem_shared>>) offsets(%dma_start3A_178 : memref<128xi32, #tpu.memory_space<vmem>>) semaphore(%arg17 : memref<!tpu.dma_semaphore, #tpu.memory_space<semaphore_mem>>) {add = true}
      %sub3A_182 = arith.constant 1 : i32
      %sub3A_183 = arith.subi %add3A_159, %sub3A_182 : i32
      %ge3A_184 = arith.constant 0 : i32
      %ge3A_185 = arith.cmpi sge, %sub3A_183, %ge3A_184 : i32
      %convert_element_type3A_186 = arith.extui %ge3A_185 : i1 to i32
      %cond3A_187 = arith.constant 0 : i32
      %cond3A_188 = arith.cmpi ne, %convert_element_type3A_186, %cond3A_187 : i32
      scf.if %cond3A_188 {
        %max3A = arith.constant 0 : i32
        %max3A_222 = arith.maxsi %sub3A_183, %max3A : i32
        %dma_wait3A_223 = arith.constant 1 : i32
        %dma_wait3A_224 = arith.constant 0 : i32
        %dma_wait3A_225 = arith.constant 0 : i32
        %dma_wait3A_226 = tpu.memref_slice %arg9[%dma_wait3A_223, %dma_wait3A_224, %dma_wait3A_225] : memref<4x128x32xf32, #tpu.memory_space<vmem>> -> memref<1x128x32xf32, #tpu.memory_space<vmem>>
        %dma_wait3A_227 = tpu.memref_squeeze %dma_wait3A_226 : memref<1x128x32xf32, #tpu.memory_space<vmem>> -> memref<128x32xf32, #tpu.memory_space<vmem>>
        %dma_wait3A_228 = arith.constant 0 : i32
        %dma_wait3A_229 = tpu.memref_slice %arg8[%max3A_222, %dma_wait3A_228] : memref<108x128xi32, #tpu.memory_space<vmem>> -> memref<1x128xi32, #tpu.memory_space<vmem>>
        %dma_wait3A_230 = tpu.memref_squeeze %dma_wait3A_229 : memref<1x128xi32, #tpu.memory_space<vmem>> -> memref<128xi32, #tpu.memory_space<vmem>>
        %dma_wait3A_231 = arith.constant 0 : i32
        %dma_wait3A_232 = arith.constant 0 : i32
        %dma_wait3A_233 = tpu.memref_slice %arg10[%dma_wait3A_231, %dma_wait3A_232] : memref<10240x32xf32, #tpu.memory_space<vmem_shared>> -> memref<10240x32xf32, #tpu.memory_space<vmem_shared>>
        tpu.wait_indirect_dma semaphore(%arg16 : memref<!tpu.dma_semaphore, #tpu.memory_space<semaphore_mem>>) src(%dma_wait3A_227 : memref<128x32xf32, #tpu.memory_space<vmem>>) dst(%dma_wait3A_233 : memref<10240x32xf32, #tpu.memory_space<vmem_shared>>)
        %add3A_234 = arith.constant 4 : i32
        %add3A_235 = arith.addi %sub3A_183, %add3A_234 : i32
        %lt3A = arith.cmpi slt, %add3A_235, %select_n3A : i32
        %convert_element_type3A_236 = arith.extui %lt3A : i1 to i32
        %cond3A_237 = arith.constant 0 : i32
        %cond3A_238 = arith.cmpi ne, %convert_element_type3A_236, %cond3A_237 : i32
        scf.if %cond3A_238 {
          %add3A_239 = arith.constant 4 : i32
          %add3A_240 = arith.addi %sub3A_183, %add3A_239 : i32
          %dma_start3A_241 = arith.constant 1 : i32
          %dma_start3A_242 = arith.constant 0 : i32
          %dma_start3A_243 = arith.constant 0 : i32
          %dma_start3A_244 = tpu.memref_slice %arg9[%dma_start3A_241, %dma_start3A_242, %dma_start3A_243] : memref<4x128x32xf32, #tpu.memory_space<vmem>> -> memref<1x128x32xf32, #tpu.memory_space<vmem>>
          %dma_start3A_245 = tpu.memref_squeeze %dma_start3A_244 : memref<1x128x32xf32, #tpu.memory_space<vmem>> -> memref<128x32xf32, #tpu.memory_space<vmem>>
          %dma_start3A_246 = arith.constant 0 : i32
          %dma_start3A_247 = tpu.memref_slice %arg7[%add3A_240, %dma_start3A_246] : memref<108x128xi32, #tpu.memory_space<vmem>> -> memref<1x128xi32, #tpu.memory_space<vmem>>
          %dma_start3A_248 = tpu.memref_squeeze %dma_start3A_247 : memref<1x128xi32, #tpu.memory_space<vmem>> -> memref<128xi32, #tpu.memory_space<vmem>>
          %dma_start3A_249 = arith.constant 0 : i32
          %dma_start3A_250 = arith.constant 0 : i32
          %dma_start3A_251 = tpu.memref_slice %arg2[%dma_start3A_249, %dma_start3A_250] : memref<10240x32xf32, #tpu.memory_space<hbm>> -> memref<10240x32xf32, #tpu.memory_space<hbm>>
          tpu.enqueue_indirect_dma source(%dma_start3A_251 : memref<10240x32xf32, #tpu.memory_space<hbm>>) target(%dma_start3A_245 : memref<128x32xf32, #tpu.memory_space<vmem>>) offsets(%dma_start3A_248 : memref<128xi32, #tpu.memory_space<vmem>>) semaphore(%arg12 : memref<!tpu.dma_semaphore, #tpu.memory_space<semaphore_mem>>)
        } else {
        }
      } else {
      }
      %mul3A_189 = arith.constant 4 : i32
      %mul3A_190 = arith.muli %while3A_92, %mul3A_189 : i32
      %add3A_191 = arith.constant 3 : i32
      %add3A_192 = arith.addi %mul3A_190, %add3A_191 : i32
      %dma_wait3A_193 = arith.constant 3 : i32
      %dma_wait3A_194 = arith.constant 0 : i32
      %dma_wait3A_195 = arith.constant 0 : i32
      %dma_wait3A_196 = tpu.memref_slice %arg9[%dma_wait3A_193, %dma_wait3A_194, %dma_wait3A_195] : memref<4x128x32xf32, #tpu.memory_space<vmem>> -> memref<1x128x32xf32, #tpu.memory_space<vmem>>
      %dma_wait3A_197 = tpu.memref_squeeze %dma_wait3A_196 : memref<1x128x32xf32, #tpu.memory_space<vmem>> -> memref<128x32xf32, #tpu.memory_space<vmem>>
      %dma_wait3A_198 = arith.constant 0 : i32
      %dma_wait3A_199 = tpu.memref_slice %arg7[%add3A_192, %dma_wait3A_198] : memref<108x128xi32, #tpu.memory_space<vmem>> -> memref<1x128xi32, #tpu.memory_space<vmem>>
      %dma_wait3A_200 = tpu.memref_squeeze %dma_wait3A_199 : memref<1x128xi32, #tpu.memory_space<vmem>> -> memref<128xi32, #tpu.memory_space<vmem>>
      %dma_wait3A_201 = arith.constant 0 : i32
      %dma_wait3A_202 = arith.constant 0 : i32
      %dma_wait3A_203 = tpu.memref_slice %arg2[%dma_wait3A_201, %dma_wait3A_202] : memref<10240x32xf32, #tpu.memory_space<hbm>> -> memref<10240x32xf32, #tpu.memory_space<hbm>>
      tpu.wait_indirect_dma semaphore(%arg14 : memref<!tpu.dma_semaphore, #tpu.memory_space<semaphore_mem>>) src(%dma_wait3A_203 : memref<10240x32xf32, #tpu.memory_space<hbm>>) dst(%dma_wait3A_197 : memref<128x32xf32, #tpu.memory_space<vmem>>)
      %dma_start3A_204 = arith.constant 3 : i32
      %dma_start3A_205 = arith.constant 0 : i32
      %dma_start3A_206 = arith.constant 0 : i32
      %dma_start3A_207 = tpu.memref_slice %arg9[%dma_start3A_204, %dma_start3A_205, %dma_start3A_206] : memref<4x128x32xf32, #tpu.memory_space<vmem>> -> memref<1x128x32xf32, #tpu.memory_space<vmem>>
      %dma_start3A_208 = tpu.memref_squeeze %dma_start3A_207 : memref<1x128x32xf32, #tpu.memory_space<vmem>> -> memref<128x32xf32, #tpu.memory_space<vmem>>
      %dma_start3A_209 = arith.constant 0 : i32
      %dma_start3A_210 = tpu.memref_slice %arg8[%add3A_192, %dma_start3A_209] : memref<108x128xi32, #tpu.memory_space<vmem>> -> memref<1x128xi32, #tpu.memory_space<vmem>>
      %dma_start3A_211 = tpu.memref_squeeze %dma_start3A_210 : memref<1x128xi32, #tpu.memory_space<vmem>> -> memref<128xi32, #tpu.memory_space<vmem>>
      %dma_start3A_212 = arith.constant 0 : i32
      %dma_start3A_213 = arith.constant 0 : i32
      %dma_start3A_214 = tpu.memref_slice %arg10[%dma_start3A_212, %dma_start3A_213] : memref<10240x32xf32, #tpu.memory_space<vmem_shared>> -> memref<10240x32xf32, #tpu.memory_space<vmem_shared>>
      tpu.enqueue_indirect_dma source(%dma_start3A_208 : memref<128x32xf32, #tpu.memory_space<vmem>>) target(%dma_start3A_214 : memref<10240x32xf32, #tpu.memory_space<vmem_shared>>) offsets(%dma_start3A_211 : memref<128xi32, #tpu.memory_space<vmem>>) semaphore(%arg18 : memref<!tpu.dma_semaphore, #tpu.memory_space<semaphore_mem>>) {add = true}
      %sub3A_215 = arith.constant 1 : i32
      %sub3A_216 = arith.subi %add3A_192, %sub3A_215 : i32
      %ge3A_217 = arith.constant 0 : i32
      %ge3A_218 = arith.cmpi sge, %sub3A_216, %ge3A_217 : i32
      %convert_element_type3A_219 = arith.extui %ge3A_218 : i1 to i32
      %cond3A_220 = arith.constant 0 : i32
      %cond3A_221 = arith.cmpi ne, %convert_element_type3A_219, %cond3A_220 : i32
      scf.if %cond3A_221 {
        %max3A = arith.constant 0 : i32
        %max3A_222 = arith.maxsi %sub3A_216, %max3A : i32
        %dma_wait3A_223 = arith.constant 2 : i32
        %dma_wait3A_224 = arith.constant 0 : i32
        %dma_wait3A_225 = arith.constant 0 : i32
        %dma_wait3A_226 = tpu.memref_slice %arg9[%dma_wait3A_223, %dma_wait3A_224, %dma_wait3A_225] : memref<4x128x32xf32, #tpu.memory_space<vmem>> -> memref<1x128x32xf32, #tpu.memory_space<vmem>>
        %dma_wait3A_227 = tpu.memref_squeeze %dma_wait3A_226 : memref<1x128x32xf32, #tpu.memory_space<vmem>> -> memref<128x32xf32, #tpu.memory_space<vmem>>
        %dma_wait3A_228 = arith.constant 0 : i32
        %dma_wait3A_229 = tpu.memref_slice %arg8[%max3A_222, %dma_wait3A_228] : memref<108x128xi32, #tpu.memory_space<vmem>> -> memref<1x128xi32, #tpu.memory_space<vmem>>
        %dma_wait3A_230 = tpu.memref_squeeze %dma_wait3A_229 : memref<1x128xi32, #tpu.memory_space<vmem>> -> memref<128xi32, #tpu.memory_space<vmem>>
        %dma_wait3A_231 = arith.constant 0 : i32
        %dma_wait3A_232 = arith.constant 0 : i32
        %dma_wait3A_233 = tpu.memref_slice %arg10[%dma_wait3A_231, %dma_wait3A_232] : memref<10240x32xf32, #tpu.memory_space<vmem_shared>> -> memref<10240x32xf32, #tpu.memory_space<vmem_shared>>
        tpu.wait_indirect_dma semaphore(%arg17 : memref<!tpu.dma_semaphore, #tpu.memory_space<semaphore_mem>>) src(%dma_wait3A_227 : memref<128x32xf32, #tpu.memory_space<vmem>>) dst(%dma_wait3A_233 : memref<10240x32xf32, #tpu.memory_space<vmem_shared>>)
        %add3A_234 = arith.constant 4 : i32
        %add3A_235 = arith.addi %sub3A_216, %add3A_234 : i32
        %lt3A = arith.cmpi slt, %add3A_235, %select_n3A : i32
        %convert_element_type3A_236 = arith.extui %lt3A : i1 to i32
        %cond3A_237 = arith.constant 0 : i32
        %cond3A_238 = arith.cmpi ne, %convert_element_type3A_236, %cond3A_237 : i32
        scf.if %cond3A_238 {
          %add3A_239 = arith.constant 4 : i32
          %add3A_240 = arith.addi %sub3A_216, %add3A_239 : i32
          %dma_start3A_241 = arith.constant 2 : i32
          %dma_start3A_242 = arith.constant 0 : i32
          %dma_start3A_243 = arith.constant 0 : i32
          %dma_start3A_244 = tpu.memref_slice %arg9[%dma_start3A_241, %dma_start3A_242, %dma_start3A_243] : memref<4x128x32xf32, #tpu.memory_space<vmem>> -> memref<1x128x32xf32, #tpu.memory_space<vmem>>
          %dma_start3A_245 = tpu.memref_squeeze %dma_start3A_244 : memref<1x128x32xf32, #tpu.memory_space<vmem>> -> memref<128x32xf32, #tpu.memory_space<vmem>>
          %dma_start3A_246 = arith.constant 0 : i32
          %dma_start3A_247 = tpu.memref_slice %arg7[%add3A_240, %dma_start3A_246] : memref<108x128xi32, #tpu.memory_space<vmem>> -> memref<1x128xi32, #tpu.memory_space<vmem>>
          %dma_start3A_248 = tpu.memref_squeeze %dma_start3A_247 : memref<1x128xi32, #tpu.memory_space<vmem>> -> memref<128xi32, #tpu.memory_space<vmem>>
          %dma_start3A_249 = arith.constant 0 : i32
          %dma_start3A_250 = arith.constant 0 : i32
          %dma_start3A_251 = tpu.memref_slice %arg2[%dma_start3A_249, %dma_start3A_250] : memref<10240x32xf32, #tpu.memory_space<hbm>> -> memref<10240x32xf32, #tpu.memory_space<hbm>>
          tpu.enqueue_indirect_dma source(%dma_start3A_251 : memref<10240x32xf32, #tpu.memory_space<hbm>>) target(%dma_start3A_245 : memref<128x32xf32, #tpu.memory_space<vmem>>) offsets(%dma_start3A_248 : memref<128xi32, #tpu.memory_space<vmem>>) semaphore(%arg13 : memref<!tpu.dma_semaphore, #tpu.memory_space<semaphore_mem>>)
        } else {
        }
      } else {
      }
    }
    %sub3A_79 = arith.constant 1 : i32
    %sub3A_80 = arith.subi %select_n3A, %sub3A_79 : i32
    %dma_wait3A = arith.constant 3 : i32
    %dma_wait3A_81 = arith.constant 0 : i32
    %dma_wait3A_82 = arith.constant 0 : i32
    %dma_wait3A_83 = tpu.memref_slice %arg9[%dma_wait3A, %dma_wait3A_81, %dma_wait3A_82] : memref<4x128x32xf32, #tpu.memory_space<vmem>> -> memref<1x128x32xf32, #tpu.memory_space<vmem>>
    %dma_wait3A_84 = tpu.memref_squeeze %dma_wait3A_83 : memref<1x128x32xf32, #tpu.memory_space<vmem>> -> memref<128x32xf32, #tpu.memory_space<vmem>>
    %dma_wait3A_85 = arith.constant 0 : i32
    %dma_wait3A_86 = tpu.memref_slice %arg8[%sub3A_80, %dma_wait3A_85] : memref<108x128xi32, #tpu.memory_space<vmem>> -> memref<1x128xi32, #tpu.memory_space<vmem>>
    %dma_wait3A_87 = tpu.memref_squeeze %dma_wait3A_86 : memref<1x128xi32, #tpu.memory_space<vmem>> -> memref<128xi32, #tpu.memory_space<vmem>>
    %dma_wait3A_88 = arith.constant 0 : i32
    %dma_wait3A_89 = arith.constant 0 : i32
    %dma_wait3A_90 = tpu.memref_slice %arg10[%dma_wait3A_88, %dma_wait3A_89] : memref<10240x32xf32, #tpu.memory_space<vmem_shared>> -> memref<10240x32xf32, #tpu.memory_space<vmem_shared>>
    tpu.wait_indirect_dma semaphore(%arg18 : memref<!tpu.dma_semaphore, #tpu.memory_space<semaphore_mem>>) src(%dma_wait3A_84 : memref<128x32xf32, #tpu.memory_space<vmem>>) dst(%dma_wait3A_90 : memref<10240x32xf32, #tpu.memory_space<vmem_shared>>)
    %barrier3A_91 = arith.constant 0 : index
    tpu.barrier barrier_id(%barrier3A_91)
    "tpu.region"() ({
      %run_scoped3A = tpu.sem_alloc : memref<!tpu.dma_semaphore, #tpu.memory_space<semaphore_mem>>
      %dma_start3A_92 = arith.constant 0 : i32
      %dma_start3A_93 = tpu.memref_slice %arg6[%arg0, %mul3A_2, %dma_start3A_92] : memref<2x10240x32xf32, #tpu.memory_space<hbm>> -> memref<1x640x32xf32, #tpu.memory_space<hbm>>
      %dma_start3A_94 = tpu.memref_squeeze %dma_start3A_93 : memref<1x640x32xf32, #tpu.memory_space<hbm>> -> memref<640x32xf32, #tpu.memory_space<hbm>>
      %dma_start3A_95 = arith.constant 0 : i32
      %dma_start3A_96 = tpu.memref_slice %arg10[%mul3A_2, %dma_start3A_95] : memref<10240x32xf32, #tpu.memory_space<vmem_shared>> -> memref<640x32xf32, #tpu.memory_space<vmem_shared>>
      tpu.enqueue_dma source(%dma_start3A_96 : memref<640x32xf32, #tpu.memory_space<vmem_shared>>) target(%dma_start3A_94 : memref<640x32xf32, #tpu.memory_space<hbm>>) target_semaphore(%run_scoped3A : memref<!tpu.dma_semaphore, #tpu.memory_space<semaphore_mem>>)
      %dma_wait3A_97 = arith.constant 0 : i32
      %dma_wait3A_98 = tpu.memref_slice %arg6[%arg0, %mul3A_2, %dma_wait3A_97] : memref<2x10240x32xf32, #tpu.memory_space<hbm>> -> memref<1x640x32xf32, #tpu.memory_space<hbm>>
      %dma_wait3A_99 = tpu.memref_squeeze %dma_wait3A_98 : memref<1x640x32xf32, #tpu.memory_space<hbm>> -> memref<640x32xf32, #tpu.memory_space<hbm>>
      %dma_wait3A_100 = arith.constant 0 : i32
      %dma_wait3A_101 = tpu.memref_slice %arg10[%mul3A_2, %dma_wait3A_100] : memref<10240x32xf32, #tpu.memory_space<vmem_shared>> -> memref<640x32xf32, #tpu.memory_space<vmem_shared>>
      tpu.wait_dma2 semaphore(%run_scoped3A : memref<!tpu.dma_semaphore, #tpu.memory_space<semaphore_mem>>) src(%dma_wait3A_101 : memref<640x32xf32, #tpu.memory_space<vmem_shared>>) dst(%dma_wait3A_99 : memref<640x32xf32, #tpu.memory_space<hbm>>)
      tpu.yield
    }) : () -> ()
    return
  }
}

#map = affine_map<(d0, d1) -> (0, 0)>
#map1 = affine_map<(d0, d1) -> (0, 0, 0)>
module attributes {stable_mosaic.version = 14 : i64} {
  func.func @agg_k(%arg0: i32, %arg1: i32, %arg2: memref<10240x16xf32, #tpu.memory_space<hbm>>, %arg3: memref<32x108x128xi32, #tpu.memory_space<hbm>>, %arg4: memref<32x108x128xi32, #tpu.memory_space<hbm>>, %arg5: memref<10240x16xf32, #tpu.memory_space<hbm>>, %arg6: memref<2x10240x16xf32, #tpu.memory_space<hbm>>, %arg7: memref<108x128xi32, #tpu.memory_space<vmem>>, %arg8: memref<108x128xi32, #tpu.memory_space<vmem>>, %arg9: memref<4x128x16xf32, #tpu.memory_space<vmem>>, %arg10: memref<10240x16xf32, #tpu.memory_space<vmem_shared>>, %arg11: memref<!tpu.dma_semaphore, #tpu.memory_space<semaphore_mem>>, %arg12: memref<!tpu.dma_semaphore, #tpu.memory_space<semaphore_mem>>, %arg13: memref<!tpu.dma_semaphore, #tpu.memory_space<semaphore_mem>>, %arg14: memref<!tpu.dma_semaphore, #tpu.memory_space<semaphore_mem>>, %arg15: memref<!tpu.dma_semaphore, #tpu.memory_space<semaphore_mem>>, %arg16: memref<!tpu.dma_semaphore, #tpu.memory_space<semaphore_mem>>, %arg17: memref<!tpu.dma_semaphore, #tpu.memory_space<semaphore_mem>>, %arg18: memref<!tpu.dma_semaphore, #tpu.memory_space<semaphore_mem>>) attributes {dimension_semantics = [#tpu.dimension_semantics<core_parallel>, #tpu.dimension_semantics<subcore_parallel>], iteration_bounds = array<i64: 2, 16>, scalar_prefetch = 0 : i64, scratch_operands = 12 : i64, tpu.core_type = #tpu.core_type<sc_vector_subcore>, window_params = [{transform_indices = #map}, {transform_indices = #map1}, {transform_indices = #map1}, {transform_indices = #map}, {transform_indices = #map1}]} {
    %mul3A = arith.constant 16 : i32
    %mul3A_0 = arith.muli %arg0, %mul3A : i32
    %add3A = arith.addi %mul3A_0, %arg1 : i32
    %mul3A_1 = arith.constant 640 : i32
    %mul3A_2 = arith.muli %arg1, %mul3A_1 : i32
    %eq3A = arith.constant 0 : i32
    %eq3A_3 = arith.cmpi eq, %arg0, %eq3A : i32
    %jit3A = arith.constant 52 : i32
    %jit3A_4 = arith.constant 108 : i32
    %select_n3A = arith.select %eq3A_3, %jit3A, %jit3A_4 : i32
    "tpu.region"() ({
      %run_scoped3A = tpu.sem_alloc : memref<!tpu.dma_semaphore, #tpu.memory_space<semaphore_mem>>
      %dma_start3A_92 = arith.constant 0 : i32
      %dma_start3A_93 = tpu.memref_slice %arg10[%mul3A_2, %dma_start3A_92] : memref<10240x16xf32, #tpu.memory_space<vmem_shared>> -> memref<640x16xf32, #tpu.memory_space<vmem_shared>>
      %dma_start3A_94 = arith.constant 0 : i32
      %dma_start3A_95 = tpu.memref_slice %arg5[%mul3A_2, %dma_start3A_94] : memref<10240x16xf32, #tpu.memory_space<hbm>> -> memref<640x16xf32, #tpu.memory_space<hbm>>
      tpu.enqueue_dma source(%dma_start3A_95 : memref<640x16xf32, #tpu.memory_space<hbm>>) target(%dma_start3A_93 : memref<640x16xf32, #tpu.memory_space<vmem_shared>>) target_semaphore(%run_scoped3A : memref<!tpu.dma_semaphore, #tpu.memory_space<semaphore_mem>>)
      %dma_wait3A_96 = arith.constant 0 : i32
      %dma_wait3A_97 = tpu.memref_slice %arg10[%mul3A_2, %dma_wait3A_96] : memref<10240x16xf32, #tpu.memory_space<vmem_shared>> -> memref<640x16xf32, #tpu.memory_space<vmem_shared>>
      %dma_wait3A_98 = arith.constant 0 : i32
      %dma_wait3A_99 = tpu.memref_slice %arg5[%mul3A_2, %dma_wait3A_98] : memref<10240x16xf32, #tpu.memory_space<hbm>> -> memref<640x16xf32, #tpu.memory_space<hbm>>
      tpu.wait_dma2 semaphore(%run_scoped3A : memref<!tpu.dma_semaphore, #tpu.memory_space<semaphore_mem>>) src(%dma_wait3A_99 : memref<640x16xf32, #tpu.memory_space<hbm>>) dst(%dma_wait3A_97 : memref<640x16xf32, #tpu.memory_space<vmem_shared>>)
      tpu.yield
    }) : () -> ()
    %barrier3A = arith.constant 0 : index
    tpu.barrier barrier_id(%barrier3A)
    "tpu.region"() ({
      %run_scoped3A = tpu.sem_alloc : memref<!tpu.dma_semaphore, #tpu.memory_space<semaphore_mem>>
      %dma_start3A_92 = arith.constant 0 : i32
      %dma_start3A_93 = arith.constant 0 : i32
      %dma_start3A_94 = tpu.memref_slice %arg3[%add3A, %dma_start3A_92, %dma_start3A_93] : memref<32x108x128xi32, #tpu.memory_space<hbm>> -> memref<1x108x128xi32, #tpu.memory_space<hbm>>
      %dma_start3A_95 = tpu.memref_squeeze %dma_start3A_94 : memref<1x108x128xi32, #tpu.memory_space<hbm>> -> memref<108x128xi32, #tpu.memory_space<hbm>>
      %dma_start3A_96 = arith.constant 0 : i32
      %dma_start3A_97 = arith.constant 0 : i32
      %dma_start3A_98 = tpu.memref_slice %arg3[%add3A, %dma_start3A_96, %dma_start3A_97] : memref<32x108x128xi32, #tpu.memory_space<hbm>> -> memref<1x108x128xi32, #tpu.memory_space<hbm>>
      %dma_start3A_99 = tpu.memref_squeeze %dma_start3A_98 : memref<1x108x128xi32, #tpu.memory_space<hbm>> -> memref<108x128xi32, #tpu.memory_space<hbm>>
      tpu.enqueue_dma source(%dma_start3A_99 : memref<108x128xi32, #tpu.memory_space<hbm>>) target(%arg7 : memref<108x128xi32, #tpu.memory_space<vmem>>) target_semaphore(%run_scoped3A : memref<!tpu.dma_semaphore, #tpu.memory_space<semaphore_mem>>)
      %dma_wait3A_100 = arith.constant 0 : i32
      %dma_wait3A_101 = arith.constant 0 : i32
      %dma_wait3A_102 = tpu.memref_slice %arg3[%add3A, %dma_wait3A_100, %dma_wait3A_101] : memref<32x108x128xi32, #tpu.memory_space<hbm>> -> memref<1x108x128xi32, #tpu.memory_space<hbm>>
      %dma_wait3A_103 = tpu.memref_squeeze %dma_wait3A_102 : memref<1x108x128xi32, #tpu.memory_space<hbm>> -> memref<108x128xi32, #tpu.memory_space<hbm>>
      %dma_wait3A_104 = arith.constant 0 : i32
      %dma_wait3A_105 = arith.constant 0 : i32
      %dma_wait3A_106 = tpu.memref_slice %arg3[%add3A, %dma_wait3A_104, %dma_wait3A_105] : memref<32x108x128xi32, #tpu.memory_space<hbm>> -> memref<1x108x128xi32, #tpu.memory_space<hbm>>
      %dma_wait3A_107 = tpu.memref_squeeze %dma_wait3A_106 : memref<1x108x128xi32, #tpu.memory_space<hbm>> -> memref<108x128xi32, #tpu.memory_space<hbm>>
      tpu.wait_dma2 semaphore(%run_scoped3A : memref<!tpu.dma_semaphore, #tpu.memory_space<semaphore_mem>>) src(%dma_wait3A_107 : memref<108x128xi32, #tpu.memory_space<hbm>>) dst(%arg7 : memref<108x128xi32, #tpu.memory_space<vmem>>)
      tpu.yield
    }) : () -> ()
    "tpu.region"() ({
      %run_scoped3A = tpu.sem_alloc : memref<!tpu.dma_semaphore, #tpu.memory_space<semaphore_mem>>
      %dma_start3A_92 = arith.constant 0 : i32
      %dma_start3A_93 = arith.constant 0 : i32
      %dma_start3A_94 = tpu.memref_slice %arg4[%add3A, %dma_start3A_92, %dma_start3A_93] : memref<32x108x128xi32, #tpu.memory_space<hbm>> -> memref<1x108x128xi32, #tpu.memory_space<hbm>>
      %dma_start3A_95 = tpu.memref_squeeze %dma_start3A_94 : memref<1x108x128xi32, #tpu.memory_space<hbm>> -> memref<108x128xi32, #tpu.memory_space<hbm>>
      %dma_start3A_96 = arith.constant 0 : i32
      %dma_start3A_97 = arith.constant 0 : i32
      %dma_start3A_98 = tpu.memref_slice %arg4[%add3A, %dma_start3A_96, %dma_start3A_97] : memref<32x108x128xi32, #tpu.memory_space<hbm>> -> memref<1x108x128xi32, #tpu.memory_space<hbm>>
      %dma_start3A_99 = tpu.memref_squeeze %dma_start3A_98 : memref<1x108x128xi32, #tpu.memory_space<hbm>> -> memref<108x128xi32, #tpu.memory_space<hbm>>
      tpu.enqueue_dma source(%dma_start3A_99 : memref<108x128xi32, #tpu.memory_space<hbm>>) target(%arg8 : memref<108x128xi32, #tpu.memory_space<vmem>>) target_semaphore(%run_scoped3A : memref<!tpu.dma_semaphore, #tpu.memory_space<semaphore_mem>>)
      %dma_wait3A_100 = arith.constant 0 : i32
      %dma_wait3A_101 = arith.constant 0 : i32
      %dma_wait3A_102 = tpu.memref_slice %arg4[%add3A, %dma_wait3A_100, %dma_wait3A_101] : memref<32x108x128xi32, #tpu.memory_space<hbm>> -> memref<1x108x128xi32, #tpu.memory_space<hbm>>
      %dma_wait3A_103 = tpu.memref_squeeze %dma_wait3A_102 : memref<1x108x128xi32, #tpu.memory_space<hbm>> -> memref<108x128xi32, #tpu.memory_space<hbm>>
      %dma_wait3A_104 = arith.constant 0 : i32
      %dma_wait3A_105 = arith.constant 0 : i32
      %dma_wait3A_106 = tpu.memref_slice %arg4[%add3A, %dma_wait3A_104, %dma_wait3A_105] : memref<32x108x128xi32, #tpu.memory_space<hbm>> -> memref<1x108x128xi32, #tpu.memory_space<hbm>>
      %dma_wait3A_107 = tpu.memref_squeeze %dma_wait3A_106 : memref<1x108x128xi32, #tpu.memory_space<hbm>> -> memref<108x128xi32, #tpu.memory_space<hbm>>
      tpu.wait_dma2 semaphore(%run_scoped3A : memref<!tpu.dma_semaphore, #tpu.memory_space<semaphore_mem>>) src(%dma_wait3A_107 : memref<108x128xi32, #tpu.memory_space<hbm>>) dst(%arg8 : memref<108x128xi32, #tpu.memory_space<vmem>>)
      tpu.yield
    }) : () -> ()
    %dma_start3A = arith.constant 0 : i32
    %dma_start3A_5 = arith.constant 0 : i32
    %dma_start3A_6 = arith.constant 0 : i32
    %dma_start3A_7 = arith.constant 0 : i32
    %dma_start3A_8 = tpu.memref_slice %arg9[%dma_start3A_5, %dma_start3A_6, %dma_start3A_7] : memref<4x128x16xf32, #tpu.memory_space<vmem>> -> memref<1x128x16xf32, #tpu.memory_space<vmem>>
    %dma_start3A_9 = tpu.memref_squeeze %dma_start3A_8 : memref<1x128x16xf32, #tpu.memory_space<vmem>> -> memref<128x16xf32, #tpu.memory_space<vmem>>
    %dma_start3A_10 = arith.constant 0 : i32
    %dma_start3A_11 = tpu.memref_slice %arg7[%dma_start3A, %dma_start3A_10] : memref<108x128xi32, #tpu.memory_space<vmem>> -> memref<1x128xi32, #tpu.memory_space<vmem>>
    %dma_start3A_12 = tpu.memref_squeeze %dma_start3A_11 : memref<1x128xi32, #tpu.memory_space<vmem>> -> memref<128xi32, #tpu.memory_space<vmem>>
    %dma_start3A_13 = arith.constant 0 : i32
    %dma_start3A_14 = arith.constant 0 : i32
    %dma_start3A_15 = tpu.memref_slice %arg2[%dma_start3A_13, %dma_start3A_14] : memref<10240x16xf32, #tpu.memory_space<hbm>> -> memref<10240x16xf32, #tpu.memory_space<hbm>>
    tpu.enqueue_indirect_dma source(%dma_start3A_15 : memref<10240x16xf32, #tpu.memory_space<hbm>>) target(%dma_start3A_9 : memref<128x16xf32, #tpu.memory_space<vmem>>) offsets(%dma_start3A_12 : memref<128xi32, #tpu.memory_space<vmem>>) semaphore(%arg11 : memref<!tpu.dma_semaphore, #tpu.memory_space<semaphore_mem>>)
    %dma_start3A_16 = arith.constant 1 : i32
    %dma_start3A_17 = arith.constant 1 : i32
    %dma_start3A_18 = arith.constant 0 : i32
    %dma_start3A_19 = arith.constant 0 : i32
    %dma_start3A_20 = tpu.memref_slice %arg9[%dma_start3A_17, %dma_start3A_18, %dma_start3A_19] : memref<4x128x16xf32, #tpu.memory_space<vmem>> -> memref<1x128x16xf32, #tpu.memory_space<vmem>>
    %dma_start3A_21 = tpu.memref_squeeze %dma_start3A_20 : memref<1x128x16xf32, #tpu.memory_space<vmem>> -> memref<128x16xf32, #tpu.memory_space<vmem>>
    %dma_start3A_22 = arith.constant 0 : i32
    %dma_start3A_23 = tpu.memref_slice %arg7[%dma_start3A_16, %dma_start3A_22] : memref<108x128xi32, #tpu.memory_space<vmem>> -> memref<1x128xi32, #tpu.memory_space<vmem>>
    %dma_start3A_24 = tpu.memref_squeeze %dma_start3A_23 : memref<1x128xi32, #tpu.memory_space<vmem>> -> memref<128xi32, #tpu.memory_space<vmem>>
    %dma_start3A_25 = arith.constant 0 : i32
    %dma_start3A_26 = arith.constant 0 : i32
    %dma_start3A_27 = tpu.memref_slice %arg2[%dma_start3A_25, %dma_start3A_26] : memref<10240x16xf32, #tpu.memory_space<hbm>> -> memref<10240x16xf32, #tpu.memory_space<hbm>>
    tpu.enqueue_indirect_dma source(%dma_start3A_27 : memref<10240x16xf32, #tpu.memory_space<hbm>>) target(%dma_start3A_21 : memref<128x16xf32, #tpu.memory_space<vmem>>) offsets(%dma_start3A_24 : memref<128xi32, #tpu.memory_space<vmem>>) semaphore(%arg12 : memref<!tpu.dma_semaphore, #tpu.memory_space<semaphore_mem>>)
    %dma_start3A_28 = arith.constant 2 : i32
    %dma_start3A_29 = arith.constant 2 : i32
    %dma_start3A_30 = arith.constant 0 : i32
    %dma_start3A_31 = arith.constant 0 : i32
    %dma_start3A_32 = tpu.memref_slice %arg9[%dma_start3A_29, %dma_start3A_30, %dma_start3A_31] : memref<4x128x16xf32, #tpu.memory_space<vmem>> -> memref<1x128x16xf32, #tpu.memory_space<vmem>>
    %dma_start3A_33 = tpu.memref_squeeze %dma_start3A_32 : memref<1x128x16xf32, #tpu.memory_space<vmem>> -> memref<128x16xf32, #tpu.memory_space<vmem>>
    %dma_start3A_34 = arith.constant 0 : i32
    %dma_start3A_35 = tpu.memref_slice %arg7[%dma_start3A_28, %dma_start3A_34] : memref<108x128xi32, #tpu.memory_space<vmem>> -> memref<1x128xi32, #tpu.memory_space<vmem>>
    %dma_start3A_36 = tpu.memref_squeeze %dma_start3A_35 : memref<1x128xi32, #tpu.memory_space<vmem>> -> memref<128xi32, #tpu.memory_space<vmem>>
    %dma_start3A_37 = arith.constant 0 : i32
    %dma_start3A_38 = arith.constant 0 : i32
    %dma_start3A_39 = tpu.memref_slice %arg2[%dma_start3A_37, %dma_start3A_38] : memref<10240x16xf32, #tpu.memory_space<hbm>> -> memref<10240x16xf32, #tpu.memory_space<hbm>>
    tpu.enqueue_indirect_dma source(%dma_start3A_39 : memref<10240x16xf32, #tpu.memory_space<hbm>>) target(%dma_start3A_33 : memref<128x16xf32, #tpu.memory_space<vmem>>) offsets(%dma_start3A_36 : memref<128xi32, #tpu.memory_space<vmem>>) semaphore(%arg13 : memref<!tpu.dma_semaphore, #tpu.memory_space<semaphore_mem>>)
    %dma_start3A_40 = arith.constant 3 : i32
    %dma_start3A_41 = arith.constant 3 : i32
    %dma_start3A_42 = arith.constant 0 : i32
    %dma_start3A_43 = arith.constant 0 : i32
    %dma_start3A_44 = tpu.memref_slice %arg9[%dma_start3A_41, %dma_start3A_42, %dma_start3A_43] : memref<4x128x16xf32, #tpu.memory_space<vmem>> -> memref<1x128x16xf32, #tpu.memory_space<vmem>>
    %dma_start3A_45 = tpu.memref_squeeze %dma_start3A_44 : memref<1x128x16xf32, #tpu.memory_space<vmem>> -> memref<128x16xf32, #tpu.memory_space<vmem>>
    %dma_start3A_46 = arith.constant 0 : i32
    %dma_start3A_47 = tpu.memref_slice %arg7[%dma_start3A_40, %dma_start3A_46] : memref<108x128xi32, #tpu.memory_space<vmem>> -> memref<1x128xi32, #tpu.memory_space<vmem>>
    %dma_start3A_48 = tpu.memref_squeeze %dma_start3A_47 : memref<1x128xi32, #tpu.memory_space<vmem>> -> memref<128xi32, #tpu.memory_space<vmem>>
    %dma_start3A_49 = arith.constant 0 : i32
    %dma_start3A_50 = arith.constant 0 : i32
    %dma_start3A_51 = tpu.memref_slice %arg2[%dma_start3A_49, %dma_start3A_50] : memref<10240x16xf32, #tpu.memory_space<hbm>> -> memref<10240x16xf32, #tpu.memory_space<hbm>>
    tpu.enqueue_indirect_dma source(%dma_start3A_51 : memref<10240x16xf32, #tpu.memory_space<hbm>>) target(%dma_start3A_45 : memref<128x16xf32, #tpu.memory_space<vmem>>) offsets(%dma_start3A_48 : memref<128xi32, #tpu.memory_space<vmem>>) semaphore(%arg14 : memref<!tpu.dma_semaphore, #tpu.memory_space<semaphore_mem>>)
    %jit3A_52 = arith.constant 4 : i32
    %div3A = arith.divsi %select_n3A, %jit3A_52 : i32
    %sign3A = arith.constant 0 : i32
    %sign3A_53 = arith.cmpi sgt, %select_n3A, %sign3A : i32
    %sign3A_54 = arith.extui %sign3A_53 : i1 to i32
    %sign3A_55 = arith.constant 0 : i32
    %sign3A_56 = arith.cmpi slt, %select_n3A, %sign3A_55 : i32
    %sign3A_57 = arith.extui %sign3A_56 : i1 to i32
    %sign3A_58 = arith.subi %sign3A_54, %sign3A_57 : i32
    %sign3A_59 = arith.constant 0 : i32
    %sign3A_60 = arith.cmpi sgt, %jit3A_52, %sign3A_59 : i32
    %sign3A_61 = arith.extui %sign3A_60 : i1 to i32
    %sign3A_62 = arith.constant 0 : i32
    %sign3A_63 = arith.cmpi slt, %jit3A_52, %sign3A_62 : i32
    %sign3A_64 = arith.extui %sign3A_63 : i1 to i32
    %sign3A_65 = arith.subi %sign3A_61, %sign3A_64 : i32
    %ne3A = arith.cmpi ne, %sign3A_58, %sign3A_65 : i32
    %rem3A = arith.remsi %select_n3A, %jit3A_52 : i32
    %ne3A_66 = arith.constant 0 : i32
    %ne3A_67 = arith.cmpi ne, %rem3A, %ne3A_66 : i32
    %and3A = arith.andi %ne3A, %ne3A_67 : i1
    %sub3A = arith.constant 1 : i32
    %sub3A_68 = arith.subi %div3A, %sub3A : i32
    %select_n3A_69 = arith.select %and3A, %sub3A_68, %div3A : i32
    %while3A = arith.constant 0 : i32
    %while3A_70 = arith.constant 0 : i32
    %while3A_71 = arith.subi %select_n3A_69, %while3A_70 : i32
    %while3A_72 = arith.addi %while3A_70, %while3A_71 : i32
    %while3A_73 = arith.constant 1 : i32
    %while3A_74 = arith.divsi %while3A_71, %while3A_73 : i32
    %while3A_75 = arith.muli %while3A_74, %while3A_73 : i32
    %while3A_76 = arith.addi %while3A_70, %while3A_75 : i32
    %while3A_77 = arith.constant 1 : i32
    scf.for %while3A_92 = %while3A_70 to %while3A_76 step %while3A_77  : i32 {
      %mul3A_93 = arith.constant 4 : i32
      %mul3A_94 = arith.muli %while3A_92, %mul3A_93 : i32
      %add3A_95 = arith.constant 0 : i32
      %add3A_96 = arith.addi %mul3A_94, %add3A_95 : i32
      %dma_wait3A_97 = arith.constant 0 : i32
      %dma_wait3A_98 = arith.constant 0 : i32
      %dma_wait3A_99 = arith.constant 0 : i32
      %dma_wait3A_100 = tpu.memref_slice %arg9[%dma_wait3A_97, %dma_wait3A_98, %dma_wait3A_99] : memref<4x128x16xf32, #tpu.memory_space<vmem>> -> memref<1x128x16xf32, #tpu.memory_space<vmem>>
      %dma_wait3A_101 = tpu.memref_squeeze %dma_wait3A_100 : memref<1x128x16xf32, #tpu.memory_space<vmem>> -> memref<128x16xf32, #tpu.memory_space<vmem>>
      %dma_wait3A_102 = arith.constant 0 : i32
      %dma_wait3A_103 = tpu.memref_slice %arg7[%add3A_96, %dma_wait3A_102] : memref<108x128xi32, #tpu.memory_space<vmem>> -> memref<1x128xi32, #tpu.memory_space<vmem>>
      %dma_wait3A_104 = tpu.memref_squeeze %dma_wait3A_103 : memref<1x128xi32, #tpu.memory_space<vmem>> -> memref<128xi32, #tpu.memory_space<vmem>>
      %dma_wait3A_105 = arith.constant 0 : i32
      %dma_wait3A_106 = arith.constant 0 : i32
      %dma_wait3A_107 = tpu.memref_slice %arg2[%dma_wait3A_105, %dma_wait3A_106] : memref<10240x16xf32, #tpu.memory_space<hbm>> -> memref<10240x16xf32, #tpu.memory_space<hbm>>
      tpu.wait_indirect_dma semaphore(%arg11 : memref<!tpu.dma_semaphore, #tpu.memory_space<semaphore_mem>>) src(%dma_wait3A_107 : memref<10240x16xf32, #tpu.memory_space<hbm>>) dst(%dma_wait3A_101 : memref<128x16xf32, #tpu.memory_space<vmem>>)
      %dma_start3A_108 = arith.constant 0 : i32
      %dma_start3A_109 = arith.constant 0 : i32
      %dma_start3A_110 = arith.constant 0 : i32
      %dma_start3A_111 = tpu.memref_slice %arg9[%dma_start3A_108, %dma_start3A_109, %dma_start3A_110] : memref<4x128x16xf32, #tpu.memory_space<vmem>> -> memref<1x128x16xf32, #tpu.memory_space<vmem>>
      %dma_start3A_112 = tpu.memref_squeeze %dma_start3A_111 : memref<1x128x16xf32, #tpu.memory_space<vmem>> -> memref<128x16xf32, #tpu.memory_space<vmem>>
      %dma_start3A_113 = arith.constant 0 : i32
      %dma_start3A_114 = tpu.memref_slice %arg8[%add3A_96, %dma_start3A_113] : memref<108x128xi32, #tpu.memory_space<vmem>> -> memref<1x128xi32, #tpu.memory_space<vmem>>
      %dma_start3A_115 = tpu.memref_squeeze %dma_start3A_114 : memref<1x128xi32, #tpu.memory_space<vmem>> -> memref<128xi32, #tpu.memory_space<vmem>>
      %dma_start3A_116 = arith.constant 0 : i32
      %dma_start3A_117 = arith.constant 0 : i32
      %dma_start3A_118 = tpu.memref_slice %arg10[%dma_start3A_116, %dma_start3A_117] : memref<10240x16xf32, #tpu.memory_space<vmem_shared>> -> memref<10240x16xf32, #tpu.memory_space<vmem_shared>>
      tpu.enqueue_indirect_dma source(%dma_start3A_112 : memref<128x16xf32, #tpu.memory_space<vmem>>) target(%dma_start3A_118 : memref<10240x16xf32, #tpu.memory_space<vmem_shared>>) offsets(%dma_start3A_115 : memref<128xi32, #tpu.memory_space<vmem>>) semaphore(%arg15 : memref<!tpu.dma_semaphore, #tpu.memory_space<semaphore_mem>>) {add = true}
      %sub3A_119 = arith.constant 1 : i32
      %sub3A_120 = arith.subi %add3A_96, %sub3A_119 : i32
      %ge3A = arith.constant 0 : i32
      %ge3A_121 = arith.cmpi sge, %sub3A_120, %ge3A : i32
      %convert_element_type3A = arith.extui %ge3A_121 : i1 to i32
      %cond3A = arith.constant 0 : i32
      %cond3A_122 = arith.cmpi ne, %convert_element_type3A, %cond3A : i32
      scf.if %cond3A_122 {
        %max3A = arith.constant 0 : i32
        %max3A_222 = arith.maxsi %sub3A_120, %max3A : i32
        %dma_wait3A_223 = arith.constant 3 : i32
        %dma_wait3A_224 = arith.constant 0 : i32
        %dma_wait3A_225 = arith.constant 0 : i32
        %dma_wait3A_226 = tpu.memref_slice %arg9[%dma_wait3A_223, %dma_wait3A_224, %dma_wait3A_225] : memref<4x128x16xf32, #tpu.memory_space<vmem>> -> memref<1x128x16xf32, #tpu.memory_space<vmem>>
        %dma_wait3A_227 = tpu.memref_squeeze %dma_wait3A_226 : memref<1x128x16xf32, #tpu.memory_space<vmem>> -> memref<128x16xf32, #tpu.memory_space<vmem>>
        %dma_wait3A_228 = arith.constant 0 : i32
        %dma_wait3A_229 = tpu.memref_slice %arg8[%max3A_222, %dma_wait3A_228] : memref<108x128xi32, #tpu.memory_space<vmem>> -> memref<1x128xi32, #tpu.memory_space<vmem>>
        %dma_wait3A_230 = tpu.memref_squeeze %dma_wait3A_229 : memref<1x128xi32, #tpu.memory_space<vmem>> -> memref<128xi32, #tpu.memory_space<vmem>>
        %dma_wait3A_231 = arith.constant 0 : i32
        %dma_wait3A_232 = arith.constant 0 : i32
        %dma_wait3A_233 = tpu.memref_slice %arg10[%dma_wait3A_231, %dma_wait3A_232] : memref<10240x16xf32, #tpu.memory_space<vmem_shared>> -> memref<10240x16xf32, #tpu.memory_space<vmem_shared>>
        tpu.wait_indirect_dma semaphore(%arg18 : memref<!tpu.dma_semaphore, #tpu.memory_space<semaphore_mem>>) src(%dma_wait3A_227 : memref<128x16xf32, #tpu.memory_space<vmem>>) dst(%dma_wait3A_233 : memref<10240x16xf32, #tpu.memory_space<vmem_shared>>)
        %add3A_234 = arith.constant 4 : i32
        %add3A_235 = arith.addi %sub3A_120, %add3A_234 : i32
        %lt3A = arith.cmpi slt, %add3A_235, %select_n3A : i32
        %convert_element_type3A_236 = arith.extui %lt3A : i1 to i32
        %cond3A_237 = arith.constant 0 : i32
        %cond3A_238 = arith.cmpi ne, %convert_element_type3A_236, %cond3A_237 : i32
        scf.if %cond3A_238 {
          %add3A_239 = arith.constant 4 : i32
          %add3A_240 = arith.addi %sub3A_120, %add3A_239 : i32
          %dma_start3A_241 = arith.constant 3 : i32
          %dma_start3A_242 = arith.constant 0 : i32
          %dma_start3A_243 = arith.constant 0 : i32
          %dma_start3A_244 = tpu.memref_slice %arg9[%dma_start3A_241, %dma_start3A_242, %dma_start3A_243] : memref<4x128x16xf32, #tpu.memory_space<vmem>> -> memref<1x128x16xf32, #tpu.memory_space<vmem>>
          %dma_start3A_245 = tpu.memref_squeeze %dma_start3A_244 : memref<1x128x16xf32, #tpu.memory_space<vmem>> -> memref<128x16xf32, #tpu.memory_space<vmem>>
          %dma_start3A_246 = arith.constant 0 : i32
          %dma_start3A_247 = tpu.memref_slice %arg7[%add3A_240, %dma_start3A_246] : memref<108x128xi32, #tpu.memory_space<vmem>> -> memref<1x128xi32, #tpu.memory_space<vmem>>
          %dma_start3A_248 = tpu.memref_squeeze %dma_start3A_247 : memref<1x128xi32, #tpu.memory_space<vmem>> -> memref<128xi32, #tpu.memory_space<vmem>>
          %dma_start3A_249 = arith.constant 0 : i32
          %dma_start3A_250 = arith.constant 0 : i32
          %dma_start3A_251 = tpu.memref_slice %arg2[%dma_start3A_249, %dma_start3A_250] : memref<10240x16xf32, #tpu.memory_space<hbm>> -> memref<10240x16xf32, #tpu.memory_space<hbm>>
          tpu.enqueue_indirect_dma source(%dma_start3A_251 : memref<10240x16xf32, #tpu.memory_space<hbm>>) target(%dma_start3A_245 : memref<128x16xf32, #tpu.memory_space<vmem>>) offsets(%dma_start3A_248 : memref<128xi32, #tpu.memory_space<vmem>>) semaphore(%arg14 : memref<!tpu.dma_semaphore, #tpu.memory_space<semaphore_mem>>)
        } else {
        }
      } else {
      }
      %mul3A_123 = arith.constant 4 : i32
      %mul3A_124 = arith.muli %while3A_92, %mul3A_123 : i32
      %add3A_125 = arith.constant 1 : i32
      %add3A_126 = arith.addi %mul3A_124, %add3A_125 : i32
      %dma_wait3A_127 = arith.constant 1 : i32
      %dma_wait3A_128 = arith.constant 0 : i32
      %dma_wait3A_129 = arith.constant 0 : i32
      %dma_wait3A_130 = tpu.memref_slice %arg9[%dma_wait3A_127, %dma_wait3A_128, %dma_wait3A_129] : memref<4x128x16xf32, #tpu.memory_space<vmem>> -> memref<1x128x16xf32, #tpu.memory_space<vmem>>
      %dma_wait3A_131 = tpu.memref_squeeze %dma_wait3A_130 : memref<1x128x16xf32, #tpu.memory_space<vmem>> -> memref<128x16xf32, #tpu.memory_space<vmem>>
      %dma_wait3A_132 = arith.constant 0 : i32
      %dma_wait3A_133 = tpu.memref_slice %arg7[%add3A_126, %dma_wait3A_132] : memref<108x128xi32, #tpu.memory_space<vmem>> -> memref<1x128xi32, #tpu.memory_space<vmem>>
      %dma_wait3A_134 = tpu.memref_squeeze %dma_wait3A_133 : memref<1x128xi32, #tpu.memory_space<vmem>> -> memref<128xi32, #tpu.memory_space<vmem>>
      %dma_wait3A_135 = arith.constant 0 : i32
      %dma_wait3A_136 = arith.constant 0 : i32
      %dma_wait3A_137 = tpu.memref_slice %arg2[%dma_wait3A_135, %dma_wait3A_136] : memref<10240x16xf32, #tpu.memory_space<hbm>> -> memref<10240x16xf32, #tpu.memory_space<hbm>>
      tpu.wait_indirect_dma semaphore(%arg12 : memref<!tpu.dma_semaphore, #tpu.memory_space<semaphore_mem>>) src(%dma_wait3A_137 : memref<10240x16xf32, #tpu.memory_space<hbm>>) dst(%dma_wait3A_131 : memref<128x16xf32, #tpu.memory_space<vmem>>)
      %dma_start3A_138 = arith.constant 1 : i32
      %dma_start3A_139 = arith.constant 0 : i32
      %dma_start3A_140 = arith.constant 0 : i32
      %dma_start3A_141 = tpu.memref_slice %arg9[%dma_start3A_138, %dma_start3A_139, %dma_start3A_140] : memref<4x128x16xf32, #tpu.memory_space<vmem>> -> memref<1x128x16xf32, #tpu.memory_space<vmem>>
      %dma_start3A_142 = tpu.memref_squeeze %dma_start3A_141 : memref<1x128x16xf32, #tpu.memory_space<vmem>> -> memref<128x16xf32, #tpu.memory_space<vmem>>
      %dma_start3A_143 = arith.constant 0 : i32
      %dma_start3A_144 = tpu.memref_slice %arg8[%add3A_126, %dma_start3A_143] : memref<108x128xi32, #tpu.memory_space<vmem>> -> memref<1x128xi32, #tpu.memory_space<vmem>>
      %dma_start3A_145 = tpu.memref_squeeze %dma_start3A_144 : memref<1x128xi32, #tpu.memory_space<vmem>> -> memref<128xi32, #tpu.memory_space<vmem>>
      %dma_start3A_146 = arith.constant 0 : i32
      %dma_start3A_147 = arith.constant 0 : i32
      %dma_start3A_148 = tpu.memref_slice %arg10[%dma_start3A_146, %dma_start3A_147] : memref<10240x16xf32, #tpu.memory_space<vmem_shared>> -> memref<10240x16xf32, #tpu.memory_space<vmem_shared>>
      tpu.enqueue_indirect_dma source(%dma_start3A_142 : memref<128x16xf32, #tpu.memory_space<vmem>>) target(%dma_start3A_148 : memref<10240x16xf32, #tpu.memory_space<vmem_shared>>) offsets(%dma_start3A_145 : memref<128xi32, #tpu.memory_space<vmem>>) semaphore(%arg16 : memref<!tpu.dma_semaphore, #tpu.memory_space<semaphore_mem>>) {add = true}
      %sub3A_149 = arith.constant 1 : i32
      %sub3A_150 = arith.subi %add3A_126, %sub3A_149 : i32
      %ge3A_151 = arith.constant 0 : i32
      %ge3A_152 = arith.cmpi sge, %sub3A_150, %ge3A_151 : i32
      %convert_element_type3A_153 = arith.extui %ge3A_152 : i1 to i32
      %cond3A_154 = arith.constant 0 : i32
      %cond3A_155 = arith.cmpi ne, %convert_element_type3A_153, %cond3A_154 : i32
      scf.if %cond3A_155 {
        %max3A = arith.constant 0 : i32
        %max3A_222 = arith.maxsi %sub3A_150, %max3A : i32
        %dma_wait3A_223 = arith.constant 0 : i32
        %dma_wait3A_224 = arith.constant 0 : i32
        %dma_wait3A_225 = arith.constant 0 : i32
        %dma_wait3A_226 = tpu.memref_slice %arg9[%dma_wait3A_223, %dma_wait3A_224, %dma_wait3A_225] : memref<4x128x16xf32, #tpu.memory_space<vmem>> -> memref<1x128x16xf32, #tpu.memory_space<vmem>>
        %dma_wait3A_227 = tpu.memref_squeeze %dma_wait3A_226 : memref<1x128x16xf32, #tpu.memory_space<vmem>> -> memref<128x16xf32, #tpu.memory_space<vmem>>
        %dma_wait3A_228 = arith.constant 0 : i32
        %dma_wait3A_229 = tpu.memref_slice %arg8[%max3A_222, %dma_wait3A_228] : memref<108x128xi32, #tpu.memory_space<vmem>> -> memref<1x128xi32, #tpu.memory_space<vmem>>
        %dma_wait3A_230 = tpu.memref_squeeze %dma_wait3A_229 : memref<1x128xi32, #tpu.memory_space<vmem>> -> memref<128xi32, #tpu.memory_space<vmem>>
        %dma_wait3A_231 = arith.constant 0 : i32
        %dma_wait3A_232 = arith.constant 0 : i32
        %dma_wait3A_233 = tpu.memref_slice %arg10[%dma_wait3A_231, %dma_wait3A_232] : memref<10240x16xf32, #tpu.memory_space<vmem_shared>> -> memref<10240x16xf32, #tpu.memory_space<vmem_shared>>
        tpu.wait_indirect_dma semaphore(%arg15 : memref<!tpu.dma_semaphore, #tpu.memory_space<semaphore_mem>>) src(%dma_wait3A_227 : memref<128x16xf32, #tpu.memory_space<vmem>>) dst(%dma_wait3A_233 : memref<10240x16xf32, #tpu.memory_space<vmem_shared>>)
        %add3A_234 = arith.constant 4 : i32
        %add3A_235 = arith.addi %sub3A_150, %add3A_234 : i32
        %lt3A = arith.cmpi slt, %add3A_235, %select_n3A : i32
        %convert_element_type3A_236 = arith.extui %lt3A : i1 to i32
        %cond3A_237 = arith.constant 0 : i32
        %cond3A_238 = arith.cmpi ne, %convert_element_type3A_236, %cond3A_237 : i32
        scf.if %cond3A_238 {
          %add3A_239 = arith.constant 4 : i32
          %add3A_240 = arith.addi %sub3A_150, %add3A_239 : i32
          %dma_start3A_241 = arith.constant 0 : i32
          %dma_start3A_242 = arith.constant 0 : i32
          %dma_start3A_243 = arith.constant 0 : i32
          %dma_start3A_244 = tpu.memref_slice %arg9[%dma_start3A_241, %dma_start3A_242, %dma_start3A_243] : memref<4x128x16xf32, #tpu.memory_space<vmem>> -> memref<1x128x16xf32, #tpu.memory_space<vmem>>
          %dma_start3A_245 = tpu.memref_squeeze %dma_start3A_244 : memref<1x128x16xf32, #tpu.memory_space<vmem>> -> memref<128x16xf32, #tpu.memory_space<vmem>>
          %dma_start3A_246 = arith.constant 0 : i32
          %dma_start3A_247 = tpu.memref_slice %arg7[%add3A_240, %dma_start3A_246] : memref<108x128xi32, #tpu.memory_space<vmem>> -> memref<1x128xi32, #tpu.memory_space<vmem>>
          %dma_start3A_248 = tpu.memref_squeeze %dma_start3A_247 : memref<1x128xi32, #tpu.memory_space<vmem>> -> memref<128xi32, #tpu.memory_space<vmem>>
          %dma_start3A_249 = arith.constant 0 : i32
          %dma_start3A_250 = arith.constant 0 : i32
          %dma_start3A_251 = tpu.memref_slice %arg2[%dma_start3A_249, %dma_start3A_250] : memref<10240x16xf32, #tpu.memory_space<hbm>> -> memref<10240x16xf32, #tpu.memory_space<hbm>>
          tpu.enqueue_indirect_dma source(%dma_start3A_251 : memref<10240x16xf32, #tpu.memory_space<hbm>>) target(%dma_start3A_245 : memref<128x16xf32, #tpu.memory_space<vmem>>) offsets(%dma_start3A_248 : memref<128xi32, #tpu.memory_space<vmem>>) semaphore(%arg11 : memref<!tpu.dma_semaphore, #tpu.memory_space<semaphore_mem>>)
        } else {
        }
      } else {
      }
      %mul3A_156 = arith.constant 4 : i32
      %mul3A_157 = arith.muli %while3A_92, %mul3A_156 : i32
      %add3A_158 = arith.constant 2 : i32
      %add3A_159 = arith.addi %mul3A_157, %add3A_158 : i32
      %dma_wait3A_160 = arith.constant 2 : i32
      %dma_wait3A_161 = arith.constant 0 : i32
      %dma_wait3A_162 = arith.constant 0 : i32
      %dma_wait3A_163 = tpu.memref_slice %arg9[%dma_wait3A_160, %dma_wait3A_161, %dma_wait3A_162] : memref<4x128x16xf32, #tpu.memory_space<vmem>> -> memref<1x128x16xf32, #tpu.memory_space<vmem>>
      %dma_wait3A_164 = tpu.memref_squeeze %dma_wait3A_163 : memref<1x128x16xf32, #tpu.memory_space<vmem>> -> memref<128x16xf32, #tpu.memory_space<vmem>>
      %dma_wait3A_165 = arith.constant 0 : i32
      %dma_wait3A_166 = tpu.memref_slice %arg7[%add3A_159, %dma_wait3A_165] : memref<108x128xi32, #tpu.memory_space<vmem>> -> memref<1x128xi32, #tpu.memory_space<vmem>>
      %dma_wait3A_167 = tpu.memref_squeeze %dma_wait3A_166 : memref<1x128xi32, #tpu.memory_space<vmem>> -> memref<128xi32, #tpu.memory_space<vmem>>
      %dma_wait3A_168 = arith.constant 0 : i32
      %dma_wait3A_169 = arith.constant 0 : i32
      %dma_wait3A_170 = tpu.memref_slice %arg2[%dma_wait3A_168, %dma_wait3A_169] : memref<10240x16xf32, #tpu.memory_space<hbm>> -> memref<10240x16xf32, #tpu.memory_space<hbm>>
      tpu.wait_indirect_dma semaphore(%arg13 : memref<!tpu.dma_semaphore, #tpu.memory_space<semaphore_mem>>) src(%dma_wait3A_170 : memref<10240x16xf32, #tpu.memory_space<hbm>>) dst(%dma_wait3A_164 : memref<128x16xf32, #tpu.memory_space<vmem>>)
      %dma_start3A_171 = arith.constant 2 : i32
      %dma_start3A_172 = arith.constant 0 : i32
      %dma_start3A_173 = arith.constant 0 : i32
      %dma_start3A_174 = tpu.memref_slice %arg9[%dma_start3A_171, %dma_start3A_172, %dma_start3A_173] : memref<4x128x16xf32, #tpu.memory_space<vmem>> -> memref<1x128x16xf32, #tpu.memory_space<vmem>>
      %dma_start3A_175 = tpu.memref_squeeze %dma_start3A_174 : memref<1x128x16xf32, #tpu.memory_space<vmem>> -> memref<128x16xf32, #tpu.memory_space<vmem>>
      %dma_start3A_176 = arith.constant 0 : i32
      %dma_start3A_177 = tpu.memref_slice %arg8[%add3A_159, %dma_start3A_176] : memref<108x128xi32, #tpu.memory_space<vmem>> -> memref<1x128xi32, #tpu.memory_space<vmem>>
      %dma_start3A_178 = tpu.memref_squeeze %dma_start3A_177 : memref<1x128xi32, #tpu.memory_space<vmem>> -> memref<128xi32, #tpu.memory_space<vmem>>
      %dma_start3A_179 = arith.constant 0 : i32
      %dma_start3A_180 = arith.constant 0 : i32
      %dma_start3A_181 = tpu.memref_slice %arg10[%dma_start3A_179, %dma_start3A_180] : memref<10240x16xf32, #tpu.memory_space<vmem_shared>> -> memref<10240x16xf32, #tpu.memory_space<vmem_shared>>
      tpu.enqueue_indirect_dma source(%dma_start3A_175 : memref<128x16xf32, #tpu.memory_space<vmem>>) target(%dma_start3A_181 : memref<10240x16xf32, #tpu.memory_space<vmem_shared>>) offsets(%dma_start3A_178 : memref<128xi32, #tpu.memory_space<vmem>>) semaphore(%arg17 : memref<!tpu.dma_semaphore, #tpu.memory_space<semaphore_mem>>) {add = true}
      %sub3A_182 = arith.constant 1 : i32
      %sub3A_183 = arith.subi %add3A_159, %sub3A_182 : i32
      %ge3A_184 = arith.constant 0 : i32
      %ge3A_185 = arith.cmpi sge, %sub3A_183, %ge3A_184 : i32
      %convert_element_type3A_186 = arith.extui %ge3A_185 : i1 to i32
      %cond3A_187 = arith.constant 0 : i32
      %cond3A_188 = arith.cmpi ne, %convert_element_type3A_186, %cond3A_187 : i32
      scf.if %cond3A_188 {
        %max3A = arith.constant 0 : i32
        %max3A_222 = arith.maxsi %sub3A_183, %max3A : i32
        %dma_wait3A_223 = arith.constant 1 : i32
        %dma_wait3A_224 = arith.constant 0 : i32
        %dma_wait3A_225 = arith.constant 0 : i32
        %dma_wait3A_226 = tpu.memref_slice %arg9[%dma_wait3A_223, %dma_wait3A_224, %dma_wait3A_225] : memref<4x128x16xf32, #tpu.memory_space<vmem>> -> memref<1x128x16xf32, #tpu.memory_space<vmem>>
        %dma_wait3A_227 = tpu.memref_squeeze %dma_wait3A_226 : memref<1x128x16xf32, #tpu.memory_space<vmem>> -> memref<128x16xf32, #tpu.memory_space<vmem>>
        %dma_wait3A_228 = arith.constant 0 : i32
        %dma_wait3A_229 = tpu.memref_slice %arg8[%max3A_222, %dma_wait3A_228] : memref<108x128xi32, #tpu.memory_space<vmem>> -> memref<1x128xi32, #tpu.memory_space<vmem>>
        %dma_wait3A_230 = tpu.memref_squeeze %dma_wait3A_229 : memref<1x128xi32, #tpu.memory_space<vmem>> -> memref<128xi32, #tpu.memory_space<vmem>>
        %dma_wait3A_231 = arith.constant 0 : i32
        %dma_wait3A_232 = arith.constant 0 : i32
        %dma_wait3A_233 = tpu.memref_slice %arg10[%dma_wait3A_231, %dma_wait3A_232] : memref<10240x16xf32, #tpu.memory_space<vmem_shared>> -> memref<10240x16xf32, #tpu.memory_space<vmem_shared>>
        tpu.wait_indirect_dma semaphore(%arg16 : memref<!tpu.dma_semaphore, #tpu.memory_space<semaphore_mem>>) src(%dma_wait3A_227 : memref<128x16xf32, #tpu.memory_space<vmem>>) dst(%dma_wait3A_233 : memref<10240x16xf32, #tpu.memory_space<vmem_shared>>)
        %add3A_234 = arith.constant 4 : i32
        %add3A_235 = arith.addi %sub3A_183, %add3A_234 : i32
        %lt3A = arith.cmpi slt, %add3A_235, %select_n3A : i32
        %convert_element_type3A_236 = arith.extui %lt3A : i1 to i32
        %cond3A_237 = arith.constant 0 : i32
        %cond3A_238 = arith.cmpi ne, %convert_element_type3A_236, %cond3A_237 : i32
        scf.if %cond3A_238 {
          %add3A_239 = arith.constant 4 : i32
          %add3A_240 = arith.addi %sub3A_183, %add3A_239 : i32
          %dma_start3A_241 = arith.constant 1 : i32
          %dma_start3A_242 = arith.constant 0 : i32
          %dma_start3A_243 = arith.constant 0 : i32
          %dma_start3A_244 = tpu.memref_slice %arg9[%dma_start3A_241, %dma_start3A_242, %dma_start3A_243] : memref<4x128x16xf32, #tpu.memory_space<vmem>> -> memref<1x128x16xf32, #tpu.memory_space<vmem>>
          %dma_start3A_245 = tpu.memref_squeeze %dma_start3A_244 : memref<1x128x16xf32, #tpu.memory_space<vmem>> -> memref<128x16xf32, #tpu.memory_space<vmem>>
          %dma_start3A_246 = arith.constant 0 : i32
          %dma_start3A_247 = tpu.memref_slice %arg7[%add3A_240, %dma_start3A_246] : memref<108x128xi32, #tpu.memory_space<vmem>> -> memref<1x128xi32, #tpu.memory_space<vmem>>
          %dma_start3A_248 = tpu.memref_squeeze %dma_start3A_247 : memref<1x128xi32, #tpu.memory_space<vmem>> -> memref<128xi32, #tpu.memory_space<vmem>>
          %dma_start3A_249 = arith.constant 0 : i32
          %dma_start3A_250 = arith.constant 0 : i32
          %dma_start3A_251 = tpu.memref_slice %arg2[%dma_start3A_249, %dma_start3A_250] : memref<10240x16xf32, #tpu.memory_space<hbm>> -> memref<10240x16xf32, #tpu.memory_space<hbm>>
          tpu.enqueue_indirect_dma source(%dma_start3A_251 : memref<10240x16xf32, #tpu.memory_space<hbm>>) target(%dma_start3A_245 : memref<128x16xf32, #tpu.memory_space<vmem>>) offsets(%dma_start3A_248 : memref<128xi32, #tpu.memory_space<vmem>>) semaphore(%arg12 : memref<!tpu.dma_semaphore, #tpu.memory_space<semaphore_mem>>)
        } else {
        }
      } else {
      }
      %mul3A_189 = arith.constant 4 : i32
      %mul3A_190 = arith.muli %while3A_92, %mul3A_189 : i32
      %add3A_191 = arith.constant 3 : i32
      %add3A_192 = arith.addi %mul3A_190, %add3A_191 : i32
      %dma_wait3A_193 = arith.constant 3 : i32
      %dma_wait3A_194 = arith.constant 0 : i32
      %dma_wait3A_195 = arith.constant 0 : i32
      %dma_wait3A_196 = tpu.memref_slice %arg9[%dma_wait3A_193, %dma_wait3A_194, %dma_wait3A_195] : memref<4x128x16xf32, #tpu.memory_space<vmem>> -> memref<1x128x16xf32, #tpu.memory_space<vmem>>
      %dma_wait3A_197 = tpu.memref_squeeze %dma_wait3A_196 : memref<1x128x16xf32, #tpu.memory_space<vmem>> -> memref<128x16xf32, #tpu.memory_space<vmem>>
      %dma_wait3A_198 = arith.constant 0 : i32
      %dma_wait3A_199 = tpu.memref_slice %arg7[%add3A_192, %dma_wait3A_198] : memref<108x128xi32, #tpu.memory_space<vmem>> -> memref<1x128xi32, #tpu.memory_space<vmem>>
      %dma_wait3A_200 = tpu.memref_squeeze %dma_wait3A_199 : memref<1x128xi32, #tpu.memory_space<vmem>> -> memref<128xi32, #tpu.memory_space<vmem>>
      %dma_wait3A_201 = arith.constant 0 : i32
      %dma_wait3A_202 = arith.constant 0 : i32
      %dma_wait3A_203 = tpu.memref_slice %arg2[%dma_wait3A_201, %dma_wait3A_202] : memref<10240x16xf32, #tpu.memory_space<hbm>> -> memref<10240x16xf32, #tpu.memory_space<hbm>>
      tpu.wait_indirect_dma semaphore(%arg14 : memref<!tpu.dma_semaphore, #tpu.memory_space<semaphore_mem>>) src(%dma_wait3A_203 : memref<10240x16xf32, #tpu.memory_space<hbm>>) dst(%dma_wait3A_197 : memref<128x16xf32, #tpu.memory_space<vmem>>)
      %dma_start3A_204 = arith.constant 3 : i32
      %dma_start3A_205 = arith.constant 0 : i32
      %dma_start3A_206 = arith.constant 0 : i32
      %dma_start3A_207 = tpu.memref_slice %arg9[%dma_start3A_204, %dma_start3A_205, %dma_start3A_206] : memref<4x128x16xf32, #tpu.memory_space<vmem>> -> memref<1x128x16xf32, #tpu.memory_space<vmem>>
      %dma_start3A_208 = tpu.memref_squeeze %dma_start3A_207 : memref<1x128x16xf32, #tpu.memory_space<vmem>> -> memref<128x16xf32, #tpu.memory_space<vmem>>
      %dma_start3A_209 = arith.constant 0 : i32
      %dma_start3A_210 = tpu.memref_slice %arg8[%add3A_192, %dma_start3A_209] : memref<108x128xi32, #tpu.memory_space<vmem>> -> memref<1x128xi32, #tpu.memory_space<vmem>>
      %dma_start3A_211 = tpu.memref_squeeze %dma_start3A_210 : memref<1x128xi32, #tpu.memory_space<vmem>> -> memref<128xi32, #tpu.memory_space<vmem>>
      %dma_start3A_212 = arith.constant 0 : i32
      %dma_start3A_213 = arith.constant 0 : i32
      %dma_start3A_214 = tpu.memref_slice %arg10[%dma_start3A_212, %dma_start3A_213] : memref<10240x16xf32, #tpu.memory_space<vmem_shared>> -> memref<10240x16xf32, #tpu.memory_space<vmem_shared>>
      tpu.enqueue_indirect_dma source(%dma_start3A_208 : memref<128x16xf32, #tpu.memory_space<vmem>>) target(%dma_start3A_214 : memref<10240x16xf32, #tpu.memory_space<vmem_shared>>) offsets(%dma_start3A_211 : memref<128xi32, #tpu.memory_space<vmem>>) semaphore(%arg18 : memref<!tpu.dma_semaphore, #tpu.memory_space<semaphore_mem>>) {add = true}
      %sub3A_215 = arith.constant 1 : i32
      %sub3A_216 = arith.subi %add3A_192, %sub3A_215 : i32
      %ge3A_217 = arith.constant 0 : i32
      %ge3A_218 = arith.cmpi sge, %sub3A_216, %ge3A_217 : i32
      %convert_element_type3A_219 = arith.extui %ge3A_218 : i1 to i32
      %cond3A_220 = arith.constant 0 : i32
      %cond3A_221 = arith.cmpi ne, %convert_element_type3A_219, %cond3A_220 : i32
      scf.if %cond3A_221 {
        %max3A = arith.constant 0 : i32
        %max3A_222 = arith.maxsi %sub3A_216, %max3A : i32
        %dma_wait3A_223 = arith.constant 2 : i32
        %dma_wait3A_224 = arith.constant 0 : i32
        %dma_wait3A_225 = arith.constant 0 : i32
        %dma_wait3A_226 = tpu.memref_slice %arg9[%dma_wait3A_223, %dma_wait3A_224, %dma_wait3A_225] : memref<4x128x16xf32, #tpu.memory_space<vmem>> -> memref<1x128x16xf32, #tpu.memory_space<vmem>>
        %dma_wait3A_227 = tpu.memref_squeeze %dma_wait3A_226 : memref<1x128x16xf32, #tpu.memory_space<vmem>> -> memref<128x16xf32, #tpu.memory_space<vmem>>
        %dma_wait3A_228 = arith.constant 0 : i32
        %dma_wait3A_229 = tpu.memref_slice %arg8[%max3A_222, %dma_wait3A_228] : memref<108x128xi32, #tpu.memory_space<vmem>> -> memref<1x128xi32, #tpu.memory_space<vmem>>
        %dma_wait3A_230 = tpu.memref_squeeze %dma_wait3A_229 : memref<1x128xi32, #tpu.memory_space<vmem>> -> memref<128xi32, #tpu.memory_space<vmem>>
        %dma_wait3A_231 = arith.constant 0 : i32
        %dma_wait3A_232 = arith.constant 0 : i32
        %dma_wait3A_233 = tpu.memref_slice %arg10[%dma_wait3A_231, %dma_wait3A_232] : memref<10240x16xf32, #tpu.memory_space<vmem_shared>> -> memref<10240x16xf32, #tpu.memory_space<vmem_shared>>
        tpu.wait_indirect_dma semaphore(%arg17 : memref<!tpu.dma_semaphore, #tpu.memory_space<semaphore_mem>>) src(%dma_wait3A_227 : memref<128x16xf32, #tpu.memory_space<vmem>>) dst(%dma_wait3A_233 : memref<10240x16xf32, #tpu.memory_space<vmem_shared>>)
        %add3A_234 = arith.constant 4 : i32
        %add3A_235 = arith.addi %sub3A_216, %add3A_234 : i32
        %lt3A = arith.cmpi slt, %add3A_235, %select_n3A : i32
        %convert_element_type3A_236 = arith.extui %lt3A : i1 to i32
        %cond3A_237 = arith.constant 0 : i32
        %cond3A_238 = arith.cmpi ne, %convert_element_type3A_236, %cond3A_237 : i32
        scf.if %cond3A_238 {
          %add3A_239 = arith.constant 4 : i32
          %add3A_240 = arith.addi %sub3A_216, %add3A_239 : i32
          %dma_start3A_241 = arith.constant 2 : i32
          %dma_start3A_242 = arith.constant 0 : i32
          %dma_start3A_243 = arith.constant 0 : i32
          %dma_start3A_244 = tpu.memref_slice %arg9[%dma_start3A_241, %dma_start3A_242, %dma_start3A_243] : memref<4x128x16xf32, #tpu.memory_space<vmem>> -> memref<1x128x16xf32, #tpu.memory_space<vmem>>
          %dma_start3A_245 = tpu.memref_squeeze %dma_start3A_244 : memref<1x128x16xf32, #tpu.memory_space<vmem>> -> memref<128x16xf32, #tpu.memory_space<vmem>>
          %dma_start3A_246 = arith.constant 0 : i32
          %dma_start3A_247 = tpu.memref_slice %arg7[%add3A_240, %dma_start3A_246] : memref<108x128xi32, #tpu.memory_space<vmem>> -> memref<1x128xi32, #tpu.memory_space<vmem>>
          %dma_start3A_248 = tpu.memref_squeeze %dma_start3A_247 : memref<1x128xi32, #tpu.memory_space<vmem>> -> memref<128xi32, #tpu.memory_space<vmem>>
          %dma_start3A_249 = arith.constant 0 : i32
          %dma_start3A_250 = arith.constant 0 : i32
          %dma_start3A_251 = tpu.memref_slice %arg2[%dma_start3A_249, %dma_start3A_250] : memref<10240x16xf32, #tpu.memory_space<hbm>> -> memref<10240x16xf32, #tpu.memory_space<hbm>>
          tpu.enqueue_indirect_dma source(%dma_start3A_251 : memref<10240x16xf32, #tpu.memory_space<hbm>>) target(%dma_start3A_245 : memref<128x16xf32, #tpu.memory_space<vmem>>) offsets(%dma_start3A_248 : memref<128xi32, #tpu.memory_space<vmem>>) semaphore(%arg13 : memref<!tpu.dma_semaphore, #tpu.memory_space<semaphore_mem>>)
        } else {
        }
      } else {
      }
    }
    %while3A_78 = arith.constant 1 : i32
    scf.for %while3A_92 = %while3A_76 to %while3A_72 step %while3A_78  : i32 {
      %mul3A_93 = arith.constant 4 : i32
      %mul3A_94 = arith.muli %while3A_92, %mul3A_93 : i32
      %add3A_95 = arith.constant 0 : i32
      %add3A_96 = arith.addi %mul3A_94, %add3A_95 : i32
      %dma_wait3A_97 = arith.constant 0 : i32
      %dma_wait3A_98 = arith.constant 0 : i32
      %dma_wait3A_99 = arith.constant 0 : i32
      %dma_wait3A_100 = tpu.memref_slice %arg9[%dma_wait3A_97, %dma_wait3A_98, %dma_wait3A_99] : memref<4x128x16xf32, #tpu.memory_space<vmem>> -> memref<1x128x16xf32, #tpu.memory_space<vmem>>
      %dma_wait3A_101 = tpu.memref_squeeze %dma_wait3A_100 : memref<1x128x16xf32, #tpu.memory_space<vmem>> -> memref<128x16xf32, #tpu.memory_space<vmem>>
      %dma_wait3A_102 = arith.constant 0 : i32
      %dma_wait3A_103 = tpu.memref_slice %arg7[%add3A_96, %dma_wait3A_102] : memref<108x128xi32, #tpu.memory_space<vmem>> -> memref<1x128xi32, #tpu.memory_space<vmem>>
      %dma_wait3A_104 = tpu.memref_squeeze %dma_wait3A_103 : memref<1x128xi32, #tpu.memory_space<vmem>> -> memref<128xi32, #tpu.memory_space<vmem>>
      %dma_wait3A_105 = arith.constant 0 : i32
      %dma_wait3A_106 = arith.constant 0 : i32
      %dma_wait3A_107 = tpu.memref_slice %arg2[%dma_wait3A_105, %dma_wait3A_106] : memref<10240x16xf32, #tpu.memory_space<hbm>> -> memref<10240x16xf32, #tpu.memory_space<hbm>>
      tpu.wait_indirect_dma semaphore(%arg11 : memref<!tpu.dma_semaphore, #tpu.memory_space<semaphore_mem>>) src(%dma_wait3A_107 : memref<10240x16xf32, #tpu.memory_space<hbm>>) dst(%dma_wait3A_101 : memref<128x16xf32, #tpu.memory_space<vmem>>)
      %dma_start3A_108 = arith.constant 0 : i32
      %dma_start3A_109 = arith.constant 0 : i32
      %dma_start3A_110 = arith.constant 0 : i32
      %dma_start3A_111 = tpu.memref_slice %arg9[%dma_start3A_108, %dma_start3A_109, %dma_start3A_110] : memref<4x128x16xf32, #tpu.memory_space<vmem>> -> memref<1x128x16xf32, #tpu.memory_space<vmem>>
      %dma_start3A_112 = tpu.memref_squeeze %dma_start3A_111 : memref<1x128x16xf32, #tpu.memory_space<vmem>> -> memref<128x16xf32, #tpu.memory_space<vmem>>
      %dma_start3A_113 = arith.constant 0 : i32
      %dma_start3A_114 = tpu.memref_slice %arg8[%add3A_96, %dma_start3A_113] : memref<108x128xi32, #tpu.memory_space<vmem>> -> memref<1x128xi32, #tpu.memory_space<vmem>>
      %dma_start3A_115 = tpu.memref_squeeze %dma_start3A_114 : memref<1x128xi32, #tpu.memory_space<vmem>> -> memref<128xi32, #tpu.memory_space<vmem>>
      %dma_start3A_116 = arith.constant 0 : i32
      %dma_start3A_117 = arith.constant 0 : i32
      %dma_start3A_118 = tpu.memref_slice %arg10[%dma_start3A_116, %dma_start3A_117] : memref<10240x16xf32, #tpu.memory_space<vmem_shared>> -> memref<10240x16xf32, #tpu.memory_space<vmem_shared>>
      tpu.enqueue_indirect_dma source(%dma_start3A_112 : memref<128x16xf32, #tpu.memory_space<vmem>>) target(%dma_start3A_118 : memref<10240x16xf32, #tpu.memory_space<vmem_shared>>) offsets(%dma_start3A_115 : memref<128xi32, #tpu.memory_space<vmem>>) semaphore(%arg15 : memref<!tpu.dma_semaphore, #tpu.memory_space<semaphore_mem>>) {add = true}
      %sub3A_119 = arith.constant 1 : i32
      %sub3A_120 = arith.subi %add3A_96, %sub3A_119 : i32
      %ge3A = arith.constant 0 : i32
      %ge3A_121 = arith.cmpi sge, %sub3A_120, %ge3A : i32
      %convert_element_type3A = arith.extui %ge3A_121 : i1 to i32
      %cond3A = arith.constant 0 : i32
      %cond3A_122 = arith.cmpi ne, %convert_element_type3A, %cond3A : i32
      scf.if %cond3A_122 {
        %max3A = arith.constant 0 : i32
        %max3A_222 = arith.maxsi %sub3A_120, %max3A : i32
        %dma_wait3A_223 = arith.constant 3 : i32
        %dma_wait3A_224 = arith.constant 0 : i32
        %dma_wait3A_225 = arith.constant 0 : i32
        %dma_wait3A_226 = tpu.memref_slice %arg9[%dma_wait3A_223, %dma_wait3A_224, %dma_wait3A_225] : memref<4x128x16xf32, #tpu.memory_space<vmem>> -> memref<1x128x16xf32, #tpu.memory_space<vmem>>
        %dma_wait3A_227 = tpu.memref_squeeze %dma_wait3A_226 : memref<1x128x16xf32, #tpu.memory_space<vmem>> -> memref<128x16xf32, #tpu.memory_space<vmem>>
        %dma_wait3A_228 = arith.constant 0 : i32
        %dma_wait3A_229 = tpu.memref_slice %arg8[%max3A_222, %dma_wait3A_228] : memref<108x128xi32, #tpu.memory_space<vmem>> -> memref<1x128xi32, #tpu.memory_space<vmem>>
        %dma_wait3A_230 = tpu.memref_squeeze %dma_wait3A_229 : memref<1x128xi32, #tpu.memory_space<vmem>> -> memref<128xi32, #tpu.memory_space<vmem>>
        %dma_wait3A_231 = arith.constant 0 : i32
        %dma_wait3A_232 = arith.constant 0 : i32
        %dma_wait3A_233 = tpu.memref_slice %arg10[%dma_wait3A_231, %dma_wait3A_232] : memref<10240x16xf32, #tpu.memory_space<vmem_shared>> -> memref<10240x16xf32, #tpu.memory_space<vmem_shared>>
        tpu.wait_indirect_dma semaphore(%arg18 : memref<!tpu.dma_semaphore, #tpu.memory_space<semaphore_mem>>) src(%dma_wait3A_227 : memref<128x16xf32, #tpu.memory_space<vmem>>) dst(%dma_wait3A_233 : memref<10240x16xf32, #tpu.memory_space<vmem_shared>>)
        %add3A_234 = arith.constant 4 : i32
        %add3A_235 = arith.addi %sub3A_120, %add3A_234 : i32
        %lt3A = arith.cmpi slt, %add3A_235, %select_n3A : i32
        %convert_element_type3A_236 = arith.extui %lt3A : i1 to i32
        %cond3A_237 = arith.constant 0 : i32
        %cond3A_238 = arith.cmpi ne, %convert_element_type3A_236, %cond3A_237 : i32
        scf.if %cond3A_238 {
          %add3A_239 = arith.constant 4 : i32
          %add3A_240 = arith.addi %sub3A_120, %add3A_239 : i32
          %dma_start3A_241 = arith.constant 3 : i32
          %dma_start3A_242 = arith.constant 0 : i32
          %dma_start3A_243 = arith.constant 0 : i32
          %dma_start3A_244 = tpu.memref_slice %arg9[%dma_start3A_241, %dma_start3A_242, %dma_start3A_243] : memref<4x128x16xf32, #tpu.memory_space<vmem>> -> memref<1x128x16xf32, #tpu.memory_space<vmem>>
          %dma_start3A_245 = tpu.memref_squeeze %dma_start3A_244 : memref<1x128x16xf32, #tpu.memory_space<vmem>> -> memref<128x16xf32, #tpu.memory_space<vmem>>
          %dma_start3A_246 = arith.constant 0 : i32
          %dma_start3A_247 = tpu.memref_slice %arg7[%add3A_240, %dma_start3A_246] : memref<108x128xi32, #tpu.memory_space<vmem>> -> memref<1x128xi32, #tpu.memory_space<vmem>>
          %dma_start3A_248 = tpu.memref_squeeze %dma_start3A_247 : memref<1x128xi32, #tpu.memory_space<vmem>> -> memref<128xi32, #tpu.memory_space<vmem>>
          %dma_start3A_249 = arith.constant 0 : i32
          %dma_start3A_250 = arith.constant 0 : i32
          %dma_start3A_251 = tpu.memref_slice %arg2[%dma_start3A_249, %dma_start3A_250] : memref<10240x16xf32, #tpu.memory_space<hbm>> -> memref<10240x16xf32, #tpu.memory_space<hbm>>
          tpu.enqueue_indirect_dma source(%dma_start3A_251 : memref<10240x16xf32, #tpu.memory_space<hbm>>) target(%dma_start3A_245 : memref<128x16xf32, #tpu.memory_space<vmem>>) offsets(%dma_start3A_248 : memref<128xi32, #tpu.memory_space<vmem>>) semaphore(%arg14 : memref<!tpu.dma_semaphore, #tpu.memory_space<semaphore_mem>>)
        } else {
        }
      } else {
      }
      %mul3A_123 = arith.constant 4 : i32
      %mul3A_124 = arith.muli %while3A_92, %mul3A_123 : i32
      %add3A_125 = arith.constant 1 : i32
      %add3A_126 = arith.addi %mul3A_124, %add3A_125 : i32
      %dma_wait3A_127 = arith.constant 1 : i32
      %dma_wait3A_128 = arith.constant 0 : i32
      %dma_wait3A_129 = arith.constant 0 : i32
      %dma_wait3A_130 = tpu.memref_slice %arg9[%dma_wait3A_127, %dma_wait3A_128, %dma_wait3A_129] : memref<4x128x16xf32, #tpu.memory_space<vmem>> -> memref<1x128x16xf32, #tpu.memory_space<vmem>>
      %dma_wait3A_131 = tpu.memref_squeeze %dma_wait3A_130 : memref<1x128x16xf32, #tpu.memory_space<vmem>> -> memref<128x16xf32, #tpu.memory_space<vmem>>
      %dma_wait3A_132 = arith.constant 0 : i32
      %dma_wait3A_133 = tpu.memref_slice %arg7[%add3A_126, %dma_wait3A_132] : memref<108x128xi32, #tpu.memory_space<vmem>> -> memref<1x128xi32, #tpu.memory_space<vmem>>
      %dma_wait3A_134 = tpu.memref_squeeze %dma_wait3A_133 : memref<1x128xi32, #tpu.memory_space<vmem>> -> memref<128xi32, #tpu.memory_space<vmem>>
      %dma_wait3A_135 = arith.constant 0 : i32
      %dma_wait3A_136 = arith.constant 0 : i32
      %dma_wait3A_137 = tpu.memref_slice %arg2[%dma_wait3A_135, %dma_wait3A_136] : memref<10240x16xf32, #tpu.memory_space<hbm>> -> memref<10240x16xf32, #tpu.memory_space<hbm>>
      tpu.wait_indirect_dma semaphore(%arg12 : memref<!tpu.dma_semaphore, #tpu.memory_space<semaphore_mem>>) src(%dma_wait3A_137 : memref<10240x16xf32, #tpu.memory_space<hbm>>) dst(%dma_wait3A_131 : memref<128x16xf32, #tpu.memory_space<vmem>>)
      %dma_start3A_138 = arith.constant 1 : i32
      %dma_start3A_139 = arith.constant 0 : i32
      %dma_start3A_140 = arith.constant 0 : i32
      %dma_start3A_141 = tpu.memref_slice %arg9[%dma_start3A_138, %dma_start3A_139, %dma_start3A_140] : memref<4x128x16xf32, #tpu.memory_space<vmem>> -> memref<1x128x16xf32, #tpu.memory_space<vmem>>
      %dma_start3A_142 = tpu.memref_squeeze %dma_start3A_141 : memref<1x128x16xf32, #tpu.memory_space<vmem>> -> memref<128x16xf32, #tpu.memory_space<vmem>>
      %dma_start3A_143 = arith.constant 0 : i32
      %dma_start3A_144 = tpu.memref_slice %arg8[%add3A_126, %dma_start3A_143] : memref<108x128xi32, #tpu.memory_space<vmem>> -> memref<1x128xi32, #tpu.memory_space<vmem>>
      %dma_start3A_145 = tpu.memref_squeeze %dma_start3A_144 : memref<1x128xi32, #tpu.memory_space<vmem>> -> memref<128xi32, #tpu.memory_space<vmem>>
      %dma_start3A_146 = arith.constant 0 : i32
      %dma_start3A_147 = arith.constant 0 : i32
      %dma_start3A_148 = tpu.memref_slice %arg10[%dma_start3A_146, %dma_start3A_147] : memref<10240x16xf32, #tpu.memory_space<vmem_shared>> -> memref<10240x16xf32, #tpu.memory_space<vmem_shared>>
      tpu.enqueue_indirect_dma source(%dma_start3A_142 : memref<128x16xf32, #tpu.memory_space<vmem>>) target(%dma_start3A_148 : memref<10240x16xf32, #tpu.memory_space<vmem_shared>>) offsets(%dma_start3A_145 : memref<128xi32, #tpu.memory_space<vmem>>) semaphore(%arg16 : memref<!tpu.dma_semaphore, #tpu.memory_space<semaphore_mem>>) {add = true}
      %sub3A_149 = arith.constant 1 : i32
      %sub3A_150 = arith.subi %add3A_126, %sub3A_149 : i32
      %ge3A_151 = arith.constant 0 : i32
      %ge3A_152 = arith.cmpi sge, %sub3A_150, %ge3A_151 : i32
      %convert_element_type3A_153 = arith.extui %ge3A_152 : i1 to i32
      %cond3A_154 = arith.constant 0 : i32
      %cond3A_155 = arith.cmpi ne, %convert_element_type3A_153, %cond3A_154 : i32
      scf.if %cond3A_155 {
        %max3A = arith.constant 0 : i32
        %max3A_222 = arith.maxsi %sub3A_150, %max3A : i32
        %dma_wait3A_223 = arith.constant 0 : i32
        %dma_wait3A_224 = arith.constant 0 : i32
        %dma_wait3A_225 = arith.constant 0 : i32
        %dma_wait3A_226 = tpu.memref_slice %arg9[%dma_wait3A_223, %dma_wait3A_224, %dma_wait3A_225] : memref<4x128x16xf32, #tpu.memory_space<vmem>> -> memref<1x128x16xf32, #tpu.memory_space<vmem>>
        %dma_wait3A_227 = tpu.memref_squeeze %dma_wait3A_226 : memref<1x128x16xf32, #tpu.memory_space<vmem>> -> memref<128x16xf32, #tpu.memory_space<vmem>>
        %dma_wait3A_228 = arith.constant 0 : i32
        %dma_wait3A_229 = tpu.memref_slice %arg8[%max3A_222, %dma_wait3A_228] : memref<108x128xi32, #tpu.memory_space<vmem>> -> memref<1x128xi32, #tpu.memory_space<vmem>>
        %dma_wait3A_230 = tpu.memref_squeeze %dma_wait3A_229 : memref<1x128xi32, #tpu.memory_space<vmem>> -> memref<128xi32, #tpu.memory_space<vmem>>
        %dma_wait3A_231 = arith.constant 0 : i32
        %dma_wait3A_232 = arith.constant 0 : i32
        %dma_wait3A_233 = tpu.memref_slice %arg10[%dma_wait3A_231, %dma_wait3A_232] : memref<10240x16xf32, #tpu.memory_space<vmem_shared>> -> memref<10240x16xf32, #tpu.memory_space<vmem_shared>>
        tpu.wait_indirect_dma semaphore(%arg15 : memref<!tpu.dma_semaphore, #tpu.memory_space<semaphore_mem>>) src(%dma_wait3A_227 : memref<128x16xf32, #tpu.memory_space<vmem>>) dst(%dma_wait3A_233 : memref<10240x16xf32, #tpu.memory_space<vmem_shared>>)
        %add3A_234 = arith.constant 4 : i32
        %add3A_235 = arith.addi %sub3A_150, %add3A_234 : i32
        %lt3A = arith.cmpi slt, %add3A_235, %select_n3A : i32
        %convert_element_type3A_236 = arith.extui %lt3A : i1 to i32
        %cond3A_237 = arith.constant 0 : i32
        %cond3A_238 = arith.cmpi ne, %convert_element_type3A_236, %cond3A_237 : i32
        scf.if %cond3A_238 {
          %add3A_239 = arith.constant 4 : i32
          %add3A_240 = arith.addi %sub3A_150, %add3A_239 : i32
          %dma_start3A_241 = arith.constant 0 : i32
          %dma_start3A_242 = arith.constant 0 : i32
          %dma_start3A_243 = arith.constant 0 : i32
          %dma_start3A_244 = tpu.memref_slice %arg9[%dma_start3A_241, %dma_start3A_242, %dma_start3A_243] : memref<4x128x16xf32, #tpu.memory_space<vmem>> -> memref<1x128x16xf32, #tpu.memory_space<vmem>>
          %dma_start3A_245 = tpu.memref_squeeze %dma_start3A_244 : memref<1x128x16xf32, #tpu.memory_space<vmem>> -> memref<128x16xf32, #tpu.memory_space<vmem>>
          %dma_start3A_246 = arith.constant 0 : i32
          %dma_start3A_247 = tpu.memref_slice %arg7[%add3A_240, %dma_start3A_246] : memref<108x128xi32, #tpu.memory_space<vmem>> -> memref<1x128xi32, #tpu.memory_space<vmem>>
          %dma_start3A_248 = tpu.memref_squeeze %dma_start3A_247 : memref<1x128xi32, #tpu.memory_space<vmem>> -> memref<128xi32, #tpu.memory_space<vmem>>
          %dma_start3A_249 = arith.constant 0 : i32
          %dma_start3A_250 = arith.constant 0 : i32
          %dma_start3A_251 = tpu.memref_slice %arg2[%dma_start3A_249, %dma_start3A_250] : memref<10240x16xf32, #tpu.memory_space<hbm>> -> memref<10240x16xf32, #tpu.memory_space<hbm>>
          tpu.enqueue_indirect_dma source(%dma_start3A_251 : memref<10240x16xf32, #tpu.memory_space<hbm>>) target(%dma_start3A_245 : memref<128x16xf32, #tpu.memory_space<vmem>>) offsets(%dma_start3A_248 : memref<128xi32, #tpu.memory_space<vmem>>) semaphore(%arg11 : memref<!tpu.dma_semaphore, #tpu.memory_space<semaphore_mem>>)
        } else {
        }
      } else {
      }
      %mul3A_156 = arith.constant 4 : i32
      %mul3A_157 = arith.muli %while3A_92, %mul3A_156 : i32
      %add3A_158 = arith.constant 2 : i32
      %add3A_159 = arith.addi %mul3A_157, %add3A_158 : i32
      %dma_wait3A_160 = arith.constant 2 : i32
      %dma_wait3A_161 = arith.constant 0 : i32
      %dma_wait3A_162 = arith.constant 0 : i32
      %dma_wait3A_163 = tpu.memref_slice %arg9[%dma_wait3A_160, %dma_wait3A_161, %dma_wait3A_162] : memref<4x128x16xf32, #tpu.memory_space<vmem>> -> memref<1x128x16xf32, #tpu.memory_space<vmem>>
      %dma_wait3A_164 = tpu.memref_squeeze %dma_wait3A_163 : memref<1x128x16xf32, #tpu.memory_space<vmem>> -> memref<128x16xf32, #tpu.memory_space<vmem>>
      %dma_wait3A_165 = arith.constant 0 : i32
      %dma_wait3A_166 = tpu.memref_slice %arg7[%add3A_159, %dma_wait3A_165] : memref<108x128xi32, #tpu.memory_space<vmem>> -> memref<1x128xi32, #tpu.memory_space<vmem>>
      %dma_wait3A_167 = tpu.memref_squeeze %dma_wait3A_166 : memref<1x128xi32, #tpu.memory_space<vmem>> -> memref<128xi32, #tpu.memory_space<vmem>>
      %dma_wait3A_168 = arith.constant 0 : i32
      %dma_wait3A_169 = arith.constant 0 : i32
      %dma_wait3A_170 = tpu.memref_slice %arg2[%dma_wait3A_168, %dma_wait3A_169] : memref<10240x16xf32, #tpu.memory_space<hbm>> -> memref<10240x16xf32, #tpu.memory_space<hbm>>
      tpu.wait_indirect_dma semaphore(%arg13 : memref<!tpu.dma_semaphore, #tpu.memory_space<semaphore_mem>>) src(%dma_wait3A_170 : memref<10240x16xf32, #tpu.memory_space<hbm>>) dst(%dma_wait3A_164 : memref<128x16xf32, #tpu.memory_space<vmem>>)
      %dma_start3A_171 = arith.constant 2 : i32
      %dma_start3A_172 = arith.constant 0 : i32
      %dma_start3A_173 = arith.constant 0 : i32
      %dma_start3A_174 = tpu.memref_slice %arg9[%dma_start3A_171, %dma_start3A_172, %dma_start3A_173] : memref<4x128x16xf32, #tpu.memory_space<vmem>> -> memref<1x128x16xf32, #tpu.memory_space<vmem>>
      %dma_start3A_175 = tpu.memref_squeeze %dma_start3A_174 : memref<1x128x16xf32, #tpu.memory_space<vmem>> -> memref<128x16xf32, #tpu.memory_space<vmem>>
      %dma_start3A_176 = arith.constant 0 : i32
      %dma_start3A_177 = tpu.memref_slice %arg8[%add3A_159, %dma_start3A_176] : memref<108x128xi32, #tpu.memory_space<vmem>> -> memref<1x128xi32, #tpu.memory_space<vmem>>
      %dma_start3A_178 = tpu.memref_squeeze %dma_start3A_177 : memref<1x128xi32, #tpu.memory_space<vmem>> -> memref<128xi32, #tpu.memory_space<vmem>>
      %dma_start3A_179 = arith.constant 0 : i32
      %dma_start3A_180 = arith.constant 0 : i32
      %dma_start3A_181 = tpu.memref_slice %arg10[%dma_start3A_179, %dma_start3A_180] : memref<10240x16xf32, #tpu.memory_space<vmem_shared>> -> memref<10240x16xf32, #tpu.memory_space<vmem_shared>>
      tpu.enqueue_indirect_dma source(%dma_start3A_175 : memref<128x16xf32, #tpu.memory_space<vmem>>) target(%dma_start3A_181 : memref<10240x16xf32, #tpu.memory_space<vmem_shared>>) offsets(%dma_start3A_178 : memref<128xi32, #tpu.memory_space<vmem>>) semaphore(%arg17 : memref<!tpu.dma_semaphore, #tpu.memory_space<semaphore_mem>>) {add = true}
      %sub3A_182 = arith.constant 1 : i32
      %sub3A_183 = arith.subi %add3A_159, %sub3A_182 : i32
      %ge3A_184 = arith.constant 0 : i32
      %ge3A_185 = arith.cmpi sge, %sub3A_183, %ge3A_184 : i32
      %convert_element_type3A_186 = arith.extui %ge3A_185 : i1 to i32
      %cond3A_187 = arith.constant 0 : i32
      %cond3A_188 = arith.cmpi ne, %convert_element_type3A_186, %cond3A_187 : i32
      scf.if %cond3A_188 {
        %max3A = arith.constant 0 : i32
        %max3A_222 = arith.maxsi %sub3A_183, %max3A : i32
        %dma_wait3A_223 = arith.constant 1 : i32
        %dma_wait3A_224 = arith.constant 0 : i32
        %dma_wait3A_225 = arith.constant 0 : i32
        %dma_wait3A_226 = tpu.memref_slice %arg9[%dma_wait3A_223, %dma_wait3A_224, %dma_wait3A_225] : memref<4x128x16xf32, #tpu.memory_space<vmem>> -> memref<1x128x16xf32, #tpu.memory_space<vmem>>
        %dma_wait3A_227 = tpu.memref_squeeze %dma_wait3A_226 : memref<1x128x16xf32, #tpu.memory_space<vmem>> -> memref<128x16xf32, #tpu.memory_space<vmem>>
        %dma_wait3A_228 = arith.constant 0 : i32
        %dma_wait3A_229 = tpu.memref_slice %arg8[%max3A_222, %dma_wait3A_228] : memref<108x128xi32, #tpu.memory_space<vmem>> -> memref<1x128xi32, #tpu.memory_space<vmem>>
        %dma_wait3A_230 = tpu.memref_squeeze %dma_wait3A_229 : memref<1x128xi32, #tpu.memory_space<vmem>> -> memref<128xi32, #tpu.memory_space<vmem>>
        %dma_wait3A_231 = arith.constant 0 : i32
        %dma_wait3A_232 = arith.constant 0 : i32
        %dma_wait3A_233 = tpu.memref_slice %arg10[%dma_wait3A_231, %dma_wait3A_232] : memref<10240x16xf32, #tpu.memory_space<vmem_shared>> -> memref<10240x16xf32, #tpu.memory_space<vmem_shared>>
        tpu.wait_indirect_dma semaphore(%arg16 : memref<!tpu.dma_semaphore, #tpu.memory_space<semaphore_mem>>) src(%dma_wait3A_227 : memref<128x16xf32, #tpu.memory_space<vmem>>) dst(%dma_wait3A_233 : memref<10240x16xf32, #tpu.memory_space<vmem_shared>>)
        %add3A_234 = arith.constant 4 : i32
        %add3A_235 = arith.addi %sub3A_183, %add3A_234 : i32
        %lt3A = arith.cmpi slt, %add3A_235, %select_n3A : i32
        %convert_element_type3A_236 = arith.extui %lt3A : i1 to i32
        %cond3A_237 = arith.constant 0 : i32
        %cond3A_238 = arith.cmpi ne, %convert_element_type3A_236, %cond3A_237 : i32
        scf.if %cond3A_238 {
          %add3A_239 = arith.constant 4 : i32
          %add3A_240 = arith.addi %sub3A_183, %add3A_239 : i32
          %dma_start3A_241 = arith.constant 1 : i32
          %dma_start3A_242 = arith.constant 0 : i32
          %dma_start3A_243 = arith.constant 0 : i32
          %dma_start3A_244 = tpu.memref_slice %arg9[%dma_start3A_241, %dma_start3A_242, %dma_start3A_243] : memref<4x128x16xf32, #tpu.memory_space<vmem>> -> memref<1x128x16xf32, #tpu.memory_space<vmem>>
          %dma_start3A_245 = tpu.memref_squeeze %dma_start3A_244 : memref<1x128x16xf32, #tpu.memory_space<vmem>> -> memref<128x16xf32, #tpu.memory_space<vmem>>
          %dma_start3A_246 = arith.constant 0 : i32
          %dma_start3A_247 = tpu.memref_slice %arg7[%add3A_240, %dma_start3A_246] : memref<108x128xi32, #tpu.memory_space<vmem>> -> memref<1x128xi32, #tpu.memory_space<vmem>>
          %dma_start3A_248 = tpu.memref_squeeze %dma_start3A_247 : memref<1x128xi32, #tpu.memory_space<vmem>> -> memref<128xi32, #tpu.memory_space<vmem>>
          %dma_start3A_249 = arith.constant 0 : i32
          %dma_start3A_250 = arith.constant 0 : i32
          %dma_start3A_251 = tpu.memref_slice %arg2[%dma_start3A_249, %dma_start3A_250] : memref<10240x16xf32, #tpu.memory_space<hbm>> -> memref<10240x16xf32, #tpu.memory_space<hbm>>
          tpu.enqueue_indirect_dma source(%dma_start3A_251 : memref<10240x16xf32, #tpu.memory_space<hbm>>) target(%dma_start3A_245 : memref<128x16xf32, #tpu.memory_space<vmem>>) offsets(%dma_start3A_248 : memref<128xi32, #tpu.memory_space<vmem>>) semaphore(%arg12 : memref<!tpu.dma_semaphore, #tpu.memory_space<semaphore_mem>>)
        } else {
        }
      } else {
      }
      %mul3A_189 = arith.constant 4 : i32
      %mul3A_190 = arith.muli %while3A_92, %mul3A_189 : i32
      %add3A_191 = arith.constant 3 : i32
      %add3A_192 = arith.addi %mul3A_190, %add3A_191 : i32
      %dma_wait3A_193 = arith.constant 3 : i32
      %dma_wait3A_194 = arith.constant 0 : i32
      %dma_wait3A_195 = arith.constant 0 : i32
      %dma_wait3A_196 = tpu.memref_slice %arg9[%dma_wait3A_193, %dma_wait3A_194, %dma_wait3A_195] : memref<4x128x16xf32, #tpu.memory_space<vmem>> -> memref<1x128x16xf32, #tpu.memory_space<vmem>>
      %dma_wait3A_197 = tpu.memref_squeeze %dma_wait3A_196 : memref<1x128x16xf32, #tpu.memory_space<vmem>> -> memref<128x16xf32, #tpu.memory_space<vmem>>
      %dma_wait3A_198 = arith.constant 0 : i32
      %dma_wait3A_199 = tpu.memref_slice %arg7[%add3A_192, %dma_wait3A_198] : memref<108x128xi32, #tpu.memory_space<vmem>> -> memref<1x128xi32, #tpu.memory_space<vmem>>
      %dma_wait3A_200 = tpu.memref_squeeze %dma_wait3A_199 : memref<1x128xi32, #tpu.memory_space<vmem>> -> memref<128xi32, #tpu.memory_space<vmem>>
      %dma_wait3A_201 = arith.constant 0 : i32
      %dma_wait3A_202 = arith.constant 0 : i32
      %dma_wait3A_203 = tpu.memref_slice %arg2[%dma_wait3A_201, %dma_wait3A_202] : memref<10240x16xf32, #tpu.memory_space<hbm>> -> memref<10240x16xf32, #tpu.memory_space<hbm>>
      tpu.wait_indirect_dma semaphore(%arg14 : memref<!tpu.dma_semaphore, #tpu.memory_space<semaphore_mem>>) src(%dma_wait3A_203 : memref<10240x16xf32, #tpu.memory_space<hbm>>) dst(%dma_wait3A_197 : memref<128x16xf32, #tpu.memory_space<vmem>>)
      %dma_start3A_204 = arith.constant 3 : i32
      %dma_start3A_205 = arith.constant 0 : i32
      %dma_start3A_206 = arith.constant 0 : i32
      %dma_start3A_207 = tpu.memref_slice %arg9[%dma_start3A_204, %dma_start3A_205, %dma_start3A_206] : memref<4x128x16xf32, #tpu.memory_space<vmem>> -> memref<1x128x16xf32, #tpu.memory_space<vmem>>
      %dma_start3A_208 = tpu.memref_squeeze %dma_start3A_207 : memref<1x128x16xf32, #tpu.memory_space<vmem>> -> memref<128x16xf32, #tpu.memory_space<vmem>>
      %dma_start3A_209 = arith.constant 0 : i32
      %dma_start3A_210 = tpu.memref_slice %arg8[%add3A_192, %dma_start3A_209] : memref<108x128xi32, #tpu.memory_space<vmem>> -> memref<1x128xi32, #tpu.memory_space<vmem>>
      %dma_start3A_211 = tpu.memref_squeeze %dma_start3A_210 : memref<1x128xi32, #tpu.memory_space<vmem>> -> memref<128xi32, #tpu.memory_space<vmem>>
      %dma_start3A_212 = arith.constant 0 : i32
      %dma_start3A_213 = arith.constant 0 : i32
      %dma_start3A_214 = tpu.memref_slice %arg10[%dma_start3A_212, %dma_start3A_213] : memref<10240x16xf32, #tpu.memory_space<vmem_shared>> -> memref<10240x16xf32, #tpu.memory_space<vmem_shared>>
      tpu.enqueue_indirect_dma source(%dma_start3A_208 : memref<128x16xf32, #tpu.memory_space<vmem>>) target(%dma_start3A_214 : memref<10240x16xf32, #tpu.memory_space<vmem_shared>>) offsets(%dma_start3A_211 : memref<128xi32, #tpu.memory_space<vmem>>) semaphore(%arg18 : memref<!tpu.dma_semaphore, #tpu.memory_space<semaphore_mem>>) {add = true}
      %sub3A_215 = arith.constant 1 : i32
      %sub3A_216 = arith.subi %add3A_192, %sub3A_215 : i32
      %ge3A_217 = arith.constant 0 : i32
      %ge3A_218 = arith.cmpi sge, %sub3A_216, %ge3A_217 : i32
      %convert_element_type3A_219 = arith.extui %ge3A_218 : i1 to i32
      %cond3A_220 = arith.constant 0 : i32
      %cond3A_221 = arith.cmpi ne, %convert_element_type3A_219, %cond3A_220 : i32
      scf.if %cond3A_221 {
        %max3A = arith.constant 0 : i32
        %max3A_222 = arith.maxsi %sub3A_216, %max3A : i32
        %dma_wait3A_223 = arith.constant 2 : i32
        %dma_wait3A_224 = arith.constant 0 : i32
        %dma_wait3A_225 = arith.constant 0 : i32
        %dma_wait3A_226 = tpu.memref_slice %arg9[%dma_wait3A_223, %dma_wait3A_224, %dma_wait3A_225] : memref<4x128x16xf32, #tpu.memory_space<vmem>> -> memref<1x128x16xf32, #tpu.memory_space<vmem>>
        %dma_wait3A_227 = tpu.memref_squeeze %dma_wait3A_226 : memref<1x128x16xf32, #tpu.memory_space<vmem>> -> memref<128x16xf32, #tpu.memory_space<vmem>>
        %dma_wait3A_228 = arith.constant 0 : i32
        %dma_wait3A_229 = tpu.memref_slice %arg8[%max3A_222, %dma_wait3A_228] : memref<108x128xi32, #tpu.memory_space<vmem>> -> memref<1x128xi32, #tpu.memory_space<vmem>>
        %dma_wait3A_230 = tpu.memref_squeeze %dma_wait3A_229 : memref<1x128xi32, #tpu.memory_space<vmem>> -> memref<128xi32, #tpu.memory_space<vmem>>
        %dma_wait3A_231 = arith.constant 0 : i32
        %dma_wait3A_232 = arith.constant 0 : i32
        %dma_wait3A_233 = tpu.memref_slice %arg10[%dma_wait3A_231, %dma_wait3A_232] : memref<10240x16xf32, #tpu.memory_space<vmem_shared>> -> memref<10240x16xf32, #tpu.memory_space<vmem_shared>>
        tpu.wait_indirect_dma semaphore(%arg17 : memref<!tpu.dma_semaphore, #tpu.memory_space<semaphore_mem>>) src(%dma_wait3A_227 : memref<128x16xf32, #tpu.memory_space<vmem>>) dst(%dma_wait3A_233 : memref<10240x16xf32, #tpu.memory_space<vmem_shared>>)
        %add3A_234 = arith.constant 4 : i32
        %add3A_235 = arith.addi %sub3A_216, %add3A_234 : i32
        %lt3A = arith.cmpi slt, %add3A_235, %select_n3A : i32
        %convert_element_type3A_236 = arith.extui %lt3A : i1 to i32
        %cond3A_237 = arith.constant 0 : i32
        %cond3A_238 = arith.cmpi ne, %convert_element_type3A_236, %cond3A_237 : i32
        scf.if %cond3A_238 {
          %add3A_239 = arith.constant 4 : i32
          %add3A_240 = arith.addi %sub3A_216, %add3A_239 : i32
          %dma_start3A_241 = arith.constant 2 : i32
          %dma_start3A_242 = arith.constant 0 : i32
          %dma_start3A_243 = arith.constant 0 : i32
          %dma_start3A_244 = tpu.memref_slice %arg9[%dma_start3A_241, %dma_start3A_242, %dma_start3A_243] : memref<4x128x16xf32, #tpu.memory_space<vmem>> -> memref<1x128x16xf32, #tpu.memory_space<vmem>>
          %dma_start3A_245 = tpu.memref_squeeze %dma_start3A_244 : memref<1x128x16xf32, #tpu.memory_space<vmem>> -> memref<128x16xf32, #tpu.memory_space<vmem>>
          %dma_start3A_246 = arith.constant 0 : i32
          %dma_start3A_247 = tpu.memref_slice %arg7[%add3A_240, %dma_start3A_246] : memref<108x128xi32, #tpu.memory_space<vmem>> -> memref<1x128xi32, #tpu.memory_space<vmem>>
          %dma_start3A_248 = tpu.memref_squeeze %dma_start3A_247 : memref<1x128xi32, #tpu.memory_space<vmem>> -> memref<128xi32, #tpu.memory_space<vmem>>
          %dma_start3A_249 = arith.constant 0 : i32
          %dma_start3A_250 = arith.constant 0 : i32
          %dma_start3A_251 = tpu.memref_slice %arg2[%dma_start3A_249, %dma_start3A_250] : memref<10240x16xf32, #tpu.memory_space<hbm>> -> memref<10240x16xf32, #tpu.memory_space<hbm>>
          tpu.enqueue_indirect_dma source(%dma_start3A_251 : memref<10240x16xf32, #tpu.memory_space<hbm>>) target(%dma_start3A_245 : memref<128x16xf32, #tpu.memory_space<vmem>>) offsets(%dma_start3A_248 : memref<128xi32, #tpu.memory_space<vmem>>) semaphore(%arg13 : memref<!tpu.dma_semaphore, #tpu.memory_space<semaphore_mem>>)
        } else {
        }
      } else {
      }
    }
    %sub3A_79 = arith.constant 1 : i32
    %sub3A_80 = arith.subi %select_n3A, %sub3A_79 : i32
    %dma_wait3A = arith.constant 3 : i32
    %dma_wait3A_81 = arith.constant 0 : i32
    %dma_wait3A_82 = arith.constant 0 : i32
    %dma_wait3A_83 = tpu.memref_slice %arg9[%dma_wait3A, %dma_wait3A_81, %dma_wait3A_82] : memref<4x128x16xf32, #tpu.memory_space<vmem>> -> memref<1x128x16xf32, #tpu.memory_space<vmem>>
    %dma_wait3A_84 = tpu.memref_squeeze %dma_wait3A_83 : memref<1x128x16xf32, #tpu.memory_space<vmem>> -> memref<128x16xf32, #tpu.memory_space<vmem>>
    %dma_wait3A_85 = arith.constant 0 : i32
    %dma_wait3A_86 = tpu.memref_slice %arg8[%sub3A_80, %dma_wait3A_85] : memref<108x128xi32, #tpu.memory_space<vmem>> -> memref<1x128xi32, #tpu.memory_space<vmem>>
    %dma_wait3A_87 = tpu.memref_squeeze %dma_wait3A_86 : memref<1x128xi32, #tpu.memory_space<vmem>> -> memref<128xi32, #tpu.memory_space<vmem>>
    %dma_wait3A_88 = arith.constant 0 : i32
    %dma_wait3A_89 = arith.constant 0 : i32
    %dma_wait3A_90 = tpu.memref_slice %arg10[%dma_wait3A_88, %dma_wait3A_89] : memref<10240x16xf32, #tpu.memory_space<vmem_shared>> -> memref<10240x16xf32, #tpu.memory_space<vmem_shared>>
    tpu.wait_indirect_dma semaphore(%arg18 : memref<!tpu.dma_semaphore, #tpu.memory_space<semaphore_mem>>) src(%dma_wait3A_84 : memref<128x16xf32, #tpu.memory_space<vmem>>) dst(%dma_wait3A_90 : memref<10240x16xf32, #tpu.memory_space<vmem_shared>>)
    %barrier3A_91 = arith.constant 0 : index
    tpu.barrier barrier_id(%barrier3A_91)
    "tpu.region"() ({
      %run_scoped3A = tpu.sem_alloc : memref<!tpu.dma_semaphore, #tpu.memory_space<semaphore_mem>>
      %dma_start3A_92 = arith.constant 0 : i32
      %dma_start3A_93 = tpu.memref_slice %arg6[%arg0, %mul3A_2, %dma_start3A_92] : memref<2x10240x16xf32, #tpu.memory_space<hbm>> -> memref<1x640x16xf32, #tpu.memory_space<hbm>>
      %dma_start3A_94 = tpu.memref_squeeze %dma_start3A_93 : memref<1x640x16xf32, #tpu.memory_space<hbm>> -> memref<640x16xf32, #tpu.memory_space<hbm>>
      %dma_start3A_95 = arith.constant 0 : i32
      %dma_start3A_96 = tpu.memref_slice %arg10[%mul3A_2, %dma_start3A_95] : memref<10240x16xf32, #tpu.memory_space<vmem_shared>> -> memref<640x16xf32, #tpu.memory_space<vmem_shared>>
      tpu.enqueue_dma source(%dma_start3A_96 : memref<640x16xf32, #tpu.memory_space<vmem_shared>>) target(%dma_start3A_94 : memref<640x16xf32, #tpu.memory_space<hbm>>) target_semaphore(%run_scoped3A : memref<!tpu.dma_semaphore, #tpu.memory_space<semaphore_mem>>)
      %dma_wait3A_97 = arith.constant 0 : i32
      %dma_wait3A_98 = tpu.memref_slice %arg6[%arg0, %mul3A_2, %dma_wait3A_97] : memref<2x10240x16xf32, #tpu.memory_space<hbm>> -> memref<1x640x16xf32, #tpu.memory_space<hbm>>
      %dma_wait3A_99 = tpu.memref_squeeze %dma_wait3A_98 : memref<1x640x16xf32, #tpu.memory_space<hbm>> -> memref<640x16xf32, #tpu.memory_space<hbm>>
      %dma_wait3A_100 = arith.constant 0 : i32
      %dma_wait3A_101 = tpu.memref_slice %arg10[%mul3A_2, %dma_wait3A_100] : memref<10240x16xf32, #tpu.memory_space<vmem_shared>> -> memref<640x16xf32, #tpu.memory_space<vmem_shared>>
      tpu.wait_dma2 semaphore(%run_scoped3A : memref<!tpu.dma_semaphore, #tpu.memory_space<semaphore_mem>>) src(%dma_wait3A_101 : memref<640x16xf32, #tpu.memory_space<vmem_shared>>) dst(%dma_wait3A_99 : memref<640x16xf32, #tpu.memory_space<hbm>>)
      tpu.yield
    }) : () -> ()
    return
  }
}

module attributes {stable_mosaic.version = 14 : i64} {
  func.func @body(%arg0: i32, %arg1: memref<1024x16xf32, #tpu.memory_space<vmem>>, %arg2: memref<1024x16xf32, #tpu.memory_space<vmem>>, %arg3: memref<1024x128xf32, #tpu.memory_space<vmem>>, %arg4: memref<128x16xf32, #tpu.memory_space<vmem>>, %arg5: memref<1024x1xf32, #tpu.memory_space<vmem>>, %arg6: memref<1024x16xf32, #tpu.memory_space<vmem>>) attributes {dimension_semantics = [#tpu.dimension_semantics<arbitrary>], iteration_bounds = array<i64: 10>, scalar_prefetch = 0 : i64, scratch_operands = 0 : i64, tpu.core_type = #tpu.core_type<tc>, window_params = [{transform_indices = @transform_0, window_bounds = array<i64: 1024, 16>}, {transform_indices = @transform_1, window_bounds = array<i64: 1024, 16>}, {transform_indices = @transform_2, window_bounds = array<i64: 1024, 128>}, {pipeline_mode = #tpu.pipeline_mode<synchronous>, transform_indices = @transform_3, window_bounds = array<i64: 128, 16>}, {transform_indices = @transform_4, window_bounds = array<i64: 1024, 1>}, {transform_indices = @transform_5, window_bounds = array<i64: 1024, 16>}]} {
    %get3A = arith.constant 0 : index
    %get3A_0 = arith.constant 0 : index
    %get3A_1 = vector.load %arg1[%get3A, %get3A_0] : memref<1024x16xf32, #tpu.memory_space<vmem>>, vector<1024x1xf32>
    %get3A_2 = arith.constant 0 : index
    %get3A_3 = arith.constant 0 : index
    %get3A_4 = vector.load %arg2[%get3A_2, %get3A_3] : memref<1024x16xf32, #tpu.memory_space<vmem>>, vector<1024x1xf32>
    %add3A = arith.addf %get3A_1, %get3A_4 : vector<1024x1xf32>
    %add3A_5 = arith.constant 1.000000e+00 : f32
    %add3A_6 = vector.broadcast %add3A_5 : f32 to vector<1024x1xf32>
    %add3A_7 = arith.addf %add3A, %add3A_6 : vector<1024x1xf32>
    %sqrt3A = math.sqrt %add3A_7 : vector<1024x1xf32>
    %div3A = arith.constant 1.000000e+00 : f32
    %div3A_8 = vector.broadcast %div3A : f32 to vector<1024x1xf32>
    %div3A_9 = arith.divf %div3A_8, %sqrt3A : vector<1024x1xf32>
    %swap3A = arith.constant 0 : index
    %swap3A_10 = arith.constant 0 : index
    %swap3A_11 = vector.load %arg5[%swap3A, %swap3A_10] : memref<1024x1xf32, #tpu.memory_space<vmem>>, vector<1024x1xf32>
    tpu.vector_store %arg5[%swap3A, %swap3A_10], %div3A_9 {strides = array<i32>} : memref<1024x1xf32, #tpu.memory_space<vmem>>, vector<1024x1xf32>,
    %get3A_12 = arith.constant 0 : index
    %get3A_13 = arith.constant 0 : index
    %get3A_14 = vector.load %arg3[%get3A_12, %get3A_13] : memref<1024x128xf32, #tpu.memory_space<vmem>>, vector<1024x128xf32>
    %get3A_15 = arith.constant 0 : index
    %get3A_16 = arith.constant 0 : index
    %get3A_17 = vector.load %arg4[%get3A_15, %get3A_16] : memref<128x16xf32, #tpu.memory_space<vmem>>, vector<128x16xf32>
    %dot_general3A = arith.constant dense<0.000000e+00> : vector<1024x16xf32>
    %dot_general3A_18 = tpu.matmul %get3A_14, %get3A_17, %dot_general3A {dimension_numbers = #tpu.dot_dimension_numbers<[1], [0], [0], [1], [0, 0, 1, 1], [], []>, transpose_lhs_hint = false} : vector<1024x128xf32>, vector<128x16xf32>, vector<1024x16xf32> -> vector<1024x16xf32>
    %mul3A = vector.broadcast %div3A_9 : vector<1024x1xf32> to vector<1024x16xf32>
    %mul3A_19 = arith.mulf %mul3A, %dot_general3A_18 : vector<1024x16xf32>
    %swap3A_20 = arith.constant 0 : index
    %swap3A_21 = arith.constant 0 : index
    %swap3A_22 = vector.load %arg6[%swap3A_20, %swap3A_21] : memref<1024x16xf32, #tpu.memory_space<vmem>>, vector<1024x16xf32>
    tpu.vector_store %arg6[%swap3A_20, %swap3A_21], %mul3A_19 {strides = array<i32>} : memref<1024x16xf32, #tpu.memory_space<vmem>>, vector<1024x16xf32>,
    return
  }
  func.func @transform_0(%arg0: i32) -> (i32, i32) {
    %c0_i32 = arith.constant 0 : i32
    %c0_i32_0 = arith.constant 0 : i32
    return %arg0, %c0_i32 : i32, i32
  }
  func.func @transform_1(%arg0: i32) -> (i32, i32) {
    %c0_i32 = arith.constant 0 : i32
    %c0_i32_0 = arith.constant 0 : i32
    return %arg0, %c0_i32 : i32, i32
  }
  func.func @transform_2(%arg0: i32) -> (i32, i32) {
    %c0_i32 = arith.constant 0 : i32
    %c0_i32_0 = arith.constant 0 : i32
    return %arg0, %c0_i32 : i32, i32
  }
  func.func @transform_3(%arg0: i32) -> (i32, i32) {
    %c0_i32 = arith.constant 0 : i32
    %c0_i32_0 = arith.constant 0 : i32
    %c0_i32_1 = arith.constant 0 : i32
    return %c0_i32, %c0_i32_0 : i32, i32
  }
  func.func @transform_4(%arg0: i32) -> (i32, i32) {
    %c0_i32 = arith.constant 0 : i32
    %c0_i32_0 = arith.constant 0 : i32
    return %arg0, %c0_i32 : i32, i32
  }
  func.func @transform_5(%arg0: i32) -> (i32, i32) {
    %c0_i32 = arith.constant 0 : i32
    %c0_i32_0 = arith.constant 0 : i32
    return %arg0, %c0_i32 : i32, i32
  }
}

module attributes {stable_mosaic.version = 14 : i64} {
  func.func @body(%arg0: i32, %arg1: memref<1024x16xf32, #tpu.memory_space<vmem>>, %arg2: memref<1024x16xf32, #tpu.memory_space<vmem>>, %arg3: memref<1024x16xf32, #tpu.memory_space<vmem>>, %arg4: memref<1024x1xf32, #tpu.memory_space<vmem>>, %arg5: memref<1x16xf32, #tpu.memory_space<vmem>>, %arg6: memref<16x32xf32, #tpu.memory_space<vmem>>, %arg7: memref<1024x32xf32, #tpu.memory_space<vmem>>) attributes {dimension_semantics = [#tpu.dimension_semantics<arbitrary>], iteration_bounds = array<i64: 10>, scalar_prefetch = 0 : i64, scratch_operands = 0 : i64, tpu.core_type = #tpu.core_type<tc>, window_params = [{transform_indices = @transform_0, window_bounds = array<i64: 1024, 16>}, {transform_indices = @transform_1, window_bounds = array<i64: 1024, 16>}, {transform_indices = @transform_2, window_bounds = array<i64: 1024, 16>}, {transform_indices = @transform_3, window_bounds = array<i64: 1024, 1>}, {pipeline_mode = #tpu.pipeline_mode<synchronous>, transform_indices = @transform_4, window_bounds = array<i64: 1, 16>}, {pipeline_mode = #tpu.pipeline_mode<synchronous>, transform_indices = @transform_5, window_bounds = array<i64: 16, 32>}, {transform_indices = @transform_6, window_bounds = array<i64: 1024, 32>}]} {
    %iota3A = tpu.iota {dimensions = array<i32: 0>} : vector<1024x1xi32>
    %mul3A = arith.constant 1024 : i32
    %mul3A_0 = arith.muli %arg0, %mul3A : i32
    %add3A = vector.broadcast %mul3A_0 : i32 to vector<1024x1xi32>
    %add3A_1 = arith.addi %iota3A, %add3A : vector<1024x1xi32>
    %get3A = arith.constant 0 : index
    %get3A_2 = arith.constant 0 : index
    %get3A_3 = vector.load %arg4[%get3A, %get3A_2] : memref<1024x1xf32, #tpu.memory_space<vmem>>, vector<1024x1xf32>
    %get3A_4 = arith.constant 0 : index
    %get3A_5 = arith.constant 0 : index
    %get3A_6 = vector.load %arg1[%get3A_4, %get3A_5] : memref<1024x16xf32, #tpu.memory_space<vmem>>, vector<1024x16xf32>
    %get3A_7 = arith.constant 0 : index
    %get3A_8 = arith.constant 0 : index
    %get3A_9 = vector.load %arg2[%get3A_7, %get3A_8] : memref<1024x16xf32, #tpu.memory_space<vmem>>, vector<1024x16xf32>
    %add3A_10 = arith.addf %get3A_6, %get3A_9 : vector<1024x16xf32>
    %get3A_11 = arith.constant 0 : index
    %get3A_12 = arith.constant 0 : index
    %get3A_13 = vector.load %arg3[%get3A_11, %get3A_12] : memref<1024x16xf32, #tpu.memory_space<vmem>>, vector<1024x16xf32>
    %add3A_14 = arith.addf %add3A_10, %get3A_13 : vector<1024x16xf32>
    %mul3A_15 = vector.broadcast %get3A_3 : vector<1024x1xf32> to vector<1024x16xf32>
    %mul3A_16 = arith.mulf %mul3A_15, %add3A_14 : vector<1024x16xf32>
    %get3A_17 = arith.constant 0 : index
    %get3A_18 = arith.constant 0 : index
    %get3A_19 = vector.load %arg5[%get3A_17, %get3A_18] : memref<1x16xf32, #tpu.memory_space<vmem>>, vector<1x16xf32>
    %add3A_20 = vector.broadcast %get3A_19 : vector<1x16xf32> to vector<1024x16xf32>
    %add3A_21 = arith.addf %mul3A_16, %add3A_20 : vector<1024x16xf32>
    %lt3A = arith.constant 10000 : i32
    %lt3A_22 = vector.broadcast %lt3A : i32 to vector<1024x1xi32>
    %lt3A_23 = arith.cmpi slt, %add3A_1, %lt3A_22 : vector<1024x1xi32>
    %max3A = arith.constant 0.000000e+00 : f32
    %max3A_24 = vector.broadcast %max3A : f32 to vector<1024x16xf32>
    %max3A_25 = arith.maximumf %add3A_21, %max3A_24 : vector<1024x16xf32>
    %jit3A = arith.constant 0.000000e+00 : f32
    %broadcast_in_dim3A = vector.shape_cast %lt3A_23 : vector<1024x1xi1> to vector<1024x1xi1>
    %broadcast_in_dim3A_26 = vector.broadcast %broadcast_in_dim3A : vector<1024x1xi1> to vector<1024x16xi1>
    %broadcast_in_dim3A_27 = vector.broadcast %jit3A : f32 to vector<1024x16xf32>
    %select_n3A = arith.select %broadcast_in_dim3A_26, %max3A_25, %broadcast_in_dim3A_27 : vector<1024x16xi1>, vector<1024x16xf32>
    %get3A_28 = arith.constant 0 : index
    %get3A_29 = arith.constant 0 : index
    %get3A_30 = vector.load %arg6[%get3A_28, %get3A_29] : memref<16x32xf32, #tpu.memory_space<vmem>>, vector<16x32xf32>
    %dot_general3A = arith.constant dense<0.000000e+00> : vector<1024x32xf32>
    %dot_general3A_31 = tpu.matmul %select_n3A, %get3A_30, %dot_general3A {dimension_numbers = #tpu.dot_dimension_numbers<[1], [0], [0], [1], [0, 0, 1, 1], [], []>, transpose_lhs_hint = false} : vector<1024x16xf32>, vector<16x32xf32>, vector<1024x32xf32> -> vector<1024x32xf32>
    %mul3A_32 = vector.broadcast %get3A_3 : vector<1024x1xf32> to vector<1024x32xf32>
    %mul3A_33 = arith.mulf %mul3A_32, %dot_general3A_31 : vector<1024x32xf32>
    %swap3A = arith.constant 0 : index
    %swap3A_34 = arith.constant 0 : index
    %swap3A_35 = vector.load %arg7[%swap3A, %swap3A_34] : memref<1024x32xf32, #tpu.memory_space<vmem>>, vector<1024x32xf32>
    tpu.vector_store %arg7[%swap3A, %swap3A_34], %mul3A_33 {strides = array<i32>} : memref<1024x32xf32, #tpu.memory_space<vmem>>, vector<1024x32xf32>,
    return
  }
  func.func @transform_0(%arg0: i32) -> (i32, i32) {
    %c0_i32 = arith.constant 0 : i32
    %c0_i32_0 = arith.constant 0 : i32
    return %arg0, %c0_i32 : i32, i32
  }
  func.func @transform_1(%arg0: i32) -> (i32, i32) {
    %c0_i32 = arith.constant 0 : i32
    %c0_i32_0 = arith.constant 0 : i32
    return %arg0, %c0_i32 : i32, i32
  }
  func.func @transform_2(%arg0: i32) -> (i32, i32) {
    %c0_i32 = arith.constant 0 : i32
    %c0_i32_0 = arith.constant 0 : i32
    return %arg0, %c0_i32 : i32, i32
  }
  func.func @transform_3(%arg0: i32) -> (i32, i32) {
    %c0_i32 = arith.constant 0 : i32
    %c0_i32_0 = arith.constant 0 : i32
    return %arg0, %c0_i32 : i32, i32
  }
  func.func @transform_4(%arg0: i32) -> (i32, i32) {
    %c0_i32 = arith.constant 0 : i32
    %c0_i32_0 = arith.constant 0 : i32
    %c0_i32_1 = arith.constant 0 : i32
    return %c0_i32, %c0_i32_0 : i32, i32
  }
  func.func @transform_5(%arg0: i32) -> (i32, i32) {
    %c0_i32 = arith.constant 0 : i32
    %c0_i32_0 = arith.constant 0 : i32
    %c0_i32_1 = arith.constant 0 : i32
    return %c0_i32, %c0_i32_0 : i32, i32
  }
  func.func @transform_6(%arg0: i32) -> (i32, i32) {
    %c0_i32 = arith.constant 0 : i32
    %c0_i32_0 = arith.constant 0 : i32
    return %arg0, %c0_i32 : i32, i32
  }
}

module attributes {stable_mosaic.version = 14 : i64} {
  func.func @body(%arg0: i32, %arg1: memref<1024x32xf32, #tpu.memory_space<vmem>>, %arg2: memref<1024x32xf32, #tpu.memory_space<vmem>>, %arg3: memref<1024x32xf32, #tpu.memory_space<vmem>>, %arg4: memref<1024x1xf32, #tpu.memory_space<vmem>>, %arg5: memref<1x32xf32, #tpu.memory_space<vmem>>, %arg6: memref<32x64xf32, #tpu.memory_space<vmem>>, %arg7: memref<1024x64xf32, #tpu.memory_space<vmem>>) attributes {dimension_semantics = [#tpu.dimension_semantics<arbitrary>], iteration_bounds = array<i64: 10>, scalar_prefetch = 0 : i64, scratch_operands = 0 : i64, tpu.core_type = #tpu.core_type<tc>, window_params = [{transform_indices = @transform_0, window_bounds = array<i64: 1024, 32>}, {transform_indices = @transform_1, window_bounds = array<i64: 1024, 32>}, {transform_indices = @transform_2, window_bounds = array<i64: 1024, 32>}, {transform_indices = @transform_3, window_bounds = array<i64: 1024, 1>}, {pipeline_mode = #tpu.pipeline_mode<synchronous>, transform_indices = @transform_4, window_bounds = array<i64: 1, 32>}, {pipeline_mode = #tpu.pipeline_mode<synchronous>, transform_indices = @transform_5, window_bounds = array<i64: 32, 64>}, {transform_indices = @transform_6, window_bounds = array<i64: 1024, 64>}]} {
    %iota3A = tpu.iota {dimensions = array<i32: 0>} : vector<1024x1xi32>
    %mul3A = arith.constant 1024 : i32
    %mul3A_0 = arith.muli %arg0, %mul3A : i32
    %add3A = vector.broadcast %mul3A_0 : i32 to vector<1024x1xi32>
    %add3A_1 = arith.addi %iota3A, %add3A : vector<1024x1xi32>
    %get3A = arith.constant 0 : index
    %get3A_2 = arith.constant 0 : index
    %get3A_3 = vector.load %arg4[%get3A, %get3A_2] : memref<1024x1xf32, #tpu.memory_space<vmem>>, vector<1024x1xf32>
    %get3A_4 = arith.constant 0 : index
    %get3A_5 = arith.constant 0 : index
    %get3A_6 = vector.load %arg1[%get3A_4, %get3A_5] : memref<1024x32xf32, #tpu.memory_space<vmem>>, vector<1024x32xf32>
    %get3A_7 = arith.constant 0 : index
    %get3A_8 = arith.constant 0 : index
    %get3A_9 = vector.load %arg2[%get3A_7, %get3A_8] : memref<1024x32xf32, #tpu.memory_space<vmem>>, vector<1024x32xf32>
    %add3A_10 = arith.addf %get3A_6, %get3A_9 : vector<1024x32xf32>
    %get3A_11 = arith.constant 0 : index
    %get3A_12 = arith.constant 0 : index
    %get3A_13 = vector.load %arg3[%get3A_11, %get3A_12] : memref<1024x32xf32, #tpu.memory_space<vmem>>, vector<1024x32xf32>
    %add3A_14 = arith.addf %add3A_10, %get3A_13 : vector<1024x32xf32>
    %mul3A_15 = vector.broadcast %get3A_3 : vector<1024x1xf32> to vector<1024x32xf32>
    %mul3A_16 = arith.mulf %mul3A_15, %add3A_14 : vector<1024x32xf32>
    %get3A_17 = arith.constant 0 : index
    %get3A_18 = arith.constant 0 : index
    %get3A_19 = vector.load %arg5[%get3A_17, %get3A_18] : memref<1x32xf32, #tpu.memory_space<vmem>>, vector<1x32xf32>
    %add3A_20 = vector.broadcast %get3A_19 : vector<1x32xf32> to vector<1024x32xf32>
    %add3A_21 = arith.addf %mul3A_16, %add3A_20 : vector<1024x32xf32>
    %lt3A = arith.constant 10000 : i32
    %lt3A_22 = vector.broadcast %lt3A : i32 to vector<1024x1xi32>
    %lt3A_23 = arith.cmpi slt, %add3A_1, %lt3A_22 : vector<1024x1xi32>
    %max3A = arith.constant 0.000000e+00 : f32
    %max3A_24 = vector.broadcast %max3A : f32 to vector<1024x32xf32>
    %max3A_25 = arith.maximumf %add3A_21, %max3A_24 : vector<1024x32xf32>
    %jit3A = arith.constant 0.000000e+00 : f32
    %broadcast_in_dim3A = vector.shape_cast %lt3A_23 : vector<1024x1xi1> to vector<1024x1xi1>
    %broadcast_in_dim3A_26 = vector.broadcast %broadcast_in_dim3A : vector<1024x1xi1> to vector<1024x32xi1>
    %broadcast_in_dim3A_27 = vector.broadcast %jit3A : f32 to vector<1024x32xf32>
    %select_n3A = arith.select %broadcast_in_dim3A_26, %max3A_25, %broadcast_in_dim3A_27 : vector<1024x32xi1>, vector<1024x32xf32>
    %get3A_28 = arith.constant 0 : index
    %get3A_29 = arith.constant 0 : index
    %get3A_30 = vector.load %arg6[%get3A_28, %get3A_29] : memref<32x64xf32, #tpu.memory_space<vmem>>, vector<32x64xf32>
    %dot_general3A = arith.constant dense<0.000000e+00> : vector<1024x64xf32>
    %dot_general3A_31 = tpu.matmul %select_n3A, %get3A_30, %dot_general3A {dimension_numbers = #tpu.dot_dimension_numbers<[1], [0], [0], [1], [0, 0, 1, 1], [], []>, transpose_lhs_hint = false} : vector<1024x32xf32>, vector<32x64xf32>, vector<1024x64xf32> -> vector<1024x64xf32>
    %mul3A_32 = vector.broadcast %get3A_3 : vector<1024x1xf32> to vector<1024x64xf32>
    %mul3A_33 = arith.mulf %mul3A_32, %dot_general3A_31 : vector<1024x64xf32>
    %swap3A = arith.constant 0 : index
    %swap3A_34 = arith.constant 0 : index
    %swap3A_35 = vector.load %arg7[%swap3A, %swap3A_34] : memref<1024x64xf32, #tpu.memory_space<vmem>>, vector<1024x64xf32>
    tpu.vector_store %arg7[%swap3A, %swap3A_34], %mul3A_33 {strides = array<i32>} : memref<1024x64xf32, #tpu.memory_space<vmem>>, vector<1024x64xf32>,
    return
  }
  func.func @transform_0(%arg0: i32) -> (i32, i32) {
    %c0_i32 = arith.constant 0 : i32
    %c0_i32_0 = arith.constant 0 : i32
    return %arg0, %c0_i32 : i32, i32
  }
  func.func @transform_1(%arg0: i32) -> (i32, i32) {
    %c0_i32 = arith.constant 0 : i32
    %c0_i32_0 = arith.constant 0 : i32
    return %arg0, %c0_i32 : i32, i32
  }
  func.func @transform_2(%arg0: i32) -> (i32, i32) {
    %c0_i32 = arith.constant 0 : i32
    %c0_i32_0 = arith.constant 0 : i32
    return %arg0, %c0_i32 : i32, i32
  }
  func.func @transform_3(%arg0: i32) -> (i32, i32) {
    %c0_i32 = arith.constant 0 : i32
    %c0_i32_0 = arith.constant 0 : i32
    return %arg0, %c0_i32 : i32, i32
  }
  func.func @transform_4(%arg0: i32) -> (i32, i32) {
    %c0_i32 = arith.constant 0 : i32
    %c0_i32_0 = arith.constant 0 : i32
    %c0_i32_1 = arith.constant 0 : i32
    return %c0_i32, %c0_i32_0 : i32, i32
  }
  func.func @transform_5(%arg0: i32) -> (i32, i32) {
    %c0_i32 = arith.constant 0 : i32
    %c0_i32_0 = arith.constant 0 : i32
    %c0_i32_1 = arith.constant 0 : i32
    return %c0_i32, %c0_i32_0 : i32, i32
  }
  func.func @transform_6(%arg0: i32) -> (i32, i32) {
    %c0_i32 = arith.constant 0 : i32
    %c0_i32_0 = arith.constant 0 : i32
    return %arg0, %c0_i32 : i32, i32
  }
}

module attributes {stable_mosaic.version = 14 : i64} {
  func.func @body(%arg0: i32, %arg1: memref<1024x64xf32, #tpu.memory_space<vmem>>, %arg2: memref<1024x64xf32, #tpu.memory_space<vmem>>, %arg3: memref<1024x64xf32, #tpu.memory_space<vmem>>, %arg4: memref<1024x1xf32, #tpu.memory_space<vmem>>, %arg5: memref<1x64xf32, #tpu.memory_space<vmem>>, %arg6: memref<1024x1xi32, #tpu.memory_space<vmem>>, %arg7: memref<64x256xf32, #tpu.memory_space<vmem>>, %arg8: memref<1x256xf32, #tpu.memory_space<vmem>>, %arg9: memref<256x10xf32, #tpu.memory_space<vmem>>, %arg10: memref<1x10xf32, #tpu.memory_space<vmem>>, %arg11: memref<16x10xf32, #tpu.memory_space<vmem>>, %arg12: memref<16x64xf32, #tpu.memory_space<vmem>>) attributes {dimension_semantics = [#tpu.dimension_semantics<arbitrary>], iteration_bounds = array<i64: 10>, scalar_prefetch = 0 : i64, scratch_operands = 1 : i64, tpu.core_type = #tpu.core_type<tc>, window_params = [{transform_indices = @transform_0, window_bounds = array<i64: 1024, 64>}, {transform_indices = @transform_1, window_bounds = array<i64: 1024, 64>}, {transform_indices = @transform_2, window_bounds = array<i64: 1024, 64>}, {transform_indices = @transform_3, window_bounds = array<i64: 1024, 1>}, {pipeline_mode = #tpu.pipeline_mode<synchronous>, transform_indices = @transform_4, window_bounds = array<i64: 1, 64>}, {transform_indices = @transform_5, window_bounds = array<i64: 1024, 1>}, {pipeline_mode = #tpu.pipeline_mode<synchronous>, transform_indices = @transform_6, window_bounds = array<i64: 64, 256>}, {pipeline_mode = #tpu.pipeline_mode<synchronous>, transform_indices = @transform_7, window_bounds = array<i64: 1, 256>}, {pipeline_mode = #tpu.pipeline_mode<synchronous>, transform_indices = @transform_8, window_bounds = array<i64: 256, 10>}, {pipeline_mode = #tpu.pipeline_mode<synchronous>, transform_indices = @transform_9, window_bounds = array<i64: 1, 10>}, {pipeline_mode = #tpu.pipeline_mode<synchronous>, transform_indices = @transform_10, window_bounds = array<i64: 16, 10>}]} {
    %eq3A = arith.constant 0 : i32
    %eq3A_0 = arith.cmpi eq, %arg0, %eq3A : i32
    %convert_element_type3A = arith.extui %eq3A_0 : i1 to i32
    %cond3A = arith.constant 0 : i32
    %cond3A_1 = arith.cmpi ne, %convert_element_type3A, %cond3A : i32
    scf.if %cond3A_1 {
      %broadcast_in_dim3A_219 = arith.constant 0xFF800000 : f32
      %broadcast_in_dim3A_220 = vector.broadcast %broadcast_in_dim3A_219 : f32 to vector<16x64xf32>
      %swap3A_221 = arith.constant 0 : index
      %swap3A_222 = arith.constant 0 : index
      %swap3A_223 = vector.load %arg12[%swap3A_221, %swap3A_222] : memref<16x64xf32, #tpu.memory_space<vmem>>, vector<16x64xf32>
      tpu.vector_store %arg12[%swap3A_221, %swap3A_222], %broadcast_in_dim3A_220 {strides = array<i32>} : memref<16x64xf32, #tpu.memory_space<vmem>>, vector<16x64xf32>,
    } else {
    }
    %iota3A = tpu.iota {dimensions = array<i32: 0>} : vector<1024x1xi32>
    %mul3A = arith.constant 1024 : i32
    %mul3A_2 = arith.muli %arg0, %mul3A : i32
    %add3A = vector.broadcast %mul3A_2 : i32 to vector<1024x1xi32>
    %add3A_3 = arith.addi %iota3A, %add3A : vector<1024x1xi32>
    %get3A = arith.constant 0 : index
    %get3A_4 = arith.constant 0 : index
    %get3A_5 = vector.load %arg4[%get3A, %get3A_4] : memref<1024x1xf32, #tpu.memory_space<vmem>>, vector<1024x1xf32>
    %get3A_6 = arith.constant 0 : index
    %get3A_7 = arith.constant 0 : index
    %get3A_8 = vector.load %arg1[%get3A_6, %get3A_7] : memref<1024x64xf32, #tpu.memory_space<vmem>>, vector<1024x64xf32>
    %get3A_9 = arith.constant 0 : index
    %get3A_10 = arith.constant 0 : index
    %get3A_11 = vector.load %arg2[%get3A_9, %get3A_10] : memref<1024x64xf32, #tpu.memory_space<vmem>>, vector<1024x64xf32>
    %add3A_12 = arith.addf %get3A_8, %get3A_11 : vector<1024x64xf32>
    %get3A_13 = arith.constant 0 : index
    %get3A_14 = arith.constant 0 : index
    %get3A_15 = vector.load %arg3[%get3A_13, %get3A_14] : memref<1024x64xf32, #tpu.memory_space<vmem>>, vector<1024x64xf32>
    %add3A_16 = arith.addf %add3A_12, %get3A_15 : vector<1024x64xf32>
    %mul3A_17 = vector.broadcast %get3A_5 : vector<1024x1xf32> to vector<1024x64xf32>
    %mul3A_18 = arith.mulf %mul3A_17, %add3A_16 : vector<1024x64xf32>
    %get3A_19 = arith.constant 0 : index
    %get3A_20 = arith.constant 0 : index
    %get3A_21 = vector.load %arg5[%get3A_19, %get3A_20] : memref<1x64xf32, #tpu.memory_space<vmem>>, vector<1x64xf32>
    %add3A_22 = vector.broadcast %get3A_21 : vector<1x64xf32> to vector<1024x64xf32>
    %add3A_23 = arith.addf %mul3A_18, %add3A_22 : vector<1024x64xf32>
    %lt3A = arith.constant 10000 : i32
    %lt3A_24 = vector.broadcast %lt3A : i32 to vector<1024x1xi32>
    %lt3A_25 = arith.cmpi slt, %add3A_3, %lt3A_24 : vector<1024x1xi32>
    %max3A = arith.constant 0.000000e+00 : f32
    %max3A_26 = vector.broadcast %max3A : f32 to vector<1024x64xf32>
    %max3A_27 = arith.maximumf %add3A_23, %max3A_26 : vector<1024x64xf32>
    %jit3A = arith.constant 0xFF800000 : f32
    %broadcast_in_dim3A = vector.shape_cast %lt3A_25 : vector<1024x1xi1> to vector<1024x1xi1>
    %broadcast_in_dim3A_28 = vector.broadcast %broadcast_in_dim3A : vector<1024x1xi1> to vector<1024x64xi1>
    %broadcast_in_dim3A_29 = vector.broadcast %jit3A : f32 to vector<1024x64xf32>
    %select_n3A = arith.select %broadcast_in_dim3A_28, %max3A_27, %broadcast_in_dim3A_29 : vector<1024x64xi1>, vector<1024x64xf32>
    %get3A_30 = arith.constant 0 : index
    %get3A_31 = arith.constant 0 : index
    %get3A_32 = vector.load %arg6[%get3A_30, %get3A_31] : memref<1024x1xi32, #tpu.memory_space<vmem>>, vector<1024x1xi32>
    %eq3A_33 = arith.constant 0 : i32
    %eq3A_34 = vector.broadcast %eq3A_33 : i32 to vector<1024x1xi32>
    %eq3A_35 = arith.cmpi eq, %get3A_32, %eq3A_34 : vector<1024x1xi32>
    %jit3A_36 = arith.constant 0xFF800000 : f32
    %broadcast_in_dim3A_37 = vector.shape_cast %eq3A_35 : vector<1024x1xi1> to vector<1024x1xi1>
    %broadcast_in_dim3A_38 = vector.broadcast %broadcast_in_dim3A_37 : vector<1024x1xi1> to vector<1024x64xi1>
    %broadcast_in_dim3A_39 = vector.broadcast %jit3A_36 : f32 to vector<1024x64xf32>
    %select_n3A_40 = arith.select %broadcast_in_dim3A_38, %select_n3A, %broadcast_in_dim3A_39 : vector<1024x64xi1>, vector<1024x64xf32>
    %reduce_max3A = arith.constant dense<0xFF800000> : vector<64xf32>
    %reduce_max3A_41 = vector.multi_reduction <maximumf>, %select_n3A_40, %reduce_max3A [0] : vector<1024x64xf32> to vector<64xf32>
    %broadcast_in_dim3A_42 = vector.shape_cast %reduce_max3A_41 : vector<64xf32> to vector<1x64xf32>
    %eq3A_43 = arith.constant 1 : i32
    %eq3A_44 = vector.broadcast %eq3A_43 : i32 to vector<1024x1xi32>
    %eq3A_45 = arith.cmpi eq, %get3A_32, %eq3A_44 : vector<1024x1xi32>
    %jit3A_46 = arith.constant 0xFF800000 : f32
    %broadcast_in_dim3A_47 = vector.shape_cast %eq3A_45 : vector<1024x1xi1> to vector<1024x1xi1>
    %broadcast_in_dim3A_48 = vector.broadcast %broadcast_in_dim3A_47 : vector<1024x1xi1> to vector<1024x64xi1>
    %broadcast_in_dim3A_49 = vector.broadcast %jit3A_46 : f32 to vector<1024x64xf32>
    %select_n3A_50 = arith.select %broadcast_in_dim3A_48, %select_n3A, %broadcast_in_dim3A_49 : vector<1024x64xi1>, vector<1024x64xf32>
    %reduce_max3A_51 = arith.constant dense<0xFF800000> : vector<64xf32>
    %reduce_max3A_52 = vector.multi_reduction <maximumf>, %select_n3A_50, %reduce_max3A_51 [0] : vector<1024x64xf32> to vector<64xf32>
    %broadcast_in_dim3A_53 = vector.shape_cast %reduce_max3A_52 : vector<64xf32> to vector<1x64xf32>
    %eq3A_54 = arith.constant 2 : i32
    %eq3A_55 = vector.broadcast %eq3A_54 : i32 to vector<1024x1xi32>
    %eq3A_56 = arith.cmpi eq, %get3A_32, %eq3A_55 : vector<1024x1xi32>
    %jit3A_57 = arith.constant 0xFF800000 : f32
    %broadcast_in_dim3A_58 = vector.shape_cast %eq3A_56 : vector<1024x1xi1> to vector<1024x1xi1>
    %broadcast_in_dim3A_59 = vector.broadcast %broadcast_in_dim3A_58 : vector<1024x1xi1> to vector<1024x64xi1>
    %broadcast_in_dim3A_60 = vector.broadcast %jit3A_57 : f32 to vector<1024x64xf32>
    %select_n3A_61 = arith.select %broadcast_in_dim3A_59, %select_n3A, %broadcast_in_dim3A_60 : vector<1024x64xi1>, vector<1024x64xf32>
    %reduce_max3A_62 = arith.constant dense<0xFF800000> : vector<64xf32>
    %reduce_max3A_63 = vector.multi_reduction <maximumf>, %select_n3A_61, %reduce_max3A_62 [0] : vector<1024x64xf32> to vector<64xf32>
    %broadcast_in_dim3A_64 = vector.shape_cast %reduce_max3A_63 : vector<64xf32> to vector<1x64xf32>
    %eq3A_65 = arith.constant 3 : i32
    %eq3A_66 = vector.broadcast %eq3A_65 : i32 to vector<1024x1xi32>
    %eq3A_67 = arith.cmpi eq, %get3A_32, %eq3A_66 : vector<1024x1xi32>
    %jit3A_68 = arith.constant 0xFF800000 : f32
    %broadcast_in_dim3A_69 = vector.shape_cast %eq3A_67 : vector<1024x1xi1> to vector<1024x1xi1>
    %broadcast_in_dim3A_70 = vector.broadcast %broadcast_in_dim3A_69 : vector<1024x1xi1> to vector<1024x64xi1>
    %broadcast_in_dim3A_71 = vector.broadcast %jit3A_68 : f32 to vector<1024x64xf32>
    %select_n3A_72 = arith.select %broadcast_in_dim3A_70, %select_n3A, %broadcast_in_dim3A_71 : vector<1024x64xi1>, vector<1024x64xf32>
    %reduce_max3A_73 = arith.constant dense<0xFF800000> : vector<64xf32>
    %reduce_max3A_74 = vector.multi_reduction <maximumf>, %select_n3A_72, %reduce_max3A_73 [0] : vector<1024x64xf32> to vector<64xf32>
    %broadcast_in_dim3A_75 = vector.shape_cast %reduce_max3A_74 : vector<64xf32> to vector<1x64xf32>
    %eq3A_76 = arith.constant 4 : i32
    %eq3A_77 = vector.broadcast %eq3A_76 : i32 to vector<1024x1xi32>
    %eq3A_78 = arith.cmpi eq, %get3A_32, %eq3A_77 : vector<1024x1xi32>
    %jit3A_79 = arith.constant 0xFF800000 : f32
    %broadcast_in_dim3A_80 = vector.shape_cast %eq3A_78 : vector<1024x1xi1> to vector<1024x1xi1>
    %broadcast_in_dim3A_81 = vector.broadcast %broadcast_in_dim3A_80 : vector<1024x1xi1> to vector<1024x64xi1>
    %broadcast_in_dim3A_82 = vector.broadcast %jit3A_79 : f32 to vector<1024x64xf32>
    %select_n3A_83 = arith.select %broadcast_in_dim3A_81, %select_n3A, %broadcast_in_dim3A_82 : vector<1024x64xi1>, vector<1024x64xf32>
    %reduce_max3A_84 = arith.constant dense<0xFF800000> : vector<64xf32>
    %reduce_max3A_85 = vector.multi_reduction <maximumf>, %select_n3A_83, %reduce_max3A_84 [0] : vector<1024x64xf32> to vector<64xf32>
    %broadcast_in_dim3A_86 = vector.shape_cast %reduce_max3A_85 : vector<64xf32> to vector<1x64xf32>
    %eq3A_87 = arith.constant 5 : i32
    %eq3A_88 = vector.broadcast %eq3A_87 : i32 to vector<1024x1xi32>
    %eq3A_89 = arith.cmpi eq, %get3A_32, %eq3A_88 : vector<1024x1xi32>
    %jit3A_90 = arith.constant 0xFF800000 : f32
    %broadcast_in_dim3A_91 = vector.shape_cast %eq3A_89 : vector<1024x1xi1> to vector<1024x1xi1>
    %broadcast_in_dim3A_92 = vector.broadcast %broadcast_in_dim3A_91 : vector<1024x1xi1> to vector<1024x64xi1>
    %broadcast_in_dim3A_93 = vector.broadcast %jit3A_90 : f32 to vector<1024x64xf32>
    %select_n3A_94 = arith.select %broadcast_in_dim3A_92, %select_n3A, %broadcast_in_dim3A_93 : vector<1024x64xi1>, vector<1024x64xf32>
    %reduce_max3A_95 = arith.constant dense<0xFF800000> : vector<64xf32>
    %reduce_max3A_96 = vector.multi_reduction <maximumf>, %select_n3A_94, %reduce_max3A_95 [0] : vector<1024x64xf32> to vector<64xf32>
    %broadcast_in_dim3A_97 = vector.shape_cast %reduce_max3A_96 : vector<64xf32> to vector<1x64xf32>
    %eq3A_98 = arith.constant 6 : i32
    %eq3A_99 = vector.broadcast %eq3A_98 : i32 to vector<1024x1xi32>
    %eq3A_100 = arith.cmpi eq, %get3A_32, %eq3A_99 : vector<1024x1xi32>
    %jit3A_101 = arith.constant 0xFF800000 : f32
    %broadcast_in_dim3A_102 = vector.shape_cast %eq3A_100 : vector<1024x1xi1> to vector<1024x1xi1>
    %broadcast_in_dim3A_103 = vector.broadcast %broadcast_in_dim3A_102 : vector<1024x1xi1> to vector<1024x64xi1>
    %broadcast_in_dim3A_104 = vector.broadcast %jit3A_101 : f32 to vector<1024x64xf32>
    %select_n3A_105 = arith.select %broadcast_in_dim3A_103, %select_n3A, %broadcast_in_dim3A_104 : vector<1024x64xi1>, vector<1024x64xf32>
    %reduce_max3A_106 = arith.constant dense<0xFF800000> : vector<64xf32>
    %reduce_max3A_107 = vector.multi_reduction <maximumf>, %select_n3A_105, %reduce_max3A_106 [0] : vector<1024x64xf32> to vector<64xf32>
    %broadcast_in_dim3A_108 = vector.shape_cast %reduce_max3A_107 : vector<64xf32> to vector<1x64xf32>
    %eq3A_109 = arith.constant 7 : i32
    %eq3A_110 = vector.broadcast %eq3A_109 : i32 to vector<1024x1xi32>
    %eq3A_111 = arith.cmpi eq, %get3A_32, %eq3A_110 : vector<1024x1xi32>
    %jit3A_112 = arith.constant 0xFF800000 : f32
    %broadcast_in_dim3A_113 = vector.shape_cast %eq3A_111 : vector<1024x1xi1> to vector<1024x1xi1>
    %broadcast_in_dim3A_114 = vector.broadcast %broadcast_in_dim3A_113 : vector<1024x1xi1> to vector<1024x64xi1>
    %broadcast_in_dim3A_115 = vector.broadcast %jit3A_112 : f32 to vector<1024x64xf32>
    %select_n3A_116 = arith.select %broadcast_in_dim3A_114, %select_n3A, %broadcast_in_dim3A_115 : vector<1024x64xi1>, vector<1024x64xf32>
    %reduce_max3A_117 = arith.constant dense<0xFF800000> : vector<64xf32>
    %reduce_max3A_118 = vector.multi_reduction <maximumf>, %select_n3A_116, %reduce_max3A_117 [0] : vector<1024x64xf32> to vector<64xf32>
    %broadcast_in_dim3A_119 = vector.shape_cast %reduce_max3A_118 : vector<64xf32> to vector<1x64xf32>
    %eq3A_120 = arith.constant 8 : i32
    %eq3A_121 = vector.broadcast %eq3A_120 : i32 to vector<1024x1xi32>
    %eq3A_122 = arith.cmpi eq, %get3A_32, %eq3A_121 : vector<1024x1xi32>
    %jit3A_123 = arith.constant 0xFF800000 : f32
    %broadcast_in_dim3A_124 = vector.shape_cast %eq3A_122 : vector<1024x1xi1> to vector<1024x1xi1>
    %broadcast_in_dim3A_125 = vector.broadcast %broadcast_in_dim3A_124 : vector<1024x1xi1> to vector<1024x64xi1>
    %broadcast_in_dim3A_126 = vector.broadcast %jit3A_123 : f32 to vector<1024x64xf32>
    %select_n3A_127 = arith.select %broadcast_in_dim3A_125, %select_n3A, %broadcast_in_dim3A_126 : vector<1024x64xi1>, vector<1024x64xf32>
    %reduce_max3A_128 = arith.constant dense<0xFF800000> : vector<64xf32>
    %reduce_max3A_129 = vector.multi_reduction <maximumf>, %select_n3A_127, %reduce_max3A_128 [0] : vector<1024x64xf32> to vector<64xf32>
    %broadcast_in_dim3A_130 = vector.shape_cast %reduce_max3A_129 : vector<64xf32> to vector<1x64xf32>
    %eq3A_131 = arith.constant 9 : i32
    %eq3A_132 = vector.broadcast %eq3A_131 : i32 to vector<1024x1xi32>
    %eq3A_133 = arith.cmpi eq, %get3A_32, %eq3A_132 : vector<1024x1xi32>
    %jit3A_134 = arith.constant 0xFF800000 : f32
    %broadcast_in_dim3A_135 = vector.shape_cast %eq3A_133 : vector<1024x1xi1> to vector<1024x1xi1>
    %broadcast_in_dim3A_136 = vector.broadcast %broadcast_in_dim3A_135 : vector<1024x1xi1> to vector<1024x64xi1>
    %broadcast_in_dim3A_137 = vector.broadcast %jit3A_134 : f32 to vector<1024x64xf32>
    %select_n3A_138 = arith.select %broadcast_in_dim3A_136, %select_n3A, %broadcast_in_dim3A_137 : vector<1024x64xi1>, vector<1024x64xf32>
    %reduce_max3A_139 = arith.constant dense<0xFF800000> : vector<64xf32>
    %reduce_max3A_140 = vector.multi_reduction <maximumf>, %select_n3A_138, %reduce_max3A_139 [0] : vector<1024x64xf32> to vector<64xf32>
    %broadcast_in_dim3A_141 = vector.shape_cast %reduce_max3A_140 : vector<64xf32> to vector<1x64xf32>
    %eq3A_142 = arith.constant 10 : i32
    %eq3A_143 = vector.broadcast %eq3A_142 : i32 to vector<1024x1xi32>
    %eq3A_144 = arith.cmpi eq, %get3A_32, %eq3A_143 : vector<1024x1xi32>
    %jit3A_145 = arith.constant 0xFF800000 : f32
    %broadcast_in_dim3A_146 = vector.shape_cast %eq3A_144 : vector<1024x1xi1> to vector<1024x1xi1>
    %broadcast_in_dim3A_147 = vector.broadcast %broadcast_in_dim3A_146 : vector<1024x1xi1> to vector<1024x64xi1>
    %broadcast_in_dim3A_148 = vector.broadcast %jit3A_145 : f32 to vector<1024x64xf32>
    %select_n3A_149 = arith.select %broadcast_in_dim3A_147, %select_n3A, %broadcast_in_dim3A_148 : vector<1024x64xi1>, vector<1024x64xf32>
    %reduce_max3A_150 = arith.constant dense<0xFF800000> : vector<64xf32>
    %reduce_max3A_151 = vector.multi_reduction <maximumf>, %select_n3A_149, %reduce_max3A_150 [0] : vector<1024x64xf32> to vector<64xf32>
    %broadcast_in_dim3A_152 = vector.shape_cast %reduce_max3A_151 : vector<64xf32> to vector<1x64xf32>
    %eq3A_153 = arith.constant 11 : i32
    %eq3A_154 = vector.broadcast %eq3A_153 : i32 to vector<1024x1xi32>
    %eq3A_155 = arith.cmpi eq, %get3A_32, %eq3A_154 : vector<1024x1xi32>
    %jit3A_156 = arith.constant 0xFF800000 : f32
    %broadcast_in_dim3A_157 = vector.shape_cast %eq3A_155 : vector<1024x1xi1> to vector<1024x1xi1>
    %broadcast_in_dim3A_158 = vector.broadcast %broadcast_in_dim3A_157 : vector<1024x1xi1> to vector<1024x64xi1>
    %broadcast_in_dim3A_159 = vector.broadcast %jit3A_156 : f32 to vector<1024x64xf32>
    %select_n3A_160 = arith.select %broadcast_in_dim3A_158, %select_n3A, %broadcast_in_dim3A_159 : vector<1024x64xi1>, vector<1024x64xf32>
    %reduce_max3A_161 = arith.constant dense<0xFF800000> : vector<64xf32>
    %reduce_max3A_162 = vector.multi_reduction <maximumf>, %select_n3A_160, %reduce_max3A_161 [0] : vector<1024x64xf32> to vector<64xf32>
    %broadcast_in_dim3A_163 = vector.shape_cast %reduce_max3A_162 : vector<64xf32> to vector<1x64xf32>
    %eq3A_164 = arith.constant 12 : i32
    %eq3A_165 = vector.broadcast %eq3A_164 : i32 to vector<1024x1xi32>
    %eq3A_166 = arith.cmpi eq, %get3A_32, %eq3A_165 : vector<1024x1xi32>
    %jit3A_167 = arith.constant 0xFF800000 : f32
    %broadcast_in_dim3A_168 = vector.shape_cast %eq3A_166 : vector<1024x1xi1> to vector<1024x1xi1>
    %broadcast_in_dim3A_169 = vector.broadcast %broadcast_in_dim3A_168 : vector<1024x1xi1> to vector<1024x64xi1>
    %broadcast_in_dim3A_170 = vector.broadcast %jit3A_167 : f32 to vector<1024x64xf32>
    %select_n3A_171 = arith.select %broadcast_in_dim3A_169, %select_n3A, %broadcast_in_dim3A_170 : vector<1024x64xi1>, vector<1024x64xf32>
    %reduce_max3A_172 = arith.constant dense<0xFF800000> : vector<64xf32>
    %reduce_max3A_173 = vector.multi_reduction <maximumf>, %select_n3A_171, %reduce_max3A_172 [0] : vector<1024x64xf32> to vector<64xf32>
    %broadcast_in_dim3A_174 = vector.shape_cast %reduce_max3A_173 : vector<64xf32> to vector<1x64xf32>
    %eq3A_175 = arith.constant 13 : i32
    %eq3A_176 = vector.broadcast %eq3A_175 : i32 to vector<1024x1xi32>
    %eq3A_177 = arith.cmpi eq, %get3A_32, %eq3A_176 : vector<1024x1xi32>
    %jit3A_178 = arith.constant 0xFF800000 : f32
    %broadcast_in_dim3A_179 = vector.shape_cast %eq3A_177 : vector<1024x1xi1> to vector<1024x1xi1>
    %broadcast_in_dim3A_180 = vector.broadcast %broadcast_in_dim3A_179 : vector<1024x1xi1> to vector<1024x64xi1>
    %broadcast_in_dim3A_181 = vector.broadcast %jit3A_178 : f32 to vector<1024x64xf32>
    %select_n3A_182 = arith.select %broadcast_in_dim3A_180, %select_n3A, %broadcast_in_dim3A_181 : vector<1024x64xi1>, vector<1024x64xf32>
    %reduce_max3A_183 = arith.constant dense<0xFF800000> : vector<64xf32>
    %reduce_max3A_184 = vector.multi_reduction <maximumf>, %select_n3A_182, %reduce_max3A_183 [0] : vector<1024x64xf32> to vector<64xf32>
    %broadcast_in_dim3A_185 = vector.shape_cast %reduce_max3A_184 : vector<64xf32> to vector<1x64xf32>
    %eq3A_186 = arith.constant 14 : i32
    %eq3A_187 = vector.broadcast %eq3A_186 : i32 to vector<1024x1xi32>
    %eq3A_188 = arith.cmpi eq, %get3A_32, %eq3A_187 : vector<1024x1xi32>
    %jit3A_189 = arith.constant 0xFF800000 : f32
    %broadcast_in_dim3A_190 = vector.shape_cast %eq3A_188 : vector<1024x1xi1> to vector<1024x1xi1>
    %broadcast_in_dim3A_191 = vector.broadcast %broadcast_in_dim3A_190 : vector<1024x1xi1> to vector<1024x64xi1>
    %broadcast_in_dim3A_192 = vector.broadcast %jit3A_189 : f32 to vector<1024x64xf32>
    %select_n3A_193 = arith.select %broadcast_in_dim3A_191, %select_n3A, %broadcast_in_dim3A_192 : vector<1024x64xi1>, vector<1024x64xf32>
    %reduce_max3A_194 = arith.constant dense<0xFF800000> : vector<64xf32>
    %reduce_max3A_195 = vector.multi_reduction <maximumf>, %select_n3A_193, %reduce_max3A_194 [0] : vector<1024x64xf32> to vector<64xf32>
    %broadcast_in_dim3A_196 = vector.shape_cast %reduce_max3A_195 : vector<64xf32> to vector<1x64xf32>
    %eq3A_197 = arith.constant 15 : i32
    %eq3A_198 = vector.broadcast %eq3A_197 : i32 to vector<1024x1xi32>
    %eq3A_199 = arith.cmpi eq, %get3A_32, %eq3A_198 : vector<1024x1xi32>
    %jit3A_200 = arith.constant 0xFF800000 : f32
    %broadcast_in_dim3A_201 = vector.shape_cast %eq3A_199 : vector<1024x1xi1> to vector<1024x1xi1>
    %broadcast_in_dim3A_202 = vector.broadcast %broadcast_in_dim3A_201 : vector<1024x1xi1> to vector<1024x64xi1>
    %broadcast_in_dim3A_203 = vector.broadcast %jit3A_200 : f32 to vector<1024x64xf32>
    %select_n3A_204 = arith.select %broadcast_in_dim3A_202, %select_n3A, %broadcast_in_dim3A_203 : vector<1024x64xi1>, vector<1024x64xf32>
    %reduce_max3A_205 = arith.constant dense<0xFF800000> : vector<64xf32>
    %reduce_max3A_206 = vector.multi_reduction <maximumf>, %select_n3A_204, %reduce_max3A_205 [0] : vector<1024x64xf32> to vector<64xf32>
    %broadcast_in_dim3A_207 = vector.shape_cast %reduce_max3A_206 : vector<64xf32> to vector<1x64xf32>
    %get3A_208 = arith.constant 0 : index
    %get3A_209 = arith.constant 0 : index
    %get3A_210 = vector.load %arg12[%get3A_208, %get3A_209] : memref<16x64xf32, #tpu.memory_space<vmem>>, vector<16x64xf32>
    %concatenate3A = tpu.concatenate %broadcast_in_dim3A_42, %broadcast_in_dim3A_53, %broadcast_in_dim3A_64, %broadcast_in_dim3A_75, %broadcast_in_dim3A_86, %broadcast_in_dim3A_97, %broadcast_in_dim3A_108, %broadcast_in_dim3A_119, %broadcast_in_dim3A_130, %broadcast_in_dim3A_141, %broadcast_in_dim3A_152, %broadcast_in_dim3A_163, %broadcast_in_dim3A_174, %broadcast_in_dim3A_185, %broadcast_in_dim3A_196, %broadcast_in_dim3A_207 in 0 : vector<1x64xf32>, vector<1x64xf32>, vector<1x64xf32>, vector<1x64xf32>, vector<1x64xf32>, vector<1x64xf32>, vector<1x64xf32>, vector<1x64xf32>, vector<1x64xf32>, vector<1x64xf32>, vector<1x64xf32>, vector<1x64xf32>, vector<1x64xf32>, vector<1x64xf32>, vector<1x64xf32>, vector<1x64xf32> -> vector<16x64xf32>
    %max3A_211 = arith.maximumf %get3A_210, %concatenate3A : vector<16x64xf32>
    %swap3A = arith.constant 0 : index
    %swap3A_212 = arith.constant 0 : index
    %swap3A_213 = vector.load %arg12[%swap3A, %swap3A_212] : memref<16x64xf32, #tpu.memory_space<vmem>>, vector<16x64xf32>
    tpu.vector_store %arg12[%swap3A, %swap3A_212], %max3A_211 {strides = array<i32>} : memref<16x64xf32, #tpu.memory_space<vmem>>, vector<16x64xf32>,
    %eq3A_214 = arith.constant 9 : i32
    %eq3A_215 = arith.cmpi eq, %arg0, %eq3A_214 : i32
    %convert_element_type3A_216 = arith.extui %eq3A_215 : i1 to i32
    %cond3A_217 = arith.constant 0 : i32
    %cond3A_218 = arith.cmpi ne, %convert_element_type3A_216, %cond3A_217 : i32
    scf.if %cond3A_218 {
      %get3A_219 = arith.constant 0 : index
      %get3A_220 = arith.constant 0 : index
      %get3A_221 = vector.load %arg12[%get3A_219, %get3A_220] : memref<16x64xf32, #tpu.memory_space<vmem>>, vector<16x64xf32>
      %get3A_222 = arith.constant 0 : index
      %get3A_223 = arith.constant 0 : index
      %get3A_224 = vector.load %arg7[%get3A_222, %get3A_223] : memref<64x256xf32, #tpu.memory_space<vmem>>, vector<64x256xf32>
      %dot_general3A = arith.constant dense<0.000000e+00> : vector<16x256xf32>
      %dot_general3A_225 = tpu.matmul %get3A_221, %get3A_224, %dot_general3A {dimension_numbers = #tpu.dot_dimension_numbers<[1], [0], [0], [1], [0, 0, 1, 1], [], []>, transpose_lhs_hint = false} : vector<16x64xf32>, vector<64x256xf32>, vector<16x256xf32> -> vector<16x256xf32>
      %get3A_226 = arith.constant 0 : index
      %get3A_227 = arith.constant 0 : index
      %get3A_228 = vector.load %arg8[%get3A_226, %get3A_227] : memref<1x256xf32, #tpu.memory_space<vmem>>, vector<1x256xf32>
      %add3A_229 = vector.broadcast %get3A_228 : vector<1x256xf32> to vector<16x256xf32>
      %add3A_230 = arith.addf %dot_general3A_225, %add3A_229 : vector<16x256xf32>
      %max3A_231 = arith.constant 0.000000e+00 : f32
      %max3A_232 = vector.broadcast %max3A_231 : f32 to vector<16x256xf32>
      %max3A_233 = arith.maximumf %add3A_230, %max3A_232 : vector<16x256xf32>
      %get3A_234 = arith.constant 0 : index
      %get3A_235 = arith.constant 0 : index
      %get3A_236 = vector.load %arg9[%get3A_234, %get3A_235] : memref<256x10xf32, #tpu.memory_space<vmem>>, vector<256x10xf32>
      %dot_general3A_237 = arith.constant dense<0.000000e+00> : vector<16x10xf32>
      %dot_general3A_238 = tpu.matmul %max3A_233, %get3A_236, %dot_general3A_237 {dimension_numbers = #tpu.dot_dimension_numbers<[1], [0], [0], [1], [0, 0, 1, 1], [], []>, transpose_lhs_hint = false} : vector<16x256xf32>, vector<256x10xf32>, vector<16x10xf32> -> vector<16x10xf32>
      %get3A_239 = arith.constant 0 : index
      %get3A_240 = arith.constant 0 : index
      %get3A_241 = vector.load %arg10[%get3A_239, %get3A_240] : memref<1x10xf32, #tpu.memory_space<vmem>>, vector<1x10xf32>
      %add3A_242 = vector.broadcast %get3A_241 : vector<1x10xf32> to vector<16x10xf32>
      %add3A_243 = arith.addf %dot_general3A_238, %add3A_242 : vector<16x10xf32>
      %neg3A = arith.constant 0.000000e+00 : f32
      %neg3A_244 = vector.broadcast %neg3A : f32 to vector<16x10xf32>
      %neg3A_245 = arith.subf %neg3A_244, %add3A_243 : vector<16x10xf32>
      %exp3A = math.exp %neg3A_245 : vector<16x10xf32>
      %add3A_246 = arith.constant 1.000000e+00 : f32
      %add3A_247 = vector.broadcast %add3A_246 : f32 to vector<16x10xf32>
      %add3A_248 = arith.addf %add3A_247, %exp3A : vector<16x10xf32>
      %div3A = arith.constant 1.000000e+00 : f32
      %div3A_249 = vector.broadcast %div3A : f32 to vector<16x10xf32>
      %div3A_250 = arith.divf %div3A_249, %add3A_248 : vector<16x10xf32>
      %swap3A_251 = arith.constant 0 : index
      %swap3A_252 = arith.constant 0 : index
      %swap3A_253 = vector.load %arg11[%swap3A_251, %swap3A_252] : memref<16x10xf32, #tpu.memory_space<vmem>>, vector<16x10xf32>
      tpu.vector_store %arg11[%swap3A_251, %swap3A_252], %div3A_250 {strides = array<i32>} : memref<16x10xf32, #tpu.memory_space<vmem>>, vector<16x10xf32>,
    } else {
    }
    return
  }
  func.func @transform_0(%arg0: i32) -> (i32, i32) {
    %c0_i32 = arith.constant 0 : i32
    %c0_i32_0 = arith.constant 0 : i32
    return %arg0, %c0_i32 : i32, i32
  }
  func.func @transform_1(%arg0: i32) -> (i32, i32) {
    %c0_i32 = arith.constant 0 : i32
    %c0_i32_0 = arith.constant 0 : i32
    return %arg0, %c0_i32 : i32, i32
  }
  func.func @transform_2(%arg0: i32) -> (i32, i32) {
    %c0_i32 = arith.constant 0 : i32
    %c0_i32_0 = arith.constant 0 : i32
    return %arg0, %c0_i32 : i32, i32
  }
  func.func @transform_3(%arg0: i32) -> (i32, i32) {
    %c0_i32 = arith.constant 0 : i32
    %c0_i32_0 = arith.constant 0 : i32
    return %arg0, %c0_i32 : i32, i32
  }
  func.func @transform_4(%arg0: i32) -> (i32, i32) {
    %c0_i32 = arith.constant 0 : i32
    %c0_i32_0 = arith.constant 0 : i32
    %c0_i32_1 = arith.constant 0 : i32
    return %c0_i32, %c0_i32_0 : i32, i32
  }
  func.func @transform_5(%arg0: i32) -> (i32, i32) {
    %c0_i32 = arith.constant 0 : i32
    %c0_i32_0 = arith.constant 0 : i32
    return %arg0, %c0_i32 : i32, i32
  }
  func.func @transform_6(%arg0: i32) -> (i32, i32) {
    %c0_i32 = arith.constant 0 : i32
    %c0_i32_0 = arith.constant 0 : i32
    %c0_i32_1 = arith.constant 0 : i32
    return %c0_i32, %c0_i32_0 : i32, i32
  }
  func.func @transform_7(%arg0: i32) -> (i32, i32) {
    %c0_i32 = arith.constant 0 : i32
    %c0_i32_0 = arith.constant 0 : i32
    %c0_i32_1 = arith.constant 0 : i32
    return %c0_i32, %c0_i32_0 : i32, i32
  }
  func.func @transform_8(%arg0: i32) -> (i32, i32) {
    %c0_i32 = arith.constant 0 : i32
    %c0_i32_0 = arith.constant 0 : i32
    %c0_i32_1 = arith.constant 0 : i32
    return %c0_i32, %c0_i32_0 : i32, i32
  }
  func.func @transform_9(%arg0: i32) -> (i32, i32) {
    %c0_i32 = arith.constant 0 : i32
    %c0_i32_0 = arith.constant 0 : i32
    %c0_i32_1 = arith.constant 0 : i32
    return %c0_i32, %c0_i32_0 : i32, i32
  }
  func.func @transform_10(%arg0: i32) -> (i32, i32) {
    %c0_i32 = arith.constant 0 : i32
    %c0_i32_0 = arith.constant 0 : i32
    %c0_i32_1 = arith.constant 0 : i32
    return %c0_i32, %c0_i32_0 : i32, i32
  }
}

</mosaic_0001>

<sc_bundles>
// kernel: kernel.10.cloned.1.call-start
scs
__scs_entry_jumppad:
0x0: {  	(pc) =	sbr.rel $0x88, $3  }
0x1: {  	(tag) =	ssettag $0x0;
	lr =	simm.s32 $0x1  }
0x2: {  	[smem:$0x3F94] =	sst lr;
	_ =	strace $0xD0000000  }
0x3: {  	_ = 	snop  }
0x4: {  	_ = 	snop  }
0x5: {  	_ = 	snop  }
0x6: {  	_ = 	snop  }
0x7: {  	_ = 	snop  }
__scs_overlays_trampoline_lowered:
0x8: {  	[smem:$0x3FA3] =	sst s0  }
0x9: {  	[smem:$0x3FA4] =	sst s1  }
0xa: {  	[smem:$0x3FA5] =	sst s2  }
0xb: {  	[smem:$0x3FA6] =	sst s3  }
0xc: {  	[smem:$0x3FA7] =	sst s4  }
0xd: {  	[smem:$0x3FA8] =	sst s5  }
0xe: {  	[smem:$0x3FA9] =	sst s6  }
0xf: {  	[smem:$0x3FAA] =	sst s7  }
0x10: {  	[smem:$0x3FAB] =	sst s8  }
0x11: {  	[smem:$0x3FAC] =	sst s9;
	s0 =	simm.s32 @!p0 $0x0  }
0x12: {  	s1 =	sld [smem:$0x3F92];
	s0 =	simm.s32 @p0 $0x1  }
0x13: {  	[smem:$0x3FAD] =	sst s0;
	s0 =	simm.s32 @!p1 $0x0  }
0x14: {  	s2 =	sld [smem:$0x3F91];
	s0 =	simm.s32 @p1 $0x1  }
0x15: {  	[smem:$0x3FAE] =	sst s0;
	s0 =	simm.s32 @!p2 $0x0  }
0x16: {  	s3 =	sld [smem:$0x3FDB];
	s0 =	simm.s32 @p2 $0x1  }
0x17: {  	s4 =	simm.s32 $0x1BF5;
	[smem:$0x3FB0] =	sst s0  }
0x18: {  	s0 =	sld [smem:$0x3F93];
	_ =	swait.ge [sflag:s4], $0x0  }
0x19: {  	s7 =	sld [smem:$0x3F94]  }
0x1a: {  	s8 =	sadd.s32 $0xFFFFE003, lr  }
0x1b: {  	s9 =	sadd.s32 $0xFFFFFEF7, lr;
	s5 =	simm.s32 $0xFFFFFFFF;
	p2 =	slt.u32 s8, $0xFFFFF086  }
0x1c: {  	p1 =	slt.u32 s9, $0xF7A;
	s5 =	simm.s32 @!p2 $0x0  }
0x1d: {  	s5 =	simm.s32 @p1 $0x1;
	p0 =	seq.s32 s7, s2  }
0x1e: {  	s7 =	smul.u32 @!p0 $0xF7A, s2;
	p2 =	seq.s32 @!p0 s5, $0x0  }
0x1f: {  	s9 =	smul.u32 $0xF7A, s1;
	s8 =	simm.s32 @!p0 $0x1BF5;
	p2 =	por !p2, p0  }
0x20: {  	[sflag:s8] =	ssyncset.s32 @!p0 $0xFFFFF086;
	s6 =	sadd.s32 @!p0 s3, s7;
	s7 =	simm.s32 @!p0 $0x108  }
0x21: {  	s3 =	sadd.s32 s3, s9;
	s6 =	sadd.s32 @!p0 $0x88, s6;
	s7 =	simm.s32 @p2 $0x1082  }
0x22: {  	[simem:s7], [sflag:s8] =	dma.local @!p0 [hbm:s6], $0xF7A  }
0x23: {  	s9 =	sor.u32 $0xD0000000, s2;
	s6 =	simm.s32 $0x108;
	_ =	swait.ge @!p0 [sflag:s8], $0x0  }
0x24: {  	s3 =	sadd.s32 $0x88, s3;
	s6 =	simm.s32 @!p1 $0x1082;
	[sflag:s4] =	ssyncset.s32 $0xFFFFF086  }
0x25: {  	[simem:s6], [sflag:s4] =	dma.local [hbm:s3], $0xF7A  }
0x26: {  	[smem:$0x3F94] =	sst s1;
	(tag) =	ssettag s2;
	_ =	strace s9  }
0x27: {  	s1 =	sld [smem:$0x3FA4]  }
0x28: {  	s2 =	sld [smem:$0x3FA5]  }
0x29: {  	s4 =	sld [smem:$0x3FA7]  }
0x2a: {  	p0 =	seq.s32 s5, $0x0;
	s5 =	sld [smem:$0x3FA8]  }
0x2b: {  	s6 =	sld [smem:$0x3FA9]  }
0x2c: {  	s7 =	sld [smem:$0x3FAA]  }
0x2d: {  	s3 =	simm.s32 $0x108;
	s8 =	sld [smem:$0x3FAB]  }
0x2e: {  	s3 =	simm.s32 @!p0 $0x1082;
	s9 =	sld [smem:$0x3FAC]  }
0x2f: {  	lr =	sadd.s32 s0, s3;
	s0 =	sld [smem:$0x3FA3]  }
0x30: {  	s3 =	sld [smem:$0x3FA6]  }
0x31: {  	[smem:$0x3FAF] =	sst s10  }
0x32: {  	s10 =	sld [smem:$0x3FAD];
	_ =	sdelay $0x3  }
0x33: {  	p0 =	seq.s32 s10, $0x1;
	s10 =	sld [smem:$0x3FAF];
	_ =	sdelay $0x3  }
0x34: {  	[smem:$0x3FAF] =	sst s10  }
0x35: {  	s10 =	sld [smem:$0x3FAE];
	_ =	sdelay $0x3  }
0x36: {  	p1 =	seq.s32 s10, $0x1;
	s10 =	sld [smem:$0x3FAF];
	_ =	sdelay $0x3  }
0x37: {  	[smem:$0x3FAF] =	sst s10  }
0x38: {  	s10 =	sld [smem:$0x3FB0]  }
0x39: {  	_ = 	snop;
	(pc) =	sbr.ind lr, $3  }
0x3a: {  	_ = 	snop  }
0x3b: {  	_ = 	snop  }
0x3c: {  	p2 =	seq.s32 s10, $0x1;
	s10 =	sld [smem:$0x3FAF]  }
0x3d: {  	_ =	shalt  }
0x3e: {  	_ =	shalt  }
0x3f: {  	_ =	shalt  }
0x40: {  	_ =	shalt  }
0x41: {  	_ =	shalt  }
0x42: {  	_ =	shalt  }
0x43: {  	_ =	shalt  }
0x44: {  	_ =	shalt  }
0x45: {  	_ =	shalt  }
0x46: {  	_ =	shalt  }
0x47: {  	_ =	shalt  }
0x48: {  	_ =	shalt  }
0x49: {  	_ =	shalt  }
0x4a: {  	_ =	shalt  }
0x4b: {  	_ =	shalt  }
0x4c: {  	_ =	shalt  }
0x4d: {  	_ =	shalt  }
0x4e: {  	_ =	shalt  }
0x4f: {  	_ =	shalt  }
0x50: {  	_ =	shalt  }
0x51: {  	_ =	shalt  }
0x52: {  	_ =	shalt  }
0x53: {  	_ =	shalt  }
0x54: {  	_ =	shalt  }
0x55: {  	_ =	shalt  }
0x56: {  	_ =	shalt  }
0x57: {  	_ =	shalt  }
0x58: {  	_ =	shalt  }
0x59: {  	_ =	shalt  }
0x5a: {  	_ =	shalt  }
0x5b: {  	_ =	shalt  }
0x5c: {  	_ =	shalt  }
0x5d: {  	_ =	shalt  }
0x5e: {  	_ =	shalt  }
0x5f: {  	_ =	shalt  }
0x60: {  	_ =	shalt  }
0x61: {  	_ =	shalt  }
0x62: {  	_ =	shalt  }
0x63: {  	_ =	shalt  }
0x64: {  	_ =	shalt  }
0x65: {  	_ =	shalt  }
0x66: {  	_ =	shalt  }
0x67: {  	_ =	shalt  }
0x68: {  	_ =	shalt  }
0x69: {  	_ =	shalt  }
0x6a: {  	_ =	shalt  }
0x6b: {  	_ =	shalt  }
0x6c: {  	_ =	shalt  }
0x6d: {  	_ =	shalt  }
0x6e: {  	_ =	shalt  }
0x6f: {  	_ =	shalt  }
0x70: {  	_ =	shalt  }
0x71: {  	_ =	shalt  }
0x72: {  	_ =	shalt  }
0x73: {  	_ =	shalt  }
0x74: {  	_ =	shalt  }
0x75: {  	_ =	shalt  }
0x76: {  	_ =	shalt  }
0x77: {  	_ =	shalt  }
0x78: {  	_ =	shalt  }
0x79: {  	_ =	shalt  }
0x7a: {  	_ =	shalt  }
0x7b: {  	_ =	shalt  }
0x7c: {  	_ =	shalt  }
0x7d: {  	_ =	shalt  }
0x7e: {  	_ =	shalt  }
0x7f: {  	_ =	shalt  }
0x80: {  	_ =	shalt  }
0x81: {  	_ =	shalt  }
0x82: {  	_ =	shalt  }
0x83: {  	_ =	shalt  }
0x84: {  	_ =	shalt  }
0x85: {  	_ =	shalt  }
0x86: {  	_ =	shalt  }
0x87: {  	_ =	shalt  }
.Lfunc_end0:
.L_simem_size_0:
called_computation_lowered:
.L_overlay_start_0:
0x88: {  	s2 =	sld [smem:$0x3FD9]  }
0x89: {  	s3 =	sld [smem:$0x3FFE];
	_ =	sdelay $0x1  }
0x8a: {  	s1 =	srdreg.scid  }
0x8b: {  	s0 =	sand.u32 $0x1, s1  }
0x8c: {  	s17 =	sshll.u32 s0, $0xA;
	s2 =	sadd.s32 s3, s2  }
0x8d: {  	s2 =	sadd.s32 s2, s17  }
0x8e: {  	[smem:$0x3FBB] =	sst s2  }
0x8f: {  	_ = 	snop  }
0x90: {  	s2 =	sld [smem:$0x3FD0];
	(tm) =	ssettm $0x1  }
0x91: {  	s18 =	sld [smem:$0x3FFB];
	_ =	sdelay $0x3  }
0x92: {  	_ =	strace s18  }
0x93: {  	s3 =	sld [smem:$0x3FFC];
	_ =	sdelay $0x3  }
0x94: {  	_ =	strace s3  }
0x95: {  	s3 =	sld [smem:$0x3FFD];
	_ =	sdelay $0x3  }
0x96: {  	_ =	strace s3  }
0x97: {  	_ =	strace $0x8FFFFFFF  }
0x98: {  	s19 =	sld [smem:$0x3FDB];
	_ =	sdelay $0x1  }
0x99: {  	s4 =	simm.s32 $_scs_section_size  }
0x9a: {  	s5 =	simm.s32 $_size__tile_overlayer_lowered;
	s6 =	simm.s32 $_tile_overlayer_lowered  }
0x9b: {  	s22 =	simm.s32 $0x1BFF;
	s21 =	sshll.u32 s6, $0x1;
	s3 =	sadd.s32 s4, s19  }
0x9c: {  	s7 =	simm.s32 $0x0;
	s20 =	sshll.u32 s5, $0x1;
	s5 =	sadd.s32 s21, s3  }
0x9d: {  	[timem:s7], [sflag:s22] =	dma.local [hbm:s5], s20  }
0x9e: {  	_ =	swait.ge [sflag:s22], s20  }
0x9f: {  	s4 =	ssub.s32 $0x0, s20;
	[sflag:s22] =	ssyncset.done $0x0  }
0xa0: {  	[sflag:s22] =	ssyncadd.s32 s4;
	_ =	sdelay $0x1  }
0xa1: {  	s23 =	simm.s32 $0x1B8B  }
0xa2: {  	_ =	swait.ge [sflag:s23], $0x1  }
0xa3: {  	[sflag:s23] =	ssyncset.done $0x0  }
0xa4: {  	s25 =	simm.s32 $0x1B8E;
	s24 =	sld [smem:$0x3FFE];
	[sflag:s23] =	ssyncadd.s32 $0xFFFFFFFF  }
0xa5: {  	s26 =	simm.s32 $execute0_lowered;
	[smem:$0x3FD2] =	sst s25  }
0xa6: {  	s5 =	sshll.u32 s26, $0x1;
	_ =	strace $0x80000046;
	[dreg:$0x1] =	wrdreg $0xFFFFFFFF  }
0xa7: {  	s28 =	simm.s32 $_size_execute0_lowered;
	s3 =	sadd.s32 s3, s5;
	[dreg:$0x0] =	wrdreg $0x0  }
0xa8: {  	s5 =	sshll.u32 s28, $0x1;
	[dreg:$0x2] =	wrdreg s3  }
0xa9: {  	[dreg:$0x3] =	wrdreg s5  }
0xaa: {  	[dreg:$0x4] =	wrdreg $0xC0  }
0xab: {  	_ =	task [dreg:s7], $0x5FFFF  }
0xac: {  	[dreg:$0x1] =	wrdreg $0xFFFFFFFF  }
0xad: {  	[dreg:$0x0] =	wrdreg $0x60  }
0xae: {  	[dreg:$0x2] =	wrdreg s24  }
0xaf: {  	[dreg:$0x3] =	wrdreg s2  }
0xb0: {  	[dreg:$0x4] =	wrdreg $0x3E000  }
0xb1: {  	[dreg:$0x5] =	wrdreg $0x9  }
0xb2: {  	_ =	task.clear_ibuf [dreg:s7], $0x6FFFF;
	_ =	strace $0x90000046  }
0xb3: {  	s29 =	simm.s32 $0x9;
	_ =	strace $0x80000048  }
0xb4: {  	_ =	swait.ge [sflag:s29], $0x1  }
0xb5: {  	[sflag:s29] =	ssyncadd.s32 $0xFFFFFFFF  }
0xb6: {  	_ =	strace $0x90000048  }
0xb7: {  	_ =	sfence  }
0xb8: {  	s30 =	sld [smem:$0x0];
	_ =	sdelay $0x2  }
0xb9: {  	s31 =	sshll.u32 s1, $0xD;
	s1 =	sshrl.u32 s1, $0x2  }
0xba: {  	s3 =	sand.u32 $0x4000, s31;
	s1 =	sadd.s32 s1, s30  }
0xbb: {  	s0 =	sor.u32 s3, s0;
	s1 =	sshll.u32 s1, $0x11  }
0xbc: {  	s0 =	sor.u32 s1, s0  }
0xbd: {  	s0 =	sadd.s32 $0x8F2B, s0  }
0xbe: {  	[sflag:s0] =	ssyncadd.remote.s32 $0x1  }
0xbf: {  	_ =	sfence.sel $0xFFFF  }
0xc0: {  	[dreg:$0x0] =	wrdreg $0xFFFFFFFF;
	(pc) =	sbr.abs _section_cstart, $3  }
0xc1: {  	[dreg:$0x1] =	wrdreg $0xFFFFFFFF  }
0xc2: {  	_ =	task.clear_ibuf [dreg:s7], $0x2FFFF;
	_ =	strace $0x9FFFFFFF  }
0xc3: {  	(tm) =	ssettm $0x7FFFFFFF  }
tec
execute0_lowered:
.L_overlay_start_1:
0x0: {  	(tag) =	ssettag $0x1  }
0x1: {  	s6 =	rddreg [dreg:$0x0]  }
0x2: {  	s0 =	srdreg.scid;
	s2 =	rddreg [dreg:$0x1]  }
0x3: {  	s3 =	rddreg [dreg:$0x2];
	s4 =	simm.s32 $0x0;
	s13 =	simm.s32 $0x3600  }
0x4: {  	s14 =	simm.s32 $0x80;
	s5 =	sand.u32 $0x1, s0;
	s0 =	stileid.u32  }
0x5: {  	s15 =	simm.s32 $0x0;
	[smem:$0x7FF] =	sst s4;
	s8 =	smul.u32 $0x2800, s0  }
0x6: {  	s1 =	sshll.u32 s5, $0x4;
	s9 =	smul.u32 $0x28000, s5;
	s11 =	ssub.s32 $0x2, s5  }
0x7: {  	p0 =	seq.s32 s5, $0x0;
	s5 =	simm.s32 $0x34;
	s31 =	sshll.u32 s0, $0x6  }
0x8: {  	s1 =	sor.u32 s0, s1;
	s12 =	sshrl.u32 s11, $0x1;
	s5 =	simm.s32 @!p0 $0x6C  }
0x9: {  	s7 =	smul.u32 $0x6C0, s1;
	s1 =	rddreg [dreg:$0x3];
	_ =	strace $0x80000047  }
0xa: {  	s29 =	sshrl.u32 s8, $0x3;
	s9 =	sadd.s32 s8, s9;
	s11 =	ssub.s32 s11, s12  }
0xb: {  	s30 =	sadd.s32 s8, s3;
	s12 =	simm.s32 $0x1;
	s9 =	sshrl.u32 s9, $0x3  }
0xc: {  	s10 =	sadd.s32 s7, s6;
	s7 =	sadd.s32 s29, s6;
	s9 =	sadd.s32 s9, s6  }
0xd: {  	s6 =	sadd.s32 $0x1A400, s7;
	s7 =	sor.u32 $0x1C01, s31;
	s8 =	sadd.s32 $0xCC00, s10  }
0xe: {  	s9 =	sadd.s32 $0x1F400, s9;
	s10 =	smax.u32 s11, $0x1;
	s11 =	sshrl.u32 s30, $0x3  }
.LBB2_1:
0xf: {  	[spmem:s11], [sflag:s7] =	dma.local [hbm:s6], $0x500  }
0x10: {  	_ =	swait.ge [sflag:s12], $0x500  }
0x11: {  	[sflag:s12] =	ssyncset.done $0x0  }
0x12: {  	[sflag:s12] =	ssyncadd.s32 $0xFFFFFB00  }
0x13: {  	[tilespmem:s4], [sflag:$0x1] =	stream.linear.gather [hbm4b:s8+s4], $0x3600, $0x38;
	[tilespmem:$0x6600] =	vst v63  }
0x14: {  	_ =	swait.ge [sflag:s12], $0x3600  }
0x15: {  	[sflag:s12] =	ssyncset.done $0x0  }
0x16: {  	[sflag:s12] =	ssyncadd.s32 $0xFFFFCA00  }
0x17: {  	[tilespmem:s13], [sflag:$0x1] =	stream.linear.gather [hbm4b:s2+s4], $0x800, $0x38;
	[tilespmem:$0x6600] =	vst v63  }
0x18: {  	_ =	swait.ge [sflag:s12], $0x800  }
0x19: {  	p0 =	sne.s32 s5, $0x1;
	[sflag:s12] =	ssyncset.done $0x0  }
.Ltmp0:
0x1a: {  	[sflag:s12] =	ssyncadd.s32 $0xFFFFF800;
	(pc) =	sbr.rel @!p0 .LBB2_3-.Ltmp0, $4  }
0x1b: {  	[bflag:$0x0] =	sbarrier.arrive $0xFFFF  }
0x1c: {  	[spmem:s3] =	stream.indirect.scatter.add.f32 [tilespmem:s13], [sflag:$0x1], $0x10, s4, s14, $0xb8;
	[tilespmem:$0x6600] =	vst v63  }
0x1d: {  	_ =	swait.ge [sflag:s12], $0x800  }
0x1e: {  	s16 =	sadd.s32 $0xFFFFFFFF, s5;
	s17 =	simm.s32 $0x0;
	[sflag:s12] =	ssyncset.done $0x0  }
.LBB2_2:
0x1f: {  	p0 =	sne.s32 s16, $0x1;
	[sflag:s12] =	ssyncadd.s32 $0xFFFFF800;
	s17 =	sadd.s32 $0x80, s17  }
.Ltmp1:
0x20: {  	s16 =	sadd.s32 $0xFFFFFFFF, s16;
	(pc) =	sbr.rel @p0 .LBB2_2-.Ltmp1, $4  }
0x21: {  	_ = 	snop  }
0x22: {  	[spmem:s3] =	stream.indirect.scatter.add.f32 [tilespmem:s13], [sflag:$0x1], $0x10, s17, s14, $0xb8;
	[tilespmem:$0x6600] =	vst v63  }
0x23: {  	_ =	swait.ge [sflag:s12], $0x800  }
0x24: {  	[sflag:s12] =	ssyncset.done $0x0  }
.LBB2_3:
0x25: {  	s15 =	sadd.s32 $0x1, s15  }
0x26: {  	[sflag:s12] =	ssyncadd.s32 $0xFFFFF800;
	p0 =	sne.s32 s15, s10  }
.Ltmp2:
0x27: {  	[bflag:$0x0] =	sbarrier.arrive $0xFFFF;
	(pc) =	sbr.rel @p0 .LBB2_1-.Ltmp2, $4  }
0x28: {  	[hbm:s9], [sflag:s7] =	dma.local [spmem:s11], $0x500  }
0x29: {  	_ =	swait.ge [sflag:s12], $0x500  }
0x2a: {  	[sflag:s12] =	ssyncset.done $0x0  }
0x2b: {  	[sflag:s12] =	ssyncadd.s32 $0xFFFFFB00  }
0x2c: {  	_ =	sfence.sel $0x180000  }
0x2d: {  	[bflag:$0x0] =	sbarrier.arrive $0xFFFF  }
0x2e: {  	p0 =	sne.s32 s0, $0x0;
	_ =	strace $0x90000047  }
0x2f: {  	s0 =	sadd.s32 @!p0 $0x100000, s1;
	[bflag:$0x2] =	sbarrier.arrive $0xFFFF  }
0x30: {  	[sflag:s0] =	ssyncadd.tile.s32 @!p0 $0x1;
	_ =	shalt  }
.Lfunc_end2:
_tile_overlayer_lowered:
.L_overlay_start_2:
0x31: {  	(tag) =	ssettag $0x2  }
0x32: {  	s0 =	rddreg [dreg:$0x0];
	s2 =	stileid.u32  }
0x33: {  	s1 =	rddreg [dreg:$0x1];
	p0 =	sne.s32 s2, $0x0  }
0x34: {  	s3 =	rddreg [dreg:$0x2];
	[bflag:$0x3] =	sbarrier.arrive $0xFFFF;
	s2 =	simm.s32 @!p0 $0x1C01  }
0x35: {  	[timem:s3], [sflag:s2] =	dma.local @!p0 [hbm:s0], s1  }
0x36: {  	s0 =	simm.s32 @!p0 $0x1  }
0x37: {  	_ =	swait.ge @!p0 [sflag:s0], s1  }
0x38: {  	s1 =	ssub.s32 @!p0 $0x0, s1;
	[sflag:s0] =	ssyncset.done @!p0 $0x0  }
0x39: {  	[sflag:s0] =	ssyncadd.s32 @!p0 s1  }
0x3a: {  	[bflag:$0x3] =	sbarrier.arrive $0xFFFF  }
0x3b: {  	_ =	shalt  }

// kernel: kernel.13.cloned.1.call-start
scs
__scs_entry_jumppad:
0x0: {  	(pc) =	sbr.rel $0x88, $3  }
0x1: {  	(tag) =	ssettag $0x0;
	lr =	simm.s32 $0x1  }
0x2: {  	[smem:$0x3F94] =	sst lr;
	_ =	strace $0xD0000000  }
0x3: {  	_ = 	snop  }
0x4: {  	_ = 	snop  }
0x5: {  	_ = 	snop  }
0x6: {  	_ = 	snop  }
0x7: {  	_ = 	snop  }
__scs_overlays_trampoline_lowered:
0x8: {  	[smem:$0x3FA3] =	sst s0  }
0x9: {  	[smem:$0x3FA4] =	sst s1  }
0xa: {  	[smem:$0x3FA5] =	sst s2  }
0xb: {  	[smem:$0x3FA6] =	sst s3  }
0xc: {  	[smem:$0x3FA7] =	sst s4  }
0xd: {  	[smem:$0x3FA8] =	sst s5  }
0xe: {  	[smem:$0x3FA9] =	sst s6  }
0xf: {  	[smem:$0x3FAA] =	sst s7  }
0x10: {  	[smem:$0x3FAB] =	sst s8  }
0x11: {  	[smem:$0x3FAC] =	sst s9;
	s0 =	simm.s32 @!p0 $0x0  }
0x12: {  	s1 =	sld [smem:$0x3F92];
	s0 =	simm.s32 @p0 $0x1  }
0x13: {  	[smem:$0x3FAD] =	sst s0;
	s0 =	simm.s32 @!p1 $0x0  }
0x14: {  	s2 =	sld [smem:$0x3F91];
	s0 =	simm.s32 @p1 $0x1  }
0x15: {  	[smem:$0x3FAE] =	sst s0;
	s0 =	simm.s32 @!p2 $0x0  }
0x16: {  	s3 =	sld [smem:$0x3FDB];
	s0 =	simm.s32 @p2 $0x1  }
0x17: {  	s4 =	simm.s32 $0x1BF5;
	[smem:$0x3FB0] =	sst s0  }
0x18: {  	s0 =	sld [smem:$0x3F93];
	_ =	swait.ge [sflag:s4], $0x0  }
0x19: {  	s7 =	sld [smem:$0x3F94]  }
0x1a: {  	s8 =	sadd.s32 $0xFFFFE003, lr  }
0x1b: {  	s9 =	sadd.s32 $0xFFFFFEF7, lr;
	s5 =	simm.s32 $0xFFFFFFFF;
	p2 =	slt.u32 s8, $0xFFFFF086  }
0x1c: {  	p1 =	slt.u32 s9, $0xF7A;
	s5 =	simm.s32 @!p2 $0x0  }
0x1d: {  	s5 =	simm.s32 @p1 $0x1;
	p0 =	seq.s32 s7, s2  }
0x1e: {  	s7 =	smul.u32 @!p0 $0xF7A, s2;
	p2 =	seq.s32 @!p0 s5, $0x0  }
0x1f: {  	s9 =	smul.u32 $0xF7A, s1;
	s8 =	simm.s32 @!p0 $0x1BF5;
	p2 =	por !p2, p0  }
0x20: {  	[sflag:s8] =	ssyncset.s32 @!p0 $0xFFFFF086;
	s6 =	sadd.s32 @!p0 s3, s7;
	s7 =	simm.s32 @!p0 $0x108  }
0x21: {  	s3 =	sadd.s32 s3, s9;
	s6 =	sadd.s32 @!p0 $0x88, s6;
	s7 =	simm.s32 @p2 $0x1082  }
0x22: {  	[simem:s7], [sflag:s8] =	dma.local @!p0 [hbm:s6], $0xF7A  }
0x23: {  	s9 =	sor.u32 $0xD0000000, s2;
	s6 =	simm.s32 $0x108;
	_ =	swait.ge @!p0 [sflag:s8], $0x0  }
0x24: {  	s3 =	sadd.s32 $0x88, s3;
	s6 =	simm.s32 @!p1 $0x1082;
	[sflag:s4] =	ssyncset.s32 $0xFFFFF086  }
0x25: {  	[simem:s6], [sflag:s4] =	dma.local [hbm:s3], $0xF7A  }
0x26: {  	[smem:$0x3F94] =	sst s1;
	(tag) =	ssettag s2;
	_ =	strace s9  }
0x27: {  	s1 =	sld [smem:$0x3FA4]  }
0x28: {  	s2 =	sld [smem:$0x3FA5]  }
0x29: {  	s4 =	sld [smem:$0x3FA7]  }
0x2a: {  	p0 =	seq.s32 s5, $0x0;
	s5 =	sld [smem:$0x3FA8]  }
0x2b: {  	s6 =	sld [smem:$0x3FA9]  }
0x2c: {  	s7 =	sld [smem:$0x3FAA]  }
0x2d: {  	s3 =	simm.s32 $0x108;
	s8 =	sld [smem:$0x3FAB]  }
0x2e: {  	s3 =	simm.s32 @!p0 $0x1082;
	s9 =	sld [smem:$0x3FAC]  }
0x2f: {  	lr =	sadd.s32 s0, s3;
	s0 =	sld [smem:$0x3FA3]  }
0x30: {  	s3 =	sld [smem:$0x3FA6]  }
0x31: {  	[smem:$0x3FAF] =	sst s10  }
0x32: {  	s10 =	sld [smem:$0x3FAD];
	_ =	sdelay $0x3  }
0x33: {  	p0 =	seq.s32 s10, $0x1;
	s10 =	sld [smem:$0x3FAF];
	_ =	sdelay $0x3  }
0x34: {  	[smem:$0x3FAF] =	sst s10  }
0x35: {  	s10 =	sld [smem:$0x3FAE];
	_ =	sdelay $0x3  }
0x36: {  	p1 =	seq.s32 s10, $0x1;
	s10 =	sld [smem:$0x3FAF];
	_ =	sdelay $0x3  }
0x37: {  	[smem:$0x3FAF] =	sst s10  }
0x38: {  	s10 =	sld [smem:$0x3FB0]  }
0x39: {  	_ = 	snop;
	(pc) =	sbr.ind lr, $3  }
0x3a: {  	_ = 	snop  }
0x3b: {  	_ = 	snop  }
0x3c: {  	p2 =	seq.s32 s10, $0x1;
	s10 =	sld [smem:$0x3FAF]  }
0x3d: {  	_ =	shalt  }
0x3e: {  	_ =	shalt  }
0x3f: {  	_ =	shalt  }
0x40: {  	_ =	shalt  }
0x41: {  	_ =	shalt  }
0x42: {  	_ =	shalt  }
0x43: {  	_ =	shalt  }
0x44: {  	_ =	shalt  }
0x45: {  	_ =	shalt  }
0x46: {  	_ =	shalt  }
0x47: {  	_ =	shalt  }
0x48: {  	_ =	shalt  }
0x49: {  	_ =	shalt  }
0x4a: {  	_ =	shalt  }
0x4b: {  	_ =	shalt  }
0x4c: {  	_ =	shalt  }
0x4d: {  	_ =	shalt  }
0x4e: {  	_ =	shalt  }
0x4f: {  	_ =	shalt  }
0x50: {  	_ =	shalt  }
0x51: {  	_ =	shalt  }
0x52: {  	_ =	shalt  }
0x53: {  	_ =	shalt  }
0x54: {  	_ =	shalt  }
0x55: {  	_ =	shalt  }
0x56: {  	_ =	shalt  }
0x57: {  	_ =	shalt  }
0x58: {  	_ =	shalt  }
0x59: {  	_ =	shalt  }
0x5a: {  	_ =	shalt  }
0x5b: {  	_ =	shalt  }
0x5c: {  	_ =	shalt  }
0x5d: {  	_ =	shalt  }
0x5e: {  	_ =	shalt  }
0x5f: {  	_ =	shalt  }
0x60: {  	_ =	shalt  }
0x61: {  	_ =	shalt  }
0x62: {  	_ =	shalt  }
0x63: {  	_ =	shalt  }
0x64: {  	_ =	shalt  }
0x65: {  	_ =	shalt  }
0x66: {  	_ =	shalt  }
0x67: {  	_ =	shalt  }
0x68: {  	_ =	shalt  }
0x69: {  	_ =	shalt  }
0x6a: {  	_ =	shalt  }
0x6b: {  	_ =	shalt  }
0x6c: {  	_ =	shalt  }
0x6d: {  	_ =	shalt  }
0x6e: {  	_ =	shalt  }
0x6f: {  	_ =	shalt  }
0x70: {  	_ =	shalt  }
0x71: {  	_ =	shalt  }
0x72: {  	_ =	shalt  }
0x73: {  	_ =	shalt  }
0x74: {  	_ =	shalt  }
0x75: {  	_ =	shalt  }
0x76: {  	_ =	shalt  }
0x77: {  	_ =	shalt  }
0x78: {  	_ =	shalt  }
0x79: {  	_ =	shalt  }
0x7a: {  	_ =	shalt  }
0x7b: {  	_ =	shalt  }
0x7c: {  	_ =	shalt  }
0x7d: {  	_ =	shalt  }
0x7e: {  	_ =	shalt  }
0x7f: {  	_ =	shalt  }
0x80: {  	_ =	shalt  }
0x81: {  	_ =	shalt  }
0x82: {  	_ =	shalt  }
0x83: {  	_ =	shalt  }
0x84: {  	_ =	shalt  }
0x85: {  	_ =	shalt  }
0x86: {  	_ =	shalt  }
0x87: {  	_ =	shalt  }
.Lfunc_end0:
.L_simem_size_0:
called_computation.1_lowered:
.L_overlay_start_0:
0x88: {  	s2 =	sld [smem:$0x3FD9]  }
0x89: {  	s3 =	sld [smem:$0x3FFE];
	_ =	sdelay $0x1  }
0x8a: {  	s1 =	srdreg.scid  }
0x8b: {  	s0 =	sand.u32 $0x1, s1  }
0x8c: {  	s16 =	sshll.u32 s0, $0xA;
	s2 =	sadd.s32 s3, s2  }
0x8d: {  	s2 =	sadd.s32 s2, s16  }
0x8e: {  	[smem:$0x3FBB] =	sst s2  }
0x8f: {  	_ = 	snop  }
0x90: {  	(tm) =	ssettm $0x1  }
0x91: {  	s17 =	sld [smem:$0x3FFB];
	_ =	sdelay $0x3  }
0x92: {  	_ =	strace s17  }
0x93: {  	s2 =	sld [smem:$0x3FFC];
	_ =	sdelay $0x3  }
0x94: {  	_ =	strace s2  }
0x95: {  	s2 =	sld [smem:$0x3FFD];
	_ =	sdelay $0x3  }
0x96: {  	_ =	strace s2  }
0x97: {  	_ =	strace $0x8FFFFFFF  }
0x98: {  	s18 =	sld [smem:$0x3FDB];
	_ =	sdelay $0x1  }
0x99: {  	s19 =	simm.s32 $_scs_section_size  }
0x9a: {  	s4 =	simm.s32 $_size__tile_overlayer_lowered;
	s5 =	simm.s32 $_tile_overlayer_lowered  }
0x9b: {  	s22 =	simm.s32 $0x1BFF;
	s21 =	sshll.u32 s5, $0x1;
	s2 =	sadd.s32 s19, s18  }
0x9c: {  	s6 =	simm.s32 $0x0;
	s20 =	sshll.u32 s4, $0x1;
	s4 =	sadd.s32 s21, s2  }
0x9d: {  	[timem:s6], [sflag:s22] =	dma.local [hbm:s4], s20  }
0x9e: {  	_ =	swait.ge [sflag:s22], s20  }
0x9f: {  	s3 =	ssub.s32 $0x0, s20;
	[sflag:s22] =	ssyncset.done $0x0  }
0xa0: {  	[sflag:s22] =	ssyncadd.s32 s3;
	_ =	sdelay $0x1  }
0xa1: {  	s23 =	simm.s32 $0x1B8B  }
0xa2: {  	_ =	swait.ge [sflag:s23], $0x1  }
0xa3: {  	[sflag:s23] =	ssyncset.done $0x0  }
0xa4: {  	s25 =	simm.s32 $0x1B8E;
	s24 =	sld [smem:$0x3FFE];
	[sflag:s23] =	ssyncadd.s32 $0xFFFFFFFF  }
0xa5: {  	s26 =	simm.s32 $execute0_lowered;
	[smem:$0x3FD2] =	sst s25  }
0xa6: {  	s4 =	sshll.u32 s26, $0x1;
	_ =	strace $0x80000049;
	[dreg:$0x1] =	wrdreg $0xFFFFFFFF  }
0xa7: {  	s28 =	simm.s32 $_size_execute0_lowered;
	s2 =	sadd.s32 s2, s4;
	[dreg:$0x0] =	wrdreg $0x0  }
0xa8: {  	s4 =	sshll.u32 s28, $0x1;
	[dreg:$0x2] =	wrdreg s2  }
0xa9: {  	[dreg:$0x3] =	wrdreg s4  }
0xaa: {  	[dreg:$0x4] =	wrdreg $0xC0  }
0xab: {  	_ =	task [dreg:s6], $0x5FFFF  }
0xac: {  	[dreg:$0x1] =	wrdreg $0xFFFFFFFF  }
0xad: {  	[dreg:$0x0] =	wrdreg $0x60  }
0xae: {  	[dreg:$0x2] =	wrdreg s24  }
0xaf: {  	[dreg:$0x3] =	wrdreg $0x8C000  }
0xb0: {  	[dreg:$0x4] =	wrdreg $0x9  }
0xb1: {  	_ =	task.clear_ibuf [dreg:s6], $0x5FFFF;
	_ =	strace $0x90000049  }
0xb2: {  	s29 =	simm.s32 $0x9;
	_ =	strace $0x8000004B  }
0xb3: {  	_ =	swait.ge [sflag:s29], $0x1  }
0xb4: {  	[sflag:s29] =	ssyncadd.s32 $0xFFFFFFFF  }
0xb5: {  	_ =	strace $0x9000004B  }
0xb6: {  	_ =	sfence  }
0xb7: {  	s30 =	sld [smem:$0x0];
	_ =	sdelay $0x2  }
0xb8: {  	s31 =	sshll.u32 s1, $0xD;
	s1 =	sshrl.u32 s1, $0x2  }
0xb9: {  	s3 =	sand.u32 $0x4000, s31;
	s1 =	sadd.s32 s1, s30  }
0xba: {  	s0 =	sor.u32 s3, s0;
	s1 =	sshll.u32 s1, $0x11  }
0xbb: {  	s0 =	sor.u32 s1, s0  }
0xbc: {  	s0 =	sadd.s32 $0x8F2B, s0  }
0xbd: {  	[sflag:s0] =	ssyncadd.remote.s32 $0x1  }
0xbe: {  	_ =	sfence.sel $0xFFFF  }
0xbf: {  	[dreg:$0x0] =	wrdreg $0xFFFFFFFF;
	(pc) =	sbr.abs _section_cstart, $3  }
0xc0: {  	[dreg:$0x1] =	wrdreg $0xFFFFFFFF  }
0xc1: {  	_ =	task.clear_ibuf [dreg:s6], $0x2FFFF;
	_ =	strace $0x9FFFFFFF  }
0xc2: {  	(tm) =	ssettm $0x7FFFFFFF  }
0xc3: {  	_ =	shalt  }
tec
execute0_lowered:
.L_overlay_start_1:
0x0: {  	(tag) =	ssettag $0x1  }
0x1: {  	s0 =	srdreg.scid;
	s6 =	rddreg [dreg:$0x0]  }
0x2: {  	s13 =	stileid.u32;
	s2 =	rddreg [dreg:$0x1];
	s3 =	simm.s32 $0x0  }
0x3: {  	s14 =	simm.s32 $0x3600;
	s15 =	simm.s32 $0x80;
	s16 =	simm.s32 $0x6C00  }
0x4: {  	s17 =	simm.s32 $0x7400;
	s19 =	simm.s32 $0x7C00;
	s21 =	simm.s32 $0x8400  }
0x5: {  	s22 =	simm.s32 $0x1;
	s28 =	simm.s32 $0x3;
	s30 =	simm.s32 $0x6  }
0x6: {  	s18 =	simm.s32 $0x7;
	s0 =	sand.u32 $0x1, s0;
	s7 =	smul.u32 $0x2800, s13  }
0x7: {  	[smem:$0x7FF] =	sst s3;
	s4 =	sadd.s32 $0x47400, s6;
	s25 =	sshll.u32 s13, $0x6  }
0x8: {  	s1 =	sshll.u32 s0, $0x4;
	s5 =	smul.u32 $0x28000, s0;
	_ =	strace $0x8000004A  }
0x9: {  	s10 =	ssub.s32 $0x2, s0;
	p0 =	seq.s32 s0, $0x0;
	s1 =	sor.u32 s13, s1  }
0xa: {  	s8 =	sshrl.u32 s7, $0x3;
	s11 =	sshrl.u32 s10, $0x1;
	s12 =	sadd.s32 s7, s2  }
0xb: {  	s13 =	simm.s32 $0x9;
	s1 =	smul.u32 $0x6C0, s1;
	s5 =	sadd.s32 s7, s5  }
0xc: {  	s8 =	sadd.s32 s8, s6;
	s11 =	ssub.s32 s10, s11;
	s7 =	sor.u32 $0x1C09, s25  }
0xd: {  	s12 =	sshrl.u32 s12, $0x3;
	s25 =	simm.s32 $0x5;
	s9 =	sshrl.u32 s5, $0x3  }
0xe: {  	s5 =	simm.s32 $0x34;
	s24 =	sadd.s32 $0x1A400, s8;
	s11 =	smax.u32 s11, $0x1  }
0xf: {  	s1 =	sadd.s32 s1, s6;
	s23 =	sadd.s32 s9, s6;
	s5 =	simm.s32 @!p0 $0x6C  }
0x10: {  	[dreg:$0x4] =	wrdreg s24;
	s24 =	simm.s32 $0x8;
	s26 =	sadd.s32 $0x51400, s1  }
0x11: {  	s29 =	sshll.u32 s5, $0x9;
	s9 =	sadd.s32 $0xCC00, s1;
	s10 =	sadd.s32 $0x5EC00, s23  }
0x12: {  	s23 =	simm.s32 $0x2;
	[dreg:$0x5] =	wrdreg s26;
	s31 =	sadd.s32 $0xFFFFF000, s29  }
0x13: {  	s1 =	simm.s32 $0x4;
	s26 =	simm.s32 $0x0;
	[dreg:$0x3] =	wrdreg s31  }
.LBB2_1:
0x14: {  	s0 =	rddreg [dreg:$0x4]  }
0x15: {  	[spmem:s12], [sflag:s7] =	dma.local [hbm:s0], $0x500  }
0x16: {  	_ =	swait.ge [sflag:s13], $0x500  }
0x17: {  	[sflag:s13] =	ssyncset.done $0x0  }
0x18: {  	[sflag:s13] =	ssyncadd.s32 $0xFFFFFB00  }
0x19: {  	[bflag:$0x0] =	sbarrier.arrive $0xFFFF  }
0x1a: {  	s6 =	rddreg [dreg:$0x5]  }
0x1b: {  	[tilespmem:s3], [sflag:$0x9] =	stream.linear.gather [hbm4b:s6+s3], $0x3600, $0x38;
	[tilespmem:$0xB400] =	vst v63  }
0x1c: {  	_ =	swait.ge [sflag:s13], $0x3600  }
0x1d: {  	[sflag:s13] =	ssyncset.done $0x0  }
0x1e: {  	[sflag:s13] =	ssyncadd.s32 $0xFFFFCA00  }
0x1f: {  	[tilespmem:s14], [sflag:$0x9] =	stream.linear.gather [hbm4b:s9+s3], $0x3600, $0x38;
	[tilespmem:$0xB400] =	vst v63  }
0x20: {  	_ =	swait.ge [sflag:s13], $0x3600  }
0x21: {  	[sflag:s13] =	ssyncset.done $0x0  }
0x22: {  	[sflag:s13] =	ssyncadd.s32 $0xFFFFCA00  }
0x23: {  	[tilespmem:s16], [sflag:$0x1] =	stream.indirect.gather [hbm4b:s4+s15], $0x10, s3, s15, $0xb8;
	[tilespmem:$0xB400] =	vst v63  }
0x24: {  	_ = 	snop  }
0x25: {  	[tilespmem:s17], [sflag:$0x2] =	stream.indirect.gather [hbm4b:s4+s15], $0x10, s15, s15, $0xb8;
	[tilespmem:$0xB400] =	vst v63  }
0x26: {  	s8 =	simm.s32 $0x100  }
0x27: {  	[tilespmem:s19], [sflag:$0x3] =	stream.indirect.gather [hbm4b:s4+s15], $0x10, s8, s15, $0xb8;
	[tilespmem:$0xB400] =	vst v63  }
0x28: {  	s20 =	simm.s32 $0x180  }
0x29: {  	[tilespmem:s21], [sflag:$0x4] =	stream.indirect.gather [hbm4b:s4+s15], $0x10, s20, s15, $0xb8;
	[tilespmem:$0xB400] =	vst v63  }
0x2a: {  	_ =	swait.ge [sflag:s22], $0x800  }
0x2b: {  	[sflag:s22] =	ssyncset.done $0x0  }
0x2c: {  	[sflag:s22] =	ssyncadd.s32 $0xFFFFF800  }
0x2d: {  	[spmem:s2] =	stream.indirect.scatter.add.f32 [tilespmem:s16], [sflag:$0x5], $0x10, s14, s15, $0xb8;
	[tilespmem:$0xB400] =	vst v63  }
0x2e: {  	_ =	swait.ge [sflag:s23], $0x800  }
0x2f: {  	[sflag:s23] =	ssyncset.done $0x0  }
0x30: {  	s6 =	simm.s32 $0x3680;
	[sflag:s23] =	ssyncadd.s32 $0xFFFFF800  }
0x31: {  	[spmem:s2] =	stream.indirect.scatter.add.f32 [tilespmem:s17], [sflag:$0x6], $0x10, s6, s15, $0xb8;
	[tilespmem:$0xB400] =	vst v63  }
0x32: {  	_ =	swait.ge [sflag:s25], $0x800  }
0x33: {  	[sflag:s25] =	ssyncset.done $0x0  }
0x34: {  	s8 =	simm.s32 $0x200;
	[sflag:s25] =	ssyncadd.s32 $0xFFFFF800  }
0x35: {  	[tilespmem:s16], [sflag:$0x1] =	stream.indirect.gather [hbm4b:s4+s15], $0x10, s8, s15, $0xb8;
	[tilespmem:$0xB400] =	vst v63  }
0x36: {  	_ =	swait.ge [sflag:s28], $0x800  }
0x37: {  	[sflag:s28] =	ssyncset.done $0x0  }
0x38: {  	s20 =	simm.s32 $0x3700;
	[sflag:s28] =	ssyncadd.s32 $0xFFFFF800  }
0x39: {  	[spmem:s2] =	stream.indirect.scatter.add.f32 [tilespmem:s19], [sflag:$0x7], $0x10, s20, s15, $0xb8;
	[tilespmem:$0xB400] =	vst v63  }
0x3a: {  	_ =	swait.ge [sflag:s30], $0x800  }
0x3b: {  	[sflag:s30] =	ssyncset.done $0x0  }
0x3c: {  	s6 =	simm.s32 $0x280;
	[sflag:s30] =	ssyncadd.s32 $0xFFFFF800  }
0x3d: {  	[tilespmem:s17], [sflag:$0x2] =	stream.indirect.gather [hbm4b:s4+s15], $0x10, s6, s15, $0xb8;
	[tilespmem:$0xB400] =	vst v63  }
0x3e: {  	_ =	swait.ge [sflag:s1], $0x800  }
0x3f: {  	[sflag:s1] =	ssyncset.done $0x0  }
0x40: {  	s8 =	simm.s32 $0x3780;
	[sflag:s1] =	ssyncadd.s32 $0xFFFFF800  }
0x41: {  	[spmem:s2] =	stream.indirect.scatter.add.f32 [tilespmem:s21], [sflag:$0x8], $0x10, s8, s15, $0xb8;
	[tilespmem:$0xB400] =	vst v63  }
0x42: {  	_ =	swait.ge [sflag:s18], $0x800  }
0x43: {  	s31 =	simm.s32 $0xA;
	[sflag:s18] =	ssyncset.done $0x0  }
0x44: {  	s29 =	simm.s32 $0x0;
	s20 =	simm.s32 $0x300;
	[sflag:s18] =	ssyncadd.s32 $0xFFFFF800  }
0x45: {  	[tilespmem:s19], [sflag:$0x3] =	stream.indirect.gather [hbm4b:s4+s15], $0x10, s20, s15, $0xb8;
	[tilespmem:$0xB400] =	vst v63  }
.LBB2_2:
0x46: {  	_ =	swait.ge [sflag:s22], $0x800  }
0x47: {  	s0 =	sshra.s32 s29, $0x2;
	[sflag:s22] =	ssyncset.done $0x0  }
0x48: {  	s6 =	sadd.s32 $0xFFFFFFFD, s31;
	s20 =	sadd.s32 $0x3800, s0;
	[sflag:s22] =	ssyncadd.s32 $0xFFFFF800  }
0x49: {  	[spmem:s2] =	stream.indirect.scatter.add.f32 [tilespmem:s16], [sflag:$0x5], $0x10, s20, s15, $0xb8;
	[tilespmem:$0xB400] =	vst v63  }
0x4a: {  	p0 =	sge.u32 s6, s5;
	_ =	swait.ge [sflag:s24], $0x800  }
0x4b: {  	s6 =	simm.s32 @!p0 $0x80;
	s20 =	sshra.s32 @!p0 s29, $0x2;
	[sflag:s24] =	ssyncset.done $0x0  }
0x4c: {  	s8 =	simm.s32 @!p0 $0x8400;
	s20 =	sadd.s32 @!p0 $0x380, s20;
	[sflag:s24] =	ssyncadd.s32 $0xFFFFF800  }
0x4d: {  	[tilespmem:s8], [sflag:$0x4] =	stream.indirect.gather @!p0 [hbm4b:s4+s6], $0x10, s20, s6, $0xb8;
	[tilespmem:$0xB400] =	vst v63  }
0x4e: {  	_ =	swait.ge [sflag:s23], $0x800  }
0x4f: {  	[sflag:s23] =	ssyncset.done $0x0  }
0x50: {  	s8 =	sadd.s32 $0x3880, s0;
	s20 =	sadd.s32 $0xFFFFFFFE, s31;
	[sflag:s23] =	ssyncadd.s32 $0xFFFFF800  }
0x51: {  	[spmem:s2] =	stream.indirect.scatter.add.f32 [tilespmem:s17], [sflag:$0x6], $0x10, s8, s15, $0xb8;
	[tilespmem:$0xB400] =	vst v63  }
0x52: {  	p0 =	sge.u32 s20, s5;
	_ =	swait.ge [sflag:s25], $0x800  }
0x53: {  	s6 =	sshra.s32 @!p0 s29, $0x2;
	s20 =	simm.s32 @!p0 $0x6C00;
	[sflag:s25] =	ssyncset.done $0x0  }
0x54: {  	s6 =	sadd.s32 @!p0 $0x400, s6;
	s8 =	simm.s32 @!p0 $0x80;
	[sflag:s25] =	ssyncadd.s32 $0xFFFFF800  }
0x55: {  	[tilespmem:s20], [sflag:$0x1] =	stream.indirect.gather @!p0 [hbm4b:s4+s8], $0x10, s6, s8, $0xb8;
	[tilespmem:$0xB400] =	vst v63  }
0x56: {  	_ =	swait.ge [sflag:s28], $0x800  }
0x57: {  	[sflag:s28] =	ssyncset.done $0x0  }
0x58: {  	s8 =	sadd.s32 $0x3900, s0;
	s20 =	sadd.s32 $0xFFFFFFFF, s31;
	[sflag:s28] =	ssyncadd.s32 $0xFFFFF800  }
0x59: {  	[spmem:s2] =	stream.indirect.scatter.add.f32 [tilespmem:s19], [sflag:$0x7], $0x10, s8, s15, $0xb8;
	[tilespmem:$0xB400] =	vst v63  }
0x5a: {  	p0 =	sge.u32 s20, s5;
	_ =	swait.ge [sflag:s30], $0x800  }
0x5b: {  	s6 =	sshra.s32 @!p0 s29, $0x2;
	s20 =	simm.s32 @!p0 $0x7400;
	[sflag:s30] =	ssyncset.done $0x0  }
0x5c: {  	s6 =	sadd.s32 @!p0 $0x480, s6;
	s8 =	simm.s32 @!p0 $0x80;
	[sflag:s30] =	ssyncadd.s32 $0xFFFFF800  }
0x5d: {  	[tilespmem:s20], [sflag:$0x2] =	stream.indirect.gather @!p0 [hbm4b:s4+s8], $0x10, s6, s8, $0xb8;
	[tilespmem:$0xB400] =	vst v63  }
0x5e: {  	_ =	swait.ge [sflag:s1], $0x800  }
0x5f: {  	[sflag:s1] =	ssyncset.done $0x0  }
0x60: {  	s0 =	sadd.s32 $0x3980, s0;
	p0 =	sge.u32 s31, s5;
	[sflag:s1] =	ssyncadd.s32 $0xFFFFF800  }
0x61: {  	[spmem:s2] =	stream.indirect.scatter.add.f32 [tilespmem:s21], [sflag:$0x8], $0x10, s0, s15, $0xb8;
	[tilespmem:$0xB400] =	vst v63  }
0x62: {  	s6 =	simm.s32 @!p0 $0x80;
	s8 =	simm.s32 @!p0 $0x7C00;
	_ =	swait.ge [sflag:s18], $0x800  }
0x63: {  	s0 =	sshra.s32 @!p0 s29, $0x2;
	s29 =	sadd.s32 $0x800, s29;
	[sflag:s18] =	ssyncset.done $0x0  }
0x64: {  	s0 =	sadd.s32 @!p0 $0x500, s0;
	s20 =	rddreg [dreg:$0x3];
	[sflag:s18] =	ssyncadd.s32 $0xFFFFF800  }
0x65: {  	[tilespmem:s8], [sflag:$0x3] =	stream.indirect.gather @!p0 [hbm4b:s4+s6], $0x10, s0, s6, $0xb8;
	[tilespmem:$0xB400] =	vst v63  }
0x66: {  	p0 =	sne.s32 s20, s29  }
.Ltmp0:
0x67: {  	_ = 	snop;
	(pc) =	sbr.rel @p0 .LBB2_2-.Ltmp0, $2  }
0x68: {  	_ =	sdelay $0x2  }
0x69: {  	s31 =	sadd.s32 $0x4, s31  }
0x6a: {  	_ =	swait.ge [sflag:s22], $0x800  }
0x6b: {  	s0 =	sshra.s32 s29, $0x2;
	[sflag:s22] =	ssyncset.done $0x0  }
0x6c: {  	s20 =	sadd.s32 $0xFFFFFFFD, s31;
	s6 =	sadd.s32 $0x3800, s0;
	[sflag:s22] =	ssyncadd.s32 $0xFFFFF800  }
0x6d: {  	[spmem:s2] =	stream.indirect.scatter.add.f32 [tilespmem:s16], [sflag:$0x5], $0x10, s6, s15, $0xb8;
	[tilespmem:$0xB400] =	vst v63  }
0x6e: {  	p0 =	sge.u32 s20, s5;
	_ =	swait.ge [sflag:s24], $0x800  }
0x6f: {  	s8 =	simm.s32 @!p0 $0x80;
	s6 =	sshra.s32 @!p0 s29, $0x2;
	[sflag:s24] =	ssyncset.done $0x0  }
0x70: {  	s20 =	simm.s32 @!p0 $0x8400;
	s6 =	sadd.s32 @!p0 $0x380, s6;
	[sflag:s24] =	ssyncadd.s32 $0xFFFFF800  }
0x71: {  	[tilespmem:s20], [sflag:$0x4] =	stream.indirect.gather @!p0 [hbm4b:s4+s8], $0x10, s6, s8, $0xb8;
	[tilespmem:$0xB400] =	vst v63  }
0x72: {  	_ =	swait.ge [sflag:s23], $0x800  }
0x73: {  	[sflag:s23] =	ssyncset.done $0x0  }
0x74: {  	s8 =	sadd.s32 $0x3880, s0;
	s20 =	sadd.s32 $0xFFFFFFFE, s31;
	[sflag:s23] =	ssyncadd.s32 $0xFFFFF800  }
0x75: {  	[spmem:s2] =	stream.indirect.scatter.add.f32 [tilespmem:s17], [sflag:$0x6], $0x10, s8, s15, $0xb8;
	[tilespmem:$0xB400] =	vst v63  }
0x76: {  	p0 =	sge.u32 s20, s5;
	_ =	swait.ge [sflag:s25], $0x800  }
0x77: {  	s6 =	sshra.s32 @!p0 s29, $0x2;
	s20 =	simm.s32 @!p0 $0x6C00;
	[sflag:s25] =	ssyncset.done $0x0  }
0x78: {  	s6 =	sadd.s32 @!p0 $0x400, s6;
	s8 =	simm.s32 @!p0 $0x80;
	[sflag:s25] =	ssyncadd.s32 $0xFFFFF800  }
0x79: {  	[tilespmem:s20], [sflag:$0x1] =	stream.indirect.gather @!p0 [hbm4b:s4+s8], $0x10, s6, s8, $0xb8;
	[tilespmem:$0xB400] =	vst v63  }
0x7a: {  	_ =	swait.ge [sflag:s28], $0x800  }
0x7b: {  	[sflag:s28] =	ssyncset.done $0x0  }
0x7c: {  	s8 =	sadd.s32 $0x3900, s0;
	s20 =	sadd.s32 $0xFFFFFFFF, s31;
	[sflag:s28] =	ssyncadd.s32 $0xFFFFF800  }
0x7d: {  	[spmem:s2] =	stream.indirect.scatter.add.f32 [tilespmem:s19], [sflag:$0x7], $0x10, s8, s15, $0xb8;
	[tilespmem:$0xB400] =	vst v63  }
0x7e: {  	p0 =	sge.u32 s20, s5;
	_ =	swait.ge [sflag:s30], $0x800  }
0x7f: {  	s6 =	sshra.s32 @!p0 s29, $0x2;
	s20 =	simm.s32 @!p0 $0x7400;
	[sflag:s30] =	ssyncset.done $0x0  }
0x80: {  	s6 =	sadd.s32 @!p0 $0x480, s6;
	s8 =	simm.s32 @!p0 $0x80;
	[sflag:s30] =	ssyncadd.s32 $0xFFFFF800  }
0x81: {  	[tilespmem:s20], [sflag:$0x2] =	stream.indirect.gather @!p0 [hbm4b:s4+s8], $0x10, s6, s8, $0xb8;
	[tilespmem:$0xB400] =	vst v63  }
0x82: {  	_ =	swait.ge [sflag:s1], $0x800  }
0x83: {  	[sflag:s1] =	ssyncset.done $0x0  }
0x84: {  	s0 =	sadd.s32 $0x3980, s0;
	[sflag:s1] =	ssyncadd.s32 $0xFFFFF800  }
0x85: {  	[spmem:s2] =	stream.indirect.scatter.add.f32 [tilespmem:s21], [sflag:$0x8], $0x10, s0, s15, $0xb8;
	[tilespmem:$0xB400] =	vst v63  }
0x86: {  	p0 =	sge.u32 s31, s5;
	_ =	swait.ge [sflag:s18], $0x800  }
0x87: {  	s6 =	simm.s32 @!p0 $0x80;
	s0 =	sshra.s32 @!p0 s29, $0x2;
	[sflag:s18] =	ssyncset.done $0x0  }
0x88: {  	s8 =	simm.s32 @!p0 $0x7C00;
	s0 =	sadd.s32 @!p0 $0x500, s0;
	[sflag:s18] =	ssyncadd.s32 $0xFFFFF800  }
0x89: {  	[tilespmem:s8], [sflag:$0x3] =	stream.indirect.gather @!p0 [hbm4b:s4+s6], $0x10, s0, s6, $0xb8;
	[tilespmem:$0xB400] =	vst v63  }
0x8a: {  	_ =	swait.ge [sflag:s24], $0x800  }
0x8b: {  	s26 =	sadd.s32 $0x1, s26;
	[sflag:s24] =	ssyncset.done $0x0  }
0x8c: {  	p0 =	sne.s32 s26, s11;
	[sflag:s24] =	ssyncadd.s32 $0xFFFFF800  }
.Ltmp1:
0x8d: {  	[bflag:$0x0] =	sbarrier.arrive $0xFFFF;
	(pc) =	sbr.rel @p0 .LBB2_1-.Ltmp1, $4  }
0x8e: {  	[hbm:s10], [sflag:s7] =	dma.local [spmem:s12], $0x500  }
0x8f: {  	_ =	swait.ge [sflag:s13], $0x500  }
0x90: {  	[sflag:s13] =	ssyncset.done $0x0  }
0x91: {  	[sflag:s13] =	ssyncadd.s32 $0xFFFFFB00  }
0x92: {  	_ =	sfence.sel $0x180000  }
0x93: {  	[bflag:$0x0] =	sbarrier.arrive $0xFFFF  }
0x94: {  	_ =	strace $0x9000004A  }
0x95: {  	s0 =	stileid.u32;
	[bflag:$0x2] =	sbarrier.arrive $0xFFFF  }
0x96: {  	p0 =	sne.s32 s0, $0x0;
	s0 =	rddreg [dreg:$0x2]  }
0x97: {  	s0 =	sadd.s32 @!p0 $0x100000, s0  }
0x98: {  	[sflag:s0] =	ssyncadd.tile.s32 @!p0 $0x1;
	_ =	shalt  }
.Lfunc_end2:
_tile_overlayer_lowered:
.L_overlay_start_2:
0x99: {  	(tag) =	ssettag $0x2  }
0x9a: {  	s0 =	rddreg [dreg:$0x0];
	s2 =	stileid.u32  }
0x9b: {  	s1 =	rddreg [dreg:$0x1];
	p0 =	sne.s32 s2, $0x0  }
0x9c: {  	s3 =	rddreg [dreg:$0x2];
	[bflag:$0x3] =	sbarrier.arrive $0xFFFF;
	s2 =	simm.s32 @!p0 $0x1C09  }
0x9d: {  	[timem:s3], [sflag:s2] =	dma.local @!p0 [hbm:s0], s1  }
0x9e: {  	s0 =	simm.s32 @!p0 $0x9  }
0x9f: {  	_ =	swait.ge @!p0 [sflag:s0], s1  }
0xa0: {  	s1 =	ssub.s32 @!p0 $0x0, s1;
	[sflag:s0] =	ssyncset.done @!p0 $0x0  }
0xa1: {  	[sflag:s0] =	ssyncadd.s32 @!p0 s1  }
0xa2: {  	[bflag:$0x3] =	sbarrier.arrive $0xFFFF  }
0xa3: {  	_ =	shalt  }

// kernel: kernel.16.cloned.1.call-start
scs
__scs_entry_jumppad:
0x0: {  	(pc) =	sbr.rel $0x88, $3  }
0x1: {  	(tag) =	ssettag $0x0;
	lr =	simm.s32 $0x1  }
0x2: {  	[smem:$0x3F94] =	sst lr;
	_ =	strace $0xD0000000  }
0x3: {  	_ = 	snop  }
0x4: {  	_ = 	snop  }
0x5: {  	_ = 	snop  }
0x6: {  	_ = 	snop  }
0x7: {  	_ = 	snop  }
__scs_overlays_trampoline_lowered:
0x8: {  	[smem:$0x3FA3] =	sst s0  }
0x9: {  	[smem:$0x3FA4] =	sst s1  }
0xa: {  	[smem:$0x3FA5] =	sst s2  }
0xb: {  	[smem:$0x3FA6] =	sst s3  }
0xc: {  	[smem:$0x3FA7] =	sst s4  }
0xd: {  	[smem:$0x3FA8] =	sst s5  }
0xe: {  	[smem:$0x3FA9] =	sst s6  }
0xf: {  	[smem:$0x3FAA] =	sst s7  }
0x10: {  	[smem:$0x3FAB] =	sst s8  }
0x11: {  	[smem:$0x3FAC] =	sst s9;
	s0 =	simm.s32 @!p0 $0x0  }
0x12: {  	s1 =	sld [smem:$0x3F92];
	s0 =	simm.s32 @p0 $0x1  }
0x13: {  	[smem:$0x3FAD] =	sst s0;
	s0 =	simm.s32 @!p1 $0x0  }
0x14: {  	s2 =	sld [smem:$0x3F91];
	s0 =	simm.s32 @p1 $0x1  }
0x15: {  	[smem:$0x3FAE] =	sst s0;
	s0 =	simm.s32 @!p2 $0x0  }
0x16: {  	s3 =	sld [smem:$0x3FDB];
	s0 =	simm.s32 @p2 $0x1  }
0x17: {  	s4 =	simm.s32 $0x1BF5;
	[smem:$0x3FB0] =	sst s0  }
0x18: {  	s0 =	sld [smem:$0x3F93];
	_ =	swait.ge [sflag:s4], $0x0  }
0x19: {  	s7 =	sld [smem:$0x3F94]  }
0x1a: {  	s8 =	sadd.s32 $0xFFFFE003, lr  }
0x1b: {  	s9 =	sadd.s32 $0xFFFFFEF7, lr;
	s5 =	simm.s32 $0xFFFFFFFF;
	p2 =	slt.u32 s8, $0xFFFFF086  }
0x1c: {  	p1 =	slt.u32 s9, $0xF7A;
	s5 =	simm.s32 @!p2 $0x0  }
0x1d: {  	s5 =	simm.s32 @p1 $0x1;
	p0 =	seq.s32 s7, s2  }
0x1e: {  	s7 =	smul.u32 @!p0 $0xF7A, s2;
	p2 =	seq.s32 @!p0 s5, $0x0  }
0x1f: {  	s9 =	smul.u32 $0xF7A, s1;
	s8 =	simm.s32 @!p0 $0x1BF5;
	p2 =	por !p2, p0  }
0x20: {  	[sflag:s8] =	ssyncset.s32 @!p0 $0xFFFFF086;
	s6 =	sadd.s32 @!p0 s3, s7;
	s7 =	simm.s32 @!p0 $0x108  }
0x21: {  	s3 =	sadd.s32 s3, s9;
	s6 =	sadd.s32 @!p0 $0x88, s6;
	s7 =	simm.s32 @p2 $0x1082  }
0x22: {  	[simem:s7], [sflag:s8] =	dma.local @!p0 [hbm:s6], $0xF7A  }
0x23: {  	s9 =	sor.u32 $0xD0000000, s2;
	s6 =	simm.s32 $0x108;
	_ =	swait.ge @!p0 [sflag:s8], $0x0  }
0x24: {  	s3 =	sadd.s32 $0x88, s3;
	s6 =	simm.s32 @!p1 $0x1082;
	[sflag:s4] =	ssyncset.s32 $0xFFFFF086  }
0x25: {  	[simem:s6], [sflag:s4] =	dma.local [hbm:s3], $0xF7A  }
0x26: {  	[smem:$0x3F94] =	sst s1;
	(tag) =	ssettag s2;
	_ =	strace s9  }
0x27: {  	s1 =	sld [smem:$0x3FA4]  }
0x28: {  	s2 =	sld [smem:$0x3FA5]  }
0x29: {  	s4 =	sld [smem:$0x3FA7]  }
0x2a: {  	p0 =	seq.s32 s5, $0x0;
	s5 =	sld [smem:$0x3FA8]  }
0x2b: {  	s6 =	sld [smem:$0x3FA9]  }
0x2c: {  	s7 =	sld [smem:$0x3FAA]  }
0x2d: {  	s3 =	simm.s32 $0x108;
	s8 =	sld [smem:$0x3FAB]  }
0x2e: {  	s3 =	simm.s32 @!p0 $0x1082;
	s9 =	sld [smem:$0x3FAC]  }
0x2f: {  	lr =	sadd.s32 s0, s3;
	s0 =	sld [smem:$0x3FA3]  }
0x30: {  	s3 =	sld [smem:$0x3FA6]  }
0x31: {  	[smem:$0x3FAF] =	sst s10  }
0x32: {  	s10 =	sld [smem:$0x3FAD];
	_ =	sdelay $0x3  }
0x33: {  	p0 =	seq.s32 s10, $0x1;
	s10 =	sld [smem:$0x3FAF];
	_ =	sdelay $0x3  }
0x34: {  	[smem:$0x3FAF] =	sst s10  }
0x35: {  	s10 =	sld [smem:$0x3FAE];
	_ =	sdelay $0x3  }
0x36: {  	p1 =	seq.s32 s10, $0x1;
	s10 =	sld [smem:$0x3FAF];
	_ =	sdelay $0x3  }
0x37: {  	[smem:$0x3FAF] =	sst s10  }
0x38: {  	s10 =	sld [smem:$0x3FB0]  }
0x39: {  	_ = 	snop;
	(pc) =	sbr.ind lr, $3  }
0x3a: {  	_ = 	snop  }
0x3b: {  	_ = 	snop  }
0x3c: {  	p2 =	seq.s32 s10, $0x1;
	s10 =	sld [smem:$0x3FAF]  }
0x3d: {  	_ =	shalt  }
0x3e: {  	_ =	shalt  }
0x3f: {  	_ =	shalt  }
0x40: {  	_ =	shalt  }
0x41: {  	_ =	shalt  }
0x42: {  	_ =	shalt  }
0x43: {  	_ =	shalt  }
0x44: {  	_ =	shalt  }
0x45: {  	_ =	shalt  }
0x46: {  	_ =	shalt  }
0x47: {  	_ =	shalt  }
0x48: {  	_ =	shalt  }
0x49: {  	_ =	shalt  }
0x4a: {  	_ =	shalt  }
0x4b: {  	_ =	shalt  }
0x4c: {  	_ =	shalt  }
0x4d: {  	_ =	shalt  }
0x4e: {  	_ =	shalt  }
0x4f: {  	_ =	shalt  }
0x50: {  	_ =	shalt  }
0x51: {  	_ =	shalt  }
0x52: {  	_ =	shalt  }
0x53: {  	_ =	shalt  }
0x54: {  	_ =	shalt  }
0x55: {  	_ =	shalt  }
0x56: {  	_ =	shalt  }
0x57: {  	_ =	shalt  }
0x58: {  	_ =	shalt  }
0x59: {  	_ =	shalt  }
0x5a: {  	_ =	shalt  }
0x5b: {  	_ =	shalt  }
0x5c: {  	_ =	shalt  }
0x5d: {  	_ =	shalt  }
0x5e: {  	_ =	shalt  }
0x5f: {  	_ =	shalt  }
0x60: {  	_ =	shalt  }
0x61: {  	_ =	shalt  }
0x62: {  	_ =	shalt  }
0x63: {  	_ =	shalt  }
0x64: {  	_ =	shalt  }
0x65: {  	_ =	shalt  }
0x66: {  	_ =	shalt  }
0x67: {  	_ =	shalt  }
0x68: {  	_ =	shalt  }
0x69: {  	_ =	shalt  }
0x6a: {  	_ =	shalt  }
0x6b: {  	_ =	shalt  }
0x6c: {  	_ =	shalt  }
0x6d: {  	_ =	shalt  }
0x6e: {  	_ =	shalt  }
0x6f: {  	_ =	shalt  }
0x70: {  	_ =	shalt  }
0x71: {  	_ =	shalt  }
0x72: {  	_ =	shalt  }
0x73: {  	_ =	shalt  }
0x74: {  	_ =	shalt  }
0x75: {  	_ =	shalt  }
0x76: {  	_ =	shalt  }
0x77: {  	_ =	shalt  }
0x78: {  	_ =	shalt  }
0x79: {  	_ =	shalt  }
0x7a: {  	_ =	shalt  }
0x7b: {  	_ =	shalt  }
0x7c: {  	_ =	shalt  }
0x7d: {  	_ =	shalt  }
0x7e: {  	_ =	shalt  }
0x7f: {  	_ =	shalt  }
0x80: {  	_ =	shalt  }
0x81: {  	_ =	shalt  }
0x82: {  	_ =	shalt  }
0x83: {  	_ =	shalt  }
0x84: {  	_ =	shalt  }
0x85: {  	_ =	shalt  }
0x86: {  	_ =	shalt  }
0x87: {  	_ =	shalt  }
.Lfunc_end0:
.L_simem_size_0:
called_computation.2_lowered:
.L_overlay_start_0:
0x88: {  	s2 =	sld [smem:$0x3FD9]  }
0x89: {  	s3 =	sld [smem:$0x3FFE];
	_ =	sdelay $0x1  }
0x8a: {  	s1 =	srdreg.scid  }
0x8b: {  	s0 =	sand.u32 $0x1, s1  }
0x8c: {  	s16 =	sshll.u32 s0, $0xA;
	s2 =	sadd.s32 s3, s2  }
0x8d: {  	s2 =	sadd.s32 s2, s16  }
0x8e: {  	[smem:$0x3FBB] =	sst s2  }
0x8f: {  	_ = 	snop  }
0x90: {  	(tm) =	ssettm $0x1  }
0x91: {  	s17 =	sld [smem:$0x3FFB];
	_ =	sdelay $0x3  }
0x92: {  	_ =	strace s17  }
0x93: {  	s2 =	sld [smem:$0x3FFC];
	_ =	sdelay $0x3  }
0x94: {  	_ =	strace s2  }
0x95: {  	s2 =	sld [smem:$0x3FFD];
	_ =	sdelay $0x3  }
0x96: {  	_ =	strace s2  }
0x97: {  	_ =	strace $0x8FFFFFFF  }
0x98: {  	s18 =	sld [smem:$0x3FDB];
	_ =	sdelay $0x1  }
0x99: {  	s19 =	simm.s32 $_scs_section_size  }
0x9a: {  	s4 =	simm.s32 $_size__tile_overlayer_lowered;
	s5 =	simm.s32 $_tile_overlayer_lowered  }
0x9b: {  	s22 =	simm.s32 $0x1BFF;
	s21 =	sshll.u32 s5, $0x1;
	s2 =	sadd.s32 s19, s18  }
0x9c: {  	s6 =	simm.s32 $0x0;
	s20 =	sshll.u32 s4, $0x1;
	s4 =	sadd.s32 s21, s2  }
0x9d: {  	[timem:s6], [sflag:s22] =	dma.local [hbm:s4], s20  }
0x9e: {  	_ =	swait.ge [sflag:s22], s20  }
0x9f: {  	s3 =	ssub.s32 $0x0, s20;
	[sflag:s22] =	ssyncset.done $0x0  }
0xa0: {  	[sflag:s22] =	ssyncadd.s32 s3;
	_ =	sdelay $0x1  }
0xa1: {  	s23 =	simm.s32 $0x1B8B  }
0xa2: {  	_ =	swait.ge [sflag:s23], $0x1  }
0xa3: {  	[sflag:s23] =	ssyncset.done $0x0  }
0xa4: {  	s25 =	simm.s32 $0x1B8E;
	s24 =	sld [smem:$0x3FFE];
	[sflag:s23] =	ssyncadd.s32 $0xFFFFFFFF  }
0xa5: {  	s26 =	simm.s32 $execute0_lowered;
	[smem:$0x3FD2] =	sst s25  }
0xa6: {  	s4 =	sshll.u32 s26, $0x1;
	_ =	strace $0x8000004C;
	[dreg:$0x1] =	wrdreg $0xFFFFFFFF  }
0xa7: {  	s28 =	simm.s32 $_size_execute0_lowered;
	s2 =	sadd.s32 s2, s4;
	[dreg:$0x0] =	wrdreg $0x0  }
0xa8: {  	s4 =	sshll.u32 s28, $0x1;
	[dreg:$0x2] =	wrdreg s2  }
0xa9: {  	[dreg:$0x3] =	wrdreg s4  }
0xaa: {  	[dreg:$0x4] =	wrdreg $0xC0  }
0xab: {  	_ =	task [dreg:s6], $0x5FFFF  }
0xac: {  	[dreg:$0x1] =	wrdreg $0xFFFFFFFF  }
0xad: {  	[dreg:$0x0] =	wrdreg $0x60  }
0xae: {  	[dreg:$0x2] =	wrdreg s24  }
0xaf: {  	[dreg:$0x3] =	wrdreg $0xAC000  }
0xb0: {  	[dreg:$0x4] =	wrdreg $0x9  }
0xb1: {  	_ =	task.clear_ibuf [dreg:s6], $0x5FFFF;
	_ =	strace $0x9000004C  }
0xb2: {  	s29 =	simm.s32 $0x9;
	_ =	strace $0x8000004E  }
0xb3: {  	_ =	swait.ge [sflag:s29], $0x1  }
0xb4: {  	[sflag:s29] =	ssyncadd.s32 $0xFFFFFFFF  }
0xb5: {  	_ =	strace $0x9000004E  }
0xb6: {  	_ =	sfence  }
0xb7: {  	s30 =	sld [smem:$0x0];
	_ =	sdelay $0x2  }
0xb8: {  	s31 =	sshll.u32 s1, $0xD;
	s1 =	sshrl.u32 s1, $0x2  }
0xb9: {  	s3 =	sand.u32 $0x4000, s31;
	s1 =	sadd.s32 s1, s30  }
0xba: {  	s0 =	sor.u32 s3, s0;
	s1 =	sshll.u32 s1, $0x11  }
0xbb: {  	s0 =	sor.u32 s1, s0  }
0xbc: {  	s0 =	sadd.s32 $0x8F2B, s0  }
0xbd: {  	[sflag:s0] =	ssyncadd.remote.s32 $0x1  }
0xbe: {  	_ =	sfence.sel $0xFFFF  }
0xbf: {  	[dreg:$0x0] =	wrdreg $0xFFFFFFFF;
	(pc) =	sbr.abs _section_cstart, $3  }
0xc0: {  	[dreg:$0x1] =	wrdreg $0xFFFFFFFF  }
0xc1: {  	_ =	task.clear_ibuf [dreg:s6], $0x2FFFF;
	_ =	strace $0x9FFFFFFF  }
0xc2: {  	(tm) =	ssettm $0x7FFFFFFF  }
0xc3: {  	_ =	shalt  }
tec
execute0_lowered:
.L_overlay_start_1:
0x0: {  	(tag) =	ssettag $0x1  }
0x1: {  	s0 =	srdreg.scid;
	s6 =	rddreg [dreg:$0x0]  }
0x2: {  	s13 =	stileid.u32;
	s2 =	rddreg [dreg:$0x1];
	s3 =	simm.s32 $0x0  }
0x3: {  	s14 =	simm.s32 $0x3600;
	s15 =	simm.s32 $0x80;
	s16 =	simm.s32 $0x6C00  }
0x4: {  	s17 =	simm.s32 $0x7C00;
	s19 =	simm.s32 $0x8C00;
	s21 =	simm.s32 $0x9C00  }
0x5: {  	s22 =	simm.s32 $0x1;
	s28 =	simm.s32 $0x3;
	s30 =	simm.s32 $0x6  }
0x6: {  	s18 =	simm.s32 $0x7;
	s0 =	sand.u32 $0x1, s0;
	s7 =	smul.u32 $0x5000, s13  }
0x7: {  	[smem:$0x7FF] =	sst s3;
	s4 =	sadd.s32 $0x47400, s6;
	s25 =	sshll.u32 s13, $0x6  }
0x8: {  	s1 =	sshll.u32 s0, $0x4;
	s5 =	smul.u32 $0x50000, s0;
	_ =	strace $0x8000004D  }
0x9: {  	s10 =	ssub.s32 $0x2, s0;
	p0 =	seq.s32 s0, $0x0;
	s1 =	sor.u32 s13, s1  }
0xa: {  	s8 =	sshrl.u32 s7, $0x3;
	s11 =	sshrl.u32 s10, $0x1;
	s12 =	sadd.s32 s7, s2  }
0xb: {  	s13 =	simm.s32 $0x9;
	s1 =	smul.u32 $0x6C0, s1;
	s5 =	sadd.s32 s7, s5  }
0xc: {  	s8 =	sadd.s32 s8, s6;
	s11 =	ssub.s32 s10, s11;
	s7 =	sor.u32 $0x1C09, s25  }
0xd: {  	s12 =	sshrl.u32 s12, $0x3;
	s25 =	simm.s32 $0x5;
	s9 =	sshrl.u32 s5, $0x3  }
0xe: {  	s5 =	simm.s32 $0x34;
	s24 =	sadd.s32 $0x5EC00, s8;
	s11 =	smax.u32 s11, $0x1  }
0xf: {  	s1 =	sadd.s32 s1, s6;
	s23 =	sadd.s32 s9, s6;
	s5 =	simm.s32 @!p0 $0x6C  }
0x10: {  	[dreg:$0x4] =	wrdreg s24;
	s24 =	simm.s32 $0x8;
	s26 =	sadd.s32 $0x51400, s1  }
0x11: {  	s29 =	sshll.u32 s5, $0x9;
	s9 =	sadd.s32 $0xCC00, s1;
	s10 =	sadd.s32 $0x68C00, s23  }
0x12: {  	s23 =	simm.s32 $0x2;
	[dreg:$0x5] =	wrdreg s26;
	s31 =	sadd.s32 $0xFFFFF000, s29  }
0x13: {  	s1 =	simm.s32 $0x4;
	s26 =	simm.s32 $0x0;
	[dreg:$0x3] =	wrdreg s31  }
.LBB2_1:
0x14: {  	s0 =	rddreg [dreg:$0x4]  }
0x15: {  	[spmem:s12], [sflag:s7] =	dma.local [hbm:s0], $0xA00  }
0x16: {  	_ =	swait.ge [sflag:s13], $0xA00  }
0x17: {  	[sflag:s13] =	ssyncset.done $0x0  }
0x18: {  	[sflag:s13] =	ssyncadd.s32 $0xFFFFF600  }
0x19: {  	[bflag:$0x0] =	sbarrier.arrive $0xFFFF  }
0x1a: {  	s6 =	rddreg [dreg:$0x5]  }
0x1b: {  	[tilespmem:s3], [sflag:$0x9] =	stream.linear.gather [hbm4b:s6+s3], $0x3600, $0x38;
	[tilespmem:$0xFC00] =	vst v63  }
0x1c: {  	_ =	swait.ge [sflag:s13], $0x3600  }
0x1d: {  	[sflag:s13] =	ssyncset.done $0x0  }
0x1e: {  	[sflag:s13] =	ssyncadd.s32 $0xFFFFCA00  }
0x1f: {  	[tilespmem:s14], [sflag:$0x9] =	stream.linear.gather [hbm4b:s9+s3], $0x3600, $0x38;
	[tilespmem:$0xFC00] =	vst v63  }
0x20: {  	_ =	swait.ge [sflag:s13], $0x3600  }
0x21: {  	[sflag:s13] =	ssyncset.done $0x0  }
0x22: {  	[sflag:s13] =	ssyncadd.s32 $0xFFFFCA00  }
0x23: {  	[tilespmem:s16], [sflag:$0x1] =	stream.indirect.gather [hbm4b:s4+s15], $0x20, s3, s15, $0xb8;
	[tilespmem:$0xFC00] =	vst v63  }
0x24: {  	_ = 	snop  }
0x25: {  	[tilespmem:s17], [sflag:$0x2] =	stream.indirect.gather [hbm4b:s4+s15], $0x20, s15, s15, $0xb8;
	[tilespmem:$0xFC00] =	vst v63  }
0x26: {  	s8 =	simm.s32 $0x100  }
0x27: {  	[tilespmem:s19], [sflag:$0x3] =	stream.indirect.gather [hbm4b:s4+s15], $0x20, s8, s15, $0xb8;
	[tilespmem:$0xFC00] =	vst v63  }
0x28: {  	s20 =	simm.s32 $0x180  }
0x29: {  	[tilespmem:s21], [sflag:$0x4] =	stream.indirect.gather [hbm4b:s4+s15], $0x20, s20, s15, $0xb8;
	[tilespmem:$0xFC00] =	vst v63  }
0x2a: {  	_ =	swait.ge [sflag:s22], $0x1000  }
0x2b: {  	[sflag:s22] =	ssyncset.done $0x0  }
0x2c: {  	[sflag:s22] =	ssyncadd.s32 $0xFFFFF000  }
0x2d: {  	[spmem:s2] =	stream.indirect.scatter.add.f32 [tilespmem:s16], [sflag:$0x5], $0x20, s14, s15, $0xb8;
	[tilespmem:$0xFC00] =	vst v63  }
0x2e: {  	_ =	swait.ge [sflag:s23], $0x1000  }
0x2f: {  	[sflag:s23] =	ssyncset.done $0x0  }
0x30: {  	s6 =	simm.s32 $0x3680;
	[sflag:s23] =	ssyncadd.s32 $0xFFFFF000  }
0x31: {  	[spmem:s2] =	stream.indirect.scatter.add.f32 [tilespmem:s17], [sflag:$0x6], $0x20, s6, s15, $0xb8;
	[tilespmem:$0xFC00] =	vst v63  }
0x32: {  	_ =	swait.ge [sflag:s25], $0x1000  }
0x33: {  	[sflag:s25] =	ssyncset.done $0x0  }
0x34: {  	s8 =	simm.s32 $0x200;
	[sflag:s25] =	ssyncadd.s32 $0xFFFFF000  }
0x35: {  	[tilespmem:s16], [sflag:$0x1] =	stream.indirect.gather [hbm4b:s4+s15], $0x20, s8, s15, $0xb8;
	[tilespmem:$0xFC00] =	vst v63  }
0x36: {  	_ =	swait.ge [sflag:s28], $0x1000  }
0x37: {  	[sflag:s28] =	ssyncset.done $0x0  }
0x38: {  	s20 =	simm.s32 $0x3700;
	[sflag:s28] =	ssyncadd.s32 $0xFFFFF000  }
0x39: {  	[spmem:s2] =	stream.indirect.scatter.add.f32 [tilespmem:s19], [sflag:$0x7], $0x20, s20, s15, $0xb8;
	[tilespmem:$0xFC00] =	vst v63  }
0x3a: {  	_ =	swait.ge [sflag:s30], $0x1000  }
0x3b: {  	[sflag:s30] =	ssyncset.done $0x0  }
0x3c: {  	s6 =	simm.s32 $0x280;
	[sflag:s30] =	ssyncadd.s32 $0xFFFFF000  }
0x3d: {  	[tilespmem:s17], [sflag:$0x2] =	stream.indirect.gather [hbm4b:s4+s15], $0x20, s6, s15, $0xb8;
	[tilespmem:$0xFC00] =	vst v63  }
0x3e: {  	_ =	swait.ge [sflag:s1], $0x1000  }
0x3f: {  	[sflag:s1] =	ssyncset.done $0x0  }
0x40: {  	s8 =	simm.s32 $0x3780;
	[sflag:s1] =	ssyncadd.s32 $0xFFFFF000  }
0x41: {  	[spmem:s2] =	stream.indirect.scatter.add.f32 [tilespmem:s21], [sflag:$0x8], $0x20, s8, s15, $0xb8;
	[tilespmem:$0xFC00] =	vst v63  }
0x42: {  	_ =	swait.ge [sflag:s18], $0x1000  }
0x43: {  	s31 =	simm.s32 $0xA;
	[sflag:s18] =	ssyncset.done $0x0  }
0x44: {  	s29 =	simm.s32 $0x0;
	s20 =	simm.s32 $0x300;
	[sflag:s18] =	ssyncadd.s32 $0xFFFFF000  }
0x45: {  	[tilespmem:s19], [sflag:$0x3] =	stream.indirect.gather [hbm4b:s4+s15], $0x20, s20, s15, $0xb8;
	[tilespmem:$0xFC00] =	vst v63  }
.LBB2_2:
0x46: {  	_ =	swait.ge [sflag:s22], $0x1000  }
0x47: {  	s0 =	sshra.s32 s29, $0x2;
	[sflag:s22] =	ssyncset.done $0x0  }
0x48: {  	s6 =	sadd.s32 $0xFFFFFFFD, s31;
	s20 =	sadd.s32 $0x3800, s0;
	[sflag:s22] =	ssyncadd.s32 $0xFFFFF000  }
0x49: {  	[spmem:s2] =	stream.indirect.scatter.add.f32 [tilespmem:s16], [sflag:$0x5], $0x20, s20, s15, $0xb8;
	[tilespmem:$0xFC00] =	vst v63  }
0x4a: {  	p0 =	sge.u32 s6, s5;
	_ =	swait.ge [sflag:s24], $0x1000  }
0x4b: {  	s6 =	simm.s32 @!p0 $0x80;
	s20 =	sshra.s32 @!p0 s29, $0x2;
	[sflag:s24] =	ssyncset.done $0x0  }
0x4c: {  	s8 =	simm.s32 @!p0 $0x9C00;
	s20 =	sadd.s32 @!p0 $0x380, s20;
	[sflag:s24] =	ssyncadd.s32 $0xFFFFF000  }
0x4d: {  	[tilespmem:s8], [sflag:$0x4] =	stream.indirect.gather @!p0 [hbm4b:s4+s6], $0x20, s20, s6, $0xb8;
	[tilespmem:$0xFC00] =	vst v63  }
0x4e: {  	_ =	swait.ge [sflag:s23], $0x1000  }
0x4f: {  	[sflag:s23] =	ssyncset.done $0x0  }
0x50: {  	s8 =	sadd.s32 $0x3880, s0;
	s20 =	sadd.s32 $0xFFFFFFFE, s31;
	[sflag:s23] =	ssyncadd.s32 $0xFFFFF000  }
0x51: {  	[spmem:s2] =	stream.indirect.scatter.add.f32 [tilespmem:s17], [sflag:$0x6], $0x20, s8, s15, $0xb8;
	[tilespmem:$0xFC00] =	vst v63  }
0x52: {  	p0 =	sge.u32 s20, s5;
	_ =	swait.ge [sflag:s25], $0x1000  }
0x53: {  	s6 =	sshra.s32 @!p0 s29, $0x2;
	s20 =	simm.s32 @!p0 $0x6C00;
	[sflag:s25] =	ssyncset.done $0x0  }
0x54: {  	s6 =	sadd.s32 @!p0 $0x400, s6;
	s8 =	simm.s32 @!p0 $0x80;
	[sflag:s25] =	ssyncadd.s32 $0xFFFFF000  }
0x55: {  	[tilespmem:s20], [sflag:$0x1] =	stream.indirect.gather @!p0 [hbm4b:s4+s8], $0x20, s6, s8, $0xb8;
	[tilespmem:$0xFC00] =	vst v63  }
0x56: {  	_ =	swait.ge [sflag:s28], $0x1000  }
0x57: {  	[sflag:s28] =	ssyncset.done $0x0  }
0x58: {  	s8 =	sadd.s32 $0x3900, s0;
	s20 =	sadd.s32 $0xFFFFFFFF, s31;
	[sflag:s28] =	ssyncadd.s32 $0xFFFFF000  }
0x59: {  	[spmem:s2] =	stream.indirect.scatter.add.f32 [tilespmem:s19], [sflag:$0x7], $0x20, s8, s15, $0xb8;
	[tilespmem:$0xFC00] =	vst v63  }
0x5a: {  	p0 =	sge.u32 s20, s5;
	_ =	swait.ge [sflag:s30], $0x1000  }
0x5b: {  	s6 =	sshra.s32 @!p0 s29, $0x2;
	s20 =	simm.s32 @!p0 $0x7C00;
	[sflag:s30] =	ssyncset.done $0x0  }
0x5c: {  	s6 =	sadd.s32 @!p0 $0x480, s6;
	s8 =	simm.s32 @!p0 $0x80;
	[sflag:s30] =	ssyncadd.s32 $0xFFFFF000  }
0x5d: {  	[tilespmem:s20], [sflag:$0x2] =	stream.indirect.gather @!p0 [hbm4b:s4+s8], $0x20, s6, s8, $0xb8;
	[tilespmem:$0xFC00] =	vst v63  }
0x5e: {  	_ =	swait.ge [sflag:s1], $0x1000  }
0x5f: {  	[sflag:s1] =	ssyncset.done $0x0  }
0x60: {  	s0 =	sadd.s32 $0x3980, s0;
	p0 =	sge.u32 s31, s5;
	[sflag:s1] =	ssyncadd.s32 $0xFFFFF000  }
0x61: {  	[spmem:s2] =	stream.indirect.scatter.add.f32 [tilespmem:s21], [sflag:$0x8], $0x20, s0, s15, $0xb8;
	[tilespmem:$0xFC00] =	vst v63  }
0x62: {  	s6 =	simm.s32 @!p0 $0x80;
	s8 =	simm.s32 @!p0 $0x8C00;
	_ =	swait.ge [sflag:s18], $0x1000  }
0x63: {  	s0 =	sshra.s32 @!p0 s29, $0x2;
	s29 =	sadd.s32 $0x800, s29;
	[sflag:s18] =	ssyncset.done $0x0  }
0x64: {  	s0 =	sadd.s32 @!p0 $0x500, s0;
	s20 =	rddreg [dreg:$0x3];
	[sflag:s18] =	ssyncadd.s32 $0xFFFFF000  }
0x65: {  	[tilespmem:s8], [sflag:$0x3] =	stream.indirect.gather @!p0 [hbm4b:s4+s6], $0x20, s0, s6, $0xb8;
	[tilespmem:$0xFC00] =	vst v63  }
0x66: {  	p0 =	sne.s32 s20, s29  }
.Ltmp0:
0x67: {  	_ = 	snop;
	(pc) =	sbr.rel @p0 .LBB2_2-.Ltmp0, $2  }
0x68: {  	_ =	sdelay $0x2  }
0x69: {  	s31 =	sadd.s32 $0x4, s31  }
0x6a: {  	_ =	swait.ge [sflag:s22], $0x1000  }
0x6b: {  	s0 =	sshra.s32 s29, $0x2;
	[sflag:s22] =	ssyncset.done $0x0  }
0x6c: {  	s20 =	sadd.s32 $0xFFFFFFFD, s31;
	s6 =	sadd.s32 $0x3800, s0;
	[sflag:s22] =	ssyncadd.s32 $0xFFFFF000  }
0x6d: {  	[spmem:s2] =	stream.indirect.scatter.add.f32 [tilespmem:s16], [sflag:$0x5], $0x20, s6, s15, $0xb8;
	[tilespmem:$0xFC00] =	vst v63  }
0x6e: {  	p0 =	sge.u32 s20, s5;
	_ =	swait.ge [sflag:s24], $0x1000  }
0x6f: {  	s8 =	simm.s32 @!p0 $0x80;
	s6 =	sshra.s32 @!p0 s29, $0x2;
	[sflag:s24] =	ssyncset.done $0x0  }
0x70: {  	s20 =	simm.s32 @!p0 $0x9C00;
	s6 =	sadd.s32 @!p0 $0x380, s6;
	[sflag:s24] =	ssyncadd.s32 $0xFFFFF000  }
0x71: {  	[tilespmem:s20], [sflag:$0x4] =	stream.indirect.gather @!p0 [hbm4b:s4+s8], $0x20, s6, s8, $0xb8;
	[tilespmem:$0xFC00] =	vst v63  }
0x72: {  	_ =	swait.ge [sflag:s23], $0x1000  }
0x73: {  	[sflag:s23] =	ssyncset.done $0x0  }
0x74: {  	s8 =	sadd.s32 $0x3880, s0;
	s20 =	sadd.s32 $0xFFFFFFFE, s31;
	[sflag:s23] =	ssyncadd.s32 $0xFFFFF000  }
0x75: {  	[spmem:s2] =	stream.indirect.scatter.add.f32 [tilespmem:s17], [sflag:$0x6], $0x20, s8, s15, $0xb8;
	[tilespmem:$0xFC00] =	vst v63  }
0x76: {  	p0 =	sge.u32 s20, s5;
	_ =	swait.ge [sflag:s25], $0x1000  }
0x77: {  	s6 =	sshra.s32 @!p0 s29, $0x2;
	s20 =	simm.s32 @!p0 $0x6C00;
	[sflag:s25] =	ssyncset.done $0x0  }
0x78: {  	s6 =	sadd.s32 @!p0 $0x400, s6;
	s8 =	simm.s32 @!p0 $0x80;
	[sflag:s25] =	ssyncadd.s32 $0xFFFFF000  }
0x79: {  	[tilespmem:s20], [sflag:$0x1] =	stream.indirect.gather @!p0 [hbm4b:s4+s8], $0x20, s6, s8, $0xb8;
	[tilespmem:$0xFC00] =	vst v63  }
0x7a: {  	_ =	swait.ge [sflag:s28], $0x1000  }
0x7b: {  	[sflag:s28] =	ssyncset.done $0x0  }
0x7c: {  	s8 =	sadd.s32 $0x3900, s0;
	s20 =	sadd.s32 $0xFFFFFFFF, s31;
	[sflag:s28] =	ssyncadd.s32 $0xFFFFF000  }
0x7d: {  	[spmem:s2] =	stream.indirect.scatter.add.f32 [tilespmem:s19], [sflag:$0x7], $0x20, s8, s15, $0xb8;
	[tilespmem:$0xFC00] =	vst v63  }
0x7e: {  	p0 =	sge.u32 s20, s5;
	_ =	swait.ge [sflag:s30], $0x1000  }
0x7f: {  	s6 =	sshra.s32 @!p0 s29, $0x2;
	s20 =	simm.s32 @!p0 $0x7C00;
	[sflag:s30] =	ssyncset.done $0x0  }
0x80: {  	s6 =	sadd.s32 @!p0 $0x480, s6;
	s8 =	simm.s32 @!p0 $0x80;
	[sflag:s30] =	ssyncadd.s32 $0xFFFFF000  }
0x81: {  	[tilespmem:s20], [sflag:$0x2] =	stream.indirect.gather @!p0 [hbm4b:s4+s8], $0x20, s6, s8, $0xb8;
	[tilespmem:$0xFC00] =	vst v63  }
0x82: {  	_ =	swait.ge [sflag:s1], $0x1000  }
0x83: {  	[sflag:s1] =	ssyncset.done $0x0  }
0x84: {  	s0 =	sadd.s32 $0x3980, s0;
	[sflag:s1] =	ssyncadd.s32 $0xFFFFF000  }
0x85: {  	[spmem:s2] =	stream.indirect.scatter.add.f32 [tilespmem:s21], [sflag:$0x8], $0x20, s0, s15, $0xb8;
	[tilespmem:$0xFC00] =	vst v63  }
0x86: {  	p0 =	sge.u32 s31, s5;
	_ =	swait.ge [sflag:s18], $0x1000  }
0x87: {  	s6 =	simm.s32 @!p0 $0x80;
	s0 =	sshra.s32 @!p0 s29, $0x2;
	[sflag:s18] =	ssyncset.done $0x0  }
0x88: {  	s8 =	simm.s32 @!p0 $0x8C00;
	s0 =	sadd.s32 @!p0 $0x500, s0;
	[sflag:s18] =	ssyncadd.s32 $0xFFFFF000  }
0x89: {  	[tilespmem:s8], [sflag:$0x3] =	stream.indirect.gather @!p0 [hbm4b:s4+s6], $0x20, s0, s6, $0xb8;
	[tilespmem:$0xFC00] =	vst v63  }
0x8a: {  	_ =	swait.ge [sflag:s24], $0x1000  }
0x8b: {  	s26 =	sadd.s32 $0x1, s26;
	[sflag:s24] =	ssyncset.done $0x0  }
0x8c: {  	p0 =	sne.s32 s26, s11;
	[sflag:s24] =	ssyncadd.s32 $0xFFFFF000  }
.Ltmp1:
0x8d: {  	[bflag:$0x0] =	sbarrier.arrive $0xFFFF;
	(pc) =	sbr.rel @p0 .LBB2_1-.Ltmp1, $4  }
0x8e: {  	[hbm:s10], [sflag:s7] =	dma.local [spmem:s12], $0xA00  }
0x8f: {  	_ =	swait.ge [sflag:s13], $0xA00  }
0x90: {  	[sflag:s13] =	ssyncset.done $0x0  }
0x91: {  	[sflag:s13] =	ssyncadd.s32 $0xFFFFF600  }
0x92: {  	_ =	sfence.sel $0x180000  }
0x93: {  	[bflag:$0x0] =	sbarrier.arrive $0xFFFF  }
0x94: {  	_ =	strace $0x9000004D  }
0x95: {  	s0 =	stileid.u32;
	[bflag:$0x2] =	sbarrier.arrive $0xFFFF  }
0x96: {  	p0 =	sne.s32 s0, $0x0;
	s0 =	rddreg [dreg:$0x2]  }
0x97: {  	s0 =	sadd.s32 @!p0 $0x100000, s0  }
0x98: {  	[sflag:s0] =	ssyncadd.tile.s32 @!p0 $0x1;
	_ =	shalt  }
.Lfunc_end2:
_tile_overlayer_lowered:
.L_overlay_start_2:
0x99: {  	(tag) =	ssettag $0x2  }
0x9a: {  	s0 =	rddreg [dreg:$0x0];
	s2 =	stileid.u32  }
0x9b: {  	s1 =	rddreg [dreg:$0x1];
	p0 =	sne.s32 s2, $0x0  }
0x9c: {  	s3 =	rddreg [dreg:$0x2];
	[bflag:$0x3] =	sbarrier.arrive $0xFFFF;
	s2 =	simm.s32 @!p0 $0x1C09  }
0x9d: {  	[timem:s3], [sflag:s2] =	dma.local @!p0 [hbm:s0], s1  }
0x9e: {  	s0 =	simm.s32 @!p0 $0x9  }
0x9f: {  	_ =	swait.ge @!p0 [sflag:s0], s1  }
0xa0: {  	s1 =	ssub.s32 @!p0 $0x0, s1;
	[sflag:s0] =	ssyncset.done @!p0 $0x0  }
0xa1: {  	[sflag:s0] =	ssyncadd.s32 @!p0 s1  }
0xa2: {  	[bflag:$0x3] =	sbarrier.arrive $0xFFFF  }
0xa3: {  	_ =	shalt  }

// kernel: kernel.19.cloned.1.call-start
scs
__scs_entry_jumppad:
0x0: {  	(pc) =	sbr.rel $0x88, $3  }
0x1: {  	(tag) =	ssettag $0x0;
	lr =	simm.s32 $0x1  }
0x2: {  	[smem:$0x3F94] =	sst lr;
	_ =	strace $0xD0000000  }
0x3: {  	_ = 	snop  }
0x4: {  	_ = 	snop  }
0x5: {  	_ = 	snop  }
0x6: {  	_ = 	snop  }
0x7: {  	_ = 	snop  }
__scs_overlays_trampoline_lowered:
0x8: {  	[smem:$0x3FA3] =	sst s0  }
0x9: {  	[smem:$0x3FA4] =	sst s1  }
0xa: {  	[smem:$0x3FA5] =	sst s2  }
0xb: {  	[smem:$0x3FA6] =	sst s3  }
0xc: {  	[smem:$0x3FA7] =	sst s4  }
0xd: {  	[smem:$0x3FA8] =	sst s5  }
0xe: {  	[smem:$0x3FA9] =	sst s6  }
0xf: {  	[smem:$0x3FAA] =	sst s7  }
0x10: {  	[smem:$0x3FAB] =	sst s8  }
0x11: {  	[smem:$0x3FAC] =	sst s9;
	s0 =	simm.s32 @!p0 $0x0  }
0x12: {  	s1 =	sld [smem:$0x3F92];
	s0 =	simm.s32 @p0 $0x1  }
0x13: {  	[smem:$0x3FAD] =	sst s0;
	s0 =	simm.s32 @!p1 $0x0  }
0x14: {  	s2 =	sld [smem:$0x3F91];
	s0 =	simm.s32 @p1 $0x1  }
0x15: {  	[smem:$0x3FAE] =	sst s0;
	s0 =	simm.s32 @!p2 $0x0  }
0x16: {  	s3 =	sld [smem:$0x3FDB];
	s0 =	simm.s32 @p2 $0x1  }
0x17: {  	s4 =	simm.s32 $0x1BF5;
	[smem:$0x3FB0] =	sst s0  }
0x18: {  	s0 =	sld [smem:$0x3F93];
	_ =	swait.ge [sflag:s4], $0x0  }
0x19: {  	s7 =	sld [smem:$0x3F94]  }
0x1a: {  	s8 =	sadd.s32 $0xFFFFE003, lr  }
0x1b: {  	s9 =	sadd.s32 $0xFFFFFEF7, lr;
	s5 =	simm.s32 $0xFFFFFFFF;
	p2 =	slt.u32 s8, $0xFFFFF086  }
0x1c: {  	p1 =	slt.u32 s9, $0xF7A;
	s5 =	simm.s32 @!p2 $0x0  }
0x1d: {  	s5 =	simm.s32 @p1 $0x1;
	p0 =	seq.s32 s7, s2  }
0x1e: {  	s7 =	smul.u32 @!p0 $0xF7A, s2;
	p2 =	seq.s32 @!p0 s5, $0x0  }
0x1f: {  	s9 =	smul.u32 $0xF7A, s1;
	s8 =	simm.s32 @!p0 $0x1BF5;
	p2 =	por !p2, p0  }
0x20: {  	[sflag:s8] =	ssyncset.s32 @!p0 $0xFFFFF086;
	s6 =	sadd.s32 @!p0 s3, s7;
	s7 =	simm.s32 @!p0 $0x108  }
0x21: {  	s3 =	sadd.s32 s3, s9;
	s6 =	sadd.s32 @!p0 $0x88, s6;
	s7 =	simm.s32 @p2 $0x1082  }
0x22: {  	[simem:s7], [sflag:s8] =	dma.local @!p0 [hbm:s6], $0xF7A  }
0x23: {  	s9 =	sor.u32 $0xD0000000, s2;
	s6 =	simm.s32 $0x108;
	_ =	swait.ge @!p0 [sflag:s8], $0x0  }
0x24: {  	s3 =	sadd.s32 $0x88, s3;
	s6 =	simm.s32 @!p1 $0x1082;
	[sflag:s4] =	ssyncset.s32 $0xFFFFF086  }
0x25: {  	[simem:s6], [sflag:s4] =	dma.local [hbm:s3], $0xF7A  }
0x26: {  	[smem:$0x3F94] =	sst s1;
	(tag) =	ssettag s2;
	_ =	strace s9  }
0x27: {  	s1 =	sld [smem:$0x3FA4]  }
0x28: {  	s2 =	sld [smem:$0x3FA5]  }
0x29: {  	s4 =	sld [smem:$0x3FA7]  }
0x2a: {  	p0 =	seq.s32 s5, $0x0;
	s5 =	sld [smem:$0x3FA8]  }
0x2b: {  	s6 =	sld [smem:$0x3FA9]  }
0x2c: {  	s7 =	sld [smem:$0x3FAA]  }
0x2d: {  	s3 =	simm.s32 $0x108;
	s8 =	sld [smem:$0x3FAB]  }
0x2e: {  	s3 =	simm.s32 @!p0 $0x1082;
	s9 =	sld [smem:$0x3FAC]  }
0x2f: {  	lr =	sadd.s32 s0, s3;
	s0 =	sld [smem:$0x3FA3]  }
0x30: {  	s3 =	sld [smem:$0x3FA6]  }
0x31: {  	[smem:$0x3FAF] =	sst s10  }
0x32: {  	s10 =	sld [smem:$0x3FAD];
	_ =	sdelay $0x3  }
0x33: {  	p0 =	seq.s32 s10, $0x1;
	s10 =	sld [smem:$0x3FAF];
	_ =	sdelay $0x3  }
0x34: {  	[smem:$0x3FAF] =	sst s10  }
0x35: {  	s10 =	sld [smem:$0x3FAE];
	_ =	sdelay $0x3  }
0x36: {  	p1 =	seq.s32 s10, $0x1;
	s10 =	sld [smem:$0x3FAF];
	_ =	sdelay $0x3  }
0x37: {  	[smem:$0x3FAF] =	sst s10  }
0x38: {  	s10 =	sld [smem:$0x3FB0]  }
0x39: {  	_ = 	snop;
	(pc) =	sbr.ind lr, $3  }
0x3a: {  	_ = 	snop  }
0x3b: {  	_ = 	snop  }
0x3c: {  	p2 =	seq.s32 s10, $0x1;
	s10 =	sld [smem:$0x3FAF]  }
0x3d: {  	_ =	shalt  }
0x3e: {  	_ =	shalt  }
0x3f: {  	_ =	shalt  }
0x40: {  	_ =	shalt  }
0x41: {  	_ =	shalt  }
0x42: {  	_ =	shalt  }
0x43: {  	_ =	shalt  }
0x44: {  	_ =	shalt  }
0x45: {  	_ =	shalt  }
0x46: {  	_ =	shalt  }
0x47: {  	_ =	shalt  }
0x48: {  	_ =	shalt  }
0x49: {  	_ =	shalt  }
0x4a: {  	_ =	shalt  }
0x4b: {  	_ =	shalt  }
0x4c: {  	_ =	shalt  }
0x4d: {  	_ =	shalt  }
0x4e: {  	_ =	shalt  }
0x4f: {  	_ =	shalt  }
0x50: {  	_ =	shalt  }
0x51: {  	_ =	shalt  }
0x52: {  	_ =	shalt  }
0x53: {  	_ =	shalt  }
0x54: {  	_ =	shalt  }
0x55: {  	_ =	shalt  }
0x56: {  	_ =	shalt  }
0x57: {  	_ =	shalt  }
0x58: {  	_ =	shalt  }
0x59: {  	_ =	shalt  }
0x5a: {  	_ =	shalt  }
0x5b: {  	_ =	shalt  }
0x5c: {  	_ =	shalt  }
0x5d: {  	_ =	shalt  }
0x5e: {  	_ =	shalt  }
0x5f: {  	_ =	shalt  }
0x60: {  	_ =	shalt  }
0x61: {  	_ =	shalt  }
0x62: {  	_ =	shalt  }
0x63: {  	_ =	shalt  }
0x64: {  	_ =	shalt  }
0x65: {  	_ =	shalt  }
0x66: {  	_ =	shalt  }
0x67: {  	_ =	shalt  }
0x68: {  	_ =	shalt  }
0x69: {  	_ =	shalt  }
0x6a: {  	_ =	shalt  }
0x6b: {  	_ =	shalt  }
0x6c: {  	_ =	shalt  }
0x6d: {  	_ =	shalt  }
0x6e: {  	_ =	shalt  }
0x6f: {  	_ =	shalt  }
0x70: {  	_ =	shalt  }
0x71: {  	_ =	shalt  }
0x72: {  	_ =	shalt  }
0x73: {  	_ =	shalt  }
0x74: {  	_ =	shalt  }
0x75: {  	_ =	shalt  }
0x76: {  	_ =	shalt  }
0x77: {  	_ =	shalt  }
0x78: {  	_ =	shalt  }
0x79: {  	_ =	shalt  }
0x7a: {  	_ =	shalt  }
0x7b: {  	_ =	shalt  }
0x7c: {  	_ =	shalt  }
0x7d: {  	_ =	shalt  }
0x7e: {  	_ =	shalt  }
0x7f: {  	_ =	shalt  }
0x80: {  	_ =	shalt  }
0x81: {  	_ =	shalt  }
0x82: {  	_ =	shalt  }
0x83: {  	_ =	shalt  }
0x84: {  	_ =	shalt  }
0x85: {  	_ =	shalt  }
0x86: {  	_ =	shalt  }
0x87: {  	_ =	shalt  }
.Lfunc_end0:
.L_simem_size_0:
called_computation.3_lowered:
.L_overlay_start_0:
0x88: {  	s2 =	sld [smem:$0x3FD9]  }
0x89: {  	s3 =	sld [smem:$0x3FFE];
	_ =	sdelay $0x1  }
0x8a: {  	s1 =	srdreg.scid  }
0x8b: {  	s0 =	sand.u32 $0x1, s1  }
0x8c: {  	s16 =	sshll.u32 s0, $0xA;
	s2 =	sadd.s32 s3, s2  }
0x8d: {  	s2 =	sadd.s32 s2, s16  }
0x8e: {  	[smem:$0x3FBB] =	sst s2  }
0x8f: {  	_ = 	snop  }
0x90: {  	(tm) =	ssettm $0x1  }
0x91: {  	s17 =	sld [smem:$0x3FFB];
	_ =	sdelay $0x3  }
0x92: {  	_ =	strace s17  }
0x93: {  	s2 =	sld [smem:$0x3FFC];
	_ =	sdelay $0x3  }
0x94: {  	_ =	strace s2  }
0x95: {  	s2 =	sld [smem:$0x3FFD];
	_ =	sdelay $0x3  }
0x96: {  	_ =	strace s2  }
0x97: {  	_ =	strace $0x8FFFFFFF  }
0x98: {  	s18 =	sld [smem:$0x3FDB];
	_ =	sdelay $0x1  }
0x99: {  	s19 =	simm.s32 $_scs_section_size  }
0x9a: {  	s4 =	simm.s32 $_size__tile_overlayer_lowered;
	s5 =	simm.s32 $_tile_overlayer_lowered  }
0x9b: {  	s22 =	simm.s32 $0x1BFF;
	s21 =	sshll.u32 s5, $0x1;
	s2 =	sadd.s32 s19, s18  }
0x9c: {  	s6 =	simm.s32 $0x0;
	s20 =	sshll.u32 s4, $0x1;
	s4 =	sadd.s32 s21, s2  }
0x9d: {  	[timem:s6], [sflag:s22] =	dma.local [hbm:s4], s20  }
0x9e: {  	_ =	swait.ge [sflag:s22], s20  }
0x9f: {  	s3 =	ssub.s32 $0x0, s20;
	[sflag:s22] =	ssyncset.done $0x0  }
0xa0: {  	[sflag:s22] =	ssyncadd.s32 s3;
	_ =	sdelay $0x1  }
0xa1: {  	s23 =	simm.s32 $0x1B8B  }
0xa2: {  	_ =	swait.ge [sflag:s23], $0x1  }
0xa3: {  	[sflag:s23] =	ssyncset.done $0x0  }
0xa4: {  	s25 =	simm.s32 $0x1B8E;
	s24 =	sld [smem:$0x3FFE];
	[sflag:s23] =	ssyncadd.s32 $0xFFFFFFFF  }
0xa5: {  	s26 =	simm.s32 $execute0_lowered;
	[smem:$0x3FD2] =	sst s25  }
0xa6: {  	s4 =	sshll.u32 s26, $0x1;
	_ =	strace $0x8000004F;
	[dreg:$0x1] =	wrdreg $0xFFFFFFFF  }
0xa7: {  	s28 =	simm.s32 $_size_execute0_lowered;
	s2 =	sadd.s32 s2, s4;
	[dreg:$0x0] =	wrdreg $0x0  }
0xa8: {  	s4 =	sshll.u32 s28, $0x1;
	[dreg:$0x2] =	wrdreg s2  }
0xa9: {  	[dreg:$0x3] =	wrdreg s4  }
0xaa: {  	[dreg:$0x4] =	wrdreg $0xC0  }
0xab: {  	_ =	task [dreg:s6], $0x5FFFF  }
0xac: {  	[dreg:$0x1] =	wrdreg $0xFFFFFFFF  }
0xad: {  	[dreg:$0x0] =	wrdreg $0x60  }
0xae: {  	[dreg:$0x2] =	wrdreg s24  }
0xaf: {  	[dreg:$0x3] =	wrdreg $0xFC000  }
0xb0: {  	[dreg:$0x4] =	wrdreg $0x9  }
0xb1: {  	_ =	task.clear_ibuf [dreg:s6], $0x5FFFF;
	_ =	strace $0x9000004F  }
0xb2: {  	s29 =	simm.s32 $0x9;
	_ =	strace $0x80000051  }
0xb3: {  	_ =	swait.ge [sflag:s29], $0x1  }
0xb4: {  	[sflag:s29] =	ssyncadd.s32 $0xFFFFFFFF  }
0xb5: {  	_ =	strace $0x90000051  }
0xb6: {  	_ =	sfence  }
0xb7: {  	s30 =	sld [smem:$0x0];
	_ =	sdelay $0x2  }
0xb8: {  	s31 =	sshll.u32 s1, $0xD;
	s1 =	sshrl.u32 s1, $0x2  }
0xb9: {  	s3 =	sand.u32 $0x4000, s31;
	s1 =	sadd.s32 s1, s30  }
0xba: {  	s0 =	sor.u32 s3, s0;
	s1 =	sshll.u32 s1, $0x11  }
0xbb: {  	s0 =	sor.u32 s1, s0  }
0xbc: {  	s0 =	sadd.s32 $0x8F2B, s0  }
0xbd: {  	[sflag:s0] =	ssyncadd.remote.s32 $0x1  }
0xbe: {  	_ =	sfence.sel $0xFFFF  }
0xbf: {  	[dreg:$0x0] =	wrdreg $0xFFFFFFFF;
	(pc) =	sbr.abs _section_cstart, $3  }
0xc0: {  	[dreg:$0x1] =	wrdreg $0xFFFFFFFF  }
0xc1: {  	_ =	task.clear_ibuf [dreg:s6], $0x2FFFF;
	_ =	strace $0x9FFFFFFF  }
0xc2: {  	(tm) =	ssettm $0x7FFFFFFF  }
0xc3: {  	_ =	shalt  }
tec
execute0_lowered:
.L_overlay_start_1:
0x0: {  	(tag) =	ssettag $0x1  }
0x1: {  	s0 =	srdreg.scid;
	s6 =	rddreg [dreg:$0x0]  }
0x2: {  	s13 =	stileid.u32;
	s2 =	rddreg [dreg:$0x1];
	s3 =	simm.s32 $0x0  }
0x3: {  	s14 =	simm.s32 $0x3E00;
	s15 =	simm.s32 $0x80;
	s16 =	simm.s32 $0x7C00  }
0x4: {  	s17 =	simm.s32 $0x9C00;
	s19 =	simm.s32 $0xBC00;
	s21 =	simm.s32 $0xDC00  }
0x5: {  	s22 =	simm.s32 $0x1;
	s28 =	simm.s32 $0x3;
	s30 =	simm.s32 $0x6  }
0x6: {  	s18 =	simm.s32 $0x7;
	s0 =	sand.u32 $0x1, s0;
	s7 =	smul.u32 $0xA000, s13  }
0x7: {  	[smem:$0x7FF] =	sst s3;
	s4 =	sadd.s32 $0x2E00, s6;
	s25 =	sshll.u32 s13, $0x6  }
0x8: {  	s1 =	sshll.u32 s0, $0x4;
	s5 =	smul.u32 $0xA0000, s0;
	_ =	strace $0x80000050  }
0x9: {  	s10 =	ssub.s32 $0x2, s0;
	p0 =	seq.s32 s0, $0x0;
	s1 =	sor.u32 s13, s1  }
0xa: {  	s8 =	sshrl.u32 s7, $0x3;
	s11 =	sshrl.u32 s10, $0x1;
	s12 =	sadd.s32 s7, s2  }
0xb: {  	s13 =	simm.s32 $0x9;
	s1 =	smul.u32 $0x7C0, s1;
	s5 =	sadd.s32 s7, s5  }
0xc: {  	s8 =	sadd.s32 s8, s6;
	s11 =	ssub.s32 s10, s11;
	s7 =	sor.u32 $0x1C09, s25  }
0xd: {  	s12 =	sshrl.u32 s12, $0x3;
	s25 =	simm.s32 $0x5;
	s9 =	sshrl.u32 s5, $0x3  }
0xe: {  	s5 =	simm.s32 $0x24;
	s24 =	sadd.s32 $0x47400, s8;
	s11 =	smax.u32 s11, $0x1  }
0xf: {  	s1 =	sadd.s32 s1, s6;
	s23 =	sadd.s32 s9, s6;
	s5 =	simm.s32 @!p0 $0x7C  }
0x10: {  	[dreg:$0x4] =	wrdreg s24;
	s24 =	simm.s32 $0x8;
	s26 =	sadd.s32 $0x8C400, s1  }
0x11: {  	s29 =	sshll.u32 s5, $0x9;
	s9 =	sadd.s32 $0x7CC00, s1;
	s10 =	sadd.s32 $0x9BC00, s23  }
0x12: {  	s23 =	simm.s32 $0x2;
	[dreg:$0x5] =	wrdreg s26;
	s31 =	sadd.s32 $0xFFFFF000, s29  }
0x13: {  	s1 =	simm.s32 $0x4;
	s26 =	simm.s32 $0x0;
	[dreg:$0x3] =	wrdreg s31  }
.LBB2_1:
0x14: {  	s0 =	rddreg [dreg:$0x4]  }
0x15: {  	[spmem:s12], [sflag:s7] =	dma.local [hbm:s0], $0x1400  }
0x16: {  	_ =	swait.ge [sflag:s13], $0x1400  }
0x17: {  	[sflag:s13] =	ssyncset.done $0x0  }
0x18: {  	[sflag:s13] =	ssyncadd.s32 $0xFFFFEC00  }
0x19: {  	[bflag:$0x0] =	sbarrier.arrive $0xFFFF  }
0x1a: {  	s6 =	rddreg [dreg:$0x5]  }
0x1b: {  	[tilespmem:s3], [sflag:$0x9] =	stream.linear.gather [hbm4b:s6+s3], $0x3E00, $0x38;
	[tilespmem:$0x19C00] =	vst v63  }
0x1c: {  	_ =	swait.ge [sflag:s13], $0x3E00  }
0x1d: {  	[sflag:s13] =	ssyncset.done $0x0  }
0x1e: {  	[sflag:s13] =	ssyncadd.s32 $0xFFFFC200  }
0x1f: {  	[tilespmem:s14], [sflag:$0x9] =	stream.linear.gather [hbm4b:s9+s3], $0x3E00, $0x38;
	[tilespmem:$0x19C00] =	vst v63  }
0x20: {  	_ =	swait.ge [sflag:s13], $0x3E00  }
0x21: {  	[sflag:s13] =	ssyncset.done $0x0  }
0x22: {  	[sflag:s13] =	ssyncadd.s32 $0xFFFFC200  }
0x23: {  	[tilespmem:s16], [sflag:$0x1] =	stream.indirect.gather [hbm4b:s4+s15], $0x40, s3, s15, $0xb8;
	[tilespmem:$0x19C00] =	vst v63  }
0x24: {  	_ = 	snop  }
0x25: {  	[tilespmem:s17], [sflag:$0x2] =	stream.indirect.gather [hbm4b:s4+s15], $0x40, s15, s15, $0xb8;
	[tilespmem:$0x19C00] =	vst v63  }
0x26: {  	s8 =	simm.s32 $0x100  }
0x27: {  	[tilespmem:s19], [sflag:$0x3] =	stream.indirect.gather [hbm4b:s4+s15], $0x40, s8, s15, $0xb8;
	[tilespmem:$0x19C00] =	vst v63  }
0x28: {  	s20 =	simm.s32 $0x180  }
0x29: {  	[tilespmem:s21], [sflag:$0x4] =	stream.indirect.gather [hbm4b:s4+s15], $0x40, s20, s15, $0xb8;
	[tilespmem:$0x19C00] =	vst v63  }
0x2a: {  	_ =	swait.ge [sflag:s22], $0x2000  }
0x2b: {  	[sflag:s22] =	ssyncset.done $0x0  }
0x2c: {  	[sflag:s22] =	ssyncadd.s32 $0xFFFFE000  }
0x2d: {  	[spmem:s2] =	stream.indirect.scatter.add.f32 [tilespmem:s16], [sflag:$0x5], $0x40, s14, s15, $0xb8;
	[tilespmem:$0x19C00] =	vst v63  }
0x2e: {  	_ =	swait.ge [sflag:s23], $0x2000  }
0x2f: {  	[sflag:s23] =	ssyncset.done $0x0  }
0x30: {  	s6 =	simm.s32 $0x3E80;
	[sflag:s23] =	ssyncadd.s32 $0xFFFFE000  }
0x31: {  	[spmem:s2] =	stream.indirect.scatter.add.f32 [tilespmem:s17], [sflag:$0x6], $0x40, s6, s15, $0xb8;
	[tilespmem:$0x19C00] =	vst v63  }
0x32: {  	_ =	swait.ge [sflag:s25], $0x2000  }
0x33: {  	[sflag:s25] =	ssyncset.done $0x0  }
0x34: {  	s8 =	simm.s32 $0x200;
	[sflag:s25] =	ssyncadd.s32 $0xFFFFE000  }
0x35: {  	[tilespmem:s16], [sflag:$0x1] =	stream.indirect.gather [hbm4b:s4+s15], $0x40, s8, s15, $0xb8;
	[tilespmem:$0x19C00] =	vst v63  }
0x36: {  	_ =	swait.ge [sflag:s28], $0x2000  }
0x37: {  	[sflag:s28] =	ssyncset.done $0x0  }
0x38: {  	s20 =	simm.s32 $0x3F00;
	[sflag:s28] =	ssyncadd.s32 $0xFFFFE000  }
0x39: {  	[spmem:s2] =	stream.indirect.scatter.add.f32 [tilespmem:s19], [sflag:$0x7], $0x40, s20, s15, $0xb8;
	[tilespmem:$0x19C00] =	vst v63  }
0x3a: {  	_ =	swait.ge [sflag:s30], $0x2000  }
0x3b: {  	[sflag:s30] =	ssyncset.done $0x0  }
0x3c: {  	s6 =	simm.s32 $0x280;
	[sflag:s30] =	ssyncadd.s32 $0xFFFFE000  }
0x3d: {  	[tilespmem:s17], [sflag:$0x2] =	stream.indirect.gather [hbm4b:s4+s15], $0x40, s6, s15, $0xb8;
	[tilespmem:$0x19C00] =	vst v63  }
0x3e: {  	_ =	swait.ge [sflag:s1], $0x2000  }
0x3f: {  	[sflag:s1] =	ssyncset.done $0x0  }
0x40: {  	s8 =	simm.s32 $0x3F80;
	[sflag:s1] =	ssyncadd.s32 $0xFFFFE000  }
0x41: {  	[spmem:s2] =	stream.indirect.scatter.add.f32 [tilespmem:s21], [sflag:$0x8], $0x40, s8, s15, $0xb8;
	[tilespmem:$0x19C00] =	vst v63  }
0x42: {  	_ =	swait.ge [sflag:s18], $0x2000  }
0x43: {  	s31 =	simm.s32 $0xA;
	[sflag:s18] =	ssyncset.done $0x0  }
0x44: {  	s29 =	simm.s32 $0x0;
	s20 =	simm.s32 $0x300;
	[sflag:s18] =	ssyncadd.s32 $0xFFFFE000  }
0x45: {  	[tilespmem:s19], [sflag:$0x3] =	stream.indirect.gather [hbm4b:s4+s15], $0x40, s20, s15, $0xb8;
	[tilespmem:$0x19C00] =	vst v63  }
.LBB2_2:
0x46: {  	_ =	swait.ge [sflag:s22], $0x2000  }
0x47: {  	s0 =	sshra.s32 s29, $0x2;
	[sflag:s22] =	ssyncset.done $0x0  }
0x48: {  	s6 =	sadd.s32 $0xFFFFFFFD, s31;
	s20 =	sadd.s32 $0x4000, s0;
	[sflag:s22] =	ssyncadd.s32 $0xFFFFE000  }
0x49: {  	[spmem:s2] =	stream.indirect.scatter.add.f32 [tilespmem:s16], [sflag:$0x5], $0x40, s20, s15, $0xb8;
	[tilespmem:$0x19C00] =	vst v63  }
0x4a: {  	p0 =	sge.u32 s6, s5;
	_ =	swait.ge [sflag:s24], $0x2000  }
0x4b: {  	s6 =	simm.s32 @!p0 $0x80;
	s20 =	sshra.s32 @!p0 s29, $0x2;
	[sflag:s24] =	ssyncset.done $0x0  }
0x4c: {  	s8 =	simm.s32 @!p0 $0xDC00;
	s20 =	sadd.s32 @!p0 $0x380, s20;
	[sflag:s24] =	ssyncadd.s32 $0xFFFFE000  }
0x4d: {  	[tilespmem:s8], [sflag:$0x4] =	stream.indirect.gather @!p0 [hbm4b:s4+s6], $0x40, s20, s6, $0xb8;
	[tilespmem:$0x19C00] =	vst v63  }
0x4e: {  	_ =	swait.ge [sflag:s23], $0x2000  }
0x4f: {  	[sflag:s23] =	ssyncset.done $0x0  }
0x50: {  	s8 =	sadd.s32 $0x4080, s0;
	s20 =	sadd.s32 $0xFFFFFFFE, s31;
	[sflag:s23] =	ssyncadd.s32 $0xFFFFE000  }
0x51: {  	[spmem:s2] =	stream.indirect.scatter.add.f32 [tilespmem:s17], [sflag:$0x6], $0x40, s8, s15, $0xb8;
	[tilespmem:$0x19C00] =	vst v63  }
0x52: {  	p0 =	sge.u32 s20, s5;
	_ =	swait.ge [sflag:s25], $0x2000  }
0x53: {  	s6 =	sshra.s32 @!p0 s29, $0x2;
	s20 =	simm.s32 @!p0 $0x7C00;
	[sflag:s25] =	ssyncset.done $0x0  }
0x54: {  	s6 =	sadd.s32 @!p0 $0x400, s6;
	s8 =	simm.s32 @!p0 $0x80;
	[sflag:s25] =	ssyncadd.s32 $0xFFFFE000  }
0x55: {  	[tilespmem:s20], [sflag:$0x1] =	stream.indirect.gather @!p0 [hbm4b:s4+s8], $0x40, s6, s8, $0xb8;
	[tilespmem:$0x19C00] =	vst v63  }
0x56: {  	_ =	swait.ge [sflag:s28], $0x2000  }
0x57: {  	[sflag:s28] =	ssyncset.done $0x0  }
0x58: {  	s8 =	sadd.s32 $0x4100, s0;
	s20 =	sadd.s32 $0xFFFFFFFF, s31;
	[sflag:s28] =	ssyncadd.s32 $0xFFFFE000  }
0x59: {  	[spmem:s2] =	stream.indirect.scatter.add.f32 [tilespmem:s19], [sflag:$0x7], $0x40, s8, s15, $0xb8;
	[tilespmem:$0x19C00] =	vst v63  }
0x5a: {  	p0 =	sge.u32 s20, s5;
	_ =	swait.ge [sflag:s30], $0x2000  }
0x5b: {  	s6 =	sshra.s32 @!p0 s29, $0x2;
	s20 =	simm.s32 @!p0 $0x9C00;
	[sflag:s30] =	ssyncset.done $0x0  }
0x5c: {  	s6 =	sadd.s32 @!p0 $0x480, s6;
	s8 =	simm.s32 @!p0 $0x80;
	[sflag:s30] =	ssyncadd.s32 $0xFFFFE000  }
0x5d: {  	[tilespmem:s20], [sflag:$0x2] =	stream.indirect.gather @!p0 [hbm4b:s4+s8], $0x40, s6, s8, $0xb8;
	[tilespmem:$0x19C00] =	vst v63  }
0x5e: {  	_ =	swait.ge [sflag:s1], $0x2000  }
0x5f: {  	[sflag:s1] =	ssyncset.done $0x0  }
0x60: {  	s0 =	sadd.s32 $0x4180, s0;
	p0 =	sge.u32 s31, s5;
	[sflag:s1] =	ssyncadd.s32 $0xFFFFE000  }
0x61: {  	[spmem:s2] =	stream.indirect.scatter.add.f32 [tilespmem:s21], [sflag:$0x8], $0x40, s0, s15, $0xb8;
	[tilespmem:$0x19C00] =	vst v63  }
0x62: {  	s6 =	simm.s32 @!p0 $0x80;
	s8 =	simm.s32 @!p0 $0xBC00;
	_ =	swait.ge [sflag:s18], $0x2000  }
0x63: {  	s0 =	sshra.s32 @!p0 s29, $0x2;
	s29 =	sadd.s32 $0x800, s29;
	[sflag:s18] =	ssyncset.done $0x0  }
0x64: {  	s0 =	sadd.s32 @!p0 $0x500, s0;
	s20 =	rddreg [dreg:$0x3];
	[sflag:s18] =	ssyncadd.s32 $0xFFFFE000  }
0x65: {  	[tilespmem:s8], [sflag:$0x3] =	stream.indirect.gather @!p0 [hbm4b:s4+s6], $0x40, s0, s6, $0xb8;
	[tilespmem:$0x19C00] =	vst v63  }
0x66: {  	p0 =	sne.s32 s20, s29  }
.Ltmp0:
0x67: {  	_ = 	snop;
	(pc) =	sbr.rel @p0 .LBB2_2-.Ltmp0, $2  }
0x68: {  	_ =	sdelay $0x2  }
0x69: {  	s31 =	sadd.s32 $0x4, s31  }
0x6a: {  	_ =	swait.ge [sflag:s22], $0x2000  }
0x6b: {  	s0 =	sshra.s32 s29, $0x2;
	[sflag:s22] =	ssyncset.done $0x0  }
0x6c: {  	s20 =	sadd.s32 $0xFFFFFFFD, s31;
	s6 =	sadd.s32 $0x4000, s0;
	[sflag:s22] =	ssyncadd.s32 $0xFFFFE000  }
0x6d: {  	[spmem:s2] =	stream.indirect.scatter.add.f32 [tilespmem:s16], [sflag:$0x5], $0x40, s6, s15, $0xb8;
	[tilespmem:$0x19C00] =	vst v63  }
0x6e: {  	p0 =	sge.u32 s20, s5;
	_ =	swait.ge [sflag:s24], $0x2000  }
0x6f: {  	s8 =	simm.s32 @!p0 $0x80;
	s6 =	sshra.s32 @!p0 s29, $0x2;
	[sflag:s24] =	ssyncset.done $0x0  }
0x70: {  	s20 =	simm.s32 @!p0 $0xDC00;
	s6 =	sadd.s32 @!p0 $0x380, s6;
	[sflag:s24] =	ssyncadd.s32 $0xFFFFE000  }
0x71: {  	[tilespmem:s20], [sflag:$0x4] =	stream.indirect.gather @!p0 [hbm4b:s4+s8], $0x40, s6, s8, $0xb8;
	[tilespmem:$0x19C00] =	vst v63  }
0x72: {  	_ =	swait.ge [sflag:s23], $0x2000  }
0x73: {  	[sflag:s23] =	ssyncset.done $0x0  }
0x74: {  	s8 =	sadd.s32 $0x4080, s0;
	s20 =	sadd.s32 $0xFFFFFFFE, s31;
	[sflag:s23] =	ssyncadd.s32 $0xFFFFE000  }
0x75: {  	[spmem:s2] =	stream.indirect.scatter.add.f32 [tilespmem:s17], [sflag:$0x6], $0x40, s8, s15, $0xb8;
	[tilespmem:$0x19C00] =	vst v63  }
0x76: {  	p0 =	sge.u32 s20, s5;
	_ =	swait.ge [sflag:s25], $0x2000  }
0x77: {  	s6 =	sshra.s32 @!p0 s29, $0x2;
	s20 =	simm.s32 @!p0 $0x7C00;
	[sflag:s25] =	ssyncset.done $0x0  }
0x78: {  	s6 =	sadd.s32 @!p0 $0x400, s6;
	s8 =	simm.s32 @!p0 $0x80;
	[sflag:s25] =	ssyncadd.s32 $0xFFFFE000  }
0x79: {  	[tilespmem:s20], [sflag:$0x1] =	stream.indirect.gather @!p0 [hbm4b:s4+s8], $0x40, s6, s8, $0xb8;
	[tilespmem:$0x19C00] =	vst v63  }
0x7a: {  	_ =	swait.ge [sflag:s28], $0x2000  }
0x7b: {  	[sflag:s28] =	ssyncset.done $0x0  }
0x7c: {  	s8 =	sadd.s32 $0x4100, s0;
	s20 =	sadd.s32 $0xFFFFFFFF, s31;
	[sflag:s28] =	ssyncadd.s32 $0xFFFFE000  }
0x7d: {  	[spmem:s2] =	stream.indirect.scatter.add.f32 [tilespmem:s19], [sflag:$0x7], $0x40, s8, s15, $0xb8;
	[tilespmem:$0x19C00] =	vst v63  }
0x7e: {  	p0 =	sge.u32 s20, s5;
	_ =	swait.ge [sflag:s30], $0x2000  }
0x7f: {  	s6 =	sshra.s32 @!p0 s29, $0x2;
	s20 =	simm.s32 @!p0 $0x9C00;
	[sflag:s30] =	ssyncset.done $0x0  }
0x80: {  	s6 =	sadd.s32 @!p0 $0x480, s6;
	s8 =	simm.s32 @!p0 $0x80;
	[sflag:s30] =	ssyncadd.s32 $0xFFFFE000  }
0x81: {  	[tilespmem:s20], [sflag:$0x2] =	stream.indirect.gather @!p0 [hbm4b:s4+s8], $0x40, s6, s8, $0xb8;
	[tilespmem:$0x19C00] =	vst v63  }
0x82: {  	_ =	swait.ge [sflag:s1], $0x2000  }
0x83: {  	[sflag:s1] =	ssyncset.done $0x0  }
0x84: {  	s0 =	sadd.s32 $0x4180, s0;
	[sflag:s1] =	ssyncadd.s32 $0xFFFFE000  }
0x85: {  	[spmem:s2] =	stream.indirect.scatter.add.f32 [tilespmem:s21], [sflag:$0x8], $0x40, s0, s15, $0xb8;
	[tilespmem:$0x19C00] =	vst v63  }
0x86: {  	p0 =	sge.u32 s31, s5;
	_ =	swait.ge [sflag:s18], $0x2000  }
0x87: {  	s6 =	simm.s32 @!p0 $0x80;
	s0 =	sshra.s32 @!p0 s29, $0x2;
	[sflag:s18] =	ssyncset.done $0x0  }
0x88: {  	s8 =	simm.s32 @!p0 $0xBC00;
	s0 =	sadd.s32 @!p0 $0x500, s0;
	[sflag:s18] =	ssyncadd.s32 $0xFFFFE000  }
0x89: {  	[tilespmem:s8], [sflag:$0x3] =	stream.indirect.gather @!p0 [hbm4b:s4+s6], $0x40, s0, s6, $0xb8;
	[tilespmem:$0x19C00] =	vst v63  }
0x8a: {  	_ =	swait.ge [sflag:s24], $0x2000  }
0x8b: {  	s26 =	sadd.s32 $0x1, s26;
	[sflag:s24] =	ssyncset.done $0x0  }
0x8c: {  	p0 =	sne.s32 s26, s11;
	[sflag:s24] =	ssyncadd.s32 $0xFFFFE000  }
.Ltmp1:
0x8d: {  	[bflag:$0x0] =	sbarrier.arrive $0xFFFF;
	(pc) =	sbr.rel @p0 .LBB2_1-.Ltmp1, $4  }
0x8e: {  	[hbm:s10], [sflag:s7] =	dma.local [spmem:s12], $0x1400  }
0x8f: {  	_ =	swait.ge [sflag:s13], $0x1400  }
0x90: {  	[sflag:s13] =	ssyncset.done $0x0  }
0x91: {  	[sflag:s13] =	ssyncadd.s32 $0xFFFFEC00  }
0x92: {  	_ =	sfence.sel $0x180000  }
0x93: {  	[bflag:$0x0] =	sbarrier.arrive $0xFFFF  }
0x94: {  	_ =	strace $0x90000050  }
0x95: {  	s0 =	stileid.u32;
	[bflag:$0x2] =	sbarrier.arrive $0xFFFF  }
0x96: {  	p0 =	sne.s32 s0, $0x0;
	s0 =	rddreg [dreg:$0x2]  }
0x97: {  	s0 =	sadd.s32 @!p0 $0x100000, s0  }
0x98: {  	[sflag:s0] =	ssyncadd.tile.s32 @!p0 $0x1;
	_ =	shalt  }
.Lfunc_end2:
_tile_overlayer_lowered:
.L_overlay_start_2:
0x99: {  	(tag) =	ssettag $0x2  }
0x9a: {  	s0 =	rddreg [dreg:$0x0];
	s2 =	stileid.u32  }
0x9b: {  	s1 =	rddreg [dreg:$0x1];
	p0 =	sne.s32 s2, $0x0  }
0x9c: {  	s3 =	rddreg [dreg:$0x2];
	[bflag:$0x3] =	sbarrier.arrive $0xFFFF;
	s2 =	simm.s32 @!p0 $0x1C09  }
0x9d: {  	[timem:s3], [sflag:s2] =	dma.local @!p0 [hbm:s0], s1  }
0x9e: {  	s0 =	simm.s32 @!p0 $0x9  }
0x9f: {  	_ =	swait.ge @!p0 [sflag:s0], s1  }
0xa0: {  	s1 =	ssub.s32 @!p0 $0x0, s1;
	[sflag:s0] =	ssyncset.done @!p0 $0x0  }
0xa1: {  	[sflag:s0] =	ssyncadd.s32 @!p0 s1  }
0xa2: {  	[bflag:$0x3] =	sbarrier.arrive $0xFFFF  }
0xa3: {  	_ =	shalt  }

</sc_bundles>
